<compile_context>
chip_gen: v7x
topology: tpu7x:2x2x1
jax: 0.10.2.dev20260603
libtpu: 0.0.44.dev20260713+nightly
codegen_flags: <defaults>
</compile_context>

<pallas_src>
import jax
import jax.numpy as jnp
from jax import lax
from jax.experimental import pallas as pl
from jax.experimental.pallas import tpu as pltpu
from jax.experimental.pallas import tpu_sc as plsc

V = 1000000
D = 64
B = 16384
K = 20

NC = 2
NS = 16
L = 16
NW = NC * NS

ITEMS_PER_W = B // NW
CHUNK = 64
NCHUNK = ITEMS_PER_W // CHUNK
KRES = 10
UNROLL = 8
BLK = (K + 1) * CHUNK


def _sc_scores_body(w_in, w_out, center, context, neg_flat, out, *refs):
    (idx_c, idx_x, negs_v, idx_all, rows_c, rows_x, sc_all) = refs[:7]
    nbuf = (refs[7:7 + KRES], refs[7 + KRES:7 + 2 * KRES])
    sem_c, sem_x, sem_r0, sem_r1 = refs[7 + 2 * KRES:]
    sem_r = (sem_r0, sem_r1)
    w = lax.axis_index("s") * NC + lax.axis_index("c")
    iota = lax.iota(jnp.int32, L)

    def stage_and_issue(c):
        half = c % 2
        base = w * ITEMS_PER_W + c * CHUNK
        pltpu.sync_copy(center.at[pl.ds(base, CHUNK)],
                        idx_c.at[pl.ds(half * CHUNK, CHUNK)])
        pltpu.sync_copy(context.at[pl.ds(base, CHUNK)],
                        idx_x.at[pl.ds(half * CHUNK, CHUNK)])
        pltpu.async_copy(w_in.at[idx_c.at[pl.ds(half * CHUNK, CHUNK)]],
                         rows_c.at[pl.ds(half * CHUNK, CHUNK), :], sem_c)
        pltpu.async_copy(w_out.at[idx_x.at[pl.ds(half * CHUNK, CHUNK)]],
                         rows_x.at[pl.ds(half * CHUNK, CHUNK), :], sem_x)
        noff = half * (CHUNK * K)
        pltpu.sync_copy(neg_flat.at[pl.ds(base * K, CHUNK * K)],
                        negs_v.at[pl.ds(noff, CHUNK * K)])
        for k in range(K):
            def j_body(j, _, k=k):
                lanes = iota * K + (noff + j * (L * K) + k)
                idx_all[pl.ds(noff + k * CHUNK + j * L, L)] = (
                    plsc.load_gather(negs_v, [lanes]))
                return 0

            lax.fori_loop(0, CHUNK // L, j_body, 0)
        issue_round(c, 0)

    def issue_round(c, r):
        noff = (c % 2) * (CHUNK * K)
        for kk in range(KRES):
            pltpu.async_copy(
                w_out.at[idx_all.at[pl.ds(noff + (r * KRES + kk) * CHUNK,
                                          CHUNK)]],
                nbuf[r][kk], sem_r[r])

    def drain(sem, nbytes_rows):
        def body(i, _):
            pltpu.make_async_copy(w_out.at[pl.ds(0, CHUNK), :],
                                  nbuf[0][0], sem).wait()
            return 0

        lax.fori_loop(0, nbytes_rows // CHUNK, body, 0)

    def pos_compute(c):
        half = c % 2

        def group(g, _):
            row = iota + (half * CHUNK + g * L)

            def dstep(t, accs):
                a0, a1 = accs
                for u in range(UNROLL // 2):
                    dd = t * UNROLL + 2 * u
                    c0 = jnp.full((L,), dd, jnp.int32)
                    c1 = jnp.full((L,), dd + 1, jnp.int32)
                    a0 = a0 + (plsc.load_gather(rows_c, [row, c0])
                               * plsc.load_gather(rows_x, [row, c0]))
                    a1 = a1 + (plsc.load_gather(rows_c, [row, c1])
                               * plsc.load_gather(rows_x, [row, c1]))
                return (a0, a1)

            z = jnp.zeros((L,), jnp.float32)
            a0, a1 = lax.fori_loop(0, D // UNROLL, dstep, (z, z))
            sc_all[pl.ds(g * L, L)] = a0 + a1
            return 0

        lax.fori_loop(0, CHUNK // L, group, 0)

    def round_compute(c, r):
        half = c % 2
        bufs = nbuf[r]

        def group(g, _):
            row = iota + (half * CHUNK + g * L)
            rowb = iota + g * L

            def dstep(t, accs):
                for u in range(UNROLL):
                    col = jnp.full((L,), t * UNROLL + u, jnp.int32)
                    cvec = plsc.load_gather(rows_c, [row, col])
                    accs = tuple(
                        accs[kk] + cvec * plsc.load_gather(bufs[kk],
                                                           [rowb, col])
                        for kk in range(KRES))
                return accs

            z = jnp.zeros((L,), jnp.float32)
            accs = lax.fori_loop(0, D // UNROLL, dstep, (z,) * KRES)
            for kk in range(KRES):
                sc_all[pl.ds((1 + r * KRES + kk) * CHUNK + g * L, L)] = (
                    -accs[kk])
            return 0

        lax.fori_loop(0, CHUNK // L, group, 0)

    def chunk_body(c, _):
        drain(sem_c, CHUNK)
        drain(sem_x, CHUNK)
        pos_compute(c)
        issue_round(c, 1)
        drain(sem_r0, KRES * CHUNK)
        round_compute(c, 0)

        @pl.when(c < NCHUNK - 1)
        def _():
            stage_and_issue(c + 1)

        drain(sem_r1, KRES * CHUNK)
        round_compute(c, 1)
        pltpu.sync_copy(sc_all,
                        out.at[pl.ds((w * NCHUNK + c) * BLK, BLK)])
        return 0

    stage_and_issue(0)
    lax.fori_loop(0, NCHUNK, chunk_body, 0)


def _sc_scores(w_in, w_out, center, context, neg_flat):
    mesh = plsc.VectorSubcoreMesh(core_axis_name="c", subcore_axis_name="s",
                                  num_cores=NC, num_subcores=NS)
    scratch = [
        pltpu.VMEM((2 * CHUNK,), jnp.int32),
        pltpu.VMEM((2 * CHUNK,), jnp.int32),
        pltpu.VMEM((2 * CHUNK * K,), jnp.int32),
        pltpu.VMEM((2 * CHUNK * K,), jnp.int32),
        pltpu.VMEM((2 * CHUNK, D), jnp.float32),
        pltpu.VMEM((2 * CHUNK, D), jnp.float32),
        pltpu.VMEM((BLK,), jnp.float32),
    ]
    scratch += [pltpu.VMEM((CHUNK, D), jnp.float32)
                for _ in range(2 * KRES)]
    scratch += [pltpu.SemaphoreType.DMA] * 4
    fn = pl.kernel(
        _sc_scores_body,
        out_type=jax.ShapeDtypeStruct((NW * NCHUNK * BLK,), jnp.float32),
        mesh=mesh,
        compiler_params=pltpu.CompilerParams(
            needs_layout_passes=False, use_tc_tiling_on_sc=False),
        scratch_types=scratch,
    )
    return fn(w_in, w_out, center, context, neg_flat)


def _loss_body(s_ref, o_ref):
    x = s_ref[...]
    losses = -jnp.log(jax.nn.sigmoid(x) + 1e-10)
    o_ref[...] = jnp.reshape(jnp.sum(losses) * (1.0 / B), (1, 1))


def _loss(scores2d):
    out = pl.pallas_call(
        _loss_body,
        out_shape=jax.ShapeDtypeStruct((1, 1), jnp.float32),
    )(scores2d)
    return out[0, 0]


def kernel(center, context, negatives, W_in, W_out):
    center = center.astype(jnp.int32)
    context = context.astype(jnp.int32)
    neg_flat = negatives.astype(jnp.int32).reshape(B * K)
    scores = _sc_scores(W_in, W_out, center, context, neg_flat)
    return _loss(scores.reshape((K + 1) * B // 128, 128))

# --- scband reference (transcript-rebuilt; emitter-appended) ---
"""Pipeline reference for scband-skip-gram-nsmodel-33586644255072 (READ-ONLY COPY).

The authoritative reference and input builder live on the scoring server;
editing this copy changes nothing except your own understanding.
"""

import jax, jax.numpy as jnp
import numpy as np

V = 1000000
D = 64
B = 16384
K = 20

def setup_inputs(seed: int = 0) -> dict:
    key = jax.random.key(seed)
    k1, k2, k3, k4, k5 = jax.random.split(key, 5)
    center = jax.random.randint(k1, (B,), 0, V, dtype=jnp.int64) if jax.config.jax_enable_x64 else jax.random.randint(k1, (B,), 0, V).astype(jnp.int32)
    context = jax.random.randint(k2, (B,), 0, V).astype(center.dtype)
    negatives = jax.random.randint(k3, (B, K), 0, V).astype(center.dtype)
    W_in = jax.random.normal(k4, (V, D), dtype=jnp.float32) * 0.01
    W_out = jax.random.normal(k5, (V, D), dtype=jnp.float32) * 0.01
    return {"center": center, "context": context, "negatives": negatives, "W_in": W_in, "W_out": W_out}

def reference(center, context, negatives, W_in, W_out):
    center_vecs = jnp.take(W_in, center, axis=0)          # [B, D]
    context_vecs = jnp.take(W_out, context, axis=0)        # [B, D]
    negative_vecs = jnp.take(W_out, negatives, axis=0)     # [B, K, D]
    pos_score = jnp.sum(center_vecs * context_vecs, axis=1)               # [B]
    neg_score = jnp.einsum('bkd,bd->bk', negative_vecs, center_vecs)      # [B, K] (bmm + squeeze)
    pos_loss = -jnp.log(jax.nn.sigmoid(pos_score) + 1e-10)
    neg_loss = -jnp.sum(jnp.log(jax.nn.sigmoid(-neg_score) + 1e-10), axis=1)
    return (pos_loss + neg_loss).mean()

if __name__ == "__main__":
    import jax
    _d = setup_inputs()
    print(jax.jit(kernel)(*tuple(_d.values())))

</pallas_src>

<mosaic_0001>
#map = affine_map<(d0, d1) -> (0, 0)>
#map1 = affine_map<(d0, d1) -> (0)>
module attributes {stable_mosaic.version = 14 : i64} {
  func.func @_sc_scores_body(%arg0: i32, %arg1: i32, %arg2: memref<1000000x64xf32, #tpu.memory_space<hbm>>, %arg3: memref<1000000x64xf32, #tpu.memory_space<hbm>>, %arg4: memref<16384xi32, #tpu.memory_space<hbm>>, %arg5: memref<16384xi32, #tpu.memory_space<hbm>>, %arg6: memref<327680xi32, #tpu.memory_space<hbm>>, %arg7: memref<344064xf32, #tpu.memory_space<hbm>>, %arg8: memref<128xi32, #tpu.memory_space<vmem>>, %arg9: memref<128xi32, #tpu.memory_space<vmem>>, %arg10: memref<2560xi32, #tpu.memory_space<vmem>>, %arg11: memref<2560xi32, #tpu.memory_space<vmem>>, %arg12: memref<128x64xf32, #tpu.memory_space<vmem>>, %arg13: memref<128x64xf32, #tpu.memory_space<vmem>>, %arg14: memref<1344xf32, #tpu.memory_space<vmem>>, %arg15: memref<64x64xf32, #tpu.memory_space<vmem>>, %arg16: memref<64x64xf32, #tpu.memory_space<vmem>>, %arg17: memref<64x64xf32, #tpu.memory_space<vmem>>, %arg18: memref<64x64xf32, #tpu.memory_space<vmem>>, %arg19: memref<64x64xf32, #tpu.memory_space<vmem>>, %arg20: memref<64x64xf32, #tpu.memory_space<vmem>>, %arg21: memref<64x64xf32, #tpu.memory_space<vmem>>, %arg22: memref<64x64xf32, #tpu.memory_space<vmem>>, %arg23: memref<64x64xf32, #tpu.memory_space<vmem>>, %arg24: memref<64x64xf32, #tpu.memory_space<vmem>>, %arg25: memref<64x64xf32, #tpu.memory_space<vmem>>, %arg26: memref<64x64xf32, #tpu.memory_space<vmem>>, %arg27: memref<64x64xf32, #tpu.memory_space<vmem>>, %arg28: memref<64x64xf32, #tpu.memory_space<vmem>>, %arg29: memref<64x64xf32, #tpu.memory_space<vmem>>, %arg30: memref<64x64xf32, #tpu.memory_space<vmem>>, %arg31: memref<64x64xf32, #tpu.memory_space<vmem>>, %arg32: memref<64x64xf32, #tpu.memory_space<vmem>>, %arg33: memref<64x64xf32, #tpu.memory_space<vmem>>, %arg34: memref<64x64xf32, #tpu.memory_space<vmem>>, %arg35: memref<!tpu.dma_semaphore, #tpu.memory_space<semaphore_mem>>, %arg36: memref<!tpu.dma_semaphore, #tpu.memory_space<semaphore_mem>>, %arg37: memref<!tpu.dma_semaphore, #tpu.memory_space<semaphore_mem>>, %arg38: memref<!tpu.dma_semaphore, #tpu.memory_space<semaphore_mem>>) attributes {dimension_semantics = [#tpu.dimension_semantics<core_parallel>, #tpu.dimension_semantics<subcore_parallel>], iteration_bounds = array<i64: 2, 16>, scalar_prefetch = 0 : i64, scratch_operands = 31 : i64, tpu.core_type = #tpu.core_type<sc_vector_subcore>, window_params = [{transform_indices = #map}, {transform_indices = #map}, {transform_indices = #map1}, {transform_indices = #map1}, {transform_indices = #map1}, {transform_indices = #map1}]} {
    %mul3A = arith.constant 2 : i32
    %mul3A_0 = arith.muli %arg1, %mul3A : i32
    %add3A = arith.addi %mul3A_0, %arg0 : i32
    %iota3A = tpu.iota {dimensions = array<i32: 0>} : vector<16xi32>
    %mul3A_1 = arith.constant 512 : i32
    %mul3A_2 = arith.muli %add3A, %mul3A_1 : i32
    %add3A_3 = arith.constant 0 : i32
    %add3A_4 = arith.addi %mul3A_2, %add3A_3 : i32
    "tpu.region"() ({
      %run_scoped3A = tpu.sem_alloc : memref<!tpu.dma_semaphore, #tpu.memory_space<semaphore_mem>>
      %dma_start3A_218 = arith.constant 0 : i32
      %dma_start3A_219 = tpu.memref_slice %arg8[%dma_start3A_218] : memref<128xi32, #tpu.memory_space<vmem>> -> memref<64xi32, #tpu.memory_space<vmem>>
      %dma_start3A_220 = tpu.memref_slice %arg4[%add3A_4] : memref<16384xi32, #tpu.memory_space<hbm>> -> memref<64xi32, #tpu.memory_space<hbm>>
      %dma_start3A_221 = arith.constant 0 : i32
      %dma_start3A_222 = tpu.memref_slice %arg8[%dma_start3A_221] : memref<128xi32, #tpu.memory_space<vmem>> -> memref<64xi32, #tpu.memory_space<vmem>>
      %dma_start3A_223 = tpu.memref_slice %arg4[%add3A_4] : memref<16384xi32, #tpu.memory_space<hbm>> -> memref<64xi32, #tpu.memory_space<hbm>>
      tpu.enqueue_dma source(%dma_start3A_223 : memref<64xi32, #tpu.memory_space<hbm>>) target(%dma_start3A_222 : memref<64xi32, #tpu.memory_space<vmem>>) target_semaphore(%run_scoped3A : memref<!tpu.dma_semaphore, #tpu.memory_space<semaphore_mem>>)
      %dma_wait3A = arith.constant 0 : i32
      %dma_wait3A_224 = tpu.memref_slice %arg8[%dma_wait3A] : memref<128xi32, #tpu.memory_space<vmem>> -> memref<64xi32, #tpu.memory_space<vmem>>
      %dma_wait3A_225 = tpu.memref_slice %arg4[%add3A_4] : memref<16384xi32, #tpu.memory_space<hbm>> -> memref<64xi32, #tpu.memory_space<hbm>>
      %dma_wait3A_226 = arith.constant 0 : i32
      %dma_wait3A_227 = tpu.memref_slice %arg8[%dma_wait3A_226] : memref<128xi32, #tpu.memory_space<vmem>> -> memref<64xi32, #tpu.memory_space<vmem>>
      %dma_wait3A_228 = tpu.memref_slice %arg4[%add3A_4] : memref<16384xi32, #tpu.memory_space<hbm>> -> memref<64xi32, #tpu.memory_space<hbm>>
      tpu.wait_dma2 semaphore(%run_scoped3A : memref<!tpu.dma_semaphore, #tpu.memory_space<semaphore_mem>>) src(%dma_wait3A_228 : memref<64xi32, #tpu.memory_space<hbm>>) dst(%dma_wait3A_227 : memref<64xi32, #tpu.memory_space<vmem>>)
      tpu.yield
    }) : () -> ()
    "tpu.region"() ({
      %run_scoped3A = tpu.sem_alloc : memref<!tpu.dma_semaphore, #tpu.memory_space<semaphore_mem>>
      %dma_start3A_218 = arith.constant 0 : i32
      %dma_start3A_219 = tpu.memref_slice %arg9[%dma_start3A_218] : memref<128xi32, #tpu.memory_space<vmem>> -> memref<64xi32, #tpu.memory_space<vmem>>
      %dma_start3A_220 = tpu.memref_slice %arg5[%add3A_4] : memref<16384xi32, #tpu.memory_space<hbm>> -> memref<64xi32, #tpu.memory_space<hbm>>
      %dma_start3A_221 = arith.constant 0 : i32
      %dma_start3A_222 = tpu.memref_slice %arg9[%dma_start3A_221] : memref<128xi32, #tpu.memory_space<vmem>> -> memref<64xi32, #tpu.memory_space<vmem>>
      %dma_start3A_223 = tpu.memref_slice %arg5[%add3A_4] : memref<16384xi32, #tpu.memory_space<hbm>> -> memref<64xi32, #tpu.memory_space<hbm>>
      tpu.enqueue_dma source(%dma_start3A_223 : memref<64xi32, #tpu.memory_space<hbm>>) target(%dma_start3A_222 : memref<64xi32, #tpu.memory_space<vmem>>) target_semaphore(%run_scoped3A : memref<!tpu.dma_semaphore, #tpu.memory_space<semaphore_mem>>)
      %dma_wait3A = arith.constant 0 : i32
      %dma_wait3A_224 = tpu.memref_slice %arg9[%dma_wait3A] : memref<128xi32, #tpu.memory_space<vmem>> -> memref<64xi32, #tpu.memory_space<vmem>>
      %dma_wait3A_225 = tpu.memref_slice %arg5[%add3A_4] : memref<16384xi32, #tpu.memory_space<hbm>> -> memref<64xi32, #tpu.memory_space<hbm>>
      %dma_wait3A_226 = arith.constant 0 : i32
      %dma_wait3A_227 = tpu.memref_slice %arg9[%dma_wait3A_226] : memref<128xi32, #tpu.memory_space<vmem>> -> memref<64xi32, #tpu.memory_space<vmem>>
      %dma_wait3A_228 = tpu.memref_slice %arg5[%add3A_4] : memref<16384xi32, #tpu.memory_space<hbm>> -> memref<64xi32, #tpu.memory_space<hbm>>
      tpu.wait_dma2 semaphore(%run_scoped3A : memref<!tpu.dma_semaphore, #tpu.memory_space<semaphore_mem>>) src(%dma_wait3A_228 : memref<64xi32, #tpu.memory_space<hbm>>) dst(%dma_wait3A_227 : memref<64xi32, #tpu.memory_space<vmem>>)
      tpu.yield
    }) : () -> ()
    %dma_start3A = arith.constant 0 : i32
    %dma_start3A_5 = arith.constant 0 : i32
    %dma_start3A_6 = tpu.memref_slice %arg12[%dma_start3A, %dma_start3A_5] : memref<128x64xf32, #tpu.memory_space<vmem>> -> memref<64x64xf32, #tpu.memory_space<vmem>>
    %dma_start3A_7 = arith.constant 0 : i32
    %dma_start3A_8 = tpu.memref_slice %arg8[%dma_start3A_7] : memref<128xi32, #tpu.memory_space<vmem>> -> memref<64xi32, #tpu.memory_space<vmem>>
    %dma_start3A_9 = arith.constant 0 : i32
    %dma_start3A_10 = arith.constant 0 : i32
    %dma_start3A_11 = tpu.memref_slice %arg2[%dma_start3A_9, %dma_start3A_10] : memref<1000000x64xf32, #tpu.memory_space<hbm>> -> memref<1000000x64xf32, #tpu.memory_space<hbm>>
    tpu.enqueue_indirect_dma source(%dma_start3A_11 : memref<1000000x64xf32, #tpu.memory_space<hbm>>) target(%dma_start3A_6 : memref<64x64xf32, #tpu.memory_space<vmem>>) offsets(%dma_start3A_8 : memref<64xi32, #tpu.memory_space<vmem>>) semaphore(%arg35 : memref<!tpu.dma_semaphore, #tpu.memory_space<semaphore_mem>>)
    %dma_start3A_12 = arith.constant 0 : i32
    %dma_start3A_13 = arith.constant 0 : i32
    %dma_start3A_14 = tpu.memref_slice %arg13[%dma_start3A_12, %dma_start3A_13] : memref<128x64xf32, #tpu.memory_space<vmem>> -> memref<64x64xf32, #tpu.memory_space<vmem>>
    %dma_start3A_15 = arith.constant 0 : i32
    %dma_start3A_16 = tpu.memref_slice %arg9[%dma_start3A_15] : memref<128xi32, #tpu.memory_space<vmem>> -> memref<64xi32, #tpu.memory_space<vmem>>
    %dma_start3A_17 = arith.constant 0 : i32
    %dma_start3A_18 = arith.constant 0 : i32
    %dma_start3A_19 = tpu.memref_slice %arg3[%dma_start3A_17, %dma_start3A_18] : memref<1000000x64xf32, #tpu.memory_space<hbm>> -> memref<1000000x64xf32, #tpu.memory_space<hbm>>
    tpu.enqueue_indirect_dma source(%dma_start3A_19 : memref<1000000x64xf32, #tpu.memory_space<hbm>>) target(%dma_start3A_14 : memref<64x64xf32, #tpu.memory_space<vmem>>) offsets(%dma_start3A_16 : memref<64xi32, #tpu.memory_space<vmem>>) semaphore(%arg36 : memref<!tpu.dma_semaphore, #tpu.memory_space<semaphore_mem>>)
    %mul3A_20 = arith.constant 20 : i32
    %mul3A_21 = arith.muli %add3A_4, %mul3A_20 : i32
    "tpu.region"() ({
      %run_scoped3A = tpu.sem_alloc : memref<!tpu.dma_semaphore, #tpu.memory_space<semaphore_mem>>
      %dma_start3A_218 = arith.constant 0 : i32
      %dma_start3A_219 = tpu.memref_slice %arg10[%dma_start3A_218] : memref<2560xi32, #tpu.memory_space<vmem>> -> memref<1280xi32, #tpu.memory_space<vmem>>
      %dma_start3A_220 = tpu.memref_slice %arg6[%mul3A_21] : memref<327680xi32, #tpu.memory_space<hbm>> -> memref<1280xi32, #tpu.memory_space<hbm>>
      %dma_start3A_221 = arith.constant 0 : i32
      %dma_start3A_222 = tpu.memref_slice %arg10[%dma_start3A_221] : memref<2560xi32, #tpu.memory_space<vmem>> -> memref<1280xi32, #tpu.memory_space<vmem>>
      %dma_start3A_223 = tpu.memref_slice %arg6[%mul3A_21] : memref<327680xi32, #tpu.memory_space<hbm>> -> memref<1280xi32, #tpu.memory_space<hbm>>
      tpu.enqueue_dma source(%dma_start3A_223 : memref<1280xi32, #tpu.memory_space<hbm>>) target(%dma_start3A_222 : memref<1280xi32, #tpu.memory_space<vmem>>) target_semaphore(%run_scoped3A : memref<!tpu.dma_semaphore, #tpu.memory_space<semaphore_mem>>)
      %dma_wait3A = arith.constant 0 : i32
      %dma_wait3A_224 = tpu.memref_slice %arg10[%dma_wait3A] : memref<2560xi32, #tpu.memory_space<vmem>> -> memref<1280xi32, #tpu.memory_space<vmem>>
      %dma_wait3A_225 = tpu.memref_slice %arg6[%mul3A_21] : memref<327680xi32, #tpu.memory_space<hbm>> -> memref<1280xi32, #tpu.memory_space<hbm>>
      %dma_wait3A_226 = arith.constant 0 : i32
      %dma_wait3A_227 = tpu.memref_slice %arg10[%dma_wait3A_226] : memref<2560xi32, #tpu.memory_space<vmem>> -> memref<1280xi32, #tpu.memory_space<vmem>>
      %dma_wait3A_228 = tpu.memref_slice %arg6[%mul3A_21] : memref<327680xi32, #tpu.memory_space<hbm>> -> memref<1280xi32, #tpu.memory_space<hbm>>
      tpu.wait_dma2 semaphore(%run_scoped3A : memref<!tpu.dma_semaphore, #tpu.memory_space<semaphore_mem>>) src(%dma_wait3A_228 : memref<1280xi32, #tpu.memory_space<hbm>>) dst(%dma_wait3A_227 : memref<1280xi32, #tpu.memory_space<vmem>>)
      tpu.yield
    }) : () -> ()
    %scan3A = arith.constant 0 : i32
    %scan3A_22 = arith.constant 0 : i32
    %scan3A_23 = arith.constant 4 : i32
    %scan3A_24 = arith.addi %scan3A_22, %scan3A_23 : i32
    %scan3A_25 = arith.constant 1 : i32
    %scan3A_26 = scf.for %scan3A_218 = %scan3A_22 to %scan3A_24 step %scan3A_25 iter_args(%scan3A_219 = %scan3A) -> (i32)  : i32 {
      %mul3A_220 = arith.constant 20 : i32
      %mul3A_221 = vector.broadcast %mul3A_220 : i32 to vector<16xi32>
      %mul3A_222 = arith.muli %iota3A, %mul3A_221 : vector<16xi32>
      %mul3A_223 = arith.constant 320 : i32
      %mul3A_224 = arith.muli %scan3A_218, %mul3A_223 : i32
      %add3A_225 = arith.constant 0 : i32
      %add3A_226 = arith.addi %add3A_225, %mul3A_224 : i32
      %add3A_227 = arith.constant 0 : i32
      %add3A_228 = arith.addi %add3A_226, %add3A_227 : i32
      %add3A_229 = vector.broadcast %add3A_228 : i32 to vector<16xi32>
      %add3A_230 = arith.addi %mul3A_222, %add3A_229 : vector<16xi32>
      %gather3A = tpu.vector_load_idx %arg10[%add3A_230] : memref<2560xi32, #tpu.memory_space<vmem>>[vector<16xi32>], vector<16xi32>,
      %mul3A_231 = arith.constant 16 : i32
      %mul3A_232 = arith.muli %scan3A_218, %mul3A_231 : i32
      %add3A_233 = arith.constant 0 : i32
      %add3A_234 = arith.addi %add3A_233, %mul3A_232 : i32
      %swap3A = arith.index_cast %add3A_234 : i32 to index
      %swap3A_235 = tpu.vector_load %arg11[%swap3A] {strides = array<i32>} : memref<2560xi32, #tpu.memory_space<vmem>>, vector<16xi32>,
      tpu.vector_store %arg11[%swap3A], %gather3A {strides = array<i32>} : memref<2560xi32, #tpu.memory_space<vmem>>, vector<16xi32>,
      %scan3A_236 = arith.constant 0 : i32
      scf.yield %scan3A_236 : i32
    }
    %scan3A_27 = arith.constant 4 : i32
    %scan3A_28 = arith.constant 0 : i32
    %scan3A_29 = arith.constant 0 : i32
    %scan3A_30 = arith.constant 4 : i32
    %scan3A_31 = arith.addi %scan3A_29, %scan3A_30 : i32
    %scan3A_32 = arith.constant 1 : i32
    %scan3A_33 = scf.for %scan3A_218 = %scan3A_29 to %scan3A_31 step %scan3A_32 iter_args(%scan3A_219 = %scan3A_28) -> (i32)  : i32 {
      %mul3A_220 = arith.constant 20 : i32
      %mul3A_221 = vector.broadcast %mul3A_220 : i32 to vector<16xi32>
      %mul3A_222 = arith.muli %iota3A, %mul3A_221 : vector<16xi32>
      %mul3A_223 = arith.constant 320 : i32
      %mul3A_224 = arith.muli %scan3A_218, %mul3A_223 : i32
      %add3A_225 = arith.constant 0 : i32
      %add3A_226 = arith.addi %add3A_225, %mul3A_224 : i32
      %add3A_227 = arith.constant 1 : i32
      %add3A_228 = arith.addi %add3A_226, %add3A_227 : i32
      %add3A_229 = vector.broadcast %add3A_228 : i32 to vector<16xi32>
      %add3A_230 = arith.addi %mul3A_222, %add3A_229 : vector<16xi32>
      %gather3A = tpu.vector_load_idx %arg10[%add3A_230] : memref<2560xi32, #tpu.memory_space<vmem>>[vector<16xi32>], vector<16xi32>,
      %mul3A_231 = arith.constant 16 : i32
      %mul3A_232 = arith.muli %scan3A_218, %mul3A_231 : i32
      %add3A_233 = arith.constant 64 : i32
      %add3A_234 = arith.addi %add3A_233, %mul3A_232 : i32
      %swap3A = arith.index_cast %add3A_234 : i32 to index
      %swap3A_235 = tpu.vector_load %arg11[%swap3A] {strides = array<i32>} : memref<2560xi32, #tpu.memory_space<vmem>>, vector<16xi32>,
      tpu.vector_store %arg11[%swap3A], %gather3A {strides = array<i32>} : memref<2560xi32, #tpu.memory_space<vmem>>, vector<16xi32>,
      %scan3A_236 = arith.constant 0 : i32
      scf.yield %scan3A_236 : i32
    }
    %scan3A_34 = arith.constant 4 : i32
    %scan3A_35 = arith.constant 0 : i32
    %scan3A_36 = arith.constant 0 : i32
    %scan3A_37 = arith.constant 4 : i32
    %scan3A_38 = arith.addi %scan3A_36, %scan3A_37 : i32
    %scan3A_39 = arith.constant 1 : i32
    %scan3A_40 = scf.for %scan3A_218 = %scan3A_36 to %scan3A_38 step %scan3A_39 iter_args(%scan3A_219 = %scan3A_35) -> (i32)  : i32 {
      %mul3A_220 = arith.constant 20 : i32
      %mul3A_221 = vector.broadcast %mul3A_220 : i32 to vector<16xi32>
      %mul3A_222 = arith.muli %iota3A, %mul3A_221 : vector<16xi32>
      %mul3A_223 = arith.constant 320 : i32
      %mul3A_224 = arith.muli %scan3A_218, %mul3A_223 : i32
      %add3A_225 = arith.constant 0 : i32
      %add3A_226 = arith.addi %add3A_225, %mul3A_224 : i32
      %add3A_227 = arith.constant 2 : i32
      %add3A_228 = arith.addi %add3A_226, %add3A_227 : i32
      %add3A_229 = vector.broadcast %add3A_228 : i32 to vector<16xi32>
      %add3A_230 = arith.addi %mul3A_222, %add3A_229 : vector<16xi32>
      %gather3A = tpu.vector_load_idx %arg10[%add3A_230] : memref<2560xi32, #tpu.memory_space<vmem>>[vector<16xi32>], vector<16xi32>,
      %mul3A_231 = arith.constant 16 : i32
      %mul3A_232 = arith.muli %scan3A_218, %mul3A_231 : i32
      %add3A_233 = arith.constant 128 : i32
      %add3A_234 = arith.addi %add3A_233, %mul3A_232 : i32
      %swap3A = arith.index_cast %add3A_234 : i32 to index
      %swap3A_235 = tpu.vector_load %arg11[%swap3A] {strides = array<i32>} : memref<2560xi32, #tpu.memory_space<vmem>>, vector<16xi32>,
      tpu.vector_store %arg11[%swap3A], %gather3A {strides = array<i32>} : memref<2560xi32, #tpu.memory_space<vmem>>, vector<16xi32>,
      %scan3A_236 = arith.constant 0 : i32
      scf.yield %scan3A_236 : i32
    }
    %scan3A_41 = arith.constant 4 : i32
    %scan3A_42 = arith.constant 0 : i32
    %scan3A_43 = arith.constant 0 : i32
    %scan3A_44 = arith.constant 4 : i32
    %scan3A_45 = arith.addi %scan3A_43, %scan3A_44 : i32
    %scan3A_46 = arith.constant 1 : i32
    %scan3A_47 = scf.for %scan3A_218 = %scan3A_43 to %scan3A_45 step %scan3A_46 iter_args(%scan3A_219 = %scan3A_42) -> (i32)  : i32 {
      %mul3A_220 = arith.constant 20 : i32
      %mul3A_221 = vector.broadcast %mul3A_220 : i32 to vector<16xi32>
      %mul3A_222 = arith.muli %iota3A, %mul3A_221 : vector<16xi32>
      %mul3A_223 = arith.constant 320 : i32
      %mul3A_224 = arith.muli %scan3A_218, %mul3A_223 : i32
      %add3A_225 = arith.constant 0 : i32
      %add3A_226 = arith.addi %add3A_225, %mul3A_224 : i32
      %add3A_227 = arith.constant 3 : i32
      %add3A_228 = arith.addi %add3A_226, %add3A_227 : i32
      %add3A_229 = vector.broadcast %add3A_228 : i32 to vector<16xi32>
      %add3A_230 = arith.addi %mul3A_222, %add3A_229 : vector<16xi32>
      %gather3A = tpu.vector_load_idx %arg10[%add3A_230] : memref<2560xi32, #tpu.memory_space<vmem>>[vector<16xi32>], vector<16xi32>,
      %mul3A_231 = arith.constant 16 : i32
      %mul3A_232 = arith.muli %scan3A_218, %mul3A_231 : i32
      %add3A_233 = arith.constant 192 : i32
      %add3A_234 = arith.addi %add3A_233, %mul3A_232 : i32
      %swap3A = arith.index_cast %add3A_234 : i32 to index
      %swap3A_235 = tpu.vector_load %arg11[%swap3A] {strides = array<i32>} : memref<2560xi32, #tpu.memory_space<vmem>>, vector<16xi32>,
      tpu.vector_store %arg11[%swap3A], %gather3A {strides = array<i32>} : memref<2560xi32, #tpu.memory_space<vmem>>, vector<16xi32>,
      %scan3A_236 = arith.constant 0 : i32
      scf.yield %scan3A_236 : i32
    }
    %scan3A_48 = arith.constant 4 : i32
    %scan3A_49 = arith.constant 0 : i32
    %scan3A_50 = arith.constant 0 : i32
    %scan3A_51 = arith.constant 4 : i32
    %scan3A_52 = arith.addi %scan3A_50, %scan3A_51 : i32
    %scan3A_53 = arith.constant 1 : i32
    %scan3A_54 = scf.for %scan3A_218 = %scan3A_50 to %scan3A_52 step %scan3A_53 iter_args(%scan3A_219 = %scan3A_49) -> (i32)  : i32 {
      %mul3A_220 = arith.constant 20 : i32
      %mul3A_221 = vector.broadcast %mul3A_220 : i32 to vector<16xi32>
      %mul3A_222 = arith.muli %iota3A, %mul3A_221 : vector<16xi32>
      %mul3A_223 = arith.constant 320 : i32
      %mul3A_224 = arith.muli %scan3A_218, %mul3A_223 : i32
      %add3A_225 = arith.constant 0 : i32
      %add3A_226 = arith.addi %add3A_225, %mul3A_224 : i32
      %add3A_227 = arith.constant 4 : i32
      %add3A_228 = arith.addi %add3A_226, %add3A_227 : i32
      %add3A_229 = vector.broadcast %add3A_228 : i32 to vector<16xi32>
      %add3A_230 = arith.addi %mul3A_222, %add3A_229 : vector<16xi32>
      %gather3A = tpu.vector_load_idx %arg10[%add3A_230] : memref<2560xi32, #tpu.memory_space<vmem>>[vector<16xi32>], vector<16xi32>,
      %mul3A_231 = arith.constant 16 : i32
      %mul3A_232 = arith.muli %scan3A_218, %mul3A_231 : i32
      %add3A_233 = arith.constant 256 : i32
      %add3A_234 = arith.addi %add3A_233, %mul3A_232 : i32
      %swap3A = arith.index_cast %add3A_234 : i32 to index
      %swap3A_235 = tpu.vector_load %arg11[%swap3A] {strides = array<i32>} : memref<2560xi32, #tpu.memory_space<vmem>>, vector<16xi32>,
      tpu.vector_store %arg11[%swap3A], %gather3A {strides = array<i32>} : memref<2560xi32, #tpu.memory_space<vmem>>, vector<16xi32>,
      %scan3A_236 = arith.constant 0 : i32
      scf.yield %scan3A_236 : i32
    }
    %scan3A_55 = arith.constant 4 : i32
    %scan3A_56 = arith.constant 0 : i32
    %scan3A_57 = arith.constant 0 : i32
    %scan3A_58 = arith.constant 4 : i32
    %scan3A_59 = arith.addi %scan3A_57, %scan3A_58 : i32
    %scan3A_60 = arith.constant 1 : i32
    %scan3A_61 = scf.for %scan3A_218 = %scan3A_57 to %scan3A_59 step %scan3A_60 iter_args(%scan3A_219 = %scan3A_56) -> (i32)  : i32 {
      %mul3A_220 = arith.constant 20 : i32
      %mul3A_221 = vector.broadcast %mul3A_220 : i32 to vector<16xi32>
      %mul3A_222 = arith.muli %iota3A, %mul3A_221 : vector<16xi32>
      %mul3A_223 = arith.constant 320 : i32
      %mul3A_224 = arith.muli %scan3A_218, %mul3A_223 : i32
      %add3A_225 = arith.constant 0 : i32
      %add3A_226 = arith.addi %add3A_225, %mul3A_224 : i32
      %add3A_227 = arith.constant 5 : i32
      %add3A_228 = arith.addi %add3A_226, %add3A_227 : i32
      %add3A_229 = vector.broadcast %add3A_228 : i32 to vector<16xi32>
      %add3A_230 = arith.addi %mul3A_222, %add3A_229 : vector<16xi32>
      %gather3A = tpu.vector_load_idx %arg10[%add3A_230] : memref<2560xi32, #tpu.memory_space<vmem>>[vector<16xi32>], vector<16xi32>,
      %mul3A_231 = arith.constant 16 : i32
      %mul3A_232 = arith.muli %scan3A_218, %mul3A_231 : i32
      %add3A_233 = arith.constant 320 : i32
      %add3A_234 = arith.addi %add3A_233, %mul3A_232 : i32
      %swap3A = arith.index_cast %add3A_234 : i32 to index
      %swap3A_235 = tpu.vector_load %arg11[%swap3A] {strides = array<i32>} : memref<2560xi32, #tpu.memory_space<vmem>>, vector<16xi32>,
      tpu.vector_store %arg11[%swap3A], %gather3A {strides = array<i32>} : memref<2560xi32, #tpu.memory_space<vmem>>, vector<16xi32>,
      %scan3A_236 = arith.constant 0 : i32
      scf.yield %scan3A_236 : i32
    }
    %scan3A_62 = arith.constant 4 : i32
    %scan3A_63 = arith.constant 0 : i32
    %scan3A_64 = arith.constant 0 : i32
    %scan3A_65 = arith.constant 4 : i32
    %scan3A_66 = arith.addi %scan3A_64, %scan3A_65 : i32
    %scan3A_67 = arith.constant 1 : i32
    %scan3A_68 = scf.for %scan3A_218 = %scan3A_64 to %scan3A_66 step %scan3A_67 iter_args(%scan3A_219 = %scan3A_63) -> (i32)  : i32 {
      %mul3A_220 = arith.constant 20 : i32
      %mul3A_221 = vector.broadcast %mul3A_220 : i32 to vector<16xi32>
      %mul3A_222 = arith.muli %iota3A, %mul3A_221 : vector<16xi32>
      %mul3A_223 = arith.constant 320 : i32
      %mul3A_224 = arith.muli %scan3A_218, %mul3A_223 : i32
      %add3A_225 = arith.constant 0 : i32
      %add3A_226 = arith.addi %add3A_225, %mul3A_224 : i32
      %add3A_227 = arith.constant 6 : i32
      %add3A_228 = arith.addi %add3A_226, %add3A_227 : i32
      %add3A_229 = vector.broadcast %add3A_228 : i32 to vector<16xi32>
      %add3A_230 = arith.addi %mul3A_222, %add3A_229 : vector<16xi32>
      %gather3A = tpu.vector_load_idx %arg10[%add3A_230] : memref<2560xi32, #tpu.memory_space<vmem>>[vector<16xi32>], vector<16xi32>,
      %mul3A_231 = arith.constant 16 : i32
      %mul3A_232 = arith.muli %scan3A_218, %mul3A_231 : i32
      %add3A_233 = arith.constant 384 : i32
      %add3A_234 = arith.addi %add3A_233, %mul3A_232 : i32
      %swap3A = arith.index_cast %add3A_234 : i32 to index
      %swap3A_235 = tpu.vector_load %arg11[%swap3A] {strides = array<i32>} : memref<2560xi32, #tpu.memory_space<vmem>>, vector<16xi32>,
      tpu.vector_store %arg11[%swap3A], %gather3A {strides = array<i32>} : memref<2560xi32, #tpu.memory_space<vmem>>, vector<16xi32>,
      %scan3A_236 = arith.constant 0 : i32
      scf.yield %scan3A_236 : i32
    }
    %scan3A_69 = arith.constant 4 : i32
    %scan3A_70 = arith.constant 0 : i32
    %scan3A_71 = arith.constant 0 : i32
    %scan3A_72 = arith.constant 4 : i32
    %scan3A_73 = arith.addi %scan3A_71, %scan3A_72 : i32
    %scan3A_74 = arith.constant 1 : i32
    %scan3A_75 = scf.for %scan3A_218 = %scan3A_71 to %scan3A_73 step %scan3A_74 iter_args(%scan3A_219 = %scan3A_70) -> (i32)  : i32 {
      %mul3A_220 = arith.constant 20 : i32
      %mul3A_221 = vector.broadcast %mul3A_220 : i32 to vector<16xi32>
      %mul3A_222 = arith.muli %iota3A, %mul3A_221 : vector<16xi32>
      %mul3A_223 = arith.constant 320 : i32
      %mul3A_224 = arith.muli %scan3A_218, %mul3A_223 : i32
      %add3A_225 = arith.constant 0 : i32
      %add3A_226 = arith.addi %add3A_225, %mul3A_224 : i32
      %add3A_227 = arith.constant 7 : i32
      %add3A_228 = arith.addi %add3A_226, %add3A_227 : i32
      %add3A_229 = vector.broadcast %add3A_228 : i32 to vector<16xi32>
      %add3A_230 = arith.addi %mul3A_222, %add3A_229 : vector<16xi32>
      %gather3A = tpu.vector_load_idx %arg10[%add3A_230] : memref<2560xi32, #tpu.memory_space<vmem>>[vector<16xi32>], vector<16xi32>,
      %mul3A_231 = arith.constant 16 : i32
      %mul3A_232 = arith.muli %scan3A_218, %mul3A_231 : i32
      %add3A_233 = arith.constant 448 : i32
      %add3A_234 = arith.addi %add3A_233, %mul3A_232 : i32
      %swap3A = arith.index_cast %add3A_234 : i32 to index
      %swap3A_235 = tpu.vector_load %arg11[%swap3A] {strides = array<i32>} : memref<2560xi32, #tpu.memory_space<vmem>>, vector<16xi32>,
      tpu.vector_store %arg11[%swap3A], %gather3A {strides = array<i32>} : memref<2560xi32, #tpu.memory_space<vmem>>, vector<16xi32>,
      %scan3A_236 = arith.constant 0 : i32
      scf.yield %scan3A_236 : i32
    }
    %scan3A_76 = arith.constant 4 : i32
    %scan3A_77 = arith.constant 0 : i32
    %scan3A_78 = arith.constant 0 : i32
    %scan3A_79 = arith.constant 4 : i32
    %scan3A_80 = arith.addi %scan3A_78, %scan3A_79 : i32
    %scan3A_81 = arith.constant 1 : i32
    %scan3A_82 = scf.for %scan3A_218 = %scan3A_78 to %scan3A_80 step %scan3A_81 iter_args(%scan3A_219 = %scan3A_77) -> (i32)  : i32 {
      %mul3A_220 = arith.constant 20 : i32
      %mul3A_221 = vector.broadcast %mul3A_220 : i32 to vector<16xi32>
      %mul3A_222 = arith.muli %iota3A, %mul3A_221 : vector<16xi32>
      %mul3A_223 = arith.constant 320 : i32
      %mul3A_224 = arith.muli %scan3A_218, %mul3A_223 : i32
      %add3A_225 = arith.constant 0 : i32
      %add3A_226 = arith.addi %add3A_225, %mul3A_224 : i32
      %add3A_227 = arith.constant 8 : i32
      %add3A_228 = arith.addi %add3A_226, %add3A_227 : i32
      %add3A_229 = vector.broadcast %add3A_228 : i32 to vector<16xi32>
      %add3A_230 = arith.addi %mul3A_222, %add3A_229 : vector<16xi32>
      %gather3A = tpu.vector_load_idx %arg10[%add3A_230] : memref<2560xi32, #tpu.memory_space<vmem>>[vector<16xi32>], vector<16xi32>,
      %mul3A_231 = arith.constant 16 : i32
      %mul3A_232 = arith.muli %scan3A_218, %mul3A_231 : i32
      %add3A_233 = arith.constant 512 : i32
      %add3A_234 = arith.addi %add3A_233, %mul3A_232 : i32
      %swap3A = arith.index_cast %add3A_234 : i32 to index
      %swap3A_235 = tpu.vector_load %arg11[%swap3A] {strides = array<i32>} : memref<2560xi32, #tpu.memory_space<vmem>>, vector<16xi32>,
      tpu.vector_store %arg11[%swap3A], %gather3A {strides = array<i32>} : memref<2560xi32, #tpu.memory_space<vmem>>, vector<16xi32>,
      %scan3A_236 = arith.constant 0 : i32
      scf.yield %scan3A_236 : i32
    }
    %scan3A_83 = arith.constant 4 : i32
    %scan3A_84 = arith.constant 0 : i32
    %scan3A_85 = arith.constant 0 : i32
    %scan3A_86 = arith.constant 4 : i32
    %scan3A_87 = arith.addi %scan3A_85, %scan3A_86 : i32
    %scan3A_88 = arith.constant 1 : i32
    %scan3A_89 = scf.for %scan3A_218 = %scan3A_85 to %scan3A_87 step %scan3A_88 iter_args(%scan3A_219 = %scan3A_84) -> (i32)  : i32 {
      %mul3A_220 = arith.constant 20 : i32
      %mul3A_221 = vector.broadcast %mul3A_220 : i32 to vector<16xi32>
      %mul3A_222 = arith.muli %iota3A, %mul3A_221 : vector<16xi32>
      %mul3A_223 = arith.constant 320 : i32
      %mul3A_224 = arith.muli %scan3A_218, %mul3A_223 : i32
      %add3A_225 = arith.constant 0 : i32
      %add3A_226 = arith.addi %add3A_225, %mul3A_224 : i32
      %add3A_227 = arith.constant 9 : i32
      %add3A_228 = arith.addi %add3A_226, %add3A_227 : i32
      %add3A_229 = vector.broadcast %add3A_228 : i32 to vector<16xi32>
      %add3A_230 = arith.addi %mul3A_222, %add3A_229 : vector<16xi32>
      %gather3A = tpu.vector_load_idx %arg10[%add3A_230] : memref<2560xi32, #tpu.memory_space<vmem>>[vector<16xi32>], vector<16xi32>,
      %mul3A_231 = arith.constant 16 : i32
      %mul3A_232 = arith.muli %scan3A_218, %mul3A_231 : i32
      %add3A_233 = arith.constant 576 : i32
      %add3A_234 = arith.addi %add3A_233, %mul3A_232 : i32
      %swap3A = arith.index_cast %add3A_234 : i32 to index
      %swap3A_235 = tpu.vector_load %arg11[%swap3A] {strides = array<i32>} : memref<2560xi32, #tpu.memory_space<vmem>>, vector<16xi32>,
      tpu.vector_store %arg11[%swap3A], %gather3A {strides = array<i32>} : memref<2560xi32, #tpu.memory_space<vmem>>, vector<16xi32>,
      %scan3A_236 = arith.constant 0 : i32
      scf.yield %scan3A_236 : i32
    }
    %scan3A_90 = arith.constant 4 : i32
    %scan3A_91 = arith.constant 0 : i32
    %scan3A_92 = arith.constant 0 : i32
    %scan3A_93 = arith.constant 4 : i32
    %scan3A_94 = arith.addi %scan3A_92, %scan3A_93 : i32
    %scan3A_95 = arith.constant 1 : i32
    %scan3A_96 = scf.for %scan3A_218 = %scan3A_92 to %scan3A_94 step %scan3A_95 iter_args(%scan3A_219 = %scan3A_91) -> (i32)  : i32 {
      %mul3A_220 = arith.constant 20 : i32
      %mul3A_221 = vector.broadcast %mul3A_220 : i32 to vector<16xi32>
      %mul3A_222 = arith.muli %iota3A, %mul3A_221 : vector<16xi32>
      %mul3A_223 = arith.constant 320 : i32
      %mul3A_224 = arith.muli %scan3A_218, %mul3A_223 : i32
      %add3A_225 = arith.constant 0 : i32
      %add3A_226 = arith.addi %add3A_225, %mul3A_224 : i32
      %add3A_227 = arith.constant 10 : i32
      %add3A_228 = arith.addi %add3A_226, %add3A_227 : i32
      %add3A_229 = vector.broadcast %add3A_228 : i32 to vector<16xi32>
      %add3A_230 = arith.addi %mul3A_222, %add3A_229 : vector<16xi32>
      %gather3A = tpu.vector_load_idx %arg10[%add3A_230] : memref<2560xi32, #tpu.memory_space<vmem>>[vector<16xi32>], vector<16xi32>,
      %mul3A_231 = arith.constant 16 : i32
      %mul3A_232 = arith.muli %scan3A_218, %mul3A_231 : i32
      %add3A_233 = arith.constant 640 : i32
      %add3A_234 = arith.addi %add3A_233, %mul3A_232 : i32
      %swap3A = arith.index_cast %add3A_234 : i32 to index
      %swap3A_235 = tpu.vector_load %arg11[%swap3A] {strides = array<i32>} : memref<2560xi32, #tpu.memory_space<vmem>>, vector<16xi32>,
      tpu.vector_store %arg11[%swap3A], %gather3A {strides = array<i32>} : memref<2560xi32, #tpu.memory_space<vmem>>, vector<16xi32>,
      %scan3A_236 = arith.constant 0 : i32
      scf.yield %scan3A_236 : i32
    }
    %scan3A_97 = arith.constant 4 : i32
    %scan3A_98 = arith.constant 0 : i32
    %scan3A_99 = arith.constant 0 : i32
    %scan3A_100 = arith.constant 4 : i32
    %scan3A_101 = arith.addi %scan3A_99, %scan3A_100 : i32
    %scan3A_102 = arith.constant 1 : i32
    %scan3A_103 = scf.for %scan3A_218 = %scan3A_99 to %scan3A_101 step %scan3A_102 iter_args(%scan3A_219 = %scan3A_98) -> (i32)  : i32 {
      %mul3A_220 = arith.constant 20 : i32
      %mul3A_221 = vector.broadcast %mul3A_220 : i32 to vector<16xi32>
      %mul3A_222 = arith.muli %iota3A, %mul3A_221 : vector<16xi32>
      %mul3A_223 = arith.constant 320 : i32
      %mul3A_224 = arith.muli %scan3A_218, %mul3A_223 : i32
      %add3A_225 = arith.constant 0 : i32
      %add3A_226 = arith.addi %add3A_225, %mul3A_224 : i32
      %add3A_227 = arith.constant 11 : i32
      %add3A_228 = arith.addi %add3A_226, %add3A_227 : i32
      %add3A_229 = vector.broadcast %add3A_228 : i32 to vector<16xi32>
      %add3A_230 = arith.addi %mul3A_222, %add3A_229 : vector<16xi32>
      %gather3A = tpu.vector_load_idx %arg10[%add3A_230] : memref<2560xi32, #tpu.memory_space<vmem>>[vector<16xi32>], vector<16xi32>,
      %mul3A_231 = arith.constant 16 : i32
      %mul3A_232 = arith.muli %scan3A_218, %mul3A_231 : i32
      %add3A_233 = arith.constant 704 : i32
      %add3A_234 = arith.addi %add3A_233, %mul3A_232 : i32
      %swap3A = arith.index_cast %add3A_234 : i32 to index
      %swap3A_235 = tpu.vector_load %arg11[%swap3A] {strides = array<i32>} : memref<2560xi32, #tpu.memory_space<vmem>>, vector<16xi32>,
      tpu.vector_store %arg11[%swap3A], %gather3A {strides = array<i32>} : memref<2560xi32, #tpu.memory_space<vmem>>, vector<16xi32>,
      %scan3A_236 = arith.constant 0 : i32
      scf.yield %scan3A_236 : i32
    }
    %scan3A_104 = arith.constant 4 : i32
    %scan3A_105 = arith.constant 0 : i32
    %scan3A_106 = arith.constant 0 : i32
    %scan3A_107 = arith.constant 4 : i32
    %scan3A_108 = arith.addi %scan3A_106, %scan3A_107 : i32
    %scan3A_109 = arith.constant 1 : i32
    %scan3A_110 = scf.for %scan3A_218 = %scan3A_106 to %scan3A_108 step %scan3A_109 iter_args(%scan3A_219 = %scan3A_105) -> (i32)  : i32 {
      %mul3A_220 = arith.constant 20 : i32
      %mul3A_221 = vector.broadcast %mul3A_220 : i32 to vector<16xi32>
      %mul3A_222 = arith.muli %iota3A, %mul3A_221 : vector<16xi32>
      %mul3A_223 = arith.constant 320 : i32
      %mul3A_224 = arith.muli %scan3A_218, %mul3A_223 : i32
      %add3A_225 = arith.constant 0 : i32
      %add3A_226 = arith.addi %add3A_225, %mul3A_224 : i32
      %add3A_227 = arith.constant 12 : i32
      %add3A_228 = arith.addi %add3A_226, %add3A_227 : i32
      %add3A_229 = vector.broadcast %add3A_228 : i32 to vector<16xi32>
      %add3A_230 = arith.addi %mul3A_222, %add3A_229 : vector<16xi32>
      %gather3A = tpu.vector_load_idx %arg10[%add3A_230] : memref<2560xi32, #tpu.memory_space<vmem>>[vector<16xi32>], vector<16xi32>,
      %mul3A_231 = arith.constant 16 : i32
      %mul3A_232 = arith.muli %scan3A_218, %mul3A_231 : i32
      %add3A_233 = arith.constant 768 : i32
      %add3A_234 = arith.addi %add3A_233, %mul3A_232 : i32
      %swap3A = arith.index_cast %add3A_234 : i32 to index
      %swap3A_235 = tpu.vector_load %arg11[%swap3A] {strides = array<i32>} : memref<2560xi32, #tpu.memory_space<vmem>>, vector<16xi32>,
      tpu.vector_store %arg11[%swap3A], %gather3A {strides = array<i32>} : memref<2560xi32, #tpu.memory_space<vmem>>, vector<16xi32>,
      %scan3A_236 = arith.constant 0 : i32
      scf.yield %scan3A_236 : i32
    }
    %scan3A_111 = arith.constant 4 : i32
    %scan3A_112 = arith.constant 0 : i32
    %scan3A_113 = arith.constant 0 : i32
    %scan3A_114 = arith.constant 4 : i32
    %scan3A_115 = arith.addi %scan3A_113, %scan3A_114 : i32
    %scan3A_116 = arith.constant 1 : i32
    %scan3A_117 = scf.for %scan3A_218 = %scan3A_113 to %scan3A_115 step %scan3A_116 iter_args(%scan3A_219 = %scan3A_112) -> (i32)  : i32 {
      %mul3A_220 = arith.constant 20 : i32
      %mul3A_221 = vector.broadcast %mul3A_220 : i32 to vector<16xi32>
      %mul3A_222 = arith.muli %iota3A, %mul3A_221 : vector<16xi32>
      %mul3A_223 = arith.constant 320 : i32
      %mul3A_224 = arith.muli %scan3A_218, %mul3A_223 : i32
      %add3A_225 = arith.constant 0 : i32
      %add3A_226 = arith.addi %add3A_225, %mul3A_224 : i32
      %add3A_227 = arith.constant 13 : i32
      %add3A_228 = arith.addi %add3A_226, %add3A_227 : i32
      %add3A_229 = vector.broadcast %add3A_228 : i32 to vector<16xi32>
      %add3A_230 = arith.addi %mul3A_222, %add3A_229 : vector<16xi32>
      %gather3A = tpu.vector_load_idx %arg10[%add3A_230] : memref<2560xi32, #tpu.memory_space<vmem>>[vector<16xi32>], vector<16xi32>,
      %mul3A_231 = arith.constant 16 : i32
      %mul3A_232 = arith.muli %scan3A_218, %mul3A_231 : i32
      %add3A_233 = arith.constant 832 : i32
      %add3A_234 = arith.addi %add3A_233, %mul3A_232 : i32
      %swap3A = arith.index_cast %add3A_234 : i32 to index
      %swap3A_235 = tpu.vector_load %arg11[%swap3A] {strides = array<i32>} : memref<2560xi32, #tpu.memory_space<vmem>>, vector<16xi32>,
      tpu.vector_store %arg11[%swap3A], %gather3A {strides = array<i32>} : memref<2560xi32, #tpu.memory_space<vmem>>, vector<16xi32>,
      %scan3A_236 = arith.constant 0 : i32
      scf.yield %scan3A_236 : i32
    }
    %scan3A_118 = arith.constant 4 : i32
    %scan3A_119 = arith.constant 0 : i32
    %scan3A_120 = arith.constant 0 : i32
    %scan3A_121 = arith.constant 4 : i32
    %scan3A_122 = arith.addi %scan3A_120, %scan3A_121 : i32
    %scan3A_123 = arith.constant 1 : i32
    %scan3A_124 = scf.for %scan3A_218 = %scan3A_120 to %scan3A_122 step %scan3A_123 iter_args(%scan3A_219 = %scan3A_119) -> (i32)  : i32 {
      %mul3A_220 = arith.constant 20 : i32
      %mul3A_221 = vector.broadcast %mul3A_220 : i32 to vector<16xi32>
      %mul3A_222 = arith.muli %iota3A, %mul3A_221 : vector<16xi32>
      %mul3A_223 = arith.constant 320 : i32
      %mul3A_224 = arith.muli %scan3A_218, %mul3A_223 : i32
      %add3A_225 = arith.constant 0 : i32
      %add3A_226 = arith.addi %add3A_225, %mul3A_224 : i32
      %add3A_227 = arith.constant 14 : i32
      %add3A_228 = arith.addi %add3A_226, %add3A_227 : i32
      %add3A_229 = vector.broadcast %add3A_228 : i32 to vector<16xi32>
      %add3A_230 = arith.addi %mul3A_222, %add3A_229 : vector<16xi32>
      %gather3A = tpu.vector_load_idx %arg10[%add3A_230] : memref<2560xi32, #tpu.memory_space<vmem>>[vector<16xi32>], vector<16xi32>,
      %mul3A_231 = arith.constant 16 : i32
      %mul3A_232 = arith.muli %scan3A_218, %mul3A_231 : i32
      %add3A_233 = arith.constant 896 : i32
      %add3A_234 = arith.addi %add3A_233, %mul3A_232 : i32
      %swap3A = arith.index_cast %add3A_234 : i32 to index
      %swap3A_235 = tpu.vector_load %arg11[%swap3A] {strides = array<i32>} : memref<2560xi32, #tpu.memory_space<vmem>>, vector<16xi32>,
      tpu.vector_store %arg11[%swap3A], %gather3A {strides = array<i32>} : memref<2560xi32, #tpu.memory_space<vmem>>, vector<16xi32>,
      %scan3A_236 = arith.constant 0 : i32
      scf.yield %scan3A_236 : i32
    }
    %scan3A_125 = arith.constant 4 : i32
    %scan3A_126 = arith.constant 0 : i32
    %scan3A_127 = arith.constant 0 : i32
    %scan3A_128 = arith.constant 4 : i32
    %scan3A_129 = arith.addi %scan3A_127, %scan3A_128 : i32
    %scan3A_130 = arith.constant 1 : i32
    %scan3A_131 = scf.for %scan3A_218 = %scan3A_127 to %scan3A_129 step %scan3A_130 iter_args(%scan3A_219 = %scan3A_126) -> (i32)  : i32 {
      %mul3A_220 = arith.constant 20 : i32
      %mul3A_221 = vector.broadcast %mul3A_220 : i32 to vector<16xi32>
      %mul3A_222 = arith.muli %iota3A, %mul3A_221 : vector<16xi32>
      %mul3A_223 = arith.constant 320 : i32
      %mul3A_224 = arith.muli %scan3A_218, %mul3A_223 : i32
      %add3A_225 = arith.constant 0 : i32
      %add3A_226 = arith.addi %add3A_225, %mul3A_224 : i32
      %add3A_227 = arith.constant 15 : i32
      %add3A_228 = arith.addi %add3A_226, %add3A_227 : i32
      %add3A_229 = vector.broadcast %add3A_228 : i32 to vector<16xi32>
      %add3A_230 = arith.addi %mul3A_222, %add3A_229 : vector<16xi32>
      %gather3A = tpu.vector_load_idx %arg10[%add3A_230] : memref<2560xi32, #tpu.memory_space<vmem>>[vector<16xi32>], vector<16xi32>,
      %mul3A_231 = arith.constant 16 : i32
      %mul3A_232 = arith.muli %scan3A_218, %mul3A_231 : i32
      %add3A_233 = arith.constant 960 : i32
      %add3A_234 = arith.addi %add3A_233, %mul3A_232 : i32
      %swap3A = arith.index_cast %add3A_234 : i32 to index
      %swap3A_235 = tpu.vector_load %arg11[%swap3A] {strides = array<i32>} : memref<2560xi32, #tpu.memory_space<vmem>>, vector<16xi32>,
      tpu.vector_store %arg11[%swap3A], %gather3A {strides = array<i32>} : memref<2560xi32, #tpu.memory_space<vmem>>, vector<16xi32>,
      %scan3A_236 = arith.constant 0 : i32
      scf.yield %scan3A_236 : i32
    }
    %scan3A_132 = arith.constant 4 : i32
    %scan3A_133 = arith.constant 0 : i32
    %scan3A_134 = arith.constant 0 : i32
    %scan3A_135 = arith.constant 4 : i32
    %scan3A_136 = arith.addi %scan3A_134, %scan3A_135 : i32
    %scan3A_137 = arith.constant 1 : i32
    %scan3A_138 = scf.for %scan3A_218 = %scan3A_134 to %scan3A_136 step %scan3A_137 iter_args(%scan3A_219 = %scan3A_133) -> (i32)  : i32 {
      %mul3A_220 = arith.constant 20 : i32
      %mul3A_221 = vector.broadcast %mul3A_220 : i32 to vector<16xi32>
      %mul3A_222 = arith.muli %iota3A, %mul3A_221 : vector<16xi32>
      %mul3A_223 = arith.constant 320 : i32
      %mul3A_224 = arith.muli %scan3A_218, %mul3A_223 : i32
      %add3A_225 = arith.constant 0 : i32
      %add3A_226 = arith.addi %add3A_225, %mul3A_224 : i32
      %add3A_227 = arith.constant 16 : i32
      %add3A_228 = arith.addi %add3A_226, %add3A_227 : i32
      %add3A_229 = vector.broadcast %add3A_228 : i32 to vector<16xi32>
      %add3A_230 = arith.addi %mul3A_222, %add3A_229 : vector<16xi32>
      %gather3A = tpu.vector_load_idx %arg10[%add3A_230] : memref<2560xi32, #tpu.memory_space<vmem>>[vector<16xi32>], vector<16xi32>,
      %mul3A_231 = arith.constant 16 : i32
      %mul3A_232 = arith.muli %scan3A_218, %mul3A_231 : i32
      %add3A_233 = arith.constant 1024 : i32
      %add3A_234 = arith.addi %add3A_233, %mul3A_232 : i32
      %swap3A = arith.index_cast %add3A_234 : i32 to index
      %swap3A_235 = tpu.vector_load %arg11[%swap3A] {strides = array<i32>} : memref<2560xi32, #tpu.memory_space<vmem>>, vector<16xi32>,
      tpu.vector_store %arg11[%swap3A], %gather3A {strides = array<i32>} : memref<2560xi32, #tpu.memory_space<vmem>>, vector<16xi32>,
      %scan3A_236 = arith.constant 0 : i32
      scf.yield %scan3A_236 : i32
    }
    %scan3A_139 = arith.constant 4 : i32
    %scan3A_140 = arith.constant 0 : i32
    %scan3A_141 = arith.constant 0 : i32
    %scan3A_142 = arith.constant 4 : i32
    %scan3A_143 = arith.addi %scan3A_141, %scan3A_142 : i32
    %scan3A_144 = arith.constant 1 : i32
    %scan3A_145 = scf.for %scan3A_218 = %scan3A_141 to %scan3A_143 step %scan3A_144 iter_args(%scan3A_219 = %scan3A_140) -> (i32)  : i32 {
      %mul3A_220 = arith.constant 20 : i32
      %mul3A_221 = vector.broadcast %mul3A_220 : i32 to vector<16xi32>
      %mul3A_222 = arith.muli %iota3A, %mul3A_221 : vector<16xi32>
      %mul3A_223 = arith.constant 320 : i32
      %mul3A_224 = arith.muli %scan3A_218, %mul3A_223 : i32
      %add3A_225 = arith.constant 0 : i32
      %add3A_226 = arith.addi %add3A_225, %mul3A_224 : i32
      %add3A_227 = arith.constant 17 : i32
      %add3A_228 = arith.addi %add3A_226, %add3A_227 : i32
      %add3A_229 = vector.broadcast %add3A_228 : i32 to vector<16xi32>
      %add3A_230 = arith.addi %mul3A_222, %add3A_229 : vector<16xi32>
      %gather3A = tpu.vector_load_idx %arg10[%add3A_230] : memref<2560xi32, #tpu.memory_space<vmem>>[vector<16xi32>], vector<16xi32>,
      %mul3A_231 = arith.constant 16 : i32
      %mul3A_232 = arith.muli %scan3A_218, %mul3A_231 : i32
      %add3A_233 = arith.constant 1088 : i32
      %add3A_234 = arith.addi %add3A_233, %mul3A_232 : i32
      %swap3A = arith.index_cast %add3A_234 : i32 to index
      %swap3A_235 = tpu.vector_load %arg11[%swap3A] {strides = array<i32>} : memref<2560xi32, #tpu.memory_space<vmem>>, vector<16xi32>,
      tpu.vector_store %arg11[%swap3A], %gather3A {strides = array<i32>} : memref<2560xi32, #tpu.memory_space<vmem>>, vector<16xi32>,
      %scan3A_236 = arith.constant 0 : i32
      scf.yield %scan3A_236 : i32
    }
    %scan3A_146 = arith.constant 4 : i32
    %scan3A_147 = arith.constant 0 : i32
    %scan3A_148 = arith.constant 0 : i32
    %scan3A_149 = arith.constant 4 : i32
    %scan3A_150 = arith.addi %scan3A_148, %scan3A_149 : i32
    %scan3A_151 = arith.constant 1 : i32
    %scan3A_152 = scf.for %scan3A_218 = %scan3A_148 to %scan3A_150 step %scan3A_151 iter_args(%scan3A_219 = %scan3A_147) -> (i32)  : i32 {
      %mul3A_220 = arith.constant 20 : i32
      %mul3A_221 = vector.broadcast %mul3A_220 : i32 to vector<16xi32>
      %mul3A_222 = arith.muli %iota3A, %mul3A_221 : vector<16xi32>
      %mul3A_223 = arith.constant 320 : i32
      %mul3A_224 = arith.muli %scan3A_218, %mul3A_223 : i32
      %add3A_225 = arith.constant 0 : i32
      %add3A_226 = arith.addi %add3A_225, %mul3A_224 : i32
      %add3A_227 = arith.constant 18 : i32
      %add3A_228 = arith.addi %add3A_226, %add3A_227 : i32
      %add3A_229 = vector.broadcast %add3A_228 : i32 to vector<16xi32>
      %add3A_230 = arith.addi %mul3A_222, %add3A_229 : vector<16xi32>
      %gather3A = tpu.vector_load_idx %arg10[%add3A_230] : memref<2560xi32, #tpu.memory_space<vmem>>[vector<16xi32>], vector<16xi32>,
      %mul3A_231 = arith.constant 16 : i32
      %mul3A_232 = arith.muli %scan3A_218, %mul3A_231 : i32
      %add3A_233 = arith.constant 1152 : i32
      %add3A_234 = arith.addi %add3A_233, %mul3A_232 : i32
      %swap3A = arith.index_cast %add3A_234 : i32 to index
      %swap3A_235 = tpu.vector_load %arg11[%swap3A] {strides = array<i32>} : memref<2560xi32, #tpu.memory_space<vmem>>, vector<16xi32>,
      tpu.vector_store %arg11[%swap3A], %gather3A {strides = array<i32>} : memref<2560xi32, #tpu.memory_space<vmem>>, vector<16xi32>,
      %scan3A_236 = arith.constant 0 : i32
      scf.yield %scan3A_236 : i32
    }
    %scan3A_153 = arith.constant 4 : i32
    %scan3A_154 = arith.constant 0 : i32
    %scan3A_155 = arith.constant 0 : i32
    %scan3A_156 = arith.constant 4 : i32
    %scan3A_157 = arith.addi %scan3A_155, %scan3A_156 : i32
    %scan3A_158 = arith.constant 1 : i32
    %scan3A_159 = scf.for %scan3A_218 = %scan3A_155 to %scan3A_157 step %scan3A_158 iter_args(%scan3A_219 = %scan3A_154) -> (i32)  : i32 {
      %mul3A_220 = arith.constant 20 : i32
      %mul3A_221 = vector.broadcast %mul3A_220 : i32 to vector<16xi32>
      %mul3A_222 = arith.muli %iota3A, %mul3A_221 : vector<16xi32>
      %mul3A_223 = arith.constant 320 : i32
      %mul3A_224 = arith.muli %scan3A_218, %mul3A_223 : i32
      %add3A_225 = arith.constant 0 : i32
      %add3A_226 = arith.addi %add3A_225, %mul3A_224 : i32
      %add3A_227 = arith.constant 19 : i32
      %add3A_228 = arith.addi %add3A_226, %add3A_227 : i32
      %add3A_229 = vector.broadcast %add3A_228 : i32 to vector<16xi32>
      %add3A_230 = arith.addi %mul3A_222, %add3A_229 : vector<16xi32>
      %gather3A = tpu.vector_load_idx %arg10[%add3A_230] : memref<2560xi32, #tpu.memory_space<vmem>>[vector<16xi32>], vector<16xi32>,
      %mul3A_231 = arith.constant 16 : i32
      %mul3A_232 = arith.muli %scan3A_218, %mul3A_231 : i32
      %add3A_233 = arith.constant 1216 : i32
      %add3A_234 = arith.addi %add3A_233, %mul3A_232 : i32
      %swap3A = arith.index_cast %add3A_234 : i32 to index
      %swap3A_235 = tpu.vector_load %arg11[%swap3A] {strides = array<i32>} : memref<2560xi32, #tpu.memory_space<vmem>>, vector<16xi32>,
      tpu.vector_store %arg11[%swap3A], %gather3A {strides = array<i32>} : memref<2560xi32, #tpu.memory_space<vmem>>, vector<16xi32>,
      %scan3A_236 = arith.constant 0 : i32
      scf.yield %scan3A_236 : i32
    }
    %scan3A_160 = arith.constant 4 : i32
    %dma_start3A_161 = arith.constant 0 : i32
    %dma_start3A_162 = tpu.memref_slice %arg11[%dma_start3A_161] : memref<2560xi32, #tpu.memory_space<vmem>> -> memref<64xi32, #tpu.memory_space<vmem>>
    %dma_start3A_163 = arith.constant 0 : i32
    %dma_start3A_164 = arith.constant 0 : i32
    %dma_start3A_165 = tpu.memref_slice %arg3[%dma_start3A_163, %dma_start3A_164] : memref<1000000x64xf32, #tpu.memory_space<hbm>> -> memref<1000000x64xf32, #tpu.memory_space<hbm>>
    tpu.enqueue_indirect_dma source(%dma_start3A_165 : memref<1000000x64xf32, #tpu.memory_space<hbm>>) target(%arg15 : memref<64x64xf32, #tpu.memory_space<vmem>>) offsets(%dma_start3A_162 : memref<64xi32, #tpu.memory_space<vmem>>) semaphore(%arg37 : memref<!tpu.dma_semaphore, #tpu.memory_space<semaphore_mem>>)
    %dma_start3A_166 = arith.constant 64 : i32
    %dma_start3A_167 = tpu.memref_slice %arg11[%dma_start3A_166] : memref<2560xi32, #tpu.memory_space<vmem>> -> memref<64xi32, #tpu.memory_space<vmem>>
    %dma_start3A_168 = arith.constant 0 : i32
    %dma_start3A_169 = arith.constant 0 : i32
    %dma_start3A_170 = tpu.memref_slice %arg3[%dma_start3A_168, %dma_start3A_169] : memref<1000000x64xf32, #tpu.memory_space<hbm>> -> memref<1000000x64xf32, #tpu.memory_space<hbm>>
    tpu.enqueue_indirect_dma source(%dma_start3A_170 : memref<1000000x64xf32, #tpu.memory_space<hbm>>) target(%arg16 : memref<64x64xf32, #tpu.memory_space<vmem>>) offsets(%dma_start3A_167 : memref<64xi32, #tpu.memory_space<vmem>>) semaphore(%arg37 : memref<!tpu.dma_semaphore, #tpu.memory_space<semaphore_mem>>)
    %dma_start3A_171 = arith.constant 128 : i32
    %dma_start3A_172 = tpu.memref_slice %arg11[%dma_start3A_171] : memref<2560xi32, #tpu.memory_space<vmem>> -> memref<64xi32, #tpu.memory_space<vmem>>
    %dma_start3A_173 = arith.constant 0 : i32
    %dma_start3A_174 = arith.constant 0 : i32
    %dma_start3A_175 = tpu.memref_slice %arg3[%dma_start3A_173, %dma_start3A_174] : memref<1000000x64xf32, #tpu.memory_space<hbm>> -> memref<1000000x64xf32, #tpu.memory_space<hbm>>
    tpu.enqueue_indirect_dma source(%dma_start3A_175 : memref<1000000x64xf32, #tpu.memory_space<hbm>>) target(%arg17 : memref<64x64xf32, #tpu.memory_space<vmem>>) offsets(%dma_start3A_172 : memref<64xi32, #tpu.memory_space<vmem>>) semaphore(%arg37 : memref<!tpu.dma_semaphore, #tpu.memory_space<semaphore_mem>>)
    %dma_start3A_176 = arith.constant 192 : i32
    %dma_start3A_177 = tpu.memref_slice %arg11[%dma_start3A_176] : memref<2560xi32, #tpu.memory_space<vmem>> -> memref<64xi32, #tpu.memory_space<vmem>>
    %dma_start3A_178 = arith.constant 0 : i32
    %dma_start3A_179 = arith.constant 0 : i32
    %dma_start3A_180 = tpu.memref_slice %arg3[%dma_start3A_178, %dma_start3A_179] : memref<1000000x64xf32, #tpu.memory_space<hbm>> -> memref<1000000x64xf32, #tpu.memory_space<hbm>>
    tpu.enqueue_indirect_dma source(%dma_start3A_180 : memref<1000000x64xf32, #tpu.memory_space<hbm>>) target(%arg18 : memref<64x64xf32, #tpu.memory_space<vmem>>) offsets(%dma_start3A_177 : memref<64xi32, #tpu.memory_space<vmem>>) semaphore(%arg37 : memref<!tpu.dma_semaphore, #tpu.memory_space<semaphore_mem>>)
    %dma_start3A_181 = arith.constant 256 : i32
    %dma_start3A_182 = tpu.memref_slice %arg11[%dma_start3A_181] : memref<2560xi32, #tpu.memory_space<vmem>> -> memref<64xi32, #tpu.memory_space<vmem>>
    %dma_start3A_183 = arith.constant 0 : i32
    %dma_start3A_184 = arith.constant 0 : i32
    %dma_start3A_185 = tpu.memref_slice %arg3[%dma_start3A_183, %dma_start3A_184] : memref<1000000x64xf32, #tpu.memory_space<hbm>> -> memref<1000000x64xf32, #tpu.memory_space<hbm>>
    tpu.enqueue_indirect_dma source(%dma_start3A_185 : memref<1000000x64xf32, #tpu.memory_space<hbm>>) target(%arg19 : memref<64x64xf32, #tpu.memory_space<vmem>>) offsets(%dma_start3A_182 : memref<64xi32, #tpu.memory_space<vmem>>) semaphore(%arg37 : memref<!tpu.dma_semaphore, #tpu.memory_space<semaphore_mem>>)
    %dma_start3A_186 = arith.constant 320 : i32
    %dma_start3A_187 = tpu.memref_slice %arg11[%dma_start3A_186] : memref<2560xi32, #tpu.memory_space<vmem>> -> memref<64xi32, #tpu.memory_space<vmem>>
    %dma_start3A_188 = arith.constant 0 : i32
    %dma_start3A_189 = arith.constant 0 : i32
    %dma_start3A_190 = tpu.memref_slice %arg3[%dma_start3A_188, %dma_start3A_189] : memref<1000000x64xf32, #tpu.memory_space<hbm>> -> memref<1000000x64xf32, #tpu.memory_space<hbm>>
    tpu.enqueue_indirect_dma source(%dma_start3A_190 : memref<1000000x64xf32, #tpu.memory_space<hbm>>) target(%arg20 : memref<64x64xf32, #tpu.memory_space<vmem>>) offsets(%dma_start3A_187 : memref<64xi32, #tpu.memory_space<vmem>>) semaphore(%arg37 : memref<!tpu.dma_semaphore, #tpu.memory_space<semaphore_mem>>)
    %dma_start3A_191 = arith.constant 384 : i32
    %dma_start3A_192 = tpu.memref_slice %arg11[%dma_start3A_191] : memref<2560xi32, #tpu.memory_space<vmem>> -> memref<64xi32, #tpu.memory_space<vmem>>
    %dma_start3A_193 = arith.constant 0 : i32
    %dma_start3A_194 = arith.constant 0 : i32
    %dma_start3A_195 = tpu.memref_slice %arg3[%dma_start3A_193, %dma_start3A_194] : memref<1000000x64xf32, #tpu.memory_space<hbm>> -> memref<1000000x64xf32, #tpu.memory_space<hbm>>
    tpu.enqueue_indirect_dma source(%dma_start3A_195 : memref<1000000x64xf32, #tpu.memory_space<hbm>>) target(%arg21 : memref<64x64xf32, #tpu.memory_space<vmem>>) offsets(%dma_start3A_192 : memref<64xi32, #tpu.memory_space<vmem>>) semaphore(%arg37 : memref<!tpu.dma_semaphore, #tpu.memory_space<semaphore_mem>>)
    %dma_start3A_196 = arith.constant 448 : i32
    %dma_start3A_197 = tpu.memref_slice %arg11[%dma_start3A_196] : memref<2560xi32, #tpu.memory_space<vmem>> -> memref<64xi32, #tpu.memory_space<vmem>>
    %dma_start3A_198 = arith.constant 0 : i32
    %dma_start3A_199 = arith.constant 0 : i32
    %dma_start3A_200 = tpu.memref_slice %arg3[%dma_start3A_198, %dma_start3A_199] : memref<1000000x64xf32, #tpu.memory_space<hbm>> -> memref<1000000x64xf32, #tpu.memory_space<hbm>>
    tpu.enqueue_indirect_dma source(%dma_start3A_200 : memref<1000000x64xf32, #tpu.memory_space<hbm>>) target(%arg22 : memref<64x64xf32, #tpu.memory_space<vmem>>) offsets(%dma_start3A_197 : memref<64xi32, #tpu.memory_space<vmem>>) semaphore(%arg37 : memref<!tpu.dma_semaphore, #tpu.memory_space<semaphore_mem>>)
    %dma_start3A_201 = arith.constant 512 : i32
    %dma_start3A_202 = tpu.memref_slice %arg11[%dma_start3A_201] : memref<2560xi32, #tpu.memory_space<vmem>> -> memref<64xi32, #tpu.memory_space<vmem>>
    %dma_start3A_203 = arith.constant 0 : i32
    %dma_start3A_204 = arith.constant 0 : i32
    %dma_start3A_205 = tpu.memref_slice %arg3[%dma_start3A_203, %dma_start3A_204] : memref<1000000x64xf32, #tpu.memory_space<hbm>> -> memref<1000000x64xf32, #tpu.memory_space<hbm>>
    tpu.enqueue_indirect_dma source(%dma_start3A_205 : memref<1000000x64xf32, #tpu.memory_space<hbm>>) target(%arg23 : memref<64x64xf32, #tpu.memory_space<vmem>>) offsets(%dma_start3A_202 : memref<64xi32, #tpu.memory_space<vmem>>) semaphore(%arg37 : memref<!tpu.dma_semaphore, #tpu.memory_space<semaphore_mem>>)
    %dma_start3A_206 = arith.constant 576 : i32
    %dma_start3A_207 = tpu.memref_slice %arg11[%dma_start3A_206] : memref<2560xi32, #tpu.memory_space<vmem>> -> memref<64xi32, #tpu.memory_space<vmem>>
    %dma_start3A_208 = arith.constant 0 : i32
    %dma_start3A_209 = arith.constant 0 : i32
    %dma_start3A_210 = tpu.memref_slice %arg3[%dma_start3A_208, %dma_start3A_209] : memref<1000000x64xf32, #tpu.memory_space<hbm>> -> memref<1000000x64xf32, #tpu.memory_space<hbm>>
    tpu.enqueue_indirect_dma source(%dma_start3A_210 : memref<1000000x64xf32, #tpu.memory_space<hbm>>) target(%arg24 : memref<64x64xf32, #tpu.memory_space<vmem>>) offsets(%dma_start3A_207 : memref<64xi32, #tpu.memory_space<vmem>>) semaphore(%arg37 : memref<!tpu.dma_semaphore, #tpu.memory_space<semaphore_mem>>)
    %scan3A_211 = arith.constant 0 : i32
    %scan3A_212 = arith.constant 0 : i32
    %scan3A_213 = arith.constant 8 : i32
    %scan3A_214 = arith.addi %scan3A_212, %scan3A_213 : i32
    %scan3A_215 = arith.constant 1 : i32
    %scan3A_216 = scf.for %scan3A_218 = %scan3A_212 to %scan3A_214 step %scan3A_215 iter_args(%scan3A_219 = %scan3A_211) -> (i32)  : i32 {
      %scan3A_220 = arith.constant 0 : i32
      %scan3A_221 = arith.constant 0 : i32
      %dma_wait3A = arith.constant 0 : i32
      %dma_wait3A_222 = arith.constant 0 : i32
      %dma_wait3A_223 = tpu.memref_slice %arg3[%dma_wait3A, %dma_wait3A_222] : memref<1000000x64xf32, #tpu.memory_space<hbm>> -> memref<64x64xf32, #tpu.memory_space<hbm>>
      %dma_wait3A_224 = arith.constant 0 : i32
      %dma_wait3A_225 = arith.constant 0 : i32
      %dma_wait3A_226 = tpu.memref_slice %arg3[%dma_wait3A_224, %dma_wait3A_225] : memref<1000000x64xf32, #tpu.memory_space<hbm>> -> memref<64x64xf32, #tpu.memory_space<hbm>>
      tpu.wait_dma2 semaphore(%arg35 : memref<!tpu.dma_semaphore, #tpu.memory_space<semaphore_mem>>) src(%dma_wait3A_226 : memref<64x64xf32, #tpu.memory_space<hbm>>) dst(%arg15 : memref<64x64xf32, #tpu.memory_space<vmem>>)
      %scan3A_227 = arith.constant 0 : i32
      %scan3A_228 = arith.constant 1 : i32
      %scan3A_229 = arith.constant 0 : i32
      %scan3A_230 = arith.constant 0 : i32
      %dma_wait3A_231 = arith.constant 0 : i32
      %dma_wait3A_232 = arith.constant 0 : i32
      %dma_wait3A_233 = tpu.memref_slice %arg3[%dma_wait3A_231, %dma_wait3A_232] : memref<1000000x64xf32, #tpu.memory_space<hbm>> -> memref<64x64xf32, #tpu.memory_space<hbm>>
      %dma_wait3A_234 = arith.constant 0 : i32
      %dma_wait3A_235 = arith.constant 0 : i32
      %dma_wait3A_236 = tpu.memref_slice %arg3[%dma_wait3A_234, %dma_wait3A_235] : memref<1000000x64xf32, #tpu.memory_space<hbm>> -> memref<64x64xf32, #tpu.memory_space<hbm>>
      tpu.wait_dma2 semaphore(%arg36 : memref<!tpu.dma_semaphore, #tpu.memory_space<semaphore_mem>>) src(%dma_wait3A_236 : memref<64x64xf32, #tpu.memory_space<hbm>>) dst(%arg15 : memref<64x64xf32, #tpu.memory_space<vmem>>)
      %scan3A_237 = arith.constant 0 : i32
      %scan3A_238 = arith.constant 1 : i32
      %jit3A = arith.constant 2 : i32
      %eq3A = arith.constant 0 : i32
      %eq3A_239 = arith.cmpi eq, %jit3A, %eq3A : i32
      %jit3A_240 = arith.constant 1 : i32
      %select_n3A = arith.select %eq3A_239, %jit3A_240, %jit3A : i32
      %rem3A = arith.remsi %scan3A_218, %select_n3A : i32
      %ne3A = arith.constant 0 : i32
      %ne3A_241 = arith.cmpi ne, %rem3A, %ne3A : i32
      %lt3A = arith.constant 0 : i32
      %lt3A_242 = arith.cmpi slt, %rem3A, %lt3A : i32
      %lt3A_243 = arith.constant 0 : i32
      %lt3A_244 = arith.cmpi slt, %select_n3A, %lt3A_243 : i32
      %ne3A_245 = arith.xori %lt3A_242, %lt3A_244 : i1
      %and3A = arith.andi %ne3A_245, %ne3A_241 : i1
      %add3A_246 = arith.addi %rem3A, %select_n3A : i32
      %select_n3A_247 = arith.select %and3A, %add3A_246, %rem3A : i32
      %scan3A_248 = arith.constant 0 : i32
      %scan3A_249 = arith.constant 0 : i32
      %scan3A_250 = arith.constant 4 : i32
      %scan3A_251 = arith.addi %scan3A_249, %scan3A_250 : i32
      %scan3A_252 = arith.constant 1 : i32
      %scan3A_253 = scf.for %scan3A_402 = %scan3A_249 to %scan3A_251 step %scan3A_252 iter_args(%scan3A_403 = %scan3A_248) -> (i32)  : i32 {
        %mul3A_404 = arith.constant 64 : i32
        %mul3A_405 = arith.muli %select_n3A_247, %mul3A_404 : i32
        %mul3A_406 = arith.constant 16 : i32
        %mul3A_407 = arith.muli %scan3A_402, %mul3A_406 : i32
        %add3A_408 = arith.addi %mul3A_405, %mul3A_407 : i32
        %add3A_409 = vector.broadcast %add3A_408 : i32 to vector<16xi32>
        %add3A_410 = arith.addi %iota3A, %add3A_409 : vector<16xi32>
        %broadcast_in_dim3A = arith.constant 0.000000e+00 : f32
        %broadcast_in_dim3A_411 = vector.broadcast %broadcast_in_dim3A : f32 to vector<16xf32>
        %scan3A_412 = arith.constant 0 : i32
        %scan3A_413 = arith.constant 8 : i32
        %scan3A_414 = arith.addi %scan3A_412, %scan3A_413 : i32
        %scan3A_415 = arith.constant 1 : i32
        %scan3A_416:2 = scf.for %scan3A_423 = %scan3A_412 to %scan3A_414 step %scan3A_415 iter_args(%scan3A_424 = %broadcast_in_dim3A_411, %scan3A_425 = %broadcast_in_dim3A_411) -> (vector<16xf32>, vector<16xf32>)  : i32 {
          %mul3A_426 = arith.constant 8 : i32
          %mul3A_427 = arith.muli %scan3A_423, %mul3A_426 : i32
          %add3A_428 = arith.constant 0 : i32
          %add3A_429 = arith.addi %mul3A_427, %add3A_428 : i32
          %broadcast_in_dim3A_430 = vector.broadcast %add3A_429 : i32 to vector<16xi32>
          %add3A_431 = arith.constant 1 : i32
          %add3A_432 = arith.addi %add3A_429, %add3A_431 : i32
          %broadcast_in_dim3A_433 = vector.broadcast %add3A_432 : i32 to vector<16xi32>
          %gather3A = tpu.vector_load_idx %arg12[%add3A_410, %broadcast_in_dim3A_430] : memref<128x64xf32, #tpu.memory_space<vmem>>[vector<16xi32>, vector<16xi32>], vector<16xf32>,
          %gather3A_434 = tpu.vector_load_idx %arg13[%add3A_410, %broadcast_in_dim3A_430] : memref<128x64xf32, #tpu.memory_space<vmem>>[vector<16xi32>, vector<16xi32>], vector<16xf32>,
          %mul3A_435 = arith.mulf %gather3A, %gather3A_434 : vector<16xf32>
          %add3A_436 = arith.addf %scan3A_424, %mul3A_435 : vector<16xf32>
          %gather3A_437 = tpu.vector_load_idx %arg12[%add3A_410, %broadcast_in_dim3A_433] : memref<128x64xf32, #tpu.memory_space<vmem>>[vector<16xi32>, vector<16xi32>], vector<16xf32>,
          %gather3A_438 = tpu.vector_load_idx %arg13[%add3A_410, %broadcast_in_dim3A_433] : memref<128x64xf32, #tpu.memory_space<vmem>>[vector<16xi32>, vector<16xi32>], vector<16xf32>,
          %mul3A_439 = arith.mulf %gather3A_437, %gather3A_438 : vector<16xf32>
          %add3A_440 = arith.addf %scan3A_425, %mul3A_439 : vector<16xf32>
          %mul3A_441 = arith.constant 8 : i32
          %mul3A_442 = arith.muli %scan3A_423, %mul3A_441 : i32
          %add3A_443 = arith.constant 2 : i32
          %add3A_444 = arith.addi %mul3A_442, %add3A_443 : i32
          %broadcast_in_dim3A_445 = vector.broadcast %add3A_444 : i32 to vector<16xi32>
          %add3A_446 = arith.constant 1 : i32
          %add3A_447 = arith.addi %add3A_444, %add3A_446 : i32
          %broadcast_in_dim3A_448 = vector.broadcast %add3A_447 : i32 to vector<16xi32>
          %gather3A_449 = tpu.vector_load_idx %arg12[%add3A_410, %broadcast_in_dim3A_445] : memref<128x64xf32, #tpu.memory_space<vmem>>[vector<16xi32>, vector<16xi32>], vector<16xf32>,
          %gather3A_450 = tpu.vector_load_idx %arg13[%add3A_410, %broadcast_in_dim3A_445] : memref<128x64xf32, #tpu.memory_space<vmem>>[vector<16xi32>, vector<16xi32>], vector<16xf32>,
          %mul3A_451 = arith.mulf %gather3A_449, %gather3A_450 : vector<16xf32>
          %add3A_452 = arith.addf %add3A_436, %mul3A_451 : vector<16xf32>
          %gather3A_453 = tpu.vector_load_idx %arg12[%add3A_410, %broadcast_in_dim3A_448] : memref<128x64xf32, #tpu.memory_space<vmem>>[vector<16xi32>, vector<16xi32>], vector<16xf32>,
          %gather3A_454 = tpu.vector_load_idx %arg13[%add3A_410, %broadcast_in_dim3A_448] : memref<128x64xf32, #tpu.memory_space<vmem>>[vector<16xi32>, vector<16xi32>], vector<16xf32>,
          %mul3A_455 = arith.mulf %gather3A_453, %gather3A_454 : vector<16xf32>
          %add3A_456 = arith.addf %add3A_440, %mul3A_455 : vector<16xf32>
          %mul3A_457 = arith.constant 8 : i32
          %mul3A_458 = arith.muli %scan3A_423, %mul3A_457 : i32
          %add3A_459 = arith.constant 4 : i32
          %add3A_460 = arith.addi %mul3A_458, %add3A_459 : i32
          %broadcast_in_dim3A_461 = vector.broadcast %add3A_460 : i32 to vector<16xi32>
          %add3A_462 = arith.constant 1 : i32
          %add3A_463 = arith.addi %add3A_460, %add3A_462 : i32
          %broadcast_in_dim3A_464 = vector.broadcast %add3A_463 : i32 to vector<16xi32>
          %gather3A_465 = tpu.vector_load_idx %arg12[%add3A_410, %broadcast_in_dim3A_461] : memref<128x64xf32, #tpu.memory_space<vmem>>[vector<16xi32>, vector<16xi32>], vector<16xf32>,
          %gather3A_466 = tpu.vector_load_idx %arg13[%add3A_410, %broadcast_in_dim3A_461] : memref<128x64xf32, #tpu.memory_space<vmem>>[vector<16xi32>, vector<16xi32>], vector<16xf32>,
          %mul3A_467 = arith.mulf %gather3A_465, %gather3A_466 : vector<16xf32>
          %add3A_468 = arith.addf %add3A_452, %mul3A_467 : vector<16xf32>
          %gather3A_469 = tpu.vector_load_idx %arg12[%add3A_410, %broadcast_in_dim3A_464] : memref<128x64xf32, #tpu.memory_space<vmem>>[vector<16xi32>, vector<16xi32>], vector<16xf32>,
          %gather3A_470 = tpu.vector_load_idx %arg13[%add3A_410, %broadcast_in_dim3A_464] : memref<128x64xf32, #tpu.memory_space<vmem>>[vector<16xi32>, vector<16xi32>], vector<16xf32>,
          %mul3A_471 = arith.mulf %gather3A_469, %gather3A_470 : vector<16xf32>
          %add3A_472 = arith.addf %add3A_456, %mul3A_471 : vector<16xf32>
          %mul3A_473 = arith.constant 8 : i32
          %mul3A_474 = arith.muli %scan3A_423, %mul3A_473 : i32
          %add3A_475 = arith.constant 6 : i32
          %add3A_476 = arith.addi %mul3A_474, %add3A_475 : i32
          %broadcast_in_dim3A_477 = vector.broadcast %add3A_476 : i32 to vector<16xi32>
          %add3A_478 = arith.constant 1 : i32
          %add3A_479 = arith.addi %add3A_476, %add3A_478 : i32
          %broadcast_in_dim3A_480 = vector.broadcast %add3A_479 : i32 to vector<16xi32>
          %gather3A_481 = tpu.vector_load_idx %arg12[%add3A_410, %broadcast_in_dim3A_477] : memref<128x64xf32, #tpu.memory_space<vmem>>[vector<16xi32>, vector<16xi32>], vector<16xf32>,
          %gather3A_482 = tpu.vector_load_idx %arg13[%add3A_410, %broadcast_in_dim3A_477] : memref<128x64xf32, #tpu.memory_space<vmem>>[vector<16xi32>, vector<16xi32>], vector<16xf32>,
          %mul3A_483 = arith.mulf %gather3A_481, %gather3A_482 : vector<16xf32>
          %add3A_484 = arith.addf %add3A_468, %mul3A_483 : vector<16xf32>
          %gather3A_485 = tpu.vector_load_idx %arg12[%add3A_410, %broadcast_in_dim3A_480] : memref<128x64xf32, #tpu.memory_space<vmem>>[vector<16xi32>, vector<16xi32>], vector<16xf32>,
          %gather3A_486 = tpu.vector_load_idx %arg13[%add3A_410, %broadcast_in_dim3A_480] : memref<128x64xf32, #tpu.memory_space<vmem>>[vector<16xi32>, vector<16xi32>], vector<16xf32>,
          %mul3A_487 = arith.mulf %gather3A_485, %gather3A_486 : vector<16xf32>
          %add3A_488 = arith.addf %add3A_472, %mul3A_487 : vector<16xf32>
          scf.yield %add3A_484, %add3A_488 : vector<16xf32>, vector<16xf32>
        }
        %scan3A_417 = arith.constant 8 : i32
        %add3A_418 = arith.addf %scan3A_416#0, %scan3A_416#1 : vector<16xf32>
        %mul3A_419 = arith.constant 16 : i32
        %mul3A_420 = arith.muli %scan3A_402, %mul3A_419 : i32
        %swap3A = arith.index_cast %mul3A_420 : i32 to index
        %swap3A_421 = tpu.vector_load %arg14[%swap3A] {strides = array<i32>} : memref<1344xf32, #tpu.memory_space<vmem>>, vector<16xf32>,
        tpu.vector_store %arg14[%swap3A], %add3A_418 {strides = array<i32>} : memref<1344xf32, #tpu.memory_space<vmem>>, vector<16xf32>,
        %scan3A_422 = arith.constant 0 : i32
        scf.yield %scan3A_422 : i32
      }
      %scan3A_254 = arith.constant 4 : i32
      %jit3A_255 = arith.constant 2 : i32
      %eq3A_256 = arith.constant 0 : i32
      %eq3A_257 = arith.cmpi eq, %jit3A_255, %eq3A_256 : i32
      %jit3A_258 = arith.constant 1 : i32
      %select_n3A_259 = arith.select %eq3A_257, %jit3A_258, %jit3A_255 : i32
      %rem3A_260 = arith.remsi %scan3A_218, %select_n3A_259 : i32
      %ne3A_261 = arith.constant 0 : i32
      %ne3A_262 = arith.cmpi ne, %rem3A_260, %ne3A_261 : i32
      %lt3A_263 = arith.constant 0 : i32
      %lt3A_264 = arith.cmpi slt, %rem3A_260, %lt3A_263 : i32
      %lt3A_265 = arith.constant 0 : i32
      %lt3A_266 = arith.cmpi slt, %select_n3A_259, %lt3A_265 : i32
      %ne3A_267 = arith.xori %lt3A_264, %lt3A_266 : i1
      %and3A_268 = arith.andi %ne3A_267, %ne3A_262 : i1
      %add3A_269 = arith.addi %rem3A_260, %select_n3A_259 : i32
      %select_n3A_270 = arith.select %and3A_268, %add3A_269, %rem3A_260 : i32
      %mul3A_271 = arith.constant 1280 : i32
      %mul3A_272 = arith.muli %select_n3A_270, %mul3A_271 : i32
      %add3A_273 = arith.constant 640 : i32
      %add3A_274 = arith.addi %mul3A_272, %add3A_273 : i32
      %dma_start3A_275 = tpu.memref_slice %arg11[%add3A_274] : memref<2560xi32, #tpu.memory_space<vmem>> -> memref<64xi32, #tpu.memory_space<vmem>>
      %dma_start3A_276 = arith.constant 0 : i32
      %dma_start3A_277 = arith.constant 0 : i32
      %dma_start3A_278 = tpu.memref_slice %arg3[%dma_start3A_276, %dma_start3A_277] : memref<1000000x64xf32, #tpu.memory_space<hbm>> -> memref<1000000x64xf32, #tpu.memory_space<hbm>>
      tpu.enqueue_indirect_dma source(%dma_start3A_278 : memref<1000000x64xf32, #tpu.memory_space<hbm>>) target(%arg25 : memref<64x64xf32, #tpu.memory_space<vmem>>) offsets(%dma_start3A_275 : memref<64xi32, #tpu.memory_space<vmem>>) semaphore(%arg38 : memref<!tpu.dma_semaphore, #tpu.memory_space<semaphore_mem>>)
      %add3A_279 = arith.constant 704 : i32
      %add3A_280 = arith.addi %mul3A_272, %add3A_279 : i32
      %dma_start3A_281 = tpu.memref_slice %arg11[%add3A_280] : memref<2560xi32, #tpu.memory_space<vmem>> -> memref<64xi32, #tpu.memory_space<vmem>>
      %dma_start3A_282 = arith.constant 0 : i32
      %dma_start3A_283 = arith.constant 0 : i32
      %dma_start3A_284 = tpu.memref_slice %arg3[%dma_start3A_282, %dma_start3A_283] : memref<1000000x64xf32, #tpu.memory_space<hbm>> -> memref<1000000x64xf32, #tpu.memory_space<hbm>>
      tpu.enqueue_indirect_dma source(%dma_start3A_284 : memref<1000000x64xf32, #tpu.memory_space<hbm>>) target(%arg26 : memref<64x64xf32, #tpu.memory_space<vmem>>) offsets(%dma_start3A_281 : memref<64xi32, #tpu.memory_space<vmem>>) semaphore(%arg38 : memref<!tpu.dma_semaphore, #tpu.memory_space<semaphore_mem>>)
      %add3A_285 = arith.constant 768 : i32
      %add3A_286 = arith.addi %mul3A_272, %add3A_285 : i32
      %dma_start3A_287 = tpu.memref_slice %arg11[%add3A_286] : memref<2560xi32, #tpu.memory_space<vmem>> -> memref<64xi32, #tpu.memory_space<vmem>>
      %dma_start3A_288 = arith.constant 0 : i32
      %dma_start3A_289 = arith.constant 0 : i32
      %dma_start3A_290 = tpu.memref_slice %arg3[%dma_start3A_288, %dma_start3A_289] : memref<1000000x64xf32, #tpu.memory_space<hbm>> -> memref<1000000x64xf32, #tpu.memory_space<hbm>>
      tpu.enqueue_indirect_dma source(%dma_start3A_290 : memref<1000000x64xf32, #tpu.memory_space<hbm>>) target(%arg27 : memref<64x64xf32, #tpu.memory_space<vmem>>) offsets(%dma_start3A_287 : memref<64xi32, #tpu.memory_space<vmem>>) semaphore(%arg38 : memref<!tpu.dma_semaphore, #tpu.memory_space<semaphore_mem>>)
      %add3A_291 = arith.constant 832 : i32
      %add3A_292 = arith.addi %mul3A_272, %add3A_291 : i32
      %dma_start3A_293 = tpu.memref_slice %arg11[%add3A_292] : memref<2560xi32, #tpu.memory_space<vmem>> -> memref<64xi32, #tpu.memory_space<vmem>>
      %dma_start3A_294 = arith.constant 0 : i32
      %dma_start3A_295 = arith.constant 0 : i32
      %dma_start3A_296 = tpu.memref_slice %arg3[%dma_start3A_294, %dma_start3A_295] : memref<1000000x64xf32, #tpu.memory_space<hbm>> -> memref<1000000x64xf32, #tpu.memory_space<hbm>>
      tpu.enqueue_indirect_dma source(%dma_start3A_296 : memref<1000000x64xf32, #tpu.memory_space<hbm>>) target(%arg28 : memref<64x64xf32, #tpu.memory_space<vmem>>) offsets(%dma_start3A_293 : memref<64xi32, #tpu.memory_space<vmem>>) semaphore(%arg38 : memref<!tpu.dma_semaphore, #tpu.memory_space<semaphore_mem>>)
      %add3A_297 = arith.constant 896 : i32
      %add3A_298 = arith.addi %mul3A_272, %add3A_297 : i32
      %dma_start3A_299 = tpu.memref_slice %arg11[%add3A_298] : memref<2560xi32, #tpu.memory_space<vmem>> -> memref<64xi32, #tpu.memory_space<vmem>>
      %dma_start3A_300 = arith.constant 0 : i32
      %dma_start3A_301 = arith.constant 0 : i32
      %dma_start3A_302 = tpu.memref_slice %arg3[%dma_start3A_300, %dma_start3A_301] : memref<1000000x64xf32, #tpu.memory_space<hbm>> -> memref<1000000x64xf32, #tpu.memory_space<hbm>>
      tpu.enqueue_indirect_dma source(%dma_start3A_302 : memref<1000000x64xf32, #tpu.memory_space<hbm>>) target(%arg29 : memref<64x64xf32, #tpu.memory_space<vmem>>) offsets(%dma_start3A_299 : memref<64xi32, #tpu.memory_space<vmem>>) semaphore(%arg38 : memref<!tpu.dma_semaphore, #tpu.memory_space<semaphore_mem>>)
      %add3A_303 = arith.constant 960 : i32
      %add3A_304 = arith.addi %mul3A_272, %add3A_303 : i32
      %dma_start3A_305 = tpu.memref_slice %arg11[%add3A_304] : memref<2560xi32, #tpu.memory_space<vmem>> -> memref<64xi32, #tpu.memory_space<vmem>>
      %dma_start3A_306 = arith.constant 0 : i32
      %dma_start3A_307 = arith.constant 0 : i32
      %dma_start3A_308 = tpu.memref_slice %arg3[%dma_start3A_306, %dma_start3A_307] : memref<1000000x64xf32, #tpu.memory_space<hbm>> -> memref<1000000x64xf32, #tpu.memory_space<hbm>>
      tpu.enqueue_indirect_dma source(%dma_start3A_308 : memref<1000000x64xf32, #tpu.memory_space<hbm>>) target(%arg30 : memref<64x64xf32, #tpu.memory_space<vmem>>) offsets(%dma_start3A_305 : memref<64xi32, #tpu.memory_space<vmem>>) semaphore(%arg38 : memref<!tpu.dma_semaphore, #tpu.memory_space<semaphore_mem>>)
      %add3A_309 = arith.constant 1024 : i32
      %add3A_310 = arith.addi %mul3A_272, %add3A_309 : i32
      %dma_start3A_311 = tpu.memref_slice %arg11[%add3A_310] : memref<2560xi32, #tpu.memory_space<vmem>> -> memref<64xi32, #tpu.memory_space<vmem>>
      %dma_start3A_312 = arith.constant 0 : i32
      %dma_start3A_313 = arith.constant 0 : i32
      %dma_start3A_314 = tpu.memref_slice %arg3[%dma_start3A_312, %dma_start3A_313] : memref<1000000x64xf32, #tpu.memory_space<hbm>> -> memref<1000000x64xf32, #tpu.memory_space<hbm>>
      tpu.enqueue_indirect_dma source(%dma_start3A_314 : memref<1000000x64xf32, #tpu.memory_space<hbm>>) target(%arg31 : memref<64x64xf32, #tpu.memory_space<vmem>>) offsets(%dma_start3A_311 : memref<64xi32, #tpu.memory_space<vmem>>) semaphore(%arg38 : memref<!tpu.dma_semaphore, #tpu.memory_space<semaphore_mem>>)
      %add3A_315 = arith.constant 1088 : i32
      %add3A_316 = arith.addi %mul3A_272, %add3A_315 : i32
      %dma_start3A_317 = tpu.memref_slice %arg11[%add3A_316] : memref<2560xi32, #tpu.memory_space<vmem>> -> memref<64xi32, #tpu.memory_space<vmem>>
      %dma_start3A_318 = arith.constant 0 : i32
      %dma_start3A_319 = arith.constant 0 : i32
      %dma_start3A_320 = tpu.memref_slice %arg3[%dma_start3A_318, %dma_start3A_319] : memref<1000000x64xf32, #tpu.memory_space<hbm>> -> memref<1000000x64xf32, #tpu.memory_space<hbm>>
      tpu.enqueue_indirect_dma source(%dma_start3A_320 : memref<1000000x64xf32, #tpu.memory_space<hbm>>) target(%arg32 : memref<64x64xf32, #tpu.memory_space<vmem>>) offsets(%dma_start3A_317 : memref<64xi32, #tpu.memory_space<vmem>>) semaphore(%arg38 : memref<!tpu.dma_semaphore, #tpu.memory_space<semaphore_mem>>)
      %add3A_321 = arith.constant 1152 : i32
      %add3A_322 = arith.addi %mul3A_272, %add3A_321 : i32
      %dma_start3A_323 = tpu.memref_slice %arg11[%add3A_322] : memref<2560xi32, #tpu.memory_space<vmem>> -> memref<64xi32, #tpu.memory_space<vmem>>
      %dma_start3A_324 = arith.constant 0 : i32
      %dma_start3A_325 = arith.constant 0 : i32
      %dma_start3A_326 = tpu.memref_slice %arg3[%dma_start3A_324, %dma_start3A_325] : memref<1000000x64xf32, #tpu.memory_space<hbm>> -> memref<1000000x64xf32, #tpu.memory_space<hbm>>
      tpu.enqueue_indirect_dma source(%dma_start3A_326 : memref<1000000x64xf32, #tpu.memory_space<hbm>>) target(%arg33 : memref<64x64xf32, #tpu.memory_space<vmem>>) offsets(%dma_start3A_323 : memref<64xi32, #tpu.memory_space<vmem>>) semaphore(%arg38 : memref<!tpu.dma_semaphore, #tpu.memory_space<semaphore_mem>>)
      %add3A_327 = arith.constant 1216 : i32
      %add3A_328 = arith.addi %mul3A_272, %add3A_327 : i32
      %dma_start3A_329 = tpu.memref_slice %arg11[%add3A_328] : memref<2560xi32, #tpu.memory_space<vmem>> -> memref<64xi32, #tpu.memory_space<vmem>>
      %dma_start3A_330 = arith.constant 0 : i32
      %dma_start3A_331 = arith.constant 0 : i32
      %dma_start3A_332 = tpu.memref_slice %arg3[%dma_start3A_330, %dma_start3A_331] : memref<1000000x64xf32, #tpu.memory_space<hbm>> -> memref<1000000x64xf32, #tpu.memory_space<hbm>>
      tpu.enqueue_indirect_dma source(%dma_start3A_332 : memref<1000000x64xf32, #tpu.memory_space<hbm>>) target(%arg34 : memref<64x64xf32, #tpu.memory_space<vmem>>) offsets(%dma_start3A_329 : memref<64xi32, #tpu.memory_space<vmem>>) semaphore(%arg38 : memref<!tpu.dma_semaphore, #tpu.memory_space<semaphore_mem>>)
      %scan3A_333 = arith.constant 0 : i32
      %scan3A_334 = arith.constant 0 : i32
      %scan3A_335 = arith.constant 10 : i32
      %scan3A_336 = arith.addi %scan3A_334, %scan3A_335 : i32
      %scan3A_337 = arith.constant 1 : i32
      %scan3A_338 = scf.for %scan3A_402 = %scan3A_334 to %scan3A_336 step %scan3A_337 iter_args(%scan3A_403 = %scan3A_333) -> (i32)  : i32 {
        %dma_wait3A_404 = arith.constant 0 : i32
        %dma_wait3A_405 = arith.constant 0 : i32
        %dma_wait3A_406 = tpu.memref_slice %arg3[%dma_wait3A_404, %dma_wait3A_405] : memref<1000000x64xf32, #tpu.memory_space<hbm>> -> memref<64x64xf32, #tpu.memory_space<hbm>>
        %dma_wait3A_407 = arith.constant 0 : i32
        %dma_wait3A_408 = arith.constant 0 : i32
        %dma_wait3A_409 = tpu.memref_slice %arg3[%dma_wait3A_407, %dma_wait3A_408] : memref<1000000x64xf32, #tpu.memory_space<hbm>> -> memref<64x64xf32, #tpu.memory_space<hbm>>
        tpu.wait_dma2 semaphore(%arg37 : memref<!tpu.dma_semaphore, #tpu.memory_space<semaphore_mem>>) src(%dma_wait3A_409 : memref<64x64xf32, #tpu.memory_space<hbm>>) dst(%arg15 : memref<64x64xf32, #tpu.memory_space<vmem>>)
        %scan3A_410 = arith.constant 0 : i32
        scf.yield %scan3A_410 : i32
      }
      %scan3A_339 = arith.constant 10 : i32
      %jit3A_340 = arith.constant 2 : i32
      %eq3A_341 = arith.constant 0 : i32
      %eq3A_342 = arith.cmpi eq, %jit3A_340, %eq3A_341 : i32
      %jit3A_343 = arith.constant 1 : i32
      %select_n3A_344 = arith.select %eq3A_342, %jit3A_343, %jit3A_340 : i32
      %rem3A_345 = arith.remsi %scan3A_218, %select_n3A_344 : i32
      %ne3A_346 = arith.constant 0 : i32
      %ne3A_347 = arith.cmpi ne, %rem3A_345, %ne3A_346 : i32
      %lt3A_348 = arith.constant 0 : i32
      %lt3A_349 = arith.cmpi slt, %rem3A_345, %lt3A_348 : i32
      %lt3A_350 = arith.constant 0 : i32
      %lt3A_351 = arith.cmpi slt, %select_n3A_344, %lt3A_350 : i32
      %ne3A_352 = arith.xori %lt3A_349, %lt3A_351 : i1
      %and3A_353 = arith.andi %ne3A_352, %ne3A_347 : i1
      %add3A_354 = arith.addi %rem3A_345, %select_n3A_344 : i32
      %select_n3A_355 = arith.select %and3A_353, %add3A_354, %rem3A_345 : i32
      %scan3A_356 = arith.constant 0 : i32
      %scan3A_357 = arith.constant 0 : i32
      %scan3A_358 = arith.constant 4 : i32
      %scan3A_359 = arith.addi %scan3A_357, %scan3A_358 : i32
      %scan3A_360 = arith.constant 1 : i32
      %scan3A_361 = scf.for %scan3A_402 = %scan3A_357 to %scan3A_359 step %scan3A_360 iter_args(%scan3A_403 = %scan3A_356) -> (i32)  : i32 {
        %mul3A_404 = arith.constant 64 : i32
        %mul3A_405 = arith.muli %select_n3A_355, %mul3A_404 : i32
        %mul3A_406 = arith.constant 16 : i32
        %mul3A_407 = arith.muli %scan3A_402, %mul3A_406 : i32
        %add3A_408 = arith.addi %mul3A_405, %mul3A_407 : i32
        %add3A_409 = vector.broadcast %add3A_408 : i32 to vector<16xi32>
        %add3A_410 = arith.addi %iota3A, %add3A_409 : vector<16xi32>
        %mul3A_411 = arith.constant 16 : i32
        %mul3A_412 = arith.muli %scan3A_402, %mul3A_411 : i32
        %add3A_413 = vector.broadcast %mul3A_412 : i32 to vector<16xi32>
        %add3A_414 = arith.addi %iota3A, %add3A_413 : vector<16xi32>
        %broadcast_in_dim3A = arith.constant 0.000000e+00 : f32
        %broadcast_in_dim3A_415 = vector.broadcast %broadcast_in_dim3A : f32 to vector<16xf32>
        %scan3A_416 = arith.constant 0 : i32
        %scan3A_417 = arith.constant 8 : i32
        %scan3A_418 = arith.addi %scan3A_416, %scan3A_417 : i32
        %scan3A_419 = arith.constant 1 : i32
        %scan3A_420:10 = scf.for %scan3A_511 = %scan3A_416 to %scan3A_418 step %scan3A_419 iter_args(%scan3A_512 = %broadcast_in_dim3A_415, %scan3A_513 = %broadcast_in_dim3A_415, %scan3A_514 = %broadcast_in_dim3A_415, %scan3A_515 = %broadcast_in_dim3A_415, %scan3A_516 = %broadcast_in_dim3A_415, %scan3A_517 = %broadcast_in_dim3A_415, %scan3A_518 = %broadcast_in_dim3A_415, %scan3A_519 = %broadcast_in_dim3A_415, %scan3A_520 = %broadcast_in_dim3A_415, %scan3A_521 = %broadcast_in_dim3A_415) -> (vector<16xf32>, vector<16xf32>, vector<16xf32>, vector<16xf32>, vector<16xf32>, vector<16xf32>, vector<16xf32>, vector<16xf32>, vector<16xf32>, vector<16xf32>)  : i32 {
          %mul3A_522 = arith.constant 8 : i32
          %mul3A_523 = arith.muli %scan3A_511, %mul3A_522 : i32
          %add3A_524 = arith.constant 0 : i32
          %add3A_525 = arith.addi %mul3A_523, %add3A_524 : i32
          %broadcast_in_dim3A_526 = vector.broadcast %add3A_525 : i32 to vector<16xi32>
          %gather3A = tpu.vector_load_idx %arg12[%add3A_410, %broadcast_in_dim3A_526] : memref<128x64xf32, #tpu.memory_space<vmem>>[vector<16xi32>, vector<16xi32>], vector<16xf32>,
          %gather3A_527 = tpu.vector_load_idx %arg15[%add3A_414, %broadcast_in_dim3A_526] : memref<64x64xf32, #tpu.memory_space<vmem>>[vector<16xi32>, vector<16xi32>], vector<16xf32>,
          %mul3A_528 = arith.mulf %gather3A, %gather3A_527 : vector<16xf32>
          %add3A_529 = arith.addf %scan3A_512, %mul3A_528 : vector<16xf32>
          %gather3A_530 = tpu.vector_load_idx %arg16[%add3A_414, %broadcast_in_dim3A_526] : memref<64x64xf32, #tpu.memory_space<vmem>>[vector<16xi32>, vector<16xi32>], vector<16xf32>,
          %mul3A_531 = arith.mulf %gather3A, %gather3A_530 : vector<16xf32>
          %add3A_532 = arith.addf %scan3A_513, %mul3A_531 : vector<16xf32>
          %gather3A_533 = tpu.vector_load_idx %arg17[%add3A_414, %broadcast_in_dim3A_526] : memref<64x64xf32, #tpu.memory_space<vmem>>[vector<16xi32>, vector<16xi32>], vector<16xf32>,
          %mul3A_534 = arith.mulf %gather3A, %gather3A_533 : vector<16xf32>
          %add3A_535 = arith.addf %scan3A_514, %mul3A_534 : vector<16xf32>
          %gather3A_536 = tpu.vector_load_idx %arg18[%add3A_414, %broadcast_in_dim3A_526] : memref<64x64xf32, #tpu.memory_space<vmem>>[vector<16xi32>, vector<16xi32>], vector<16xf32>,
          %mul3A_537 = arith.mulf %gather3A, %gather3A_536 : vector<16xf32>
          %add3A_538 = arith.addf %scan3A_515, %mul3A_537 : vector<16xf32>
          %gather3A_539 = tpu.vector_load_idx %arg19[%add3A_414, %broadcast_in_dim3A_526] : memref<64x64xf32, #tpu.memory_space<vmem>>[vector<16xi32>, vector<16xi32>], vector<16xf32>,
          %mul3A_540 = arith.mulf %gather3A, %gather3A_539 : vector<16xf32>
          %add3A_541 = arith.addf %scan3A_516, %mul3A_540 : vector<16xf32>
          %gather3A_542 = tpu.vector_load_idx %arg20[%add3A_414, %broadcast_in_dim3A_526] : memref<64x64xf32, #tpu.memory_space<vmem>>[vector<16xi32>, vector<16xi32>], vector<16xf32>,
          %mul3A_543 = arith.mulf %gather3A, %gather3A_542 : vector<16xf32>
          %add3A_544 = arith.addf %scan3A_517, %mul3A_543 : vector<16xf32>
          %gather3A_545 = tpu.vector_load_idx %arg21[%add3A_414, %broadcast_in_dim3A_526] : memref<64x64xf32, #tpu.memory_space<vmem>>[vector<16xi32>, vector<16xi32>], vector<16xf32>,
          %mul3A_546 = arith.mulf %gather3A, %gather3A_545 : vector<16xf32>
          %add3A_547 = arith.addf %scan3A_518, %mul3A_546 : vector<16xf32>
          %gather3A_548 = tpu.vector_load_idx %arg22[%add3A_414, %broadcast_in_dim3A_526] : memref<64x64xf32, #tpu.memory_space<vmem>>[vector<16xi32>, vector<16xi32>], vector<16xf32>,
          %mul3A_549 = arith.mulf %gather3A, %gather3A_548 : vector<16xf32>
          %add3A_550 = arith.addf %scan3A_519, %mul3A_549 : vector<16xf32>
          %gather3A_551 = tpu.vector_load_idx %arg23[%add3A_414, %broadcast_in_dim3A_526] : memref<64x64xf32, #tpu.memory_space<vmem>>[vector<16xi32>, vector<16xi32>], vector<16xf32>,
          %mul3A_552 = arith.mulf %gather3A, %gather3A_551 : vector<16xf32>
          %add3A_553 = arith.addf %scan3A_520, %mul3A_552 : vector<16xf32>
          %gather3A_554 = tpu.vector_load_idx %arg24[%add3A_414, %broadcast_in_dim3A_526] : memref<64x64xf32, #tpu.memory_space<vmem>>[vector<16xi32>, vector<16xi32>], vector<16xf32>,
          %mul3A_555 = arith.mulf %gather3A, %gather3A_554 : vector<16xf32>
          %add3A_556 = arith.addf %scan3A_521, %mul3A_555 : vector<16xf32>
          %mul3A_557 = arith.constant 8 : i32
          %mul3A_558 = arith.muli %scan3A_511, %mul3A_557 : i32
          %add3A_559 = arith.constant 1 : i32
          %add3A_560 = arith.addi %mul3A_558, %add3A_559 : i32
          %broadcast_in_dim3A_561 = vector.broadcast %add3A_560 : i32 to vector<16xi32>
          %gather3A_562 = tpu.vector_load_idx %arg12[%add3A_410, %broadcast_in_dim3A_561] : memref<128x64xf32, #tpu.memory_space<vmem>>[vector<16xi32>, vector<16xi32>], vector<16xf32>,
          %gather3A_563 = tpu.vector_load_idx %arg15[%add3A_414, %broadcast_in_dim3A_561] : memref<64x64xf32, #tpu.memory_space<vmem>>[vector<16xi32>, vector<16xi32>], vector<16xf32>,
          %mul3A_564 = arith.mulf %gather3A_562, %gather3A_563 : vector<16xf32>
          %add3A_565 = arith.addf %add3A_529, %mul3A_564 : vector<16xf32>
          %gather3A_566 = tpu.vector_load_idx %arg16[%add3A_414, %broadcast_in_dim3A_561] : memref<64x64xf32, #tpu.memory_space<vmem>>[vector<16xi32>, vector<16xi32>], vector<16xf32>,
          %mul3A_567 = arith.mulf %gather3A_562, %gather3A_566 : vector<16xf32>
          %add3A_568 = arith.addf %add3A_532, %mul3A_567 : vector<16xf32>
          %gather3A_569 = tpu.vector_load_idx %arg17[%add3A_414, %broadcast_in_dim3A_561] : memref<64x64xf32, #tpu.memory_space<vmem>>[vector<16xi32>, vector<16xi32>], vector<16xf32>,
          %mul3A_570 = arith.mulf %gather3A_562, %gather3A_569 : vector<16xf32>
          %add3A_571 = arith.addf %add3A_535, %mul3A_570 : vector<16xf32>
          %gather3A_572 = tpu.vector_load_idx %arg18[%add3A_414, %broadcast_in_dim3A_561] : memref<64x64xf32, #tpu.memory_space<vmem>>[vector<16xi32>, vector<16xi32>], vector<16xf32>,
          %mul3A_573 = arith.mulf %gather3A_562, %gather3A_572 : vector<16xf32>
          %add3A_574 = arith.addf %add3A_538, %mul3A_573 : vector<16xf32>
          %gather3A_575 = tpu.vector_load_idx %arg19[%add3A_414, %broadcast_in_dim3A_561] : memref<64x64xf32, #tpu.memory_space<vmem>>[vector<16xi32>, vector<16xi32>], vector<16xf32>,
          %mul3A_576 = arith.mulf %gather3A_562, %gather3A_575 : vector<16xf32>
          %add3A_577 = arith.addf %add3A_541, %mul3A_576 : vector<16xf32>
          %gather3A_578 = tpu.vector_load_idx %arg20[%add3A_414, %broadcast_in_dim3A_561] : memref<64x64xf32, #tpu.memory_space<vmem>>[vector<16xi32>, vector<16xi32>], vector<16xf32>,
          %mul3A_579 = arith.mulf %gather3A_562, %gather3A_578 : vector<16xf32>
          %add3A_580 = arith.addf %add3A_544, %mul3A_579 : vector<16xf32>
          %gather3A_581 = tpu.vector_load_idx %arg21[%add3A_414, %broadcast_in_dim3A_561] : memref<64x64xf32, #tpu.memory_space<vmem>>[vector<16xi32>, vector<16xi32>], vector<16xf32>,
          %mul3A_582 = arith.mulf %gather3A_562, %gather3A_581 : vector<16xf32>
          %add3A_583 = arith.addf %add3A_547, %mul3A_582 : vector<16xf32>
          %gather3A_584 = tpu.vector_load_idx %arg22[%add3A_414, %broadcast_in_dim3A_561] : memref<64x64xf32, #tpu.memory_space<vmem>>[vector<16xi32>, vector<16xi32>], vector<16xf32>,
          %mul3A_585 = arith.mulf %gather3A_562, %gather3A_584 : vector<16xf32>
          %add3A_586 = arith.addf %add3A_550, %mul3A_585 : vector<16xf32>
          %gather3A_587 = tpu.vector_load_idx %arg23[%add3A_414, %broadcast_in_dim3A_561] : memref<64x64xf32, #tpu.memory_space<vmem>>[vector<16xi32>, vector<16xi32>], vector<16xf32>,
          %mul3A_588 = arith.mulf %gather3A_562, %gather3A_587 : vector<16xf32>
          %add3A_589 = arith.addf %add3A_553, %mul3A_588 : vector<16xf32>
          %gather3A_590 = tpu.vector_load_idx %arg24[%add3A_414, %broadcast_in_dim3A_561] : memref<64x64xf32, #tpu.memory_space<vmem>>[vector<16xi32>, vector<16xi32>], vector<16xf32>,
          %mul3A_591 = arith.mulf %gather3A_562, %gather3A_590 : vector<16xf32>
          %add3A_592 = arith.addf %add3A_556, %mul3A_591 : vector<16xf32>
          %mul3A_593 = arith.constant 8 : i32
          %mul3A_594 = arith.muli %scan3A_511, %mul3A_593 : i32
          %add3A_595 = arith.constant 2 : i32
          %add3A_596 = arith.addi %mul3A_594, %add3A_595 : i32
          %broadcast_in_dim3A_597 = vector.broadcast %add3A_596 : i32 to vector<16xi32>
          %gather3A_598 = tpu.vector_load_idx %arg12[%add3A_410, %broadcast_in_dim3A_597] : memref<128x64xf32, #tpu.memory_space<vmem>>[vector<16xi32>, vector<16xi32>], vector<16xf32>,
          %gather3A_599 = tpu.vector_load_idx %arg15[%add3A_414, %broadcast_in_dim3A_597] : memref<64x64xf32, #tpu.memory_space<vmem>>[vector<16xi32>, vector<16xi32>], vector<16xf32>,
          %mul3A_600 = arith.mulf %gather3A_598, %gather3A_599 : vector<16xf32>
          %add3A_601 = arith.addf %add3A_565, %mul3A_600 : vector<16xf32>
          %gather3A_602 = tpu.vector_load_idx %arg16[%add3A_414, %broadcast_in_dim3A_597] : memref<64x64xf32, #tpu.memory_space<vmem>>[vector<16xi32>, vector<16xi32>], vector<16xf32>,
          %mul3A_603 = arith.mulf %gather3A_598, %gather3A_602 : vector<16xf32>
          %add3A_604 = arith.addf %add3A_568, %mul3A_603 : vector<16xf32>
          %gather3A_605 = tpu.vector_load_idx %arg17[%add3A_414, %broadcast_in_dim3A_597] : memref<64x64xf32, #tpu.memory_space<vmem>>[vector<16xi32>, vector<16xi32>], vector<16xf32>,
          %mul3A_606 = arith.mulf %gather3A_598, %gather3A_605 : vector<16xf32>
          %add3A_607 = arith.addf %add3A_571, %mul3A_606 : vector<16xf32>
          %gather3A_608 = tpu.vector_load_idx %arg18[%add3A_414, %broadcast_in_dim3A_597] : memref<64x64xf32, #tpu.memory_space<vmem>>[vector<16xi32>, vector<16xi32>], vector<16xf32>,
          %mul3A_609 = arith.mulf %gather3A_598, %gather3A_608 : vector<16xf32>
          %add3A_610 = arith.addf %add3A_574, %mul3A_609 : vector<16xf32>
          %gather3A_611 = tpu.vector_load_idx %arg19[%add3A_414, %broadcast_in_dim3A_597] : memref<64x64xf32, #tpu.memory_space<vmem>>[vector<16xi32>, vector<16xi32>], vector<16xf32>,
          %mul3A_612 = arith.mulf %gather3A_598, %gather3A_611 : vector<16xf32>
          %add3A_613 = arith.addf %add3A_577, %mul3A_612 : vector<16xf32>
          %gather3A_614 = tpu.vector_load_idx %arg20[%add3A_414, %broadcast_in_dim3A_597] : memref<64x64xf32, #tpu.memory_space<vmem>>[vector<16xi32>, vector<16xi32>], vector<16xf32>,
          %mul3A_615 = arith.mulf %gather3A_598, %gather3A_614 : vector<16xf32>
          %add3A_616 = arith.addf %add3A_580, %mul3A_615 : vector<16xf32>
          %gather3A_617 = tpu.vector_load_idx %arg21[%add3A_414, %broadcast_in_dim3A_597] : memref<64x64xf32, #tpu.memory_space<vmem>>[vector<16xi32>, vector<16xi32>], vector<16xf32>,
          %mul3A_618 = arith.mulf %gather3A_598, %gather3A_617 : vector<16xf32>
          %add3A_619 = arith.addf %add3A_583, %mul3A_618 : vector<16xf32>
          %gather3A_620 = tpu.vector_load_idx %arg22[%add3A_414, %broadcast_in_dim3A_597] : memref<64x64xf32, #tpu.memory_space<vmem>>[vector<16xi32>, vector<16xi32>], vector<16xf32>,
          %mul3A_621 = arith.mulf %gather3A_598, %gather3A_620 : vector<16xf32>
          %add3A_622 = arith.addf %add3A_586, %mul3A_621 : vector<16xf32>
          %gather3A_623 = tpu.vector_load_idx %arg23[%add3A_414, %broadcast_in_dim3A_597] : memref<64x64xf32, #tpu.memory_space<vmem>>[vector<16xi32>, vector<16xi32>], vector<16xf32>,
          %mul3A_624 = arith.mulf %gather3A_598, %gather3A_623 : vector<16xf32>
          %add3A_625 = arith.addf %add3A_589, %mul3A_624 : vector<16xf32>
          %gather3A_626 = tpu.vector_load_idx %arg24[%add3A_414, %broadcast_in_dim3A_597] : memref<64x64xf32, #tpu.memory_space<vmem>>[vector<16xi32>, vector<16xi32>], vector<16xf32>,
          %mul3A_627 = arith.mulf %gather3A_598, %gather3A_626 : vector<16xf32>
          %add3A_628 = arith.addf %add3A_592, %mul3A_627 : vector<16xf32>
          %mul3A_629 = arith.constant 8 : i32
          %mul3A_630 = arith.muli %scan3A_511, %mul3A_629 : i32
          %add3A_631 = arith.constant 3 : i32
          %add3A_632 = arith.addi %mul3A_630, %add3A_631 : i32
          %broadcast_in_dim3A_633 = vector.broadcast %add3A_632 : i32 to vector<16xi32>
          %gather3A_634 = tpu.vector_load_idx %arg12[%add3A_410, %broadcast_in_dim3A_633] : memref<128x64xf32, #tpu.memory_space<vmem>>[vector<16xi32>, vector<16xi32>], vector<16xf32>,
          %gather3A_635 = tpu.vector_load_idx %arg15[%add3A_414, %broadcast_in_dim3A_633] : memref<64x64xf32, #tpu.memory_space<vmem>>[vector<16xi32>, vector<16xi32>], vector<16xf32>,
          %mul3A_636 = arith.mulf %gather3A_634, %gather3A_635 : vector<16xf32>
          %add3A_637 = arith.addf %add3A_601, %mul3A_636 : vector<16xf32>
          %gather3A_638 = tpu.vector_load_idx %arg16[%add3A_414, %broadcast_in_dim3A_633] : memref<64x64xf32, #tpu.memory_space<vmem>>[vector<16xi32>, vector<16xi32>], vector<16xf32>,
          %mul3A_639 = arith.mulf %gather3A_634, %gather3A_638 : vector<16xf32>
          %add3A_640 = arith.addf %add3A_604, %mul3A_639 : vector<16xf32>
          %gather3A_641 = tpu.vector_load_idx %arg17[%add3A_414, %broadcast_in_dim3A_633] : memref<64x64xf32, #tpu.memory_space<vmem>>[vector<16xi32>, vector<16xi32>], vector<16xf32>,
          %mul3A_642 = arith.mulf %gather3A_634, %gather3A_641 : vector<16xf32>
          %add3A_643 = arith.addf %add3A_607, %mul3A_642 : vector<16xf32>
          %gather3A_644 = tpu.vector_load_idx %arg18[%add3A_414, %broadcast_in_dim3A_633] : memref<64x64xf32, #tpu.memory_space<vmem>>[vector<16xi32>, vector<16xi32>], vector<16xf32>,
          %mul3A_645 = arith.mulf %gather3A_634, %gather3A_644 : vector<16xf32>
          %add3A_646 = arith.addf %add3A_610, %mul3A_645 : vector<16xf32>
          %gather3A_647 = tpu.vector_load_idx %arg19[%add3A_414, %broadcast_in_dim3A_633] : memref<64x64xf32, #tpu.memory_space<vmem>>[vector<16xi32>, vector<16xi32>], vector<16xf32>,
          %mul3A_648 = arith.mulf %gather3A_634, %gather3A_647 : vector<16xf32>
          %add3A_649 = arith.addf %add3A_613, %mul3A_648 : vector<16xf32>
          %gather3A_650 = tpu.vector_load_idx %arg20[%add3A_414, %broadcast_in_dim3A_633] : memref<64x64xf32, #tpu.memory_space<vmem>>[vector<16xi32>, vector<16xi32>], vector<16xf32>,
          %mul3A_651 = arith.mulf %gather3A_634, %gather3A_650 : vector<16xf32>
          %add3A_652 = arith.addf %add3A_616, %mul3A_651 : vector<16xf32>
          %gather3A_653 = tpu.vector_load_idx %arg21[%add3A_414, %broadcast_in_dim3A_633] : memref<64x64xf32, #tpu.memory_space<vmem>>[vector<16xi32>, vector<16xi32>], vector<16xf32>,
          %mul3A_654 = arith.mulf %gather3A_634, %gather3A_653 : vector<16xf32>
          %add3A_655 = arith.addf %add3A_619, %mul3A_654 : vector<16xf32>
          %gather3A_656 = tpu.vector_load_idx %arg22[%add3A_414, %broadcast_in_dim3A_633] : memref<64x64xf32, #tpu.memory_space<vmem>>[vector<16xi32>, vector<16xi32>], vector<16xf32>,
          %mul3A_657 = arith.mulf %gather3A_634, %gather3A_656 : vector<16xf32>
          %add3A_658 = arith.addf %add3A_622, %mul3A_657 : vector<16xf32>
          %gather3A_659 = tpu.vector_load_idx %arg23[%add3A_414, %broadcast_in_dim3A_633] : memref<64x64xf32, #tpu.memory_space<vmem>>[vector<16xi32>, vector<16xi32>], vector<16xf32>,
          %mul3A_660 = arith.mulf %gather3A_634, %gather3A_659 : vector<16xf32>
          %add3A_661 = arith.addf %add3A_625, %mul3A_660 : vector<16xf32>
          %gather3A_662 = tpu.vector_load_idx %arg24[%add3A_414, %broadcast_in_dim3A_633] : memref<64x64xf32, #tpu.memory_space<vmem>>[vector<16xi32>, vector<16xi32>], vector<16xf32>,
          %mul3A_663 = arith.mulf %gather3A_634, %gather3A_662 : vector<16xf32>
          %add3A_664 = arith.addf %add3A_628, %mul3A_663 : vector<16xf32>
          %mul3A_665 = arith.constant 8 : i32
          %mul3A_666 = arith.muli %scan3A_511, %mul3A_665 : i32
          %add3A_667 = arith.constant 4 : i32
          %add3A_668 = arith.addi %mul3A_666, %add3A_667 : i32
          %broadcast_in_dim3A_669 = vector.broadcast %add3A_668 : i32 to vector<16xi32>
          %gather3A_670 = tpu.vector_load_idx %arg12[%add3A_410, %broadcast_in_dim3A_669] : memref<128x64xf32, #tpu.memory_space<vmem>>[vector<16xi32>, vector<16xi32>], vector<16xf32>,
          %gather3A_671 = tpu.vector_load_idx %arg15[%add3A_414, %broadcast_in_dim3A_669] : memref<64x64xf32, #tpu.memory_space<vmem>>[vector<16xi32>, vector<16xi32>], vector<16xf32>,
          %mul3A_672 = arith.mulf %gather3A_670, %gather3A_671 : vector<16xf32>
          %add3A_673 = arith.addf %add3A_637, %mul3A_672 : vector<16xf32>
          %gather3A_674 = tpu.vector_load_idx %arg16[%add3A_414, %broadcast_in_dim3A_669] : memref<64x64xf32, #tpu.memory_space<vmem>>[vector<16xi32>, vector<16xi32>], vector<16xf32>,
          %mul3A_675 = arith.mulf %gather3A_670, %gather3A_674 : vector<16xf32>
          %add3A_676 = arith.addf %add3A_640, %mul3A_675 : vector<16xf32>
          %gather3A_677 = tpu.vector_load_idx %arg17[%add3A_414, %broadcast_in_dim3A_669] : memref<64x64xf32, #tpu.memory_space<vmem>>[vector<16xi32>, vector<16xi32>], vector<16xf32>,
          %mul3A_678 = arith.mulf %gather3A_670, %gather3A_677 : vector<16xf32>
          %add3A_679 = arith.addf %add3A_643, %mul3A_678 : vector<16xf32>
          %gather3A_680 = tpu.vector_load_idx %arg18[%add3A_414, %broadcast_in_dim3A_669] : memref<64x64xf32, #tpu.memory_space<vmem>>[vector<16xi32>, vector<16xi32>], vector<16xf32>,
          %mul3A_681 = arith.mulf %gather3A_670, %gather3A_680 : vector<16xf32>
          %add3A_682 = arith.addf %add3A_646, %mul3A_681 : vector<16xf32>
          %gather3A_683 = tpu.vector_load_idx %arg19[%add3A_414, %broadcast_in_dim3A_669] : memref<64x64xf32, #tpu.memory_space<vmem>>[vector<16xi32>, vector<16xi32>], vector<16xf32>,
          %mul3A_684 = arith.mulf %gather3A_670, %gather3A_683 : vector<16xf32>
          %add3A_685 = arith.addf %add3A_649, %mul3A_684 : vector<16xf32>
          %gather3A_686 = tpu.vector_load_idx %arg20[%add3A_414, %broadcast_in_dim3A_669] : memref<64x64xf32, #tpu.memory_space<vmem>>[vector<16xi32>, vector<16xi32>], vector<16xf32>,
          %mul3A_687 = arith.mulf %gather3A_670, %gather3A_686 : vector<16xf32>
          %add3A_688 = arith.addf %add3A_652, %mul3A_687 : vector<16xf32>
          %gather3A_689 = tpu.vector_load_idx %arg21[%add3A_414, %broadcast_in_dim3A_669] : memref<64x64xf32, #tpu.memory_space<vmem>>[vector<16xi32>, vector<16xi32>], vector<16xf32>,
          %mul3A_690 = arith.mulf %gather3A_670, %gather3A_689 : vector<16xf32>
          %add3A_691 = arith.addf %add3A_655, %mul3A_690 : vector<16xf32>
          %gather3A_692 = tpu.vector_load_idx %arg22[%add3A_414, %broadcast_in_dim3A_669] : memref<64x64xf32, #tpu.memory_space<vmem>>[vector<16xi32>, vector<16xi32>], vector<16xf32>,
          %mul3A_693 = arith.mulf %gather3A_670, %gather3A_692 : vector<16xf32>
          %add3A_694 = arith.addf %add3A_658, %mul3A_693 : vector<16xf32>
          %gather3A_695 = tpu.vector_load_idx %arg23[%add3A_414, %broadcast_in_dim3A_669] : memref<64x64xf32, #tpu.memory_space<vmem>>[vector<16xi32>, vector<16xi32>], vector<16xf32>,
          %mul3A_696 = arith.mulf %gather3A_670, %gather3A_695 : vector<16xf32>
          %add3A_697 = arith.addf %add3A_661, %mul3A_696 : vector<16xf32>
          %gather3A_698 = tpu.vector_load_idx %arg24[%add3A_414, %broadcast_in_dim3A_669] : memref<64x64xf32, #tpu.memory_space<vmem>>[vector<16xi32>, vector<16xi32>], vector<16xf32>,
          %mul3A_699 = arith.mulf %gather3A_670, %gather3A_698 : vector<16xf32>
          %add3A_700 = arith.addf %add3A_664, %mul3A_699 : vector<16xf32>
          %mul3A_701 = arith.constant 8 : i32
          %mul3A_702 = arith.muli %scan3A_511, %mul3A_701 : i32
          %add3A_703 = arith.constant 5 : i32
          %add3A_704 = arith.addi %mul3A_702, %add3A_703 : i32
          %broadcast_in_dim3A_705 = vector.broadcast %add3A_704 : i32 to vector<16xi32>
          %gather3A_706 = tpu.vector_load_idx %arg12[%add3A_410, %broadcast_in_dim3A_705] : memref<128x64xf32, #tpu.memory_space<vmem>>[vector<16xi32>, vector<16xi32>], vector<16xf32>,
          %gather3A_707 = tpu.vector_load_idx %arg15[%add3A_414, %broadcast_in_dim3A_705] : memref<64x64xf32, #tpu.memory_space<vmem>>[vector<16xi32>, vector<16xi32>], vector<16xf32>,
          %mul3A_708 = arith.mulf %gather3A_706, %gather3A_707 : vector<16xf32>
          %add3A_709 = arith.addf %add3A_673, %mul3A_708 : vector<16xf32>
          %gather3A_710 = tpu.vector_load_idx %arg16[%add3A_414, %broadcast_in_dim3A_705] : memref<64x64xf32, #tpu.memory_space<vmem>>[vector<16xi32>, vector<16xi32>], vector<16xf32>,
          %mul3A_711 = arith.mulf %gather3A_706, %gather3A_710 : vector<16xf32>
          %add3A_712 = arith.addf %add3A_676, %mul3A_711 : vector<16xf32>
          %gather3A_713 = tpu.vector_load_idx %arg17[%add3A_414, %broadcast_in_dim3A_705] : memref<64x64xf32, #tpu.memory_space<vmem>>[vector<16xi32>, vector<16xi32>], vector<16xf32>,
          %mul3A_714 = arith.mulf %gather3A_706, %gather3A_713 : vector<16xf32>
          %add3A_715 = arith.addf %add3A_679, %mul3A_714 : vector<16xf32>
          %gather3A_716 = tpu.vector_load_idx %arg18[%add3A_414, %broadcast_in_dim3A_705] : memref<64x64xf32, #tpu.memory_space<vmem>>[vector<16xi32>, vector<16xi32>], vector<16xf32>,
          %mul3A_717 = arith.mulf %gather3A_706, %gather3A_716 : vector<16xf32>
          %add3A_718 = arith.addf %add3A_682, %mul3A_717 : vector<16xf32>
          %gather3A_719 = tpu.vector_load_idx %arg19[%add3A_414, %broadcast_in_dim3A_705] : memref<64x64xf32, #tpu.memory_space<vmem>>[vector<16xi32>, vector<16xi32>], vector<16xf32>,
          %mul3A_720 = arith.mulf %gather3A_706, %gather3A_719 : vector<16xf32>
          %add3A_721 = arith.addf %add3A_685, %mul3A_720 : vector<16xf32>
          %gather3A_722 = tpu.vector_load_idx %arg20[%add3A_414, %broadcast_in_dim3A_705] : memref<64x64xf32, #tpu.memory_space<vmem>>[vector<16xi32>, vector<16xi32>], vector<16xf32>,
          %mul3A_723 = arith.mulf %gather3A_706, %gather3A_722 : vector<16xf32>
          %add3A_724 = arith.addf %add3A_688, %mul3A_723 : vector<16xf32>
          %gather3A_725 = tpu.vector_load_idx %arg21[%add3A_414, %broadcast_in_dim3A_705] : memref<64x64xf32, #tpu.memory_space<vmem>>[vector<16xi32>, vector<16xi32>], vector<16xf32>,
          %mul3A_726 = arith.mulf %gather3A_706, %gather3A_725 : vector<16xf32>
          %add3A_727 = arith.addf %add3A_691, %mul3A_726 : vector<16xf32>
          %gather3A_728 = tpu.vector_load_idx %arg22[%add3A_414, %broadcast_in_dim3A_705] : memref<64x64xf32, #tpu.memory_space<vmem>>[vector<16xi32>, vector<16xi32>], vector<16xf32>,
          %mul3A_729 = arith.mulf %gather3A_706, %gather3A_728 : vector<16xf32>
          %add3A_730 = arith.addf %add3A_694, %mul3A_729 : vector<16xf32>
          %gather3A_731 = tpu.vector_load_idx %arg23[%add3A_414, %broadcast_in_dim3A_705] : memref<64x64xf32, #tpu.memory_space<vmem>>[vector<16xi32>, vector<16xi32>], vector<16xf32>,
          %mul3A_732 = arith.mulf %gather3A_706, %gather3A_731 : vector<16xf32>
          %add3A_733 = arith.addf %add3A_697, %mul3A_732 : vector<16xf32>
          %gather3A_734 = tpu.vector_load_idx %arg24[%add3A_414, %broadcast_in_dim3A_705] : memref<64x64xf32, #tpu.memory_space<vmem>>[vector<16xi32>, vector<16xi32>], vector<16xf32>,
          %mul3A_735 = arith.mulf %gather3A_706, %gather3A_734 : vector<16xf32>
          %add3A_736 = arith.addf %add3A_700, %mul3A_735 : vector<16xf32>
          %mul3A_737 = arith.constant 8 : i32
          %mul3A_738 = arith.muli %scan3A_511, %mul3A_737 : i32
          %add3A_739 = arith.constant 6 : i32
          %add3A_740 = arith.addi %mul3A_738, %add3A_739 : i32
          %broadcast_in_dim3A_741 = vector.broadcast %add3A_740 : i32 to vector<16xi32>
          %gather3A_742 = tpu.vector_load_idx %arg12[%add3A_410, %broadcast_in_dim3A_741] : memref<128x64xf32, #tpu.memory_space<vmem>>[vector<16xi32>, vector<16xi32>], vector<16xf32>,
          %gather3A_743 = tpu.vector_load_idx %arg15[%add3A_414, %broadcast_in_dim3A_741] : memref<64x64xf32, #tpu.memory_space<vmem>>[vector<16xi32>, vector<16xi32>], vector<16xf32>,
          %mul3A_744 = arith.mulf %gather3A_742, %gather3A_743 : vector<16xf32>
          %add3A_745 = arith.addf %add3A_709, %mul3A_744 : vector<16xf32>
          %gather3A_746 = tpu.vector_load_idx %arg16[%add3A_414, %broadcast_in_dim3A_741] : memref<64x64xf32, #tpu.memory_space<vmem>>[vector<16xi32>, vector<16xi32>], vector<16xf32>,
          %mul3A_747 = arith.mulf %gather3A_742, %gather3A_746 : vector<16xf32>
          %add3A_748 = arith.addf %add3A_712, %mul3A_747 : vector<16xf32>
          %gather3A_749 = tpu.vector_load_idx %arg17[%add3A_414, %broadcast_in_dim3A_741] : memref<64x64xf32, #tpu.memory_space<vmem>>[vector<16xi32>, vector<16xi32>], vector<16xf32>,
          %mul3A_750 = arith.mulf %gather3A_742, %gather3A_749 : vector<16xf32>
          %add3A_751 = arith.addf %add3A_715, %mul3A_750 : vector<16xf32>
          %gather3A_752 = tpu.vector_load_idx %arg18[%add3A_414, %broadcast_in_dim3A_741] : memref<64x64xf32, #tpu.memory_space<vmem>>[vector<16xi32>, vector<16xi32>], vector<16xf32>,
          %mul3A_753 = arith.mulf %gather3A_742, %gather3A_752 : vector<16xf32>
          %add3A_754 = arith.addf %add3A_718, %mul3A_753 : vector<16xf32>
          %gather3A_755 = tpu.vector_load_idx %arg19[%add3A_414, %broadcast_in_dim3A_741] : memref<64x64xf32, #tpu.memory_space<vmem>>[vector<16xi32>, vector<16xi32>], vector<16xf32>,
          %mul3A_756 = arith.mulf %gather3A_742, %gather3A_755 : vector<16xf32>
          %add3A_757 = arith.addf %add3A_721, %mul3A_756 : vector<16xf32>
          %gather3A_758 = tpu.vector_load_idx %arg20[%add3A_414, %broadcast_in_dim3A_741] : memref<64x64xf32, #tpu.memory_space<vmem>>[vector<16xi32>, vector<16xi32>], vector<16xf32>,
          %mul3A_759 = arith.mulf %gather3A_742, %gather3A_758 : vector<16xf32>
          %add3A_760 = arith.addf %add3A_724, %mul3A_759 : vector<16xf32>
          %gather3A_761 = tpu.vector_load_idx %arg21[%add3A_414, %broadcast_in_dim3A_741] : memref<64x64xf32, #tpu.memory_space<vmem>>[vector<16xi32>, vector<16xi32>], vector<16xf32>,
          %mul3A_762 = arith.mulf %gather3A_742, %gather3A_761 : vector<16xf32>
          %add3A_763 = arith.addf %add3A_727, %mul3A_762 : vector<16xf32>
          %gather3A_764 = tpu.vector_load_idx %arg22[%add3A_414, %broadcast_in_dim3A_741] : memref<64x64xf32, #tpu.memory_space<vmem>>[vector<16xi32>, vector<16xi32>], vector<16xf32>,
          %mul3A_765 = arith.mulf %gather3A_742, %gather3A_764 : vector<16xf32>
          %add3A_766 = arith.addf %add3A_730, %mul3A_765 : vector<16xf32>
          %gather3A_767 = tpu.vector_load_idx %arg23[%add3A_414, %broadcast_in_dim3A_741] : memref<64x64xf32, #tpu.memory_space<vmem>>[vector<16xi32>, vector<16xi32>], vector<16xf32>,
          %mul3A_768 = arith.mulf %gather3A_742, %gather3A_767 : vector<16xf32>
          %add3A_769 = arith.addf %add3A_733, %mul3A_768 : vector<16xf32>
          %gather3A_770 = tpu.vector_load_idx %arg24[%add3A_414, %broadcast_in_dim3A_741] : memref<64x64xf32, #tpu.memory_space<vmem>>[vector<16xi32>, vector<16xi32>], vector<16xf32>,
          %mul3A_771 = arith.mulf %gather3A_742, %gather3A_770 : vector<16xf32>
          %add3A_772 = arith.addf %add3A_736, %mul3A_771 : vector<16xf32>
          %mul3A_773 = arith.constant 8 : i32
          %mul3A_774 = arith.muli %scan3A_511, %mul3A_773 : i32
          %add3A_775 = arith.constant 7 : i32
          %add3A_776 = arith.addi %mul3A_774, %add3A_775 : i32
          %broadcast_in_dim3A_777 = vector.broadcast %add3A_776 : i32 to vector<16xi32>
          %gather3A_778 = tpu.vector_load_idx %arg12[%add3A_410, %broadcast_in_dim3A_777] : memref<128x64xf32, #tpu.memory_space<vmem>>[vector<16xi32>, vector<16xi32>], vector<16xf32>,
          %gather3A_779 = tpu.vector_load_idx %arg15[%add3A_414, %broadcast_in_dim3A_777] : memref<64x64xf32, #tpu.memory_space<vmem>>[vector<16xi32>, vector<16xi32>], vector<16xf32>,
          %mul3A_780 = arith.mulf %gather3A_778, %gather3A_779 : vector<16xf32>
          %add3A_781 = arith.addf %add3A_745, %mul3A_780 : vector<16xf32>
          %gather3A_782 = tpu.vector_load_idx %arg16[%add3A_414, %broadcast_in_dim3A_777] : memref<64x64xf32, #tpu.memory_space<vmem>>[vector<16xi32>, vector<16xi32>], vector<16xf32>,
          %mul3A_783 = arith.mulf %gather3A_778, %gather3A_782 : vector<16xf32>
          %add3A_784 = arith.addf %add3A_748, %mul3A_783 : vector<16xf32>
          %gather3A_785 = tpu.vector_load_idx %arg17[%add3A_414, %broadcast_in_dim3A_777] : memref<64x64xf32, #tpu.memory_space<vmem>>[vector<16xi32>, vector<16xi32>], vector<16xf32>,
          %mul3A_786 = arith.mulf %gather3A_778, %gather3A_785 : vector<16xf32>
          %add3A_787 = arith.addf %add3A_751, %mul3A_786 : vector<16xf32>
          %gather3A_788 = tpu.vector_load_idx %arg18[%add3A_414, %broadcast_in_dim3A_777] : memref<64x64xf32, #tpu.memory_space<vmem>>[vector<16xi32>, vector<16xi32>], vector<16xf32>,
          %mul3A_789 = arith.mulf %gather3A_778, %gather3A_788 : vector<16xf32>
          %add3A_790 = arith.addf %add3A_754, %mul3A_789 : vector<16xf32>
          %gather3A_791 = tpu.vector_load_idx %arg19[%add3A_414, %broadcast_in_dim3A_777] : memref<64x64xf32, #tpu.memory_space<vmem>>[vector<16xi32>, vector<16xi32>], vector<16xf32>,
          %mul3A_792 = arith.mulf %gather3A_778, %gather3A_791 : vector<16xf32>
          %add3A_793 = arith.addf %add3A_757, %mul3A_792 : vector<16xf32>
          %gather3A_794 = tpu.vector_load_idx %arg20[%add3A_414, %broadcast_in_dim3A_777] : memref<64x64xf32, #tpu.memory_space<vmem>>[vector<16xi32>, vector<16xi32>], vector<16xf32>,
          %mul3A_795 = arith.mulf %gather3A_778, %gather3A_794 : vector<16xf32>
          %add3A_796 = arith.addf %add3A_760, %mul3A_795 : vector<16xf32>
          %gather3A_797 = tpu.vector_load_idx %arg21[%add3A_414, %broadcast_in_dim3A_777] : memref<64x64xf32, #tpu.memory_space<vmem>>[vector<16xi32>, vector<16xi32>], vector<16xf32>,
          %mul3A_798 = arith.mulf %gather3A_778, %gather3A_797 : vector<16xf32>
          %add3A_799 = arith.addf %add3A_763, %mul3A_798 : vector<16xf32>
          %gather3A_800 = tpu.vector_load_idx %arg22[%add3A_414, %broadcast_in_dim3A_777] : memref<64x64xf32, #tpu.memory_space<vmem>>[vector<16xi32>, vector<16xi32>], vector<16xf32>,
          %mul3A_801 = arith.mulf %gather3A_778, %gather3A_800 : vector<16xf32>
          %add3A_802 = arith.addf %add3A_766, %mul3A_801 : vector<16xf32>
          %gather3A_803 = tpu.vector_load_idx %arg23[%add3A_414, %broadcast_in_dim3A_777] : memref<64x64xf32, #tpu.memory_space<vmem>>[vector<16xi32>, vector<16xi32>], vector<16xf32>,
          %mul3A_804 = arith.mulf %gather3A_778, %gather3A_803 : vector<16xf32>
          %add3A_805 = arith.addf %add3A_769, %mul3A_804 : vector<16xf32>
          %gather3A_806 = tpu.vector_load_idx %arg24[%add3A_414, %broadcast_in_dim3A_777] : memref<64x64xf32, #tpu.memory_space<vmem>>[vector<16xi32>, vector<16xi32>], vector<16xf32>,
          %mul3A_807 = arith.mulf %gather3A_778, %gather3A_806 : vector<16xf32>
          %add3A_808 = arith.addf %add3A_772, %mul3A_807 : vector<16xf32>
          scf.yield %add3A_781, %add3A_784, %add3A_787, %add3A_790, %add3A_793, %add3A_796, %add3A_799, %add3A_802, %add3A_805, %add3A_808 : vector<16xf32>, vector<16xf32>, vector<16xf32>, vector<16xf32>, vector<16xf32>, vector<16xf32>, vector<16xf32>, vector<16xf32>, vector<16xf32>, vector<16xf32>
        }
        %scan3A_421 = arith.constant 8 : i32
        %neg3A = arith.constant 0.000000e+00 : f32
        %neg3A_422 = vector.broadcast %neg3A : f32 to vector<16xf32>
        %neg3A_423 = arith.subf %neg3A_422, %scan3A_420#0 : vector<16xf32>
        %mul3A_424 = arith.constant 16 : i32
        %mul3A_425 = arith.muli %scan3A_402, %mul3A_424 : i32
        %add3A_426 = arith.constant 64 : i32
        %add3A_427 = arith.addi %add3A_426, %mul3A_425 : i32
        %swap3A = arith.index_cast %add3A_427 : i32 to index
        %swap3A_428 = tpu.vector_load %arg14[%swap3A] {strides = array<i32>} : memref<1344xf32, #tpu.memory_space<vmem>>, vector<16xf32>,
        tpu.vector_store %arg14[%swap3A], %neg3A_423 {strides = array<i32>} : memref<1344xf32, #tpu.memory_space<vmem>>, vector<16xf32>,
        %neg3A_429 = arith.constant 0.000000e+00 : f32
        %neg3A_430 = vector.broadcast %neg3A_429 : f32 to vector<16xf32>
        %neg3A_431 = arith.subf %neg3A_430, %scan3A_420#1 : vector<16xf32>
        %mul3A_432 = arith.constant 16 : i32
        %mul3A_433 = arith.muli %scan3A_402, %mul3A_432 : i32
        %add3A_434 = arith.constant 128 : i32
        %add3A_435 = arith.addi %add3A_434, %mul3A_433 : i32
        %swap3A_436 = arith.index_cast %add3A_435 : i32 to index
        %swap3A_437 = tpu.vector_load %arg14[%swap3A_436] {strides = array<i32>} : memref<1344xf32, #tpu.memory_space<vmem>>, vector<16xf32>,
        tpu.vector_store %arg14[%swap3A_436], %neg3A_431 {strides = array<i32>} : memref<1344xf32, #tpu.memory_space<vmem>>, vector<16xf32>,
        %neg3A_438 = arith.constant 0.000000e+00 : f32
        %neg3A_439 = vector.broadcast %neg3A_438 : f32 to vector<16xf32>
        %neg3A_440 = arith.subf %neg3A_439, %scan3A_420#2 : vector<16xf32>
        %mul3A_441 = arith.constant 16 : i32
        %mul3A_442 = arith.muli %scan3A_402, %mul3A_441 : i32
        %add3A_443 = arith.constant 192 : i32
        %add3A_444 = arith.addi %add3A_443, %mul3A_442 : i32
        %swap3A_445 = arith.index_cast %add3A_444 : i32 to index
        %swap3A_446 = tpu.vector_load %arg14[%swap3A_445] {strides = array<i32>} : memref<1344xf32, #tpu.memory_space<vmem>>, vector<16xf32>,
        tpu.vector_store %arg14[%swap3A_445], %neg3A_440 {strides = array<i32>} : memref<1344xf32, #tpu.memory_space<vmem>>, vector<16xf32>,
        %neg3A_447 = arith.constant 0.000000e+00 : f32
        %neg3A_448 = vector.broadcast %neg3A_447 : f32 to vector<16xf32>
        %neg3A_449 = arith.subf %neg3A_448, %scan3A_420#3 : vector<16xf32>
        %mul3A_450 = arith.constant 16 : i32
        %mul3A_451 = arith.muli %scan3A_402, %mul3A_450 : i32
        %add3A_452 = arith.constant 256 : i32
        %add3A_453 = arith.addi %add3A_452, %mul3A_451 : i32
        %swap3A_454 = arith.index_cast %add3A_453 : i32 to index
        %swap3A_455 = tpu.vector_load %arg14[%swap3A_454] {strides = array<i32>} : memref<1344xf32, #tpu.memory_space<vmem>>, vector<16xf32>,
        tpu.vector_store %arg14[%swap3A_454], %neg3A_449 {strides = array<i32>} : memref<1344xf32, #tpu.memory_space<vmem>>, vector<16xf32>,
        %neg3A_456 = arith.constant 0.000000e+00 : f32
        %neg3A_457 = vector.broadcast %neg3A_456 : f32 to vector<16xf32>
        %neg3A_458 = arith.subf %neg3A_457, %scan3A_420#4 : vector<16xf32>
        %mul3A_459 = arith.constant 16 : i32
        %mul3A_460 = arith.muli %scan3A_402, %mul3A_459 : i32
        %add3A_461 = arith.constant 320 : i32
        %add3A_462 = arith.addi %add3A_461, %mul3A_460 : i32
        %swap3A_463 = arith.index_cast %add3A_462 : i32 to index
        %swap3A_464 = tpu.vector_load %arg14[%swap3A_463] {strides = array<i32>} : memref<1344xf32, #tpu.memory_space<vmem>>, vector<16xf32>,
        tpu.vector_store %arg14[%swap3A_463], %neg3A_458 {strides = array<i32>} : memref<1344xf32, #tpu.memory_space<vmem>>, vector<16xf32>,
        %neg3A_465 = arith.constant 0.000000e+00 : f32
        %neg3A_466 = vector.broadcast %neg3A_465 : f32 to vector<16xf32>
        %neg3A_467 = arith.subf %neg3A_466, %scan3A_420#5 : vector<16xf32>
        %mul3A_468 = arith.constant 16 : i32
        %mul3A_469 = arith.muli %scan3A_402, %mul3A_468 : i32
        %add3A_470 = arith.constant 384 : i32
        %add3A_471 = arith.addi %add3A_470, %mul3A_469 : i32
        %swap3A_472 = arith.index_cast %add3A_471 : i32 to index
        %swap3A_473 = tpu.vector_load %arg14[%swap3A_472] {strides = array<i32>} : memref<1344xf32, #tpu.memory_space<vmem>>, vector<16xf32>,
        tpu.vector_store %arg14[%swap3A_472], %neg3A_467 {strides = array<i32>} : memref<1344xf32, #tpu.memory_space<vmem>>, vector<16xf32>,
        %neg3A_474 = arith.constant 0.000000e+00 : f32
        %neg3A_475 = vector.broadcast %neg3A_474 : f32 to vector<16xf32>
        %neg3A_476 = arith.subf %neg3A_475, %scan3A_420#6 : vector<16xf32>
        %mul3A_477 = arith.constant 16 : i32
        %mul3A_478 = arith.muli %scan3A_402, %mul3A_477 : i32
        %add3A_479 = arith.constant 448 : i32
        %add3A_480 = arith.addi %add3A_479, %mul3A_478 : i32
        %swap3A_481 = arith.index_cast %add3A_480 : i32 to index
        %swap3A_482 = tpu.vector_load %arg14[%swap3A_481] {strides = array<i32>} : memref<1344xf32, #tpu.memory_space<vmem>>, vector<16xf32>,
        tpu.vector_store %arg14[%swap3A_481], %neg3A_476 {strides = array<i32>} : memref<1344xf32, #tpu.memory_space<vmem>>, vector<16xf32>,
        %neg3A_483 = arith.constant 0.000000e+00 : f32
        %neg3A_484 = vector.broadcast %neg3A_483 : f32 to vector<16xf32>
        %neg3A_485 = arith.subf %neg3A_484, %scan3A_420#7 : vector<16xf32>
        %mul3A_486 = arith.constant 16 : i32
        %mul3A_487 = arith.muli %scan3A_402, %mul3A_486 : i32
        %add3A_488 = arith.constant 512 : i32
        %add3A_489 = arith.addi %add3A_488, %mul3A_487 : i32
        %swap3A_490 = arith.index_cast %add3A_489 : i32 to index
        %swap3A_491 = tpu.vector_load %arg14[%swap3A_490] {strides = array<i32>} : memref<1344xf32, #tpu.memory_space<vmem>>, vector<16xf32>,
        tpu.vector_store %arg14[%swap3A_490], %neg3A_485 {strides = array<i32>} : memref<1344xf32, #tpu.memory_space<vmem>>, vector<16xf32>,
        %neg3A_492 = arith.constant 0.000000e+00 : f32
        %neg3A_493 = vector.broadcast %neg3A_492 : f32 to vector<16xf32>
        %neg3A_494 = arith.subf %neg3A_493, %scan3A_420#8 : vector<16xf32>
        %mul3A_495 = arith.constant 16 : i32
        %mul3A_496 = arith.muli %scan3A_402, %mul3A_495 : i32
        %add3A_497 = arith.constant 576 : i32
        %add3A_498 = arith.addi %add3A_497, %mul3A_496 : i32
        %swap3A_499 = arith.index_cast %add3A_498 : i32 to index
        %swap3A_500 = tpu.vector_load %arg14[%swap3A_499] {strides = array<i32>} : memref<1344xf32, #tpu.memory_space<vmem>>, vector<16xf32>,
        tpu.vector_store %arg14[%swap3A_499], %neg3A_494 {strides = array<i32>} : memref<1344xf32, #tpu.memory_space<vmem>>, vector<16xf32>,
        %neg3A_501 = arith.constant 0.000000e+00 : f32
        %neg3A_502 = vector.broadcast %neg3A_501 : f32 to vector<16xf32>
        %neg3A_503 = arith.subf %neg3A_502, %scan3A_420#9 : vector<16xf32>
        %mul3A_504 = arith.constant 16 : i32
        %mul3A_505 = arith.muli %scan3A_402, %mul3A_504 : i32
        %add3A_506 = arith.constant 640 : i32
        %add3A_507 = arith.addi %add3A_506, %mul3A_505 : i32
        %swap3A_508 = arith.index_cast %add3A_507 : i32 to index
        %swap3A_509 = tpu.vector_load %arg14[%swap3A_508] {strides = array<i32>} : memref<1344xf32, #tpu.memory_space<vmem>>, vector<16xf32>,
        tpu.vector_store %arg14[%swap3A_508], %neg3A_503 {strides = array<i32>} : memref<1344xf32, #tpu.memory_space<vmem>>, vector<16xf32>,
        %scan3A_510 = arith.constant 0 : i32
        scf.yield %scan3A_510 : i32
      }
      %scan3A_362 = arith.constant 4 : i32
      %lt3A_363 = arith.constant 7 : i32
      %lt3A_364 = arith.cmpi slt, %scan3A_218, %lt3A_363 : i32
      %convert_element_type3A = arith.extui %lt3A_364 : i1 to i32
      %cond3A = arith.constant 0 : i32
      %cond3A_365 = arith.cmpi ne, %convert_element_type3A, %cond3A : i32
      scf.if %cond3A_365 {
        %add3A_402 = arith.constant 1 : i32
        %add3A_403 = arith.addi %scan3A_218, %add3A_402 : i32
        %jit3A_404 = arith.constant 2 : i32
        %eq3A_405 = arith.constant 0 : i32
        %eq3A_406 = arith.cmpi eq, %jit3A_404, %eq3A_405 : i32
        %jit3A_407 = arith.constant 1 : i32
        %select_n3A_408 = arith.select %eq3A_406, %jit3A_407, %jit3A_404 : i32
        %rem3A_409 = arith.remsi %add3A_403, %select_n3A_408 : i32
        %ne3A_410 = arith.constant 0 : i32
        %ne3A_411 = arith.cmpi ne, %rem3A_409, %ne3A_410 : i32
        %lt3A_412 = arith.constant 0 : i32
        %lt3A_413 = arith.cmpi slt, %rem3A_409, %lt3A_412 : i32
        %lt3A_414 = arith.constant 0 : i32
        %lt3A_415 = arith.cmpi slt, %select_n3A_408, %lt3A_414 : i32
        %ne3A_416 = arith.xori %lt3A_413, %lt3A_415 : i1
        %and3A_417 = arith.andi %ne3A_416, %ne3A_411 : i1
        %add3A_418 = arith.addi %rem3A_409, %select_n3A_408 : i32
        %select_n3A_419 = arith.select %and3A_417, %add3A_418, %rem3A_409 : i32
        %mul3A_420 = arith.constant 512 : i32
        %mul3A_421 = arith.muli %add3A, %mul3A_420 : i32
        %mul3A_422 = arith.constant 64 : i32
        %mul3A_423 = arith.muli %add3A_403, %mul3A_422 : i32
        %add3A_424 = arith.addi %mul3A_421, %mul3A_423 : i32
        %mul3A_425 = arith.constant 64 : i32
        %mul3A_426 = arith.muli %select_n3A_419, %mul3A_425 : i32
        "tpu.region"() ({
          %run_scoped3A = tpu.sem_alloc : memref<!tpu.dma_semaphore, #tpu.memory_space<semaphore_mem>>
          %dma_start3A_671 = tpu.memref_slice %arg8[%mul3A_426] : memref<128xi32, #tpu.memory_space<vmem>> -> memref<64xi32, #tpu.memory_space<vmem>>
          %dma_start3A_672 = tpu.memref_slice %arg4[%add3A_424] : memref<16384xi32, #tpu.memory_space<hbm>> -> memref<64xi32, #tpu.memory_space<hbm>>
          %dma_start3A_673 = tpu.memref_slice %arg8[%mul3A_426] : memref<128xi32, #tpu.memory_space<vmem>> -> memref<64xi32, #tpu.memory_space<vmem>>
          %dma_start3A_674 = tpu.memref_slice %arg4[%add3A_424] : memref<16384xi32, #tpu.memory_space<hbm>> -> memref<64xi32, #tpu.memory_space<hbm>>
          tpu.enqueue_dma source(%dma_start3A_674 : memref<64xi32, #tpu.memory_space<hbm>>) target(%dma_start3A_673 : memref<64xi32, #tpu.memory_space<vmem>>) target_semaphore(%run_scoped3A : memref<!tpu.dma_semaphore, #tpu.memory_space<semaphore_mem>>)
          %dma_wait3A_675 = tpu.memref_slice %arg8[%mul3A_426] : memref<128xi32, #tpu.memory_space<vmem>> -> memref<64xi32, #tpu.memory_space<vmem>>
          %dma_wait3A_676 = tpu.memref_slice %arg4[%add3A_424] : memref<16384xi32, #tpu.memory_space<hbm>> -> memref<64xi32, #tpu.memory_space<hbm>>
          %dma_wait3A_677 = tpu.memref_slice %arg8[%mul3A_426] : memref<128xi32, #tpu.memory_space<vmem>> -> memref<64xi32, #tpu.memory_space<vmem>>
          %dma_wait3A_678 = tpu.memref_slice %arg4[%add3A_424] : memref<16384xi32, #tpu.memory_space<hbm>> -> memref<64xi32, #tpu.memory_space<hbm>>
          tpu.wait_dma2 semaphore(%run_scoped3A : memref<!tpu.dma_semaphore, #tpu.memory_space<semaphore_mem>>) src(%dma_wait3A_678 : memref<64xi32, #tpu.memory_space<hbm>>) dst(%dma_wait3A_677 : memref<64xi32, #tpu.memory_space<vmem>>)
          tpu.yield
        }) : () -> ()
        %mul3A_427 = arith.constant 64 : i32
        %mul3A_428 = arith.muli %select_n3A_419, %mul3A_427 : i32
        "tpu.region"() ({
          %run_scoped3A = tpu.sem_alloc : memref<!tpu.dma_semaphore, #tpu.memory_space<semaphore_mem>>
          %dma_start3A_671 = tpu.memref_slice %arg9[%mul3A_428] : memref<128xi32, #tpu.memory_space<vmem>> -> memref<64xi32, #tpu.memory_space<vmem>>
          %dma_start3A_672 = tpu.memref_slice %arg5[%add3A_424] : memref<16384xi32, #tpu.memory_space<hbm>> -> memref<64xi32, #tpu.memory_space<hbm>>
          %dma_start3A_673 = tpu.memref_slice %arg9[%mul3A_428] : memref<128xi32, #tpu.memory_space<vmem>> -> memref<64xi32, #tpu.memory_space<vmem>>
          %dma_start3A_674 = tpu.memref_slice %arg5[%add3A_424] : memref<16384xi32, #tpu.memory_space<hbm>> -> memref<64xi32, #tpu.memory_space<hbm>>
          tpu.enqueue_dma source(%dma_start3A_674 : memref<64xi32, #tpu.memory_space<hbm>>) target(%dma_start3A_673 : memref<64xi32, #tpu.memory_space<vmem>>) target_semaphore(%run_scoped3A : memref<!tpu.dma_semaphore, #tpu.memory_space<semaphore_mem>>)
          %dma_wait3A_675 = tpu.memref_slice %arg9[%mul3A_428] : memref<128xi32, #tpu.memory_space<vmem>> -> memref<64xi32, #tpu.memory_space<vmem>>
          %dma_wait3A_676 = tpu.memref_slice %arg5[%add3A_424] : memref<16384xi32, #tpu.memory_space<hbm>> -> memref<64xi32, #tpu.memory_space<hbm>>
          %dma_wait3A_677 = tpu.memref_slice %arg9[%mul3A_428] : memref<128xi32, #tpu.memory_space<vmem>> -> memref<64xi32, #tpu.memory_space<vmem>>
          %dma_wait3A_678 = tpu.memref_slice %arg5[%add3A_424] : memref<16384xi32, #tpu.memory_space<hbm>> -> memref<64xi32, #tpu.memory_space<hbm>>
          tpu.wait_dma2 semaphore(%run_scoped3A : memref<!tpu.dma_semaphore, #tpu.memory_space<semaphore_mem>>) src(%dma_wait3A_678 : memref<64xi32, #tpu.memory_space<hbm>>) dst(%dma_wait3A_677 : memref<64xi32, #tpu.memory_space<vmem>>)
          tpu.yield
        }) : () -> ()
        %mul3A_429 = arith.constant 64 : i32
        %mul3A_430 = arith.muli %select_n3A_419, %mul3A_429 : i32
        %mul3A_431 = arith.constant 64 : i32
        %mul3A_432 = arith.muli %select_n3A_419, %mul3A_431 : i32
        %dma_start3A_433 = arith.constant 0 : i32
        %dma_start3A_434 = tpu.memref_slice %arg12[%mul3A_432, %dma_start3A_433] : memref<128x64xf32, #tpu.memory_space<vmem>> -> memref<64x64xf32, #tpu.memory_space<vmem>>
        %dma_start3A_435 = tpu.memref_slice %arg8[%mul3A_430] : memref<128xi32, #tpu.memory_space<vmem>> -> memref<64xi32, #tpu.memory_space<vmem>>
        %dma_start3A_436 = arith.constant 0 : i32
        %dma_start3A_437 = arith.constant 0 : i32
        %dma_start3A_438 = tpu.memref_slice %arg2[%dma_start3A_436, %dma_start3A_437] : memref<1000000x64xf32, #tpu.memory_space<hbm>> -> memref<1000000x64xf32, #tpu.memory_space<hbm>>
        tpu.enqueue_indirect_dma source(%dma_start3A_438 : memref<1000000x64xf32, #tpu.memory_space<hbm>>) target(%dma_start3A_434 : memref<64x64xf32, #tpu.memory_space<vmem>>) offsets(%dma_start3A_435 : memref<64xi32, #tpu.memory_space<vmem>>) semaphore(%arg35 : memref<!tpu.dma_semaphore, #tpu.memory_space<semaphore_mem>>)
        %mul3A_439 = arith.constant 64 : i32
        %mul3A_440 = arith.muli %select_n3A_419, %mul3A_439 : i32
        %mul3A_441 = arith.constant 64 : i32
        %mul3A_442 = arith.muli %select_n3A_419, %mul3A_441 : i32
        %dma_start3A_443 = arith.constant 0 : i32
        %dma_start3A_444 = tpu.memref_slice %arg13[%mul3A_442, %dma_start3A_443] : memref<128x64xf32, #tpu.memory_space<vmem>> -> memref<64x64xf32, #tpu.memory_space<vmem>>
        %dma_start3A_445 = tpu.memref_slice %arg9[%mul3A_440] : memref<128xi32, #tpu.memory_space<vmem>> -> memref<64xi32, #tpu.memory_space<vmem>>
        %dma_start3A_446 = arith.constant 0 : i32
        %dma_start3A_447 = arith.constant 0 : i32
        %dma_start3A_448 = tpu.memref_slice %arg3[%dma_start3A_446, %dma_start3A_447] : memref<1000000x64xf32, #tpu.memory_space<hbm>> -> memref<1000000x64xf32, #tpu.memory_space<hbm>>
        tpu.enqueue_indirect_dma source(%dma_start3A_448 : memref<1000000x64xf32, #tpu.memory_space<hbm>>) target(%dma_start3A_444 : memref<64x64xf32, #tpu.memory_space<vmem>>) offsets(%dma_start3A_445 : memref<64xi32, #tpu.memory_space<vmem>>) semaphore(%arg36 : memref<!tpu.dma_semaphore, #tpu.memory_space<semaphore_mem>>)
        %mul3A_449 = arith.constant 1280 : i32
        %mul3A_450 = arith.muli %select_n3A_419, %mul3A_449 : i32
        %mul3A_451 = arith.constant 20 : i32
        %mul3A_452 = arith.muli %add3A_424, %mul3A_451 : i32
        "tpu.region"() ({
          %run_scoped3A = tpu.sem_alloc : memref<!tpu.dma_semaphore, #tpu.memory_space<semaphore_mem>>
          %dma_start3A_671 = tpu.memref_slice %arg10[%mul3A_450] : memref<2560xi32, #tpu.memory_space<vmem>> -> memref<1280xi32, #tpu.memory_space<vmem>>
          %dma_start3A_672 = tpu.memref_slice %arg6[%mul3A_452] : memref<327680xi32, #tpu.memory_space<hbm>> -> memref<1280xi32, #tpu.memory_space<hbm>>
          %dma_start3A_673 = tpu.memref_slice %arg10[%mul3A_450] : memref<2560xi32, #tpu.memory_space<vmem>> -> memref<1280xi32, #tpu.memory_space<vmem>>
          %dma_start3A_674 = tpu.memref_slice %arg6[%mul3A_452] : memref<327680xi32, #tpu.memory_space<hbm>> -> memref<1280xi32, #tpu.memory_space<hbm>>
          tpu.enqueue_dma source(%dma_start3A_674 : memref<1280xi32, #tpu.memory_space<hbm>>) target(%dma_start3A_673 : memref<1280xi32, #tpu.memory_space<vmem>>) target_semaphore(%run_scoped3A : memref<!tpu.dma_semaphore, #tpu.memory_space<semaphore_mem>>)
          %dma_wait3A_675 = tpu.memref_slice %arg10[%mul3A_450] : memref<2560xi32, #tpu.memory_space<vmem>> -> memref<1280xi32, #tpu.memory_space<vmem>>
          %dma_wait3A_676 = tpu.memref_slice %arg6[%mul3A_452] : memref<327680xi32, #tpu.memory_space<hbm>> -> memref<1280xi32, #tpu.memory_space<hbm>>
          %dma_wait3A_677 = tpu.memref_slice %arg10[%mul3A_450] : memref<2560xi32, #tpu.memory_space<vmem>> -> memref<1280xi32, #tpu.memory_space<vmem>>
          %dma_wait3A_678 = tpu.memref_slice %arg6[%mul3A_452] : memref<327680xi32, #tpu.memory_space<hbm>> -> memref<1280xi32, #tpu.memory_space<hbm>>
          tpu.wait_dma2 semaphore(%run_scoped3A : memref<!tpu.dma_semaphore, #tpu.memory_space<semaphore_mem>>) src(%dma_wait3A_678 : memref<1280xi32, #tpu.memory_space<hbm>>) dst(%dma_wait3A_677 : memref<1280xi32, #tpu.memory_space<vmem>>)
          tpu.yield
        }) : () -> ()
        %scan3A_453 = arith.constant 0 : i32
        %scan3A_454 = arith.constant 0 : i32
        %scan3A_455 = arith.constant 4 : i32
        %scan3A_456 = arith.addi %scan3A_454, %scan3A_455 : i32
        %scan3A_457 = arith.constant 1 : i32
        %scan3A_458 = scf.for %scan3A_671 = %scan3A_454 to %scan3A_456 step %scan3A_457 iter_args(%scan3A_672 = %scan3A_453) -> (i32)  : i32 {
          %mul3A_673 = arith.constant 20 : i32
          %mul3A_674 = vector.broadcast %mul3A_673 : i32 to vector<16xi32>
          %mul3A_675 = arith.muli %iota3A, %mul3A_674 : vector<16xi32>
          %mul3A_676 = arith.constant 320 : i32
          %mul3A_677 = arith.muli %scan3A_671, %mul3A_676 : i32
          %add3A_678 = arith.addi %mul3A_450, %mul3A_677 : i32
          %add3A_679 = arith.constant 0 : i32
          %add3A_680 = arith.addi %add3A_678, %add3A_679 : i32
          %add3A_681 = vector.broadcast %add3A_680 : i32 to vector<16xi32>
          %add3A_682 = arith.addi %mul3A_675, %add3A_681 : vector<16xi32>
          %gather3A = tpu.vector_load_idx %arg10[%add3A_682] : memref<2560xi32, #tpu.memory_space<vmem>>[vector<16xi32>], vector<16xi32>,
          %add3A_683 = arith.constant 0 : i32
          %add3A_684 = arith.addi %mul3A_450, %add3A_683 : i32
          %mul3A_685 = arith.constant 16 : i32
          %mul3A_686 = arith.muli %scan3A_671, %mul3A_685 : i32
          %add3A_687 = arith.addi %add3A_684, %mul3A_686 : i32
          %swap3A = arith.index_cast %add3A_687 : i32 to index
          %swap3A_688 = tpu.vector_load %arg11[%swap3A] {strides = array<i32>} : memref<2560xi32, #tpu.memory_space<vmem>>, vector<16xi32>,
          tpu.vector_store %arg11[%swap3A], %gather3A {strides = array<i32>} : memref<2560xi32, #tpu.memory_space<vmem>>, vector<16xi32>,
          %scan3A_689 = arith.constant 0 : i32
          scf.yield %scan3A_689 : i32
        }
        %scan3A_459 = arith.constant 4 : i32
        %scan3A_460 = arith.constant 0 : i32
        %scan3A_461 = arith.constant 0 : i32
        %scan3A_462 = arith.constant 4 : i32
        %scan3A_463 = arith.addi %scan3A_461, %scan3A_462 : i32
        %scan3A_464 = arith.constant 1 : i32
        %scan3A_465 = scf.for %scan3A_671 = %scan3A_461 to %scan3A_463 step %scan3A_464 iter_args(%scan3A_672 = %scan3A_460) -> (i32)  : i32 {
          %mul3A_673 = arith.constant 20 : i32
          %mul3A_674 = vector.broadcast %mul3A_673 : i32 to vector<16xi32>
          %mul3A_675 = arith.muli %iota3A, %mul3A_674 : vector<16xi32>
          %mul3A_676 = arith.constant 320 : i32
          %mul3A_677 = arith.muli %scan3A_671, %mul3A_676 : i32
          %add3A_678 = arith.addi %mul3A_450, %mul3A_677 : i32
          %add3A_679 = arith.constant 1 : i32
          %add3A_680 = arith.addi %add3A_678, %add3A_679 : i32
          %add3A_681 = vector.broadcast %add3A_680 : i32 to vector<16xi32>
          %add3A_682 = arith.addi %mul3A_675, %add3A_681 : vector<16xi32>
          %gather3A = tpu.vector_load_idx %arg10[%add3A_682] : memref<2560xi32, #tpu.memory_space<vmem>>[vector<16xi32>], vector<16xi32>,
          %add3A_683 = arith.constant 64 : i32
          %add3A_684 = arith.addi %mul3A_450, %add3A_683 : i32
          %mul3A_685 = arith.constant 16 : i32
          %mul3A_686 = arith.muli %scan3A_671, %mul3A_685 : i32
          %add3A_687 = arith.addi %add3A_684, %mul3A_686 : i32
          %swap3A = arith.index_cast %add3A_687 : i32 to index
          %swap3A_688 = tpu.vector_load %arg11[%swap3A] {strides = array<i32>} : memref<2560xi32, #tpu.memory_space<vmem>>, vector<16xi32>,
          tpu.vector_store %arg11[%swap3A], %gather3A {strides = array<i32>} : memref<2560xi32, #tpu.memory_space<vmem>>, vector<16xi32>,
          %scan3A_689 = arith.constant 0 : i32
          scf.yield %scan3A_689 : i32
        }
        %scan3A_466 = arith.constant 4 : i32
        %scan3A_467 = arith.constant 0 : i32
        %scan3A_468 = arith.constant 0 : i32
        %scan3A_469 = arith.constant 4 : i32
        %scan3A_470 = arith.addi %scan3A_468, %scan3A_469 : i32
        %scan3A_471 = arith.constant 1 : i32
        %scan3A_472 = scf.for %scan3A_671 = %scan3A_468 to %scan3A_470 step %scan3A_471 iter_args(%scan3A_672 = %scan3A_467) -> (i32)  : i32 {
          %mul3A_673 = arith.constant 20 : i32
          %mul3A_674 = vector.broadcast %mul3A_673 : i32 to vector<16xi32>
          %mul3A_675 = arith.muli %iota3A, %mul3A_674 : vector<16xi32>
          %mul3A_676 = arith.constant 320 : i32
          %mul3A_677 = arith.muli %scan3A_671, %mul3A_676 : i32
          %add3A_678 = arith.addi %mul3A_450, %mul3A_677 : i32
          %add3A_679 = arith.constant 2 : i32
          %add3A_680 = arith.addi %add3A_678, %add3A_679 : i32
          %add3A_681 = vector.broadcast %add3A_680 : i32 to vector<16xi32>
          %add3A_682 = arith.addi %mul3A_675, %add3A_681 : vector<16xi32>
          %gather3A = tpu.vector_load_idx %arg10[%add3A_682] : memref<2560xi32, #tpu.memory_space<vmem>>[vector<16xi32>], vector<16xi32>,
          %add3A_683 = arith.constant 128 : i32
          %add3A_684 = arith.addi %mul3A_450, %add3A_683 : i32
          %mul3A_685 = arith.constant 16 : i32
          %mul3A_686 = arith.muli %scan3A_671, %mul3A_685 : i32
          %add3A_687 = arith.addi %add3A_684, %mul3A_686 : i32
          %swap3A = arith.index_cast %add3A_687 : i32 to index
          %swap3A_688 = tpu.vector_load %arg11[%swap3A] {strides = array<i32>} : memref<2560xi32, #tpu.memory_space<vmem>>, vector<16xi32>,
          tpu.vector_store %arg11[%swap3A], %gather3A {strides = array<i32>} : memref<2560xi32, #tpu.memory_space<vmem>>, vector<16xi32>,
          %scan3A_689 = arith.constant 0 : i32
          scf.yield %scan3A_689 : i32
        }
        %scan3A_473 = arith.constant 4 : i32
        %scan3A_474 = arith.constant 0 : i32
        %scan3A_475 = arith.constant 0 : i32
        %scan3A_476 = arith.constant 4 : i32
        %scan3A_477 = arith.addi %scan3A_475, %scan3A_476 : i32
        %scan3A_478 = arith.constant 1 : i32
        %scan3A_479 = scf.for %scan3A_671 = %scan3A_475 to %scan3A_477 step %scan3A_478 iter_args(%scan3A_672 = %scan3A_474) -> (i32)  : i32 {
          %mul3A_673 = arith.constant 20 : i32
          %mul3A_674 = vector.broadcast %mul3A_673 : i32 to vector<16xi32>
          %mul3A_675 = arith.muli %iota3A, %mul3A_674 : vector<16xi32>
          %mul3A_676 = arith.constant 320 : i32
          %mul3A_677 = arith.muli %scan3A_671, %mul3A_676 : i32
          %add3A_678 = arith.addi %mul3A_450, %mul3A_677 : i32
          %add3A_679 = arith.constant 3 : i32
          %add3A_680 = arith.addi %add3A_678, %add3A_679 : i32
          %add3A_681 = vector.broadcast %add3A_680 : i32 to vector<16xi32>
          %add3A_682 = arith.addi %mul3A_675, %add3A_681 : vector<16xi32>
          %gather3A = tpu.vector_load_idx %arg10[%add3A_682] : memref<2560xi32, #tpu.memory_space<vmem>>[vector<16xi32>], vector<16xi32>,
          %add3A_683 = arith.constant 192 : i32
          %add3A_684 = arith.addi %mul3A_450, %add3A_683 : i32
          %mul3A_685 = arith.constant 16 : i32
          %mul3A_686 = arith.muli %scan3A_671, %mul3A_685 : i32
          %add3A_687 = arith.addi %add3A_684, %mul3A_686 : i32
          %swap3A = arith.index_cast %add3A_687 : i32 to index
          %swap3A_688 = tpu.vector_load %arg11[%swap3A] {strides = array<i32>} : memref<2560xi32, #tpu.memory_space<vmem>>, vector<16xi32>,
          tpu.vector_store %arg11[%swap3A], %gather3A {strides = array<i32>} : memref<2560xi32, #tpu.memory_space<vmem>>, vector<16xi32>,
          %scan3A_689 = arith.constant 0 : i32
          scf.yield %scan3A_689 : i32
        }
        %scan3A_480 = arith.constant 4 : i32
        %scan3A_481 = arith.constant 0 : i32
        %scan3A_482 = arith.constant 0 : i32
        %scan3A_483 = arith.constant 4 : i32
        %scan3A_484 = arith.addi %scan3A_482, %scan3A_483 : i32
        %scan3A_485 = arith.constant 1 : i32
        %scan3A_486 = scf.for %scan3A_671 = %scan3A_482 to %scan3A_484 step %scan3A_485 iter_args(%scan3A_672 = %scan3A_481) -> (i32)  : i32 {
          %mul3A_673 = arith.constant 20 : i32
          %mul3A_674 = vector.broadcast %mul3A_673 : i32 to vector<16xi32>
          %mul3A_675 = arith.muli %iota3A, %mul3A_674 : vector<16xi32>
          %mul3A_676 = arith.constant 320 : i32
          %mul3A_677 = arith.muli %scan3A_671, %mul3A_676 : i32
          %add3A_678 = arith.addi %mul3A_450, %mul3A_677 : i32
          %add3A_679 = arith.constant 4 : i32
          %add3A_680 = arith.addi %add3A_678, %add3A_679 : i32
          %add3A_681 = vector.broadcast %add3A_680 : i32 to vector<16xi32>
          %add3A_682 = arith.addi %mul3A_675, %add3A_681 : vector<16xi32>
          %gather3A = tpu.vector_load_idx %arg10[%add3A_682] : memref<2560xi32, #tpu.memory_space<vmem>>[vector<16xi32>], vector<16xi32>,
          %add3A_683 = arith.constant 256 : i32
          %add3A_684 = arith.addi %mul3A_450, %add3A_683 : i32
          %mul3A_685 = arith.constant 16 : i32
          %mul3A_686 = arith.muli %scan3A_671, %mul3A_685 : i32
          %add3A_687 = arith.addi %add3A_684, %mul3A_686 : i32
          %swap3A = arith.index_cast %add3A_687 : i32 to index
          %swap3A_688 = tpu.vector_load %arg11[%swap3A] {strides = array<i32>} : memref<2560xi32, #tpu.memory_space<vmem>>, vector<16xi32>,
          tpu.vector_store %arg11[%swap3A], %gather3A {strides = array<i32>} : memref<2560xi32, #tpu.memory_space<vmem>>, vector<16xi32>,
          %scan3A_689 = arith.constant 0 : i32
          scf.yield %scan3A_689 : i32
        }
        %scan3A_487 = arith.constant 4 : i32
        %scan3A_488 = arith.constant 0 : i32
        %scan3A_489 = arith.constant 0 : i32
        %scan3A_490 = arith.constant 4 : i32
        %scan3A_491 = arith.addi %scan3A_489, %scan3A_490 : i32
        %scan3A_492 = arith.constant 1 : i32
        %scan3A_493 = scf.for %scan3A_671 = %scan3A_489 to %scan3A_491 step %scan3A_492 iter_args(%scan3A_672 = %scan3A_488) -> (i32)  : i32 {
          %mul3A_673 = arith.constant 20 : i32
          %mul3A_674 = vector.broadcast %mul3A_673 : i32 to vector<16xi32>
          %mul3A_675 = arith.muli %iota3A, %mul3A_674 : vector<16xi32>
          %mul3A_676 = arith.constant 320 : i32
          %mul3A_677 = arith.muli %scan3A_671, %mul3A_676 : i32
          %add3A_678 = arith.addi %mul3A_450, %mul3A_677 : i32
          %add3A_679 = arith.constant 5 : i32
          %add3A_680 = arith.addi %add3A_678, %add3A_679 : i32
          %add3A_681 = vector.broadcast %add3A_680 : i32 to vector<16xi32>
          %add3A_682 = arith.addi %mul3A_675, %add3A_681 : vector<16xi32>
          %gather3A = tpu.vector_load_idx %arg10[%add3A_682] : memref<2560xi32, #tpu.memory_space<vmem>>[vector<16xi32>], vector<16xi32>,
          %add3A_683 = arith.constant 320 : i32
          %add3A_684 = arith.addi %mul3A_450, %add3A_683 : i32
          %mul3A_685 = arith.constant 16 : i32
          %mul3A_686 = arith.muli %scan3A_671, %mul3A_685 : i32
          %add3A_687 = arith.addi %add3A_684, %mul3A_686 : i32
          %swap3A = arith.index_cast %add3A_687 : i32 to index
          %swap3A_688 = tpu.vector_load %arg11[%swap3A] {strides = array<i32>} : memref<2560xi32, #tpu.memory_space<vmem>>, vector<16xi32>,
          tpu.vector_store %arg11[%swap3A], %gather3A {strides = array<i32>} : memref<2560xi32, #tpu.memory_space<vmem>>, vector<16xi32>,
          %scan3A_689 = arith.constant 0 : i32
          scf.yield %scan3A_689 : i32
        }
        %scan3A_494 = arith.constant 4 : i32
        %scan3A_495 = arith.constant 0 : i32
        %scan3A_496 = arith.constant 0 : i32
        %scan3A_497 = arith.constant 4 : i32
        %scan3A_498 = arith.addi %scan3A_496, %scan3A_497 : i32
        %scan3A_499 = arith.constant 1 : i32
        %scan3A_500 = scf.for %scan3A_671 = %scan3A_496 to %scan3A_498 step %scan3A_499 iter_args(%scan3A_672 = %scan3A_495) -> (i32)  : i32 {
          %mul3A_673 = arith.constant 20 : i32
          %mul3A_674 = vector.broadcast %mul3A_673 : i32 to vector<16xi32>
          %mul3A_675 = arith.muli %iota3A, %mul3A_674 : vector<16xi32>
          %mul3A_676 = arith.constant 320 : i32
          %mul3A_677 = arith.muli %scan3A_671, %mul3A_676 : i32
          %add3A_678 = arith.addi %mul3A_450, %mul3A_677 : i32
          %add3A_679 = arith.constant 6 : i32
          %add3A_680 = arith.addi %add3A_678, %add3A_679 : i32
          %add3A_681 = vector.broadcast %add3A_680 : i32 to vector<16xi32>
          %add3A_682 = arith.addi %mul3A_675, %add3A_681 : vector<16xi32>
          %gather3A = tpu.vector_load_idx %arg10[%add3A_682] : memref<2560xi32, #tpu.memory_space<vmem>>[vector<16xi32>], vector<16xi32>,
          %add3A_683 = arith.constant 384 : i32
          %add3A_684 = arith.addi %mul3A_450, %add3A_683 : i32
          %mul3A_685 = arith.constant 16 : i32
          %mul3A_686 = arith.muli %scan3A_671, %mul3A_685 : i32
          %add3A_687 = arith.addi %add3A_684, %mul3A_686 : i32
          %swap3A = arith.index_cast %add3A_687 : i32 to index
          %swap3A_688 = tpu.vector_load %arg11[%swap3A] {strides = array<i32>} : memref<2560xi32, #tpu.memory_space<vmem>>, vector<16xi32>,
          tpu.vector_store %arg11[%swap3A], %gather3A {strides = array<i32>} : memref<2560xi32, #tpu.memory_space<vmem>>, vector<16xi32>,
          %scan3A_689 = arith.constant 0 : i32
          scf.yield %scan3A_689 : i32
        }
        %scan3A_501 = arith.constant 4 : i32
        %scan3A_502 = arith.constant 0 : i32
        %scan3A_503 = arith.constant 0 : i32
        %scan3A_504 = arith.constant 4 : i32
        %scan3A_505 = arith.addi %scan3A_503, %scan3A_504 : i32
        %scan3A_506 = arith.constant 1 : i32
        %scan3A_507 = scf.for %scan3A_671 = %scan3A_503 to %scan3A_505 step %scan3A_506 iter_args(%scan3A_672 = %scan3A_502) -> (i32)  : i32 {
          %mul3A_673 = arith.constant 20 : i32
          %mul3A_674 = vector.broadcast %mul3A_673 : i32 to vector<16xi32>
          %mul3A_675 = arith.muli %iota3A, %mul3A_674 : vector<16xi32>
          %mul3A_676 = arith.constant 320 : i32
          %mul3A_677 = arith.muli %scan3A_671, %mul3A_676 : i32
          %add3A_678 = arith.addi %mul3A_450, %mul3A_677 : i32
          %add3A_679 = arith.constant 7 : i32
          %add3A_680 = arith.addi %add3A_678, %add3A_679 : i32
          %add3A_681 = vector.broadcast %add3A_680 : i32 to vector<16xi32>
          %add3A_682 = arith.addi %mul3A_675, %add3A_681 : vector<16xi32>
          %gather3A = tpu.vector_load_idx %arg10[%add3A_682] : memref<2560xi32, #tpu.memory_space<vmem>>[vector<16xi32>], vector<16xi32>,
          %add3A_683 = arith.constant 448 : i32
          %add3A_684 = arith.addi %mul3A_450, %add3A_683 : i32
          %mul3A_685 = arith.constant 16 : i32
          %mul3A_686 = arith.muli %scan3A_671, %mul3A_685 : i32
          %add3A_687 = arith.addi %add3A_684, %mul3A_686 : i32
          %swap3A = arith.index_cast %add3A_687 : i32 to index
          %swap3A_688 = tpu.vector_load %arg11[%swap3A] {strides = array<i32>} : memref<2560xi32, #tpu.memory_space<vmem>>, vector<16xi32>,
          tpu.vector_store %arg11[%swap3A], %gather3A {strides = array<i32>} : memref<2560xi32, #tpu.memory_space<vmem>>, vector<16xi32>,
          %scan3A_689 = arith.constant 0 : i32
          scf.yield %scan3A_689 : i32
        }
        %scan3A_508 = arith.constant 4 : i32
        %scan3A_509 = arith.constant 0 : i32
        %scan3A_510 = arith.constant 0 : i32
        %scan3A_511 = arith.constant 4 : i32
        %scan3A_512 = arith.addi %scan3A_510, %scan3A_511 : i32
        %scan3A_513 = arith.constant 1 : i32
        %scan3A_514 = scf.for %scan3A_671 = %scan3A_510 to %scan3A_512 step %scan3A_513 iter_args(%scan3A_672 = %scan3A_509) -> (i32)  : i32 {
          %mul3A_673 = arith.constant 20 : i32
          %mul3A_674 = vector.broadcast %mul3A_673 : i32 to vector<16xi32>
          %mul3A_675 = arith.muli %iota3A, %mul3A_674 : vector<16xi32>
          %mul3A_676 = arith.constant 320 : i32
          %mul3A_677 = arith.muli %scan3A_671, %mul3A_676 : i32
          %add3A_678 = arith.addi %mul3A_450, %mul3A_677 : i32
          %add3A_679 = arith.constant 8 : i32
          %add3A_680 = arith.addi %add3A_678, %add3A_679 : i32
          %add3A_681 = vector.broadcast %add3A_680 : i32 to vector<16xi32>
          %add3A_682 = arith.addi %mul3A_675, %add3A_681 : vector<16xi32>
          %gather3A = tpu.vector_load_idx %arg10[%add3A_682] : memref<2560xi32, #tpu.memory_space<vmem>>[vector<16xi32>], vector<16xi32>,
          %add3A_683 = arith.constant 512 : i32
          %add3A_684 = arith.addi %mul3A_450, %add3A_683 : i32
          %mul3A_685 = arith.constant 16 : i32
          %mul3A_686 = arith.muli %scan3A_671, %mul3A_685 : i32
          %add3A_687 = arith.addi %add3A_684, %mul3A_686 : i32
          %swap3A = arith.index_cast %add3A_687 : i32 to index
          %swap3A_688 = tpu.vector_load %arg11[%swap3A] {strides = array<i32>} : memref<2560xi32, #tpu.memory_space<vmem>>, vector<16xi32>,
          tpu.vector_store %arg11[%swap3A], %gather3A {strides = array<i32>} : memref<2560xi32, #tpu.memory_space<vmem>>, vector<16xi32>,
          %scan3A_689 = arith.constant 0 : i32
          scf.yield %scan3A_689 : i32
        }
        %scan3A_515 = arith.constant 4 : i32
        %scan3A_516 = arith.constant 0 : i32
        %scan3A_517 = arith.constant 0 : i32
        %scan3A_518 = arith.constant 4 : i32
        %scan3A_519 = arith.addi %scan3A_517, %scan3A_518 : i32
        %scan3A_520 = arith.constant 1 : i32
        %scan3A_521 = scf.for %scan3A_671 = %scan3A_517 to %scan3A_519 step %scan3A_520 iter_args(%scan3A_672 = %scan3A_516) -> (i32)  : i32 {
          %mul3A_673 = arith.constant 20 : i32
          %mul3A_674 = vector.broadcast %mul3A_673 : i32 to vector<16xi32>
          %mul3A_675 = arith.muli %iota3A, %mul3A_674 : vector<16xi32>
          %mul3A_676 = arith.constant 320 : i32
          %mul3A_677 = arith.muli %scan3A_671, %mul3A_676 : i32
          %add3A_678 = arith.addi %mul3A_450, %mul3A_677 : i32
          %add3A_679 = arith.constant 9 : i32
          %add3A_680 = arith.addi %add3A_678, %add3A_679 : i32
          %add3A_681 = vector.broadcast %add3A_680 : i32 to vector<16xi32>
          %add3A_682 = arith.addi %mul3A_675, %add3A_681 : vector<16xi32>
          %gather3A = tpu.vector_load_idx %arg10[%add3A_682] : memref<2560xi32, #tpu.memory_space<vmem>>[vector<16xi32>], vector<16xi32>,
          %add3A_683 = arith.constant 576 : i32
          %add3A_684 = arith.addi %mul3A_450, %add3A_683 : i32
          %mul3A_685 = arith.constant 16 : i32
          %mul3A_686 = arith.muli %scan3A_671, %mul3A_685 : i32
          %add3A_687 = arith.addi %add3A_684, %mul3A_686 : i32
          %swap3A = arith.index_cast %add3A_687 : i32 to index
          %swap3A_688 = tpu.vector_load %arg11[%swap3A] {strides = array<i32>} : memref<2560xi32, #tpu.memory_space<vmem>>, vector<16xi32>,
          tpu.vector_store %arg11[%swap3A], %gather3A {strides = array<i32>} : memref<2560xi32, #tpu.memory_space<vmem>>, vector<16xi32>,
          %scan3A_689 = arith.constant 0 : i32
          scf.yield %scan3A_689 : i32
        }
        %scan3A_522 = arith.constant 4 : i32
        %scan3A_523 = arith.constant 0 : i32
        %scan3A_524 = arith.constant 0 : i32
        %scan3A_525 = arith.constant 4 : i32
        %scan3A_526 = arith.addi %scan3A_524, %scan3A_525 : i32
        %scan3A_527 = arith.constant 1 : i32
        %scan3A_528 = scf.for %scan3A_671 = %scan3A_524 to %scan3A_526 step %scan3A_527 iter_args(%scan3A_672 = %scan3A_523) -> (i32)  : i32 {
          %mul3A_673 = arith.constant 20 : i32
          %mul3A_674 = vector.broadcast %mul3A_673 : i32 to vector<16xi32>
          %mul3A_675 = arith.muli %iota3A, %mul3A_674 : vector<16xi32>
          %mul3A_676 = arith.constant 320 : i32
          %mul3A_677 = arith.muli %scan3A_671, %mul3A_676 : i32
          %add3A_678 = arith.addi %mul3A_450, %mul3A_677 : i32
          %add3A_679 = arith.constant 10 : i32
          %add3A_680 = arith.addi %add3A_678, %add3A_679 : i32
          %add3A_681 = vector.broadcast %add3A_680 : i32 to vector<16xi32>
          %add3A_682 = arith.addi %mul3A_675, %add3A_681 : vector<16xi32>
          %gather3A = tpu.vector_load_idx %arg10[%add3A_682] : memref<2560xi32, #tpu.memory_space<vmem>>[vector<16xi32>], vector<16xi32>,
          %add3A_683 = arith.constant 640 : i32
          %add3A_684 = arith.addi %mul3A_450, %add3A_683 : i32
          %mul3A_685 = arith.constant 16 : i32
          %mul3A_686 = arith.muli %scan3A_671, %mul3A_685 : i32
          %add3A_687 = arith.addi %add3A_684, %mul3A_686 : i32
          %swap3A = arith.index_cast %add3A_687 : i32 to index
          %swap3A_688 = tpu.vector_load %arg11[%swap3A] {strides = array<i32>} : memref<2560xi32, #tpu.memory_space<vmem>>, vector<16xi32>,
          tpu.vector_store %arg11[%swap3A], %gather3A {strides = array<i32>} : memref<2560xi32, #tpu.memory_space<vmem>>, vector<16xi32>,
          %scan3A_689 = arith.constant 0 : i32
          scf.yield %scan3A_689 : i32
        }
        %scan3A_529 = arith.constant 4 : i32
        %scan3A_530 = arith.constant 0 : i32
        %scan3A_531 = arith.constant 0 : i32
        %scan3A_532 = arith.constant 4 : i32
        %scan3A_533 = arith.addi %scan3A_531, %scan3A_532 : i32
        %scan3A_534 = arith.constant 1 : i32
        %scan3A_535 = scf.for %scan3A_671 = %scan3A_531 to %scan3A_533 step %scan3A_534 iter_args(%scan3A_672 = %scan3A_530) -> (i32)  : i32 {
          %mul3A_673 = arith.constant 20 : i32
          %mul3A_674 = vector.broadcast %mul3A_673 : i32 to vector<16xi32>
          %mul3A_675 = arith.muli %iota3A, %mul3A_674 : vector<16xi32>
          %mul3A_676 = arith.constant 320 : i32
          %mul3A_677 = arith.muli %scan3A_671, %mul3A_676 : i32
          %add3A_678 = arith.addi %mul3A_450, %mul3A_677 : i32
          %add3A_679 = arith.constant 11 : i32
          %add3A_680 = arith.addi %add3A_678, %add3A_679 : i32
          %add3A_681 = vector.broadcast %add3A_680 : i32 to vector<16xi32>
          %add3A_682 = arith.addi %mul3A_675, %add3A_681 : vector<16xi32>
          %gather3A = tpu.vector_load_idx %arg10[%add3A_682] : memref<2560xi32, #tpu.memory_space<vmem>>[vector<16xi32>], vector<16xi32>,
          %add3A_683 = arith.constant 704 : i32
          %add3A_684 = arith.addi %mul3A_450, %add3A_683 : i32
          %mul3A_685 = arith.constant 16 : i32
          %mul3A_686 = arith.muli %scan3A_671, %mul3A_685 : i32
          %add3A_687 = arith.addi %add3A_684, %mul3A_686 : i32
          %swap3A = arith.index_cast %add3A_687 : i32 to index
          %swap3A_688 = tpu.vector_load %arg11[%swap3A] {strides = array<i32>} : memref<2560xi32, #tpu.memory_space<vmem>>, vector<16xi32>,
          tpu.vector_store %arg11[%swap3A], %gather3A {strides = array<i32>} : memref<2560xi32, #tpu.memory_space<vmem>>, vector<16xi32>,
          %scan3A_689 = arith.constant 0 : i32
          scf.yield %scan3A_689 : i32
        }
        %scan3A_536 = arith.constant 4 : i32
        %scan3A_537 = arith.constant 0 : i32
        %scan3A_538 = arith.constant 0 : i32
        %scan3A_539 = arith.constant 4 : i32
        %scan3A_540 = arith.addi %scan3A_538, %scan3A_539 : i32
        %scan3A_541 = arith.constant 1 : i32
        %scan3A_542 = scf.for %scan3A_671 = %scan3A_538 to %scan3A_540 step %scan3A_541 iter_args(%scan3A_672 = %scan3A_537) -> (i32)  : i32 {
          %mul3A_673 = arith.constant 20 : i32
          %mul3A_674 = vector.broadcast %mul3A_673 : i32 to vector<16xi32>
          %mul3A_675 = arith.muli %iota3A, %mul3A_674 : vector<16xi32>
          %mul3A_676 = arith.constant 320 : i32
          %mul3A_677 = arith.muli %scan3A_671, %mul3A_676 : i32
          %add3A_678 = arith.addi %mul3A_450, %mul3A_677 : i32
          %add3A_679 = arith.constant 12 : i32
          %add3A_680 = arith.addi %add3A_678, %add3A_679 : i32
          %add3A_681 = vector.broadcast %add3A_680 : i32 to vector<16xi32>
          %add3A_682 = arith.addi %mul3A_675, %add3A_681 : vector<16xi32>
          %gather3A = tpu.vector_load_idx %arg10[%add3A_682] : memref<2560xi32, #tpu.memory_space<vmem>>[vector<16xi32>], vector<16xi32>,
          %add3A_683 = arith.constant 768 : i32
          %add3A_684 = arith.addi %mul3A_450, %add3A_683 : i32
          %mul3A_685 = arith.constant 16 : i32
          %mul3A_686 = arith.muli %scan3A_671, %mul3A_685 : i32
          %add3A_687 = arith.addi %add3A_684, %mul3A_686 : i32
          %swap3A = arith.index_cast %add3A_687 : i32 to index
          %swap3A_688 = tpu.vector_load %arg11[%swap3A] {strides = array<i32>} : memref<2560xi32, #tpu.memory_space<vmem>>, vector<16xi32>,
          tpu.vector_store %arg11[%swap3A], %gather3A {strides = array<i32>} : memref<2560xi32, #tpu.memory_space<vmem>>, vector<16xi32>,
          %scan3A_689 = arith.constant 0 : i32
          scf.yield %scan3A_689 : i32
        }
        %scan3A_543 = arith.constant 4 : i32
        %scan3A_544 = arith.constant 0 : i32
        %scan3A_545 = arith.constant 0 : i32
        %scan3A_546 = arith.constant 4 : i32
        %scan3A_547 = arith.addi %scan3A_545, %scan3A_546 : i32
        %scan3A_548 = arith.constant 1 : i32
        %scan3A_549 = scf.for %scan3A_671 = %scan3A_545 to %scan3A_547 step %scan3A_548 iter_args(%scan3A_672 = %scan3A_544) -> (i32)  : i32 {
          %mul3A_673 = arith.constant 20 : i32
          %mul3A_674 = vector.broadcast %mul3A_673 : i32 to vector<16xi32>
          %mul3A_675 = arith.muli %iota3A, %mul3A_674 : vector<16xi32>
          %mul3A_676 = arith.constant 320 : i32
          %mul3A_677 = arith.muli %scan3A_671, %mul3A_676 : i32
          %add3A_678 = arith.addi %mul3A_450, %mul3A_677 : i32
          %add3A_679 = arith.constant 13 : i32
          %add3A_680 = arith.addi %add3A_678, %add3A_679 : i32
          %add3A_681 = vector.broadcast %add3A_680 : i32 to vector<16xi32>
          %add3A_682 = arith.addi %mul3A_675, %add3A_681 : vector<16xi32>
          %gather3A = tpu.vector_load_idx %arg10[%add3A_682] : memref<2560xi32, #tpu.memory_space<vmem>>[vector<16xi32>], vector<16xi32>,
          %add3A_683 = arith.constant 832 : i32
          %add3A_684 = arith.addi %mul3A_450, %add3A_683 : i32
          %mul3A_685 = arith.constant 16 : i32
          %mul3A_686 = arith.muli %scan3A_671, %mul3A_685 : i32
          %add3A_687 = arith.addi %add3A_684, %mul3A_686 : i32
          %swap3A = arith.index_cast %add3A_687 : i32 to index
          %swap3A_688 = tpu.vector_load %arg11[%swap3A] {strides = array<i32>} : memref<2560xi32, #tpu.memory_space<vmem>>, vector<16xi32>,
          tpu.vector_store %arg11[%swap3A], %gather3A {strides = array<i32>} : memref<2560xi32, #tpu.memory_space<vmem>>, vector<16xi32>,
          %scan3A_689 = arith.constant 0 : i32
          scf.yield %scan3A_689 : i32
        }
        %scan3A_550 = arith.constant 4 : i32
        %scan3A_551 = arith.constant 0 : i32
        %scan3A_552 = arith.constant 0 : i32
        %scan3A_553 = arith.constant 4 : i32
        %scan3A_554 = arith.addi %scan3A_552, %scan3A_553 : i32
        %scan3A_555 = arith.constant 1 : i32
        %scan3A_556 = scf.for %scan3A_671 = %scan3A_552 to %scan3A_554 step %scan3A_555 iter_args(%scan3A_672 = %scan3A_551) -> (i32)  : i32 {
          %mul3A_673 = arith.constant 20 : i32
          %mul3A_674 = vector.broadcast %mul3A_673 : i32 to vector<16xi32>
          %mul3A_675 = arith.muli %iota3A, %mul3A_674 : vector<16xi32>
          %mul3A_676 = arith.constant 320 : i32
          %mul3A_677 = arith.muli %scan3A_671, %mul3A_676 : i32
          %add3A_678 = arith.addi %mul3A_450, %mul3A_677 : i32
          %add3A_679 = arith.constant 14 : i32
          %add3A_680 = arith.addi %add3A_678, %add3A_679 : i32
          %add3A_681 = vector.broadcast %add3A_680 : i32 to vector<16xi32>
          %add3A_682 = arith.addi %mul3A_675, %add3A_681 : vector<16xi32>
          %gather3A = tpu.vector_load_idx %arg10[%add3A_682] : memref<2560xi32, #tpu.memory_space<vmem>>[vector<16xi32>], vector<16xi32>,
          %add3A_683 = arith.constant 896 : i32
          %add3A_684 = arith.addi %mul3A_450, %add3A_683 : i32
          %mul3A_685 = arith.constant 16 : i32
          %mul3A_686 = arith.muli %scan3A_671, %mul3A_685 : i32
          %add3A_687 = arith.addi %add3A_684, %mul3A_686 : i32
          %swap3A = arith.index_cast %add3A_687 : i32 to index
          %swap3A_688 = tpu.vector_load %arg11[%swap3A] {strides = array<i32>} : memref<2560xi32, #tpu.memory_space<vmem>>, vector<16xi32>,
          tpu.vector_store %arg11[%swap3A], %gather3A {strides = array<i32>} : memref<2560xi32, #tpu.memory_space<vmem>>, vector<16xi32>,
          %scan3A_689 = arith.constant 0 : i32
          scf.yield %scan3A_689 : i32
        }
        %scan3A_557 = arith.constant 4 : i32
        %scan3A_558 = arith.constant 0 : i32
        %scan3A_559 = arith.constant 0 : i32
        %scan3A_560 = arith.constant 4 : i32
        %scan3A_561 = arith.addi %scan3A_559, %scan3A_560 : i32
        %scan3A_562 = arith.constant 1 : i32
        %scan3A_563 = scf.for %scan3A_671 = %scan3A_559 to %scan3A_561 step %scan3A_562 iter_args(%scan3A_672 = %scan3A_558) -> (i32)  : i32 {
          %mul3A_673 = arith.constant 20 : i32
          %mul3A_674 = vector.broadcast %mul3A_673 : i32 to vector<16xi32>
          %mul3A_675 = arith.muli %iota3A, %mul3A_674 : vector<16xi32>
          %mul3A_676 = arith.constant 320 : i32
          %mul3A_677 = arith.muli %scan3A_671, %mul3A_676 : i32
          %add3A_678 = arith.addi %mul3A_450, %mul3A_677 : i32
          %add3A_679 = arith.constant 15 : i32
          %add3A_680 = arith.addi %add3A_678, %add3A_679 : i32
          %add3A_681 = vector.broadcast %add3A_680 : i32 to vector<16xi32>
          %add3A_682 = arith.addi %mul3A_675, %add3A_681 : vector<16xi32>
          %gather3A = tpu.vector_load_idx %arg10[%add3A_682] : memref<2560xi32, #tpu.memory_space<vmem>>[vector<16xi32>], vector<16xi32>,
          %add3A_683 = arith.constant 960 : i32
          %add3A_684 = arith.addi %mul3A_450, %add3A_683 : i32
          %mul3A_685 = arith.constant 16 : i32
          %mul3A_686 = arith.muli %scan3A_671, %mul3A_685 : i32
          %add3A_687 = arith.addi %add3A_684, %mul3A_686 : i32
          %swap3A = arith.index_cast %add3A_687 : i32 to index
          %swap3A_688 = tpu.vector_load %arg11[%swap3A] {strides = array<i32>} : memref<2560xi32, #tpu.memory_space<vmem>>, vector<16xi32>,
          tpu.vector_store %arg11[%swap3A], %gather3A {strides = array<i32>} : memref<2560xi32, #tpu.memory_space<vmem>>, vector<16xi32>,
          %scan3A_689 = arith.constant 0 : i32
          scf.yield %scan3A_689 : i32
        }
        %scan3A_564 = arith.constant 4 : i32
        %scan3A_565 = arith.constant 0 : i32
        %scan3A_566 = arith.constant 0 : i32
        %scan3A_567 = arith.constant 4 : i32
        %scan3A_568 = arith.addi %scan3A_566, %scan3A_567 : i32
        %scan3A_569 = arith.constant 1 : i32
        %scan3A_570 = scf.for %scan3A_671 = %scan3A_566 to %scan3A_568 step %scan3A_569 iter_args(%scan3A_672 = %scan3A_565) -> (i32)  : i32 {
          %mul3A_673 = arith.constant 20 : i32
          %mul3A_674 = vector.broadcast %mul3A_673 : i32 to vector<16xi32>
          %mul3A_675 = arith.muli %iota3A, %mul3A_674 : vector<16xi32>
          %mul3A_676 = arith.constant 320 : i32
          %mul3A_677 = arith.muli %scan3A_671, %mul3A_676 : i32
          %add3A_678 = arith.addi %mul3A_450, %mul3A_677 : i32
          %add3A_679 = arith.constant 16 : i32
          %add3A_680 = arith.addi %add3A_678, %add3A_679 : i32
          %add3A_681 = vector.broadcast %add3A_680 : i32 to vector<16xi32>
          %add3A_682 = arith.addi %mul3A_675, %add3A_681 : vector<16xi32>
          %gather3A = tpu.vector_load_idx %arg10[%add3A_682] : memref<2560xi32, #tpu.memory_space<vmem>>[vector<16xi32>], vector<16xi32>,
          %add3A_683 = arith.constant 1024 : i32
          %add3A_684 = arith.addi %mul3A_450, %add3A_683 : i32
          %mul3A_685 = arith.constant 16 : i32
          %mul3A_686 = arith.muli %scan3A_671, %mul3A_685 : i32
          %add3A_687 = arith.addi %add3A_684, %mul3A_686 : i32
          %swap3A = arith.index_cast %add3A_687 : i32 to index
          %swap3A_688 = tpu.vector_load %arg11[%swap3A] {strides = array<i32>} : memref<2560xi32, #tpu.memory_space<vmem>>, vector<16xi32>,
          tpu.vector_store %arg11[%swap3A], %gather3A {strides = array<i32>} : memref<2560xi32, #tpu.memory_space<vmem>>, vector<16xi32>,
          %scan3A_689 = arith.constant 0 : i32
          scf.yield %scan3A_689 : i32
        }
        %scan3A_571 = arith.constant 4 : i32
        %scan3A_572 = arith.constant 0 : i32
        %scan3A_573 = arith.constant 0 : i32
        %scan3A_574 = arith.constant 4 : i32
        %scan3A_575 = arith.addi %scan3A_573, %scan3A_574 : i32
        %scan3A_576 = arith.constant 1 : i32
        %scan3A_577 = scf.for %scan3A_671 = %scan3A_573 to %scan3A_575 step %scan3A_576 iter_args(%scan3A_672 = %scan3A_572) -> (i32)  : i32 {
          %mul3A_673 = arith.constant 20 : i32
          %mul3A_674 = vector.broadcast %mul3A_673 : i32 to vector<16xi32>
          %mul3A_675 = arith.muli %iota3A, %mul3A_674 : vector<16xi32>
          %mul3A_676 = arith.constant 320 : i32
          %mul3A_677 = arith.muli %scan3A_671, %mul3A_676 : i32
          %add3A_678 = arith.addi %mul3A_450, %mul3A_677 : i32
          %add3A_679 = arith.constant 17 : i32
          %add3A_680 = arith.addi %add3A_678, %add3A_679 : i32
          %add3A_681 = vector.broadcast %add3A_680 : i32 to vector<16xi32>
          %add3A_682 = arith.addi %mul3A_675, %add3A_681 : vector<16xi32>
          %gather3A = tpu.vector_load_idx %arg10[%add3A_682] : memref<2560xi32, #tpu.memory_space<vmem>>[vector<16xi32>], vector<16xi32>,
          %add3A_683 = arith.constant 1088 : i32
          %add3A_684 = arith.addi %mul3A_450, %add3A_683 : i32
          %mul3A_685 = arith.constant 16 : i32
          %mul3A_686 = arith.muli %scan3A_671, %mul3A_685 : i32
          %add3A_687 = arith.addi %add3A_684, %mul3A_686 : i32
          %swap3A = arith.index_cast %add3A_687 : i32 to index
          %swap3A_688 = tpu.vector_load %arg11[%swap3A] {strides = array<i32>} : memref<2560xi32, #tpu.memory_space<vmem>>, vector<16xi32>,
          tpu.vector_store %arg11[%swap3A], %gather3A {strides = array<i32>} : memref<2560xi32, #tpu.memory_space<vmem>>, vector<16xi32>,
          %scan3A_689 = arith.constant 0 : i32
          scf.yield %scan3A_689 : i32
        }
        %scan3A_578 = arith.constant 4 : i32
        %scan3A_579 = arith.constant 0 : i32
        %scan3A_580 = arith.constant 0 : i32
        %scan3A_581 = arith.constant 4 : i32
        %scan3A_582 = arith.addi %scan3A_580, %scan3A_581 : i32
        %scan3A_583 = arith.constant 1 : i32
        %scan3A_584 = scf.for %scan3A_671 = %scan3A_580 to %scan3A_582 step %scan3A_583 iter_args(%scan3A_672 = %scan3A_579) -> (i32)  : i32 {
          %mul3A_673 = arith.constant 20 : i32
          %mul3A_674 = vector.broadcast %mul3A_673 : i32 to vector<16xi32>
          %mul3A_675 = arith.muli %iota3A, %mul3A_674 : vector<16xi32>
          %mul3A_676 = arith.constant 320 : i32
          %mul3A_677 = arith.muli %scan3A_671, %mul3A_676 : i32
          %add3A_678 = arith.addi %mul3A_450, %mul3A_677 : i32
          %add3A_679 = arith.constant 18 : i32
          %add3A_680 = arith.addi %add3A_678, %add3A_679 : i32
          %add3A_681 = vector.broadcast %add3A_680 : i32 to vector<16xi32>
          %add3A_682 = arith.addi %mul3A_675, %add3A_681 : vector<16xi32>
          %gather3A = tpu.vector_load_idx %arg10[%add3A_682] : memref<2560xi32, #tpu.memory_space<vmem>>[vector<16xi32>], vector<16xi32>,
          %add3A_683 = arith.constant 1152 : i32
          %add3A_684 = arith.addi %mul3A_450, %add3A_683 : i32
          %mul3A_685 = arith.constant 16 : i32
          %mul3A_686 = arith.muli %scan3A_671, %mul3A_685 : i32
          %add3A_687 = arith.addi %add3A_684, %mul3A_686 : i32
          %swap3A = arith.index_cast %add3A_687 : i32 to index
          %swap3A_688 = tpu.vector_load %arg11[%swap3A] {strides = array<i32>} : memref<2560xi32, #tpu.memory_space<vmem>>, vector<16xi32>,
          tpu.vector_store %arg11[%swap3A], %gather3A {strides = array<i32>} : memref<2560xi32, #tpu.memory_space<vmem>>, vector<16xi32>,
          %scan3A_689 = arith.constant 0 : i32
          scf.yield %scan3A_689 : i32
        }
        %scan3A_585 = arith.constant 4 : i32
        %scan3A_586 = arith.constant 0 : i32
        %scan3A_587 = arith.constant 0 : i32
        %scan3A_588 = arith.constant 4 : i32
        %scan3A_589 = arith.addi %scan3A_587, %scan3A_588 : i32
        %scan3A_590 = arith.constant 1 : i32
        %scan3A_591 = scf.for %scan3A_671 = %scan3A_587 to %scan3A_589 step %scan3A_590 iter_args(%scan3A_672 = %scan3A_586) -> (i32)  : i32 {
          %mul3A_673 = arith.constant 20 : i32
          %mul3A_674 = vector.broadcast %mul3A_673 : i32 to vector<16xi32>
          %mul3A_675 = arith.muli %iota3A, %mul3A_674 : vector<16xi32>
          %mul3A_676 = arith.constant 320 : i32
          %mul3A_677 = arith.muli %scan3A_671, %mul3A_676 : i32
          %add3A_678 = arith.addi %mul3A_450, %mul3A_677 : i32
          %add3A_679 = arith.constant 19 : i32
          %add3A_680 = arith.addi %add3A_678, %add3A_679 : i32
          %add3A_681 = vector.broadcast %add3A_680 : i32 to vector<16xi32>
          %add3A_682 = arith.addi %mul3A_675, %add3A_681 : vector<16xi32>
          %gather3A = tpu.vector_load_idx %arg10[%add3A_682] : memref<2560xi32, #tpu.memory_space<vmem>>[vector<16xi32>], vector<16xi32>,
          %add3A_683 = arith.constant 1216 : i32
          %add3A_684 = arith.addi %mul3A_450, %add3A_683 : i32
          %mul3A_685 = arith.constant 16 : i32
          %mul3A_686 = arith.muli %scan3A_671, %mul3A_685 : i32
          %add3A_687 = arith.addi %add3A_684, %mul3A_686 : i32
          %swap3A = arith.index_cast %add3A_687 : i32 to index
          %swap3A_688 = tpu.vector_load %arg11[%swap3A] {strides = array<i32>} : memref<2560xi32, #tpu.memory_space<vmem>>, vector<16xi32>,
          tpu.vector_store %arg11[%swap3A], %gather3A {strides = array<i32>} : memref<2560xi32, #tpu.memory_space<vmem>>, vector<16xi32>,
          %scan3A_689 = arith.constant 0 : i32
          scf.yield %scan3A_689 : i32
        }
        %scan3A_592 = arith.constant 4 : i32
        %jit3A_593 = arith.constant 2 : i32
        %eq3A_594 = arith.constant 0 : i32
        %eq3A_595 = arith.cmpi eq, %jit3A_593, %eq3A_594 : i32
        %jit3A_596 = arith.constant 1 : i32
        %select_n3A_597 = arith.select %eq3A_595, %jit3A_596, %jit3A_593 : i32
        %rem3A_598 = arith.remsi %add3A_403, %select_n3A_597 : i32
        %ne3A_599 = arith.constant 0 : i32
        %ne3A_600 = arith.cmpi ne, %rem3A_598, %ne3A_599 : i32
        %lt3A_601 = arith.constant 0 : i32
        %lt3A_602 = arith.cmpi slt, %rem3A_598, %lt3A_601 : i32
        %lt3A_603 = arith.constant 0 : i32
        %lt3A_604 = arith.cmpi slt, %select_n3A_597, %lt3A_603 : i32
        %ne3A_605 = arith.xori %lt3A_602, %lt3A_604 : i1
        %and3A_606 = arith.andi %ne3A_605, %ne3A_600 : i1
        %add3A_607 = arith.addi %rem3A_598, %select_n3A_597 : i32
        %select_n3A_608 = arith.select %and3A_606, %add3A_607, %rem3A_598 : i32
        %mul3A_609 = arith.constant 1280 : i32
        %mul3A_610 = arith.muli %select_n3A_608, %mul3A_609 : i32
        %add3A_611 = arith.constant 0 : i32
        %add3A_612 = arith.addi %mul3A_610, %add3A_611 : i32
        %dma_start3A_613 = tpu.memref_slice %arg11[%add3A_612] : memref<2560xi32, #tpu.memory_space<vmem>> -> memref<64xi32, #tpu.memory_space<vmem>>
        %dma_start3A_614 = arith.constant 0 : i32
        %dma_start3A_615 = arith.constant 0 : i32
        %dma_start3A_616 = tpu.memref_slice %arg3[%dma_start3A_614, %dma_start3A_615] : memref<1000000x64xf32, #tpu.memory_space<hbm>> -> memref<1000000x64xf32, #tpu.memory_space<hbm>>
        tpu.enqueue_indirect_dma source(%dma_start3A_616 : memref<1000000x64xf32, #tpu.memory_space<hbm>>) target(%arg15 : memref<64x64xf32, #tpu.memory_space<vmem>>) offsets(%dma_start3A_613 : memref<64xi32, #tpu.memory_space<vmem>>) semaphore(%arg37 : memref<!tpu.dma_semaphore, #tpu.memory_space<semaphore_mem>>)
        %add3A_617 = arith.constant 64 : i32
        %add3A_618 = arith.addi %mul3A_610, %add3A_617 : i32
        %dma_start3A_619 = tpu.memref_slice %arg11[%add3A_618] : memref<2560xi32, #tpu.memory_space<vmem>> -> memref<64xi32, #tpu.memory_space<vmem>>
        %dma_start3A_620 = arith.constant 0 : i32
        %dma_start3A_621 = arith.constant 0 : i32
        %dma_start3A_622 = tpu.memref_slice %arg3[%dma_start3A_620, %dma_start3A_621] : memref<1000000x64xf32, #tpu.memory_space<hbm>> -> memref<1000000x64xf32, #tpu.memory_space<hbm>>
        tpu.enqueue_indirect_dma source(%dma_start3A_622 : memref<1000000x64xf32, #tpu.memory_space<hbm>>) target(%arg16 : memref<64x64xf32, #tpu.memory_space<vmem>>) offsets(%dma_start3A_619 : memref<64xi32, #tpu.memory_space<vmem>>) semaphore(%arg37 : memref<!tpu.dma_semaphore, #tpu.memory_space<semaphore_mem>>)
        %add3A_623 = arith.constant 128 : i32
        %add3A_624 = arith.addi %mul3A_610, %add3A_623 : i32
        %dma_start3A_625 = tpu.memref_slice %arg11[%add3A_624] : memref<2560xi32, #tpu.memory_space<vmem>> -> memref<64xi32, #tpu.memory_space<vmem>>
        %dma_start3A_626 = arith.constant 0 : i32
        %dma_start3A_627 = arith.constant 0 : i32
        %dma_start3A_628 = tpu.memref_slice %arg3[%dma_start3A_626, %dma_start3A_627] : memref<1000000x64xf32, #tpu.memory_space<hbm>> -> memref<1000000x64xf32, #tpu.memory_space<hbm>>
        tpu.enqueue_indirect_dma source(%dma_start3A_628 : memref<1000000x64xf32, #tpu.memory_space<hbm>>) target(%arg17 : memref<64x64xf32, #tpu.memory_space<vmem>>) offsets(%dma_start3A_625 : memref<64xi32, #tpu.memory_space<vmem>>) semaphore(%arg37 : memref<!tpu.dma_semaphore, #tpu.memory_space<semaphore_mem>>)
        %add3A_629 = arith.constant 192 : i32
        %add3A_630 = arith.addi %mul3A_610, %add3A_629 : i32
        %dma_start3A_631 = tpu.memref_slice %arg11[%add3A_630] : memref<2560xi32, #tpu.memory_space<vmem>> -> memref<64xi32, #tpu.memory_space<vmem>>
        %dma_start3A_632 = arith.constant 0 : i32
        %dma_start3A_633 = arith.constant 0 : i32
        %dma_start3A_634 = tpu.memref_slice %arg3[%dma_start3A_632, %dma_start3A_633] : memref<1000000x64xf32, #tpu.memory_space<hbm>> -> memref<1000000x64xf32, #tpu.memory_space<hbm>>
        tpu.enqueue_indirect_dma source(%dma_start3A_634 : memref<1000000x64xf32, #tpu.memory_space<hbm>>) target(%arg18 : memref<64x64xf32, #tpu.memory_space<vmem>>) offsets(%dma_start3A_631 : memref<64xi32, #tpu.memory_space<vmem>>) semaphore(%arg37 : memref<!tpu.dma_semaphore, #tpu.memory_space<semaphore_mem>>)
        %add3A_635 = arith.constant 256 : i32
        %add3A_636 = arith.addi %mul3A_610, %add3A_635 : i32
        %dma_start3A_637 = tpu.memref_slice %arg11[%add3A_636] : memref<2560xi32, #tpu.memory_space<vmem>> -> memref<64xi32, #tpu.memory_space<vmem>>
        %dma_start3A_638 = arith.constant 0 : i32
        %dma_start3A_639 = arith.constant 0 : i32
        %dma_start3A_640 = tpu.memref_slice %arg3[%dma_start3A_638, %dma_start3A_639] : memref<1000000x64xf32, #tpu.memory_space<hbm>> -> memref<1000000x64xf32, #tpu.memory_space<hbm>>
        tpu.enqueue_indirect_dma source(%dma_start3A_640 : memref<1000000x64xf32, #tpu.memory_space<hbm>>) target(%arg19 : memref<64x64xf32, #tpu.memory_space<vmem>>) offsets(%dma_start3A_637 : memref<64xi32, #tpu.memory_space<vmem>>) semaphore(%arg37 : memref<!tpu.dma_semaphore, #tpu.memory_space<semaphore_mem>>)
        %add3A_641 = arith.constant 320 : i32
        %add3A_642 = arith.addi %mul3A_610, %add3A_641 : i32
        %dma_start3A_643 = tpu.memref_slice %arg11[%add3A_642] : memref<2560xi32, #tpu.memory_space<vmem>> -> memref<64xi32, #tpu.memory_space<vmem>>
        %dma_start3A_644 = arith.constant 0 : i32
        %dma_start3A_645 = arith.constant 0 : i32
        %dma_start3A_646 = tpu.memref_slice %arg3[%dma_start3A_644, %dma_start3A_645] : memref<1000000x64xf32, #tpu.memory_space<hbm>> -> memref<1000000x64xf32, #tpu.memory_space<hbm>>
        tpu.enqueue_indirect_dma source(%dma_start3A_646 : memref<1000000x64xf32, #tpu.memory_space<hbm>>) target(%arg20 : memref<64x64xf32, #tpu.memory_space<vmem>>) offsets(%dma_start3A_643 : memref<64xi32, #tpu.memory_space<vmem>>) semaphore(%arg37 : memref<!tpu.dma_semaphore, #tpu.memory_space<semaphore_mem>>)
        %add3A_647 = arith.constant 384 : i32
        %add3A_648 = arith.addi %mul3A_610, %add3A_647 : i32
        %dma_start3A_649 = tpu.memref_slice %arg11[%add3A_648] : memref<2560xi32, #tpu.memory_space<vmem>> -> memref<64xi32, #tpu.memory_space<vmem>>
        %dma_start3A_650 = arith.constant 0 : i32
        %dma_start3A_651 = arith.constant 0 : i32
        %dma_start3A_652 = tpu.memref_slice %arg3[%dma_start3A_650, %dma_start3A_651] : memref<1000000x64xf32, #tpu.memory_space<hbm>> -> memref<1000000x64xf32, #tpu.memory_space<hbm>>
        tpu.enqueue_indirect_dma source(%dma_start3A_652 : memref<1000000x64xf32, #tpu.memory_space<hbm>>) target(%arg21 : memref<64x64xf32, #tpu.memory_space<vmem>>) offsets(%dma_start3A_649 : memref<64xi32, #tpu.memory_space<vmem>>) semaphore(%arg37 : memref<!tpu.dma_semaphore, #tpu.memory_space<semaphore_mem>>)
        %add3A_653 = arith.constant 448 : i32
        %add3A_654 = arith.addi %mul3A_610, %add3A_653 : i32
        %dma_start3A_655 = tpu.memref_slice %arg11[%add3A_654] : memref<2560xi32, #tpu.memory_space<vmem>> -> memref<64xi32, #tpu.memory_space<vmem>>
        %dma_start3A_656 = arith.constant 0 : i32
        %dma_start3A_657 = arith.constant 0 : i32
        %dma_start3A_658 = tpu.memref_slice %arg3[%dma_start3A_656, %dma_start3A_657] : memref<1000000x64xf32, #tpu.memory_space<hbm>> -> memref<1000000x64xf32, #tpu.memory_space<hbm>>
        tpu.enqueue_indirect_dma source(%dma_start3A_658 : memref<1000000x64xf32, #tpu.memory_space<hbm>>) target(%arg22 : memref<64x64xf32, #tpu.memory_space<vmem>>) offsets(%dma_start3A_655 : memref<64xi32, #tpu.memory_space<vmem>>) semaphore(%arg37 : memref<!tpu.dma_semaphore, #tpu.memory_space<semaphore_mem>>)
        %add3A_659 = arith.constant 512 : i32
        %add3A_660 = arith.addi %mul3A_610, %add3A_659 : i32
        %dma_start3A_661 = tpu.memref_slice %arg11[%add3A_660] : memref<2560xi32, #tpu.memory_space<vmem>> -> memref<64xi32, #tpu.memory_space<vmem>>
        %dma_start3A_662 = arith.constant 0 : i32
        %dma_start3A_663 = arith.constant 0 : i32
        %dma_start3A_664 = tpu.memref_slice %arg3[%dma_start3A_662, %dma_start3A_663] : memref<1000000x64xf32, #tpu.memory_space<hbm>> -> memref<1000000x64xf32, #tpu.memory_space<hbm>>
        tpu.enqueue_indirect_dma source(%dma_start3A_664 : memref<1000000x64xf32, #tpu.memory_space<hbm>>) target(%arg23 : memref<64x64xf32, #tpu.memory_space<vmem>>) offsets(%dma_start3A_661 : memref<64xi32, #tpu.memory_space<vmem>>) semaphore(%arg37 : memref<!tpu.dma_semaphore, #tpu.memory_space<semaphore_mem>>)
        %add3A_665 = arith.constant 576 : i32
        %add3A_666 = arith.addi %mul3A_610, %add3A_665 : i32
        %dma_start3A_667 = tpu.memref_slice %arg11[%add3A_666] : memref<2560xi32, #tpu.memory_space<vmem>> -> memref<64xi32, #tpu.memory_space<vmem>>
        %dma_start3A_668 = arith.constant 0 : i32
        %dma_start3A_669 = arith.constant 0 : i32
        %dma_start3A_670 = tpu.memref_slice %arg3[%dma_start3A_668, %dma_start3A_669] : memref<1000000x64xf32, #tpu.memory_space<hbm>> -> memref<1000000x64xf32, #tpu.memory_space<hbm>>
        tpu.enqueue_indirect_dma source(%dma_start3A_670 : memref<1000000x64xf32, #tpu.memory_space<hbm>>) target(%arg24 : memref<64x64xf32, #tpu.memory_space<vmem>>) offsets(%dma_start3A_667 : memref<64xi32, #tpu.memory_space<vmem>>) semaphore(%arg37 : memref<!tpu.dma_semaphore, #tpu.memory_space<semaphore_mem>>)
      } else {
      }
      %scan3A_366 = arith.constant 0 : i32
      %scan3A_367 = arith.constant 0 : i32
      %scan3A_368 = arith.constant 10 : i32
      %scan3A_369 = arith.addi %scan3A_367, %scan3A_368 : i32
      %scan3A_370 = arith.constant 1 : i32
      %scan3A_371 = scf.for %scan3A_402 = %scan3A_367 to %scan3A_369 step %scan3A_370 iter_args(%scan3A_403 = %scan3A_366) -> (i32)  : i32 {
        %dma_wait3A_404 = arith.constant 0 : i32
        %dma_wait3A_405 = arith.constant 0 : i32
        %dma_wait3A_406 = tpu.memref_slice %arg3[%dma_wait3A_404, %dma_wait3A_405] : memref<1000000x64xf32, #tpu.memory_space<hbm>> -> memref<64x64xf32, #tpu.memory_space<hbm>>
        %dma_wait3A_407 = arith.constant 0 : i32
        %dma_wait3A_408 = arith.constant 0 : i32
        %dma_wait3A_409 = tpu.memref_slice %arg3[%dma_wait3A_407, %dma_wait3A_408] : memref<1000000x64xf32, #tpu.memory_space<hbm>> -> memref<64x64xf32, #tpu.memory_space<hbm>>
        tpu.wait_dma2 semaphore(%arg38 : memref<!tpu.dma_semaphore, #tpu.memory_space<semaphore_mem>>) src(%dma_wait3A_409 : memref<64x64xf32, #tpu.memory_space<hbm>>) dst(%arg15 : memref<64x64xf32, #tpu.memory_space<vmem>>)
        %scan3A_410 = arith.constant 0 : i32
        scf.yield %scan3A_410 : i32
      }
      %scan3A_372 = arith.constant 10 : i32
      %jit3A_373 = arith.constant 2 : i32
      %eq3A_374 = arith.constant 0 : i32
      %eq3A_375 = arith.cmpi eq, %jit3A_373, %eq3A_374 : i32
      %jit3A_376 = arith.constant 1 : i32
      %select_n3A_377 = arith.select %eq3A_375, %jit3A_376, %jit3A_373 : i32
      %rem3A_378 = arith.remsi %scan3A_218, %select_n3A_377 : i32
      %ne3A_379 = arith.constant 0 : i32
      %ne3A_380 = arith.cmpi ne, %rem3A_378, %ne3A_379 : i32
      %lt3A_381 = arith.constant 0 : i32
      %lt3A_382 = arith.cmpi slt, %rem3A_378, %lt3A_381 : i32
      %lt3A_383 = arith.constant 0 : i32
      %lt3A_384 = arith.cmpi slt, %select_n3A_377, %lt3A_383 : i32
      %ne3A_385 = arith.xori %lt3A_382, %lt3A_384 : i1
      %and3A_386 = arith.andi %ne3A_385, %ne3A_380 : i1
      %add3A_387 = arith.addi %rem3A_378, %select_n3A_377 : i32
      %select_n3A_388 = arith.select %and3A_386, %add3A_387, %rem3A_378 : i32
      %scan3A_389 = arith.constant 0 : i32
      %scan3A_390 = arith.constant 0 : i32
      %scan3A_391 = arith.constant 4 : i32
      %scan3A_392 = arith.addi %scan3A_390, %scan3A_391 : i32
      %scan3A_393 = arith.constant 1 : i32
      %scan3A_394 = scf.for %scan3A_402 = %scan3A_390 to %scan3A_392 step %scan3A_393 iter_args(%scan3A_403 = %scan3A_389) -> (i32)  : i32 {
        %mul3A_404 = arith.constant 64 : i32
        %mul3A_405 = arith.muli %select_n3A_388, %mul3A_404 : i32
        %mul3A_406 = arith.constant 16 : i32
        %mul3A_407 = arith.muli %scan3A_402, %mul3A_406 : i32
        %add3A_408 = arith.addi %mul3A_405, %mul3A_407 : i32
        %add3A_409 = vector.broadcast %add3A_408 : i32 to vector<16xi32>
        %add3A_410 = arith.addi %iota3A, %add3A_409 : vector<16xi32>
        %mul3A_411 = arith.constant 16 : i32
        %mul3A_412 = arith.muli %scan3A_402, %mul3A_411 : i32
        %add3A_413 = vector.broadcast %mul3A_412 : i32 to vector<16xi32>
        %add3A_414 = arith.addi %iota3A, %add3A_413 : vector<16xi32>
        %broadcast_in_dim3A = arith.constant 0.000000e+00 : f32
        %broadcast_in_dim3A_415 = vector.broadcast %broadcast_in_dim3A : f32 to vector<16xf32>
        %scan3A_416 = arith.constant 0 : i32
        %scan3A_417 = arith.constant 8 : i32
        %scan3A_418 = arith.addi %scan3A_416, %scan3A_417 : i32
        %scan3A_419 = arith.constant 1 : i32
        %scan3A_420:10 = scf.for %scan3A_511 = %scan3A_416 to %scan3A_418 step %scan3A_419 iter_args(%scan3A_512 = %broadcast_in_dim3A_415, %scan3A_513 = %broadcast_in_dim3A_415, %scan3A_514 = %broadcast_in_dim3A_415, %scan3A_515 = %broadcast_in_dim3A_415, %scan3A_516 = %broadcast_in_dim3A_415, %scan3A_517 = %broadcast_in_dim3A_415, %scan3A_518 = %broadcast_in_dim3A_415, %scan3A_519 = %broadcast_in_dim3A_415, %scan3A_520 = %broadcast_in_dim3A_415, %scan3A_521 = %broadcast_in_dim3A_415) -> (vector<16xf32>, vector<16xf32>, vector<16xf32>, vector<16xf32>, vector<16xf32>, vector<16xf32>, vector<16xf32>, vector<16xf32>, vector<16xf32>, vector<16xf32>)  : i32 {
          %mul3A_522 = arith.constant 8 : i32
          %mul3A_523 = arith.muli %scan3A_511, %mul3A_522 : i32
          %add3A_524 = arith.constant 0 : i32
          %add3A_525 = arith.addi %mul3A_523, %add3A_524 : i32
          %broadcast_in_dim3A_526 = vector.broadcast %add3A_525 : i32 to vector<16xi32>
          %gather3A = tpu.vector_load_idx %arg12[%add3A_410, %broadcast_in_dim3A_526] : memref<128x64xf32, #tpu.memory_space<vmem>>[vector<16xi32>, vector<16xi32>], vector<16xf32>,
          %gather3A_527 = tpu.vector_load_idx %arg25[%add3A_414, %broadcast_in_dim3A_526] : memref<64x64xf32, #tpu.memory_space<vmem>>[vector<16xi32>, vector<16xi32>], vector<16xf32>,
          %mul3A_528 = arith.mulf %gather3A, %gather3A_527 : vector<16xf32>
          %add3A_529 = arith.addf %scan3A_512, %mul3A_528 : vector<16xf32>
          %gather3A_530 = tpu.vector_load_idx %arg26[%add3A_414, %broadcast_in_dim3A_526] : memref<64x64xf32, #tpu.memory_space<vmem>>[vector<16xi32>, vector<16xi32>], vector<16xf32>,
          %mul3A_531 = arith.mulf %gather3A, %gather3A_530 : vector<16xf32>
          %add3A_532 = arith.addf %scan3A_513, %mul3A_531 : vector<16xf32>
          %gather3A_533 = tpu.vector_load_idx %arg27[%add3A_414, %broadcast_in_dim3A_526] : memref<64x64xf32, #tpu.memory_space<vmem>>[vector<16xi32>, vector<16xi32>], vector<16xf32>,
          %mul3A_534 = arith.mulf %gather3A, %gather3A_533 : vector<16xf32>
          %add3A_535 = arith.addf %scan3A_514, %mul3A_534 : vector<16xf32>
          %gather3A_536 = tpu.vector_load_idx %arg28[%add3A_414, %broadcast_in_dim3A_526] : memref<64x64xf32, #tpu.memory_space<vmem>>[vector<16xi32>, vector<16xi32>], vector<16xf32>,
          %mul3A_537 = arith.mulf %gather3A, %gather3A_536 : vector<16xf32>
          %add3A_538 = arith.addf %scan3A_515, %mul3A_537 : vector<16xf32>
          %gather3A_539 = tpu.vector_load_idx %arg29[%add3A_414, %broadcast_in_dim3A_526] : memref<64x64xf32, #tpu.memory_space<vmem>>[vector<16xi32>, vector<16xi32>], vector<16xf32>,
          %mul3A_540 = arith.mulf %gather3A, %gather3A_539 : vector<16xf32>
          %add3A_541 = arith.addf %scan3A_516, %mul3A_540 : vector<16xf32>
          %gather3A_542 = tpu.vector_load_idx %arg30[%add3A_414, %broadcast_in_dim3A_526] : memref<64x64xf32, #tpu.memory_space<vmem>>[vector<16xi32>, vector<16xi32>], vector<16xf32>,
          %mul3A_543 = arith.mulf %gather3A, %gather3A_542 : vector<16xf32>
          %add3A_544 = arith.addf %scan3A_517, %mul3A_543 : vector<16xf32>
          %gather3A_545 = tpu.vector_load_idx %arg31[%add3A_414, %broadcast_in_dim3A_526] : memref<64x64xf32, #tpu.memory_space<vmem>>[vector<16xi32>, vector<16xi32>], vector<16xf32>,
          %mul3A_546 = arith.mulf %gather3A, %gather3A_545 : vector<16xf32>
          %add3A_547 = arith.addf %scan3A_518, %mul3A_546 : vector<16xf32>
          %gather3A_548 = tpu.vector_load_idx %arg32[%add3A_414, %broadcast_in_dim3A_526] : memref<64x64xf32, #tpu.memory_space<vmem>>[vector<16xi32>, vector<16xi32>], vector<16xf32>,
          %mul3A_549 = arith.mulf %gather3A, %gather3A_548 : vector<16xf32>
          %add3A_550 = arith.addf %scan3A_519, %mul3A_549 : vector<16xf32>
          %gather3A_551 = tpu.vector_load_idx %arg33[%add3A_414, %broadcast_in_dim3A_526] : memref<64x64xf32, #tpu.memory_space<vmem>>[vector<16xi32>, vector<16xi32>], vector<16xf32>,
          %mul3A_552 = arith.mulf %gather3A, %gather3A_551 : vector<16xf32>
          %add3A_553 = arith.addf %scan3A_520, %mul3A_552 : vector<16xf32>
          %gather3A_554 = tpu.vector_load_idx %arg34[%add3A_414, %broadcast_in_dim3A_526] : memref<64x64xf32, #tpu.memory_space<vmem>>[vector<16xi32>, vector<16xi32>], vector<16xf32>,
          %mul3A_555 = arith.mulf %gather3A, %gather3A_554 : vector<16xf32>
          %add3A_556 = arith.addf %scan3A_521, %mul3A_555 : vector<16xf32>
          %mul3A_557 = arith.constant 8 : i32
          %mul3A_558 = arith.muli %scan3A_511, %mul3A_557 : i32
          %add3A_559 = arith.constant 1 : i32
          %add3A_560 = arith.addi %mul3A_558, %add3A_559 : i32
          %broadcast_in_dim3A_561 = vector.broadcast %add3A_560 : i32 to vector<16xi32>
          %gather3A_562 = tpu.vector_load_idx %arg12[%add3A_410, %broadcast_in_dim3A_561] : memref<128x64xf32, #tpu.memory_space<vmem>>[vector<16xi32>, vector<16xi32>], vector<16xf32>,
          %gather3A_563 = tpu.vector_load_idx %arg25[%add3A_414, %broadcast_in_dim3A_561] : memref<64x64xf32, #tpu.memory_space<vmem>>[vector<16xi32>, vector<16xi32>], vector<16xf32>,
          %mul3A_564 = arith.mulf %gather3A_562, %gather3A_563 : vector<16xf32>
          %add3A_565 = arith.addf %add3A_529, %mul3A_564 : vector<16xf32>
          %gather3A_566 = tpu.vector_load_idx %arg26[%add3A_414, %broadcast_in_dim3A_561] : memref<64x64xf32, #tpu.memory_space<vmem>>[vector<16xi32>, vector<16xi32>], vector<16xf32>,
          %mul3A_567 = arith.mulf %gather3A_562, %gather3A_566 : vector<16xf32>
          %add3A_568 = arith.addf %add3A_532, %mul3A_567 : vector<16xf32>
          %gather3A_569 = tpu.vector_load_idx %arg27[%add3A_414, %broadcast_in_dim3A_561] : memref<64x64xf32, #tpu.memory_space<vmem>>[vector<16xi32>, vector<16xi32>], vector<16xf32>,
          %mul3A_570 = arith.mulf %gather3A_562, %gather3A_569 : vector<16xf32>
          %add3A_571 = arith.addf %add3A_535, %mul3A_570 : vector<16xf32>
          %gather3A_572 = tpu.vector_load_idx %arg28[%add3A_414, %broadcast_in_dim3A_561] : memref<64x64xf32, #tpu.memory_space<vmem>>[vector<16xi32>, vector<16xi32>], vector<16xf32>,
          %mul3A_573 = arith.mulf %gather3A_562, %gather3A_572 : vector<16xf32>
          %add3A_574 = arith.addf %add3A_538, %mul3A_573 : vector<16xf32>
          %gather3A_575 = tpu.vector_load_idx %arg29[%add3A_414, %broadcast_in_dim3A_561] : memref<64x64xf32, #tpu.memory_space<vmem>>[vector<16xi32>, vector<16xi32>], vector<16xf32>,
          %mul3A_576 = arith.mulf %gather3A_562, %gather3A_575 : vector<16xf32>
          %add3A_577 = arith.addf %add3A_541, %mul3A_576 : vector<16xf32>
          %gather3A_578 = tpu.vector_load_idx %arg30[%add3A_414, %broadcast_in_dim3A_561] : memref<64x64xf32, #tpu.memory_space<vmem>>[vector<16xi32>, vector<16xi32>], vector<16xf32>,
          %mul3A_579 = arith.mulf %gather3A_562, %gather3A_578 : vector<16xf32>
          %add3A_580 = arith.addf %add3A_544, %mul3A_579 : vector<16xf32>
          %gather3A_581 = tpu.vector_load_idx %arg31[%add3A_414, %broadcast_in_dim3A_561] : memref<64x64xf32, #tpu.memory_space<vmem>>[vector<16xi32>, vector<16xi32>], vector<16xf32>,
          %mul3A_582 = arith.mulf %gather3A_562, %gather3A_581 : vector<16xf32>
          %add3A_583 = arith.addf %add3A_547, %mul3A_582 : vector<16xf32>
          %gather3A_584 = tpu.vector_load_idx %arg32[%add3A_414, %broadcast_in_dim3A_561] : memref<64x64xf32, #tpu.memory_space<vmem>>[vector<16xi32>, vector<16xi32>], vector<16xf32>,
          %mul3A_585 = arith.mulf %gather3A_562, %gather3A_584 : vector<16xf32>
          %add3A_586 = arith.addf %add3A_550, %mul3A_585 : vector<16xf32>
          %gather3A_587 = tpu.vector_load_idx %arg33[%add3A_414, %broadcast_in_dim3A_561] : memref<64x64xf32, #tpu.memory_space<vmem>>[vector<16xi32>, vector<16xi32>], vector<16xf32>,
          %mul3A_588 = arith.mulf %gather3A_562, %gather3A_587 : vector<16xf32>
          %add3A_589 = arith.addf %add3A_553, %mul3A_588 : vector<16xf32>
          %gather3A_590 = tpu.vector_load_idx %arg34[%add3A_414, %broadcast_in_dim3A_561] : memref<64x64xf32, #tpu.memory_space<vmem>>[vector<16xi32>, vector<16xi32>], vector<16xf32>,
          %mul3A_591 = arith.mulf %gather3A_562, %gather3A_590 : vector<16xf32>
          %add3A_592 = arith.addf %add3A_556, %mul3A_591 : vector<16xf32>
          %mul3A_593 = arith.constant 8 : i32
          %mul3A_594 = arith.muli %scan3A_511, %mul3A_593 : i32
          %add3A_595 = arith.constant 2 : i32
          %add3A_596 = arith.addi %mul3A_594, %add3A_595 : i32
          %broadcast_in_dim3A_597 = vector.broadcast %add3A_596 : i32 to vector<16xi32>
          %gather3A_598 = tpu.vector_load_idx %arg12[%add3A_410, %broadcast_in_dim3A_597] : memref<128x64xf32, #tpu.memory_space<vmem>>[vector<16xi32>, vector<16xi32>], vector<16xf32>,
          %gather3A_599 = tpu.vector_load_idx %arg25[%add3A_414, %broadcast_in_dim3A_597] : memref<64x64xf32, #tpu.memory_space<vmem>>[vector<16xi32>, vector<16xi32>], vector<16xf32>,
          %mul3A_600 = arith.mulf %gather3A_598, %gather3A_599 : vector<16xf32>
          %add3A_601 = arith.addf %add3A_565, %mul3A_600 : vector<16xf32>
          %gather3A_602 = tpu.vector_load_idx %arg26[%add3A_414, %broadcast_in_dim3A_597] : memref<64x64xf32, #tpu.memory_space<vmem>>[vector<16xi32>, vector<16xi32>], vector<16xf32>,
          %mul3A_603 = arith.mulf %gather3A_598, %gather3A_602 : vector<16xf32>
          %add3A_604 = arith.addf %add3A_568, %mul3A_603 : vector<16xf32>
          %gather3A_605 = tpu.vector_load_idx %arg27[%add3A_414, %broadcast_in_dim3A_597] : memref<64x64xf32, #tpu.memory_space<vmem>>[vector<16xi32>, vector<16xi32>], vector<16xf32>,
          %mul3A_606 = arith.mulf %gather3A_598, %gather3A_605 : vector<16xf32>
          %add3A_607 = arith.addf %add3A_571, %mul3A_606 : vector<16xf32>
          %gather3A_608 = tpu.vector_load_idx %arg28[%add3A_414, %broadcast_in_dim3A_597] : memref<64x64xf32, #tpu.memory_space<vmem>>[vector<16xi32>, vector<16xi32>], vector<16xf32>,
          %mul3A_609 = arith.mulf %gather3A_598, %gather3A_608 : vector<16xf32>
          %add3A_610 = arith.addf %add3A_574, %mul3A_609 : vector<16xf32>
          %gather3A_611 = tpu.vector_load_idx %arg29[%add3A_414, %broadcast_in_dim3A_597] : memref<64x64xf32, #tpu.memory_space<vmem>>[vector<16xi32>, vector<16xi32>], vector<16xf32>,
          %mul3A_612 = arith.mulf %gather3A_598, %gather3A_611 : vector<16xf32>
          %add3A_613 = arith.addf %add3A_577, %mul3A_612 : vector<16xf32>
          %gather3A_614 = tpu.vector_load_idx %arg30[%add3A_414, %broadcast_in_dim3A_597] : memref<64x64xf32, #tpu.memory_space<vmem>>[vector<16xi32>, vector<16xi32>], vector<16xf32>,
          %mul3A_615 = arith.mulf %gather3A_598, %gather3A_614 : vector<16xf32>
          %add3A_616 = arith.addf %add3A_580, %mul3A_615 : vector<16xf32>
          %gather3A_617 = tpu.vector_load_idx %arg31[%add3A_414, %broadcast_in_dim3A_597] : memref<64x64xf32, #tpu.memory_space<vmem>>[vector<16xi32>, vector<16xi32>], vector<16xf32>,
          %mul3A_618 = arith.mulf %gather3A_598, %gather3A_617 : vector<16xf32>
          %add3A_619 = arith.addf %add3A_583, %mul3A_618 : vector<16xf32>
          %gather3A_620 = tpu.vector_load_idx %arg32[%add3A_414, %broadcast_in_dim3A_597] : memref<64x64xf32, #tpu.memory_space<vmem>>[vector<16xi32>, vector<16xi32>], vector<16xf32>,
          %mul3A_621 = arith.mulf %gather3A_598, %gather3A_620 : vector<16xf32>
          %add3A_622 = arith.addf %add3A_586, %mul3A_621 : vector<16xf32>
          %gather3A_623 = tpu.vector_load_idx %arg33[%add3A_414, %broadcast_in_dim3A_597] : memref<64x64xf32, #tpu.memory_space<vmem>>[vector<16xi32>, vector<16xi32>], vector<16xf32>,
          %mul3A_624 = arith.mulf %gather3A_598, %gather3A_623 : vector<16xf32>
          %add3A_625 = arith.addf %add3A_589, %mul3A_624 : vector<16xf32>
          %gather3A_626 = tpu.vector_load_idx %arg34[%add3A_414, %broadcast_in_dim3A_597] : memref<64x64xf32, #tpu.memory_space<vmem>>[vector<16xi32>, vector<16xi32>], vector<16xf32>,
          %mul3A_627 = arith.mulf %gather3A_598, %gather3A_626 : vector<16xf32>
          %add3A_628 = arith.addf %add3A_592, %mul3A_627 : vector<16xf32>
          %mul3A_629 = arith.constant 8 : i32
          %mul3A_630 = arith.muli %scan3A_511, %mul3A_629 : i32
          %add3A_631 = arith.constant 3 : i32
          %add3A_632 = arith.addi %mul3A_630, %add3A_631 : i32
          %broadcast_in_dim3A_633 = vector.broadcast %add3A_632 : i32 to vector<16xi32>
          %gather3A_634 = tpu.vector_load_idx %arg12[%add3A_410, %broadcast_in_dim3A_633] : memref<128x64xf32, #tpu.memory_space<vmem>>[vector<16xi32>, vector<16xi32>], vector<16xf32>,
          %gather3A_635 = tpu.vector_load_idx %arg25[%add3A_414, %broadcast_in_dim3A_633] : memref<64x64xf32, #tpu.memory_space<vmem>>[vector<16xi32>, vector<16xi32>], vector<16xf32>,
          %mul3A_636 = arith.mulf %gather3A_634, %gather3A_635 : vector<16xf32>
          %add3A_637 = arith.addf %add3A_601, %mul3A_636 : vector<16xf32>
          %gather3A_638 = tpu.vector_load_idx %arg26[%add3A_414, %broadcast_in_dim3A_633] : memref<64x64xf32, #tpu.memory_space<vmem>>[vector<16xi32>, vector<16xi32>], vector<16xf32>,
          %mul3A_639 = arith.mulf %gather3A_634, %gather3A_638 : vector<16xf32>
          %add3A_640 = arith.addf %add3A_604, %mul3A_639 : vector<16xf32>
          %gather3A_641 = tpu.vector_load_idx %arg27[%add3A_414, %broadcast_in_dim3A_633] : memref<64x64xf32, #tpu.memory_space<vmem>>[vector<16xi32>, vector<16xi32>], vector<16xf32>,
          %mul3A_642 = arith.mulf %gather3A_634, %gather3A_641 : vector<16xf32>
          %add3A_643 = arith.addf %add3A_607, %mul3A_642 : vector<16xf32>
          %gather3A_644 = tpu.vector_load_idx %arg28[%add3A_414, %broadcast_in_dim3A_633] : memref<64x64xf32, #tpu.memory_space<vmem>>[vector<16xi32>, vector<16xi32>], vector<16xf32>,
          %mul3A_645 = arith.mulf %gather3A_634, %gather3A_644 : vector<16xf32>
          %add3A_646 = arith.addf %add3A_610, %mul3A_645 : vector<16xf32>
          %gather3A_647 = tpu.vector_load_idx %arg29[%add3A_414, %broadcast_in_dim3A_633] : memref<64x64xf32, #tpu.memory_space<vmem>>[vector<16xi32>, vector<16xi32>], vector<16xf32>,
          %mul3A_648 = arith.mulf %gather3A_634, %gather3A_647 : vector<16xf32>
          %add3A_649 = arith.addf %add3A_613, %mul3A_648 : vector<16xf32>
          %gather3A_650 = tpu.vector_load_idx %arg30[%add3A_414, %broadcast_in_dim3A_633] : memref<64x64xf32, #tpu.memory_space<vmem>>[vector<16xi32>, vector<16xi32>], vector<16xf32>,
          %mul3A_651 = arith.mulf %gather3A_634, %gather3A_650 : vector<16xf32>
          %add3A_652 = arith.addf %add3A_616, %mul3A_651 : vector<16xf32>
          %gather3A_653 = tpu.vector_load_idx %arg31[%add3A_414, %broadcast_in_dim3A_633] : memref<64x64xf32, #tpu.memory_space<vmem>>[vector<16xi32>, vector<16xi32>], vector<16xf32>,
          %mul3A_654 = arith.mulf %gather3A_634, %gather3A_653 : vector<16xf32>
          %add3A_655 = arith.addf %add3A_619, %mul3A_654 : vector<16xf32>
          %gather3A_656 = tpu.vector_load_idx %arg32[%add3A_414, %broadcast_in_dim3A_633] : memref<64x64xf32, #tpu.memory_space<vmem>>[vector<16xi32>, vector<16xi32>], vector<16xf32>,
          %mul3A_657 = arith.mulf %gather3A_634, %gather3A_656 : vector<16xf32>
          %add3A_658 = arith.addf %add3A_622, %mul3A_657 : vector<16xf32>
          %gather3A_659 = tpu.vector_load_idx %arg33[%add3A_414, %broadcast_in_dim3A_633] : memref<64x64xf32, #tpu.memory_space<vmem>>[vector<16xi32>, vector<16xi32>], vector<16xf32>,
          %mul3A_660 = arith.mulf %gather3A_634, %gather3A_659 : vector<16xf32>
          %add3A_661 = arith.addf %add3A_625, %mul3A_660 : vector<16xf32>
          %gather3A_662 = tpu.vector_load_idx %arg34[%add3A_414, %broadcast_in_dim3A_633] : memref<64x64xf32, #tpu.memory_space<vmem>>[vector<16xi32>, vector<16xi32>], vector<16xf32>,
          %mul3A_663 = arith.mulf %gather3A_634, %gather3A_662 : vector<16xf32>
          %add3A_664 = arith.addf %add3A_628, %mul3A_663 : vector<16xf32>
          %mul3A_665 = arith.constant 8 : i32
          %mul3A_666 = arith.muli %scan3A_511, %mul3A_665 : i32
          %add3A_667 = arith.constant 4 : i32
          %add3A_668 = arith.addi %mul3A_666, %add3A_667 : i32
          %broadcast_in_dim3A_669 = vector.broadcast %add3A_668 : i32 to vector<16xi32>
          %gather3A_670 = tpu.vector_load_idx %arg12[%add3A_410, %broadcast_in_dim3A_669] : memref<128x64xf32, #tpu.memory_space<vmem>>[vector<16xi32>, vector<16xi32>], vector<16xf32>,
          %gather3A_671 = tpu.vector_load_idx %arg25[%add3A_414, %broadcast_in_dim3A_669] : memref<64x64xf32, #tpu.memory_space<vmem>>[vector<16xi32>, vector<16xi32>], vector<16xf32>,
          %mul3A_672 = arith.mulf %gather3A_670, %gather3A_671 : vector<16xf32>
          %add3A_673 = arith.addf %add3A_637, %mul3A_672 : vector<16xf32>
          %gather3A_674 = tpu.vector_load_idx %arg26[%add3A_414, %broadcast_in_dim3A_669] : memref<64x64xf32, #tpu.memory_space<vmem>>[vector<16xi32>, vector<16xi32>], vector<16xf32>,
          %mul3A_675 = arith.mulf %gather3A_670, %gather3A_674 : vector<16xf32>
          %add3A_676 = arith.addf %add3A_640, %mul3A_675 : vector<16xf32>
          %gather3A_677 = tpu.vector_load_idx %arg27[%add3A_414, %broadcast_in_dim3A_669] : memref<64x64xf32, #tpu.memory_space<vmem>>[vector<16xi32>, vector<16xi32>], vector<16xf32>,
          %mul3A_678 = arith.mulf %gather3A_670, %gather3A_677 : vector<16xf32>
          %add3A_679 = arith.addf %add3A_643, %mul3A_678 : vector<16xf32>
          %gather3A_680 = tpu.vector_load_idx %arg28[%add3A_414, %broadcast_in_dim3A_669] : memref<64x64xf32, #tpu.memory_space<vmem>>[vector<16xi32>, vector<16xi32>], vector<16xf32>,
          %mul3A_681 = arith.mulf %gather3A_670, %gather3A_680 : vector<16xf32>
          %add3A_682 = arith.addf %add3A_646, %mul3A_681 : vector<16xf32>
          %gather3A_683 = tpu.vector_load_idx %arg29[%add3A_414, %broadcast_in_dim3A_669] : memref<64x64xf32, #tpu.memory_space<vmem>>[vector<16xi32>, vector<16xi32>], vector<16xf32>,
          %mul3A_684 = arith.mulf %gather3A_670, %gather3A_683 : vector<16xf32>
          %add3A_685 = arith.addf %add3A_649, %mul3A_684 : vector<16xf32>
          %gather3A_686 = tpu.vector_load_idx %arg30[%add3A_414, %broadcast_in_dim3A_669] : memref<64x64xf32, #tpu.memory_space<vmem>>[vector<16xi32>, vector<16xi32>], vector<16xf32>,
          %mul3A_687 = arith.mulf %gather3A_670, %gather3A_686 : vector<16xf32>
          %add3A_688 = arith.addf %add3A_652, %mul3A_687 : vector<16xf32>
          %gather3A_689 = tpu.vector_load_idx %arg31[%add3A_414, %broadcast_in_dim3A_669] : memref<64x64xf32, #tpu.memory_space<vmem>>[vector<16xi32>, vector<16xi32>], vector<16xf32>,
          %mul3A_690 = arith.mulf %gather3A_670, %gather3A_689 : vector<16xf32>
          %add3A_691 = arith.addf %add3A_655, %mul3A_690 : vector<16xf32>
          %gather3A_692 = tpu.vector_load_idx %arg32[%add3A_414, %broadcast_in_dim3A_669] : memref<64x64xf32, #tpu.memory_space<vmem>>[vector<16xi32>, vector<16xi32>], vector<16xf32>,
          %mul3A_693 = arith.mulf %gather3A_670, %gather3A_692 : vector<16xf32>
          %add3A_694 = arith.addf %add3A_658, %mul3A_693 : vector<16xf32>
          %gather3A_695 = tpu.vector_load_idx %arg33[%add3A_414, %broadcast_in_dim3A_669] : memref<64x64xf32, #tpu.memory_space<vmem>>[vector<16xi32>, vector<16xi32>], vector<16xf32>,
          %mul3A_696 = arith.mulf %gather3A_670, %gather3A_695 : vector<16xf32>
          %add3A_697 = arith.addf %add3A_661, %mul3A_696 : vector<16xf32>
          %gather3A_698 = tpu.vector_load_idx %arg34[%add3A_414, %broadcast_in_dim3A_669] : memref<64x64xf32, #tpu.memory_space<vmem>>[vector<16xi32>, vector<16xi32>], vector<16xf32>,
          %mul3A_699 = arith.mulf %gather3A_670, %gather3A_698 : vector<16xf32>
          %add3A_700 = arith.addf %add3A_664, %mul3A_699 : vector<16xf32>
          %mul3A_701 = arith.constant 8 : i32
          %mul3A_702 = arith.muli %scan3A_511, %mul3A_701 : i32
          %add3A_703 = arith.constant 5 : i32
          %add3A_704 = arith.addi %mul3A_702, %add3A_703 : i32
          %broadcast_in_dim3A_705 = vector.broadcast %add3A_704 : i32 to vector<16xi32>
          %gather3A_706 = tpu.vector_load_idx %arg12[%add3A_410, %broadcast_in_dim3A_705] : memref<128x64xf32, #tpu.memory_space<vmem>>[vector<16xi32>, vector<16xi32>], vector<16xf32>,
          %gather3A_707 = tpu.vector_load_idx %arg25[%add3A_414, %broadcast_in_dim3A_705] : memref<64x64xf32, #tpu.memory_space<vmem>>[vector<16xi32>, vector<16xi32>], vector<16xf32>,
          %mul3A_708 = arith.mulf %gather3A_706, %gather3A_707 : vector<16xf32>
          %add3A_709 = arith.addf %add3A_673, %mul3A_708 : vector<16xf32>
          %gather3A_710 = tpu.vector_load_idx %arg26[%add3A_414, %broadcast_in_dim3A_705] : memref<64x64xf32, #tpu.memory_space<vmem>>[vector<16xi32>, vector<16xi32>], vector<16xf32>,
          %mul3A_711 = arith.mulf %gather3A_706, %gather3A_710 : vector<16xf32>
          %add3A_712 = arith.addf %add3A_676, %mul3A_711 : vector<16xf32>
          %gather3A_713 = tpu.vector_load_idx %arg27[%add3A_414, %broadcast_in_dim3A_705] : memref<64x64xf32, #tpu.memory_space<vmem>>[vector<16xi32>, vector<16xi32>], vector<16xf32>,
          %mul3A_714 = arith.mulf %gather3A_706, %gather3A_713 : vector<16xf32>
          %add3A_715 = arith.addf %add3A_679, %mul3A_714 : vector<16xf32>
          %gather3A_716 = tpu.vector_load_idx %arg28[%add3A_414, %broadcast_in_dim3A_705] : memref<64x64xf32, #tpu.memory_space<vmem>>[vector<16xi32>, vector<16xi32>], vector<16xf32>,
          %mul3A_717 = arith.mulf %gather3A_706, %gather3A_716 : vector<16xf32>
          %add3A_718 = arith.addf %add3A_682, %mul3A_717 : vector<16xf32>
          %gather3A_719 = tpu.vector_load_idx %arg29[%add3A_414, %broadcast_in_dim3A_705] : memref<64x64xf32, #tpu.memory_space<vmem>>[vector<16xi32>, vector<16xi32>], vector<16xf32>,
          %mul3A_720 = arith.mulf %gather3A_706, %gather3A_719 : vector<16xf32>
          %add3A_721 = arith.addf %add3A_685, %mul3A_720 : vector<16xf32>
          %gather3A_722 = tpu.vector_load_idx %arg30[%add3A_414, %broadcast_in_dim3A_705] : memref<64x64xf32, #tpu.memory_space<vmem>>[vector<16xi32>, vector<16xi32>], vector<16xf32>,
          %mul3A_723 = arith.mulf %gather3A_706, %gather3A_722 : vector<16xf32>
          %add3A_724 = arith.addf %add3A_688, %mul3A_723 : vector<16xf32>
          %gather3A_725 = tpu.vector_load_idx %arg31[%add3A_414, %broadcast_in_dim3A_705] : memref<64x64xf32, #tpu.memory_space<vmem>>[vector<16xi32>, vector<16xi32>], vector<16xf32>,
          %mul3A_726 = arith.mulf %gather3A_706, %gather3A_725 : vector<16xf32>
          %add3A_727 = arith.addf %add3A_691, %mul3A_726 : vector<16xf32>
          %gather3A_728 = tpu.vector_load_idx %arg32[%add3A_414, %broadcast_in_dim3A_705] : memref<64x64xf32, #tpu.memory_space<vmem>>[vector<16xi32>, vector<16xi32>], vector<16xf32>,
          %mul3A_729 = arith.mulf %gather3A_706, %gather3A_728 : vector<16xf32>
          %add3A_730 = arith.addf %add3A_694, %mul3A_729 : vector<16xf32>
          %gather3A_731 = tpu.vector_load_idx %arg33[%add3A_414, %broadcast_in_dim3A_705] : memref<64x64xf32, #tpu.memory_space<vmem>>[vector<16xi32>, vector<16xi32>], vector<16xf32>,
          %mul3A_732 = arith.mulf %gather3A_706, %gather3A_731 : vector<16xf32>
          %add3A_733 = arith.addf %add3A_697, %mul3A_732 : vector<16xf32>
          %gather3A_734 = tpu.vector_load_idx %arg34[%add3A_414, %broadcast_in_dim3A_705] : memref<64x64xf32, #tpu.memory_space<vmem>>[vector<16xi32>, vector<16xi32>], vector<16xf32>,
          %mul3A_735 = arith.mulf %gather3A_706, %gather3A_734 : vector<16xf32>
          %add3A_736 = arith.addf %add3A_700, %mul3A_735 : vector<16xf32>
          %mul3A_737 = arith.constant 8 : i32
          %mul3A_738 = arith.muli %scan3A_511, %mul3A_737 : i32
          %add3A_739 = arith.constant 6 : i32
          %add3A_740 = arith.addi %mul3A_738, %add3A_739 : i32
          %broadcast_in_dim3A_741 = vector.broadcast %add3A_740 : i32 to vector<16xi32>
          %gather3A_742 = tpu.vector_load_idx %arg12[%add3A_410, %broadcast_in_dim3A_741] : memref<128x64xf32, #tpu.memory_space<vmem>>[vector<16xi32>, vector<16xi32>], vector<16xf32>,
          %gather3A_743 = tpu.vector_load_idx %arg25[%add3A_414, %broadcast_in_dim3A_741] : memref<64x64xf32, #tpu.memory_space<vmem>>[vector<16xi32>, vector<16xi32>], vector<16xf32>,
          %mul3A_744 = arith.mulf %gather3A_742, %gather3A_743 : vector<16xf32>
          %add3A_745 = arith.addf %add3A_709, %mul3A_744 : vector<16xf32>
          %gather3A_746 = tpu.vector_load_idx %arg26[%add3A_414, %broadcast_in_dim3A_741] : memref<64x64xf32, #tpu.memory_space<vmem>>[vector<16xi32>, vector<16xi32>], vector<16xf32>,
          %mul3A_747 = arith.mulf %gather3A_742, %gather3A_746 : vector<16xf32>
          %add3A_748 = arith.addf %add3A_712, %mul3A_747 : vector<16xf32>
          %gather3A_749 = tpu.vector_load_idx %arg27[%add3A_414, %broadcast_in_dim3A_741] : memref<64x64xf32, #tpu.memory_space<vmem>>[vector<16xi32>, vector<16xi32>], vector<16xf32>,
          %mul3A_750 = arith.mulf %gather3A_742, %gather3A_749 : vector<16xf32>
          %add3A_751 = arith.addf %add3A_715, %mul3A_750 : vector<16xf32>
          %gather3A_752 = tpu.vector_load_idx %arg28[%add3A_414, %broadcast_in_dim3A_741] : memref<64x64xf32, #tpu.memory_space<vmem>>[vector<16xi32>, vector<16xi32>], vector<16xf32>,
          %mul3A_753 = arith.mulf %gather3A_742, %gather3A_752 : vector<16xf32>
          %add3A_754 = arith.addf %add3A_718, %mul3A_753 : vector<16xf32>
          %gather3A_755 = tpu.vector_load_idx %arg29[%add3A_414, %broadcast_in_dim3A_741] : memref<64x64xf32, #tpu.memory_space<vmem>>[vector<16xi32>, vector<16xi32>], vector<16xf32>,
          %mul3A_756 = arith.mulf %gather3A_742, %gather3A_755 : vector<16xf32>
          %add3A_757 = arith.addf %add3A_721, %mul3A_756 : vector<16xf32>
          %gather3A_758 = tpu.vector_load_idx %arg30[%add3A_414, %broadcast_in_dim3A_741] : memref<64x64xf32, #tpu.memory_space<vmem>>[vector<16xi32>, vector<16xi32>], vector<16xf32>,
          %mul3A_759 = arith.mulf %gather3A_742, %gather3A_758 : vector<16xf32>
          %add3A_760 = arith.addf %add3A_724, %mul3A_759 : vector<16xf32>
          %gather3A_761 = tpu.vector_load_idx %arg31[%add3A_414, %broadcast_in_dim3A_741] : memref<64x64xf32, #tpu.memory_space<vmem>>[vector<16xi32>, vector<16xi32>], vector<16xf32>,
          %mul3A_762 = arith.mulf %gather3A_742, %gather3A_761 : vector<16xf32>
          %add3A_763 = arith.addf %add3A_727, %mul3A_762 : vector<16xf32>
          %gather3A_764 = tpu.vector_load_idx %arg32[%add3A_414, %broadcast_in_dim3A_741] : memref<64x64xf32, #tpu.memory_space<vmem>>[vector<16xi32>, vector<16xi32>], vector<16xf32>,
          %mul3A_765 = arith.mulf %gather3A_742, %gather3A_764 : vector<16xf32>
          %add3A_766 = arith.addf %add3A_730, %mul3A_765 : vector<16xf32>
          %gather3A_767 = tpu.vector_load_idx %arg33[%add3A_414, %broadcast_in_dim3A_741] : memref<64x64xf32, #tpu.memory_space<vmem>>[vector<16xi32>, vector<16xi32>], vector<16xf32>,
          %mul3A_768 = arith.mulf %gather3A_742, %gather3A_767 : vector<16xf32>
          %add3A_769 = arith.addf %add3A_733, %mul3A_768 : vector<16xf32>
          %gather3A_770 = tpu.vector_load_idx %arg34[%add3A_414, %broadcast_in_dim3A_741] : memref<64x64xf32, #tpu.memory_space<vmem>>[vector<16xi32>, vector<16xi32>], vector<16xf32>,
          %mul3A_771 = arith.mulf %gather3A_742, %gather3A_770 : vector<16xf32>
          %add3A_772 = arith.addf %add3A_736, %mul3A_771 : vector<16xf32>
          %mul3A_773 = arith.constant 8 : i32
          %mul3A_774 = arith.muli %scan3A_511, %mul3A_773 : i32
          %add3A_775 = arith.constant 7 : i32
          %add3A_776 = arith.addi %mul3A_774, %add3A_775 : i32
          %broadcast_in_dim3A_777 = vector.broadcast %add3A_776 : i32 to vector<16xi32>
          %gather3A_778 = tpu.vector_load_idx %arg12[%add3A_410, %broadcast_in_dim3A_777] : memref<128x64xf32, #tpu.memory_space<vmem>>[vector<16xi32>, vector<16xi32>], vector<16xf32>,
          %gather3A_779 = tpu.vector_load_idx %arg25[%add3A_414, %broadcast_in_dim3A_777] : memref<64x64xf32, #tpu.memory_space<vmem>>[vector<16xi32>, vector<16xi32>], vector<16xf32>,
          %mul3A_780 = arith.mulf %gather3A_778, %gather3A_779 : vector<16xf32>
          %add3A_781 = arith.addf %add3A_745, %mul3A_780 : vector<16xf32>
          %gather3A_782 = tpu.vector_load_idx %arg26[%add3A_414, %broadcast_in_dim3A_777] : memref<64x64xf32, #tpu.memory_space<vmem>>[vector<16xi32>, vector<16xi32>], vector<16xf32>,
          %mul3A_783 = arith.mulf %gather3A_778, %gather3A_782 : vector<16xf32>
          %add3A_784 = arith.addf %add3A_748, %mul3A_783 : vector<16xf32>
          %gather3A_785 = tpu.vector_load_idx %arg27[%add3A_414, %broadcast_in_dim3A_777] : memref<64x64xf32, #tpu.memory_space<vmem>>[vector<16xi32>, vector<16xi32>], vector<16xf32>,
          %mul3A_786 = arith.mulf %gather3A_778, %gather3A_785 : vector<16xf32>
          %add3A_787 = arith.addf %add3A_751, %mul3A_786 : vector<16xf32>
          %gather3A_788 = tpu.vector_load_idx %arg28[%add3A_414, %broadcast_in_dim3A_777] : memref<64x64xf32, #tpu.memory_space<vmem>>[vector<16xi32>, vector<16xi32>], vector<16xf32>,
          %mul3A_789 = arith.mulf %gather3A_778, %gather3A_788 : vector<16xf32>
          %add3A_790 = arith.addf %add3A_754, %mul3A_789 : vector<16xf32>
          %gather3A_791 = tpu.vector_load_idx %arg29[%add3A_414, %broadcast_in_dim3A_777] : memref<64x64xf32, #tpu.memory_space<vmem>>[vector<16xi32>, vector<16xi32>], vector<16xf32>,
          %mul3A_792 = arith.mulf %gather3A_778, %gather3A_791 : vector<16xf32>
          %add3A_793 = arith.addf %add3A_757, %mul3A_792 : vector<16xf32>
          %gather3A_794 = tpu.vector_load_idx %arg30[%add3A_414, %broadcast_in_dim3A_777] : memref<64x64xf32, #tpu.memory_space<vmem>>[vector<16xi32>, vector<16xi32>], vector<16xf32>,
          %mul3A_795 = arith.mulf %gather3A_778, %gather3A_794 : vector<16xf32>
          %add3A_796 = arith.addf %add3A_760, %mul3A_795 : vector<16xf32>
          %gather3A_797 = tpu.vector_load_idx %arg31[%add3A_414, %broadcast_in_dim3A_777] : memref<64x64xf32, #tpu.memory_space<vmem>>[vector<16xi32>, vector<16xi32>], vector<16xf32>,
          %mul3A_798 = arith.mulf %gather3A_778, %gather3A_797 : vector<16xf32>
          %add3A_799 = arith.addf %add3A_763, %mul3A_798 : vector<16xf32>
          %gather3A_800 = tpu.vector_load_idx %arg32[%add3A_414, %broadcast_in_dim3A_777] : memref<64x64xf32, #tpu.memory_space<vmem>>[vector<16xi32>, vector<16xi32>], vector<16xf32>,
          %mul3A_801 = arith.mulf %gather3A_778, %gather3A_800 : vector<16xf32>
          %add3A_802 = arith.addf %add3A_766, %mul3A_801 : vector<16xf32>
          %gather3A_803 = tpu.vector_load_idx %arg33[%add3A_414, %broadcast_in_dim3A_777] : memref<64x64xf32, #tpu.memory_space<vmem>>[vector<16xi32>, vector<16xi32>], vector<16xf32>,
          %mul3A_804 = arith.mulf %gather3A_778, %gather3A_803 : vector<16xf32>
          %add3A_805 = arith.addf %add3A_769, %mul3A_804 : vector<16xf32>
          %gather3A_806 = tpu.vector_load_idx %arg34[%add3A_414, %broadcast_in_dim3A_777] : memref<64x64xf32, #tpu.memory_space<vmem>>[vector<16xi32>, vector<16xi32>], vector<16xf32>,
          %mul3A_807 = arith.mulf %gather3A_778, %gather3A_806 : vector<16xf32>
          %add3A_808 = arith.addf %add3A_772, %mul3A_807 : vector<16xf32>
          scf.yield %add3A_781, %add3A_784, %add3A_787, %add3A_790, %add3A_793, %add3A_796, %add3A_799, %add3A_802, %add3A_805, %add3A_808 : vector<16xf32>, vector<16xf32>, vector<16xf32>, vector<16xf32>, vector<16xf32>, vector<16xf32>, vector<16xf32>, vector<16xf32>, vector<16xf32>, vector<16xf32>
        }
        %scan3A_421 = arith.constant 8 : i32
        %neg3A = arith.constant 0.000000e+00 : f32
        %neg3A_422 = vector.broadcast %neg3A : f32 to vector<16xf32>
        %neg3A_423 = arith.subf %neg3A_422, %scan3A_420#0 : vector<16xf32>
        %mul3A_424 = arith.constant 16 : i32
        %mul3A_425 = arith.muli %scan3A_402, %mul3A_424 : i32
        %add3A_426 = arith.constant 704 : i32
        %add3A_427 = arith.addi %add3A_426, %mul3A_425 : i32
        %swap3A = arith.index_cast %add3A_427 : i32 to index
        %swap3A_428 = tpu.vector_load %arg14[%swap3A] {strides = array<i32>} : memref<1344xf32, #tpu.memory_space<vmem>>, vector<16xf32>,
        tpu.vector_store %arg14[%swap3A], %neg3A_423 {strides = array<i32>} : memref<1344xf32, #tpu.memory_space<vmem>>, vector<16xf32>,
        %neg3A_429 = arith.constant 0.000000e+00 : f32
        %neg3A_430 = vector.broadcast %neg3A_429 : f32 to vector<16xf32>
        %neg3A_431 = arith.subf %neg3A_430, %scan3A_420#1 : vector<16xf32>
        %mul3A_432 = arith.constant 16 : i32
        %mul3A_433 = arith.muli %scan3A_402, %mul3A_432 : i32
        %add3A_434 = arith.constant 768 : i32
        %add3A_435 = arith.addi %add3A_434, %mul3A_433 : i32
        %swap3A_436 = arith.index_cast %add3A_435 : i32 to index
        %swap3A_437 = tpu.vector_load %arg14[%swap3A_436] {strides = array<i32>} : memref<1344xf32, #tpu.memory_space<vmem>>, vector<16xf32>,
        tpu.vector_store %arg14[%swap3A_436], %neg3A_431 {strides = array<i32>} : memref<1344xf32, #tpu.memory_space<vmem>>, vector<16xf32>,
        %neg3A_438 = arith.constant 0.000000e+00 : f32
        %neg3A_439 = vector.broadcast %neg3A_438 : f32 to vector<16xf32>
        %neg3A_440 = arith.subf %neg3A_439, %scan3A_420#2 : vector<16xf32>
        %mul3A_441 = arith.constant 16 : i32
        %mul3A_442 = arith.muli %scan3A_402, %mul3A_441 : i32
        %add3A_443 = arith.constant 832 : i32
        %add3A_444 = arith.addi %add3A_443, %mul3A_442 : i32
        %swap3A_445 = arith.index_cast %add3A_444 : i32 to index
        %swap3A_446 = tpu.vector_load %arg14[%swap3A_445] {strides = array<i32>} : memref<1344xf32, #tpu.memory_space<vmem>>, vector<16xf32>,
        tpu.vector_store %arg14[%swap3A_445], %neg3A_440 {strides = array<i32>} : memref<1344xf32, #tpu.memory_space<vmem>>, vector<16xf32>,
        %neg3A_447 = arith.constant 0.000000e+00 : f32
        %neg3A_448 = vector.broadcast %neg3A_447 : f32 to vector<16xf32>
        %neg3A_449 = arith.subf %neg3A_448, %scan3A_420#3 : vector<16xf32>
        %mul3A_450 = arith.constant 16 : i32
        %mul3A_451 = arith.muli %scan3A_402, %mul3A_450 : i32
        %add3A_452 = arith.constant 896 : i32
        %add3A_453 = arith.addi %add3A_452, %mul3A_451 : i32
        %swap3A_454 = arith.index_cast %add3A_453 : i32 to index
        %swap3A_455 = tpu.vector_load %arg14[%swap3A_454] {strides = array<i32>} : memref<1344xf32, #tpu.memory_space<vmem>>, vector<16xf32>,
        tpu.vector_store %arg14[%swap3A_454], %neg3A_449 {strides = array<i32>} : memref<1344xf32, #tpu.memory_space<vmem>>, vector<16xf32>,
        %neg3A_456 = arith.constant 0.000000e+00 : f32
        %neg3A_457 = vector.broadcast %neg3A_456 : f32 to vector<16xf32>
        %neg3A_458 = arith.subf %neg3A_457, %scan3A_420#4 : vector<16xf32>
        %mul3A_459 = arith.constant 16 : i32
        %mul3A_460 = arith.muli %scan3A_402, %mul3A_459 : i32
        %add3A_461 = arith.constant 960 : i32
        %add3A_462 = arith.addi %add3A_461, %mul3A_460 : i32
        %swap3A_463 = arith.index_cast %add3A_462 : i32 to index
        %swap3A_464 = tpu.vector_load %arg14[%swap3A_463] {strides = array<i32>} : memref<1344xf32, #tpu.memory_space<vmem>>, vector<16xf32>,
        tpu.vector_store %arg14[%swap3A_463], %neg3A_458 {strides = array<i32>} : memref<1344xf32, #tpu.memory_space<vmem>>, vector<16xf32>,
        %neg3A_465 = arith.constant 0.000000e+00 : f32
        %neg3A_466 = vector.broadcast %neg3A_465 : f32 to vector<16xf32>
        %neg3A_467 = arith.subf %neg3A_466, %scan3A_420#5 : vector<16xf32>
        %mul3A_468 = arith.constant 16 : i32
        %mul3A_469 = arith.muli %scan3A_402, %mul3A_468 : i32
        %add3A_470 = arith.constant 1024 : i32
        %add3A_471 = arith.addi %add3A_470, %mul3A_469 : i32
        %swap3A_472 = arith.index_cast %add3A_471 : i32 to index
        %swap3A_473 = tpu.vector_load %arg14[%swap3A_472] {strides = array<i32>} : memref<1344xf32, #tpu.memory_space<vmem>>, vector<16xf32>,
        tpu.vector_store %arg14[%swap3A_472], %neg3A_467 {strides = array<i32>} : memref<1344xf32, #tpu.memory_space<vmem>>, vector<16xf32>,
        %neg3A_474 = arith.constant 0.000000e+00 : f32
        %neg3A_475 = vector.broadcast %neg3A_474 : f32 to vector<16xf32>
        %neg3A_476 = arith.subf %neg3A_475, %scan3A_420#6 : vector<16xf32>
        %mul3A_477 = arith.constant 16 : i32
        %mul3A_478 = arith.muli %scan3A_402, %mul3A_477 : i32
        %add3A_479 = arith.constant 1088 : i32
        %add3A_480 = arith.addi %add3A_479, %mul3A_478 : i32
        %swap3A_481 = arith.index_cast %add3A_480 : i32 to index
        %swap3A_482 = tpu.vector_load %arg14[%swap3A_481] {strides = array<i32>} : memref<1344xf32, #tpu.memory_space<vmem>>, vector<16xf32>,
        tpu.vector_store %arg14[%swap3A_481], %neg3A_476 {strides = array<i32>} : memref<1344xf32, #tpu.memory_space<vmem>>, vector<16xf32>,
        %neg3A_483 = arith.constant 0.000000e+00 : f32
        %neg3A_484 = vector.broadcast %neg3A_483 : f32 to vector<16xf32>
        %neg3A_485 = arith.subf %neg3A_484, %scan3A_420#7 : vector<16xf32>
        %mul3A_486 = arith.constant 16 : i32
        %mul3A_487 = arith.muli %scan3A_402, %mul3A_486 : i32
        %add3A_488 = arith.constant 1152 : i32
        %add3A_489 = arith.addi %add3A_488, %mul3A_487 : i32
        %swap3A_490 = arith.index_cast %add3A_489 : i32 to index
        %swap3A_491 = tpu.vector_load %arg14[%swap3A_490] {strides = array<i32>} : memref<1344xf32, #tpu.memory_space<vmem>>, vector<16xf32>,
        tpu.vector_store %arg14[%swap3A_490], %neg3A_485 {strides = array<i32>} : memref<1344xf32, #tpu.memory_space<vmem>>, vector<16xf32>,
        %neg3A_492 = arith.constant 0.000000e+00 : f32
        %neg3A_493 = vector.broadcast %neg3A_492 : f32 to vector<16xf32>
        %neg3A_494 = arith.subf %neg3A_493, %scan3A_420#8 : vector<16xf32>
        %mul3A_495 = arith.constant 16 : i32
        %mul3A_496 = arith.muli %scan3A_402, %mul3A_495 : i32
        %add3A_497 = arith.constant 1216 : i32
        %add3A_498 = arith.addi %add3A_497, %mul3A_496 : i32
        %swap3A_499 = arith.index_cast %add3A_498 : i32 to index
        %swap3A_500 = tpu.vector_load %arg14[%swap3A_499] {strides = array<i32>} : memref<1344xf32, #tpu.memory_space<vmem>>, vector<16xf32>,
        tpu.vector_store %arg14[%swap3A_499], %neg3A_494 {strides = array<i32>} : memref<1344xf32, #tpu.memory_space<vmem>>, vector<16xf32>,
        %neg3A_501 = arith.constant 0.000000e+00 : f32
        %neg3A_502 = vector.broadcast %neg3A_501 : f32 to vector<16xf32>
        %neg3A_503 = arith.subf %neg3A_502, %scan3A_420#9 : vector<16xf32>
        %mul3A_504 = arith.constant 16 : i32
        %mul3A_505 = arith.muli %scan3A_402, %mul3A_504 : i32
        %add3A_506 = arith.constant 1280 : i32
        %add3A_507 = arith.addi %add3A_506, %mul3A_505 : i32
        %swap3A_508 = arith.index_cast %add3A_507 : i32 to index
        %swap3A_509 = tpu.vector_load %arg14[%swap3A_508] {strides = array<i32>} : memref<1344xf32, #tpu.memory_space<vmem>>, vector<16xf32>,
        tpu.vector_store %arg14[%swap3A_508], %neg3A_503 {strides = array<i32>} : memref<1344xf32, #tpu.memory_space<vmem>>, vector<16xf32>,
        %scan3A_510 = arith.constant 0 : i32
        scf.yield %scan3A_510 : i32
      }
      %scan3A_395 = arith.constant 4 : i32
      %mul3A_396 = arith.constant 8 : i32
      %mul3A_397 = arith.muli %add3A, %mul3A_396 : i32
      %add3A_398 = arith.addi %mul3A_397, %scan3A_218 : i32
      %mul3A_399 = arith.constant 1344 : i32
      %mul3A_400 = arith.muli %add3A_398, %mul3A_399 : i32
      "tpu.region"() ({
        %run_scoped3A = tpu.sem_alloc : memref<!tpu.dma_semaphore, #tpu.memory_space<semaphore_mem>>
        %dma_start3A_402 = tpu.memref_slice %arg7[%mul3A_400] : memref<344064xf32, #tpu.memory_space<hbm>> -> memref<1344xf32, #tpu.memory_space<hbm>>
        %dma_start3A_403 = tpu.memref_slice %arg7[%mul3A_400] : memref<344064xf32, #tpu.memory_space<hbm>> -> memref<1344xf32, #tpu.memory_space<hbm>>
        tpu.enqueue_dma source(%arg14 : memref<1344xf32, #tpu.memory_space<vmem>>) target(%dma_start3A_403 : memref<1344xf32, #tpu.memory_space<hbm>>) target_semaphore(%run_scoped3A : memref<!tpu.dma_semaphore, #tpu.memory_space<semaphore_mem>>)
        %dma_wait3A_404 = tpu.memref_slice %arg7[%mul3A_400] : memref<344064xf32, #tpu.memory_space<hbm>> -> memref<1344xf32, #tpu.memory_space<hbm>>
        %dma_wait3A_405 = tpu.memref_slice %arg7[%mul3A_400] : memref<344064xf32, #tpu.memory_space<hbm>> -> memref<1344xf32, #tpu.memory_space<hbm>>
        tpu.wait_dma2 semaphore(%run_scoped3A : memref<!tpu.dma_semaphore, #tpu.memory_space<semaphore_mem>>) src(%arg14 : memref<1344xf32, #tpu.memory_space<vmem>>) dst(%dma_wait3A_405 : memref<1344xf32, #tpu.memory_space<hbm>>)
        tpu.yield
      }) : () -> ()
      %scan3A_401 = arith.constant 0 : i32
      scf.yield %scan3A_401 : i32
    }
    %scan3A_217 = arith.constant 8 : i32
    return
  }
}

module attributes {stable_mosaic.version = 14 : i64} {
  func.func @_loss_body(%arg0: memref<2688x128xf32, #tpu.memory_space<vmem>>, %arg1: memref<1x1xf32, #tpu.memory_space<vmem>>) attributes {dimension_semantics = [], scalar_prefetch = 0 : i64, scratch_operands = 0 : i64, tpu.core_type = #tpu.core_type<tc>} {
    %get3A = arith.constant 0 : index
    %get3A_0 = arith.constant 0 : index
    %get3A_1 = vector.load %arg0[%get3A, %get3A_0] : memref<2688x128xf32, #tpu.memory_space<vmem>>, vector<2688x128xf32>
    %logistic3A = arith.negf %get3A_1 : vector<2688x128xf32>
    %logistic3A_2 = math.exp %logistic3A : vector<2688x128xf32>
    %logistic3A_3 = arith.constant 1.000000e+00 : f32
    %logistic3A_4 = vector.broadcast %logistic3A_3 : f32 to vector<2688x128xf32>
    %logistic3A_5 = arith.addf %logistic3A_4, %logistic3A_2 : vector<2688x128xf32>
    %logistic3A_6 = arith.divf %logistic3A_4, %logistic3A_5 : vector<2688x128xf32>
    %add3A = arith.constant 1.000000e-10 : f32
    %add3A_7 = vector.broadcast %add3A : f32 to vector<2688x128xf32>
    %add3A_8 = arith.addf %logistic3A_6, %add3A_7 : vector<2688x128xf32>
    %log3A = math.log %add3A_8 : vector<2688x128xf32>
    %neg3A = arith.constant 0.000000e+00 : f32
    %neg3A_9 = vector.broadcast %neg3A : f32 to vector<2688x128xf32>
    %neg3A_10 = arith.subf %neg3A_9, %log3A : vector<2688x128xf32>
    %reduce_sum3A = vector.shape_cast %neg3A_10 : vector<2688x128xf32> to vector<1x2688x128xf32>
    %reduce_sum3A_11 = arith.constant dense<0.000000e+00> : vector<1xf32>
    %reduce_sum3A_12 = vector.multi_reduction <add>, %reduce_sum3A, %reduce_sum3A_11 [1, 2] : vector<1x2688x128xf32> to vector<1xf32>
    %reduce_sum3A_13 = vector.shape_cast %reduce_sum3A_12 : vector<1xf32> to vector<1x1x1xf32>
    %reduce_sum3A_14 = vector.extract %reduce_sum3A_13[0, 0, 0] : f32 from vector<1x1x1xf32>
    %mul3A = arith.constant 6.10351563E-5 : f32
    %mul3A_15 = arith.mulf %reduce_sum3A_14, %mul3A : f32
    %reshape3A = vector.broadcast %mul3A_15 : f32 to vector<1x1xf32>
    %swap3A = arith.constant 0 : index
    %swap3A_16 = arith.constant 0 : index
    %swap3A_17 = vector.load %arg1[%swap3A, %swap3A_16] : memref<1x1xf32, #tpu.memory_space<vmem>>, vector<1x1xf32>
    tpu.vector_store %arg1[%swap3A, %swap3A_16], %reshape3A {strides = array<i32>} : memref<1x1xf32, #tpu.memory_space<vmem>>, vector<1x1xf32>,
    return
  }
}

</mosaic_0001>

<sc_bundles>
// kernel: kernel.4.cloned.1.call-start
scs
__scs_entry_jumppad:
0x0: {  	(pc) =	sbr.rel $0x88, $3  }
0x1: {  	(tag) =	ssettag $0x0;
	lr =	simm.s32 $0x1  }
0x2: {  	[smem:$0x3F9C] =	sst lr;
	_ =	strace $0xD0000000  }
0x3: {  	_ = 	snop  }
0x4: {  	_ = 	snop  }
0x5: {  	_ = 	snop  }
0x6: {  	_ = 	snop  }
0x7: {  	_ = 	snop  }
__scs_overlays_trampoline_lowered:
0x8: {  	[smem:$0x3FAB] =	sst s0  }
0x9: {  	[smem:$0x3FAC] =	sst s1  }
0xa: {  	[smem:$0x3FAD] =	sst s2  }
0xb: {  	[smem:$0x3FAE] =	sst s3  }
0xc: {  	[smem:$0x3FAF] =	sst s4  }
0xd: {  	[smem:$0x3FB0] =	sst s5  }
0xe: {  	[smem:$0x3FB1] =	sst s6  }
0xf: {  	[smem:$0x3FB2] =	sst s7  }
0x10: {  	[smem:$0x3FB3] =	sst s8  }
0x11: {  	[smem:$0x3FB4] =	sst s9;
	s0 =	simm.s32 @!p0 $0x0  }
0x12: {  	s1 =	sld [smem:$0x3F9A];
	s0 =	simm.s32 @p0 $0x1  }
0x13: {  	[smem:$0x3FB5] =	sst s0;
	s0 =	simm.s32 @!p1 $0x0  }
0x14: {  	s2 =	sld [smem:$0x3F99];
	s0 =	simm.s32 @p1 $0x1  }
0x15: {  	[smem:$0x3FB6] =	sst s0;
	s0 =	simm.s32 @!p2 $0x0  }
0x16: {  	s3 =	sld [smem:$0x3FDB];
	s0 =	simm.s32 @p2 $0x1  }
0x17: {  	s4 =	simm.s32 $0x1BF5;
	[smem:$0x3FB8] =	sst s0  }
0x18: {  	s0 =	sld [smem:$0x3F9B];
	_ =	swait.ge [sflag:s4], $0x0  }
0x19: {  	s7 =	sld [smem:$0x3F9C]  }
0x1a: {  	s8 =	sadd.s32 $0xFFFFE003, lr  }
0x1b: {  	s9 =	sadd.s32 $0xFFFFFEF7, lr;
	s5 =	simm.s32 $0xFFFFFFFF;
	p2 =	slt.u32 s8, $0xFFFFF086  }
0x1c: {  	p1 =	slt.u32 s9, $0xF7A;
	s5 =	simm.s32 @!p2 $0x0  }
0x1d: {  	s5 =	simm.s32 @p1 $0x1;
	p0 =	seq.s32 s7, s2  }
0x1e: {  	s7 =	smul.u32 @!p0 $0xF7A, s2;
	p2 =	seq.s32 @!p0 s5, $0x0  }
0x1f: {  	s9 =	smul.u32 $0xF7A, s1;
	s8 =	simm.s32 @!p0 $0x1BF5;
	p2 =	por !p2, p0  }
0x20: {  	[sflag:s8] =	ssyncset.s32 @!p0 $0xFFFFF086;
	s6 =	sadd.s32 @!p0 s3, s7;
	s7 =	simm.s32 @!p0 $0x108  }
0x21: {  	s3 =	sadd.s32 s3, s9;
	s6 =	sadd.s32 @!p0 $0x88, s6;
	s7 =	simm.s32 @p2 $0x1082  }
0x22: {  	[simem:s7], [sflag:s8] =	dma.local @!p0 [hbm:s6], $0xF7A  }
0x23: {  	s9 =	sor.u32 $0xD0000000, s2;
	s6 =	simm.s32 $0x108;
	_ =	swait.ge @!p0 [sflag:s8], $0x0  }
0x24: {  	s3 =	sadd.s32 $0x88, s3;
	s6 =	simm.s32 @!p1 $0x1082;
	[sflag:s4] =	ssyncset.s32 $0xFFFFF086  }
0x25: {  	[simem:s6], [sflag:s4] =	dma.local [hbm:s3], $0xF7A  }
0x26: {  	[smem:$0x3F9C] =	sst s1;
	(tag) =	ssettag s2;
	_ =	strace s9  }
0x27: {  	s1 =	sld [smem:$0x3FAC]  }
0x28: {  	s2 =	sld [smem:$0x3FAD]  }
0x29: {  	s4 =	sld [smem:$0x3FAF]  }
0x2a: {  	p0 =	seq.s32 s5, $0x0;
	s5 =	sld [smem:$0x3FB0]  }
0x2b: {  	s6 =	sld [smem:$0x3FB1]  }
0x2c: {  	s7 =	sld [smem:$0x3FB2]  }
0x2d: {  	s3 =	simm.s32 $0x108;
	s8 =	sld [smem:$0x3FB3]  }
0x2e: {  	s3 =	simm.s32 @!p0 $0x1082;
	s9 =	sld [smem:$0x3FB4]  }
0x2f: {  	lr =	sadd.s32 s0, s3;
	s0 =	sld [smem:$0x3FAB]  }
0x30: {  	s3 =	sld [smem:$0x3FAE]  }
0x31: {  	[smem:$0x3FB7] =	sst s10  }
0x32: {  	s10 =	sld [smem:$0x3FB5];
	_ =	sdelay $0x3  }
0x33: {  	p0 =	seq.s32 s10, $0x1;
	s10 =	sld [smem:$0x3FB7];
	_ =	sdelay $0x3  }
0x34: {  	[smem:$0x3FB7] =	sst s10  }
0x35: {  	s10 =	sld [smem:$0x3FB6];
	_ =	sdelay $0x3  }
0x36: {  	p1 =	seq.s32 s10, $0x1;
	s10 =	sld [smem:$0x3FB7];
	_ =	sdelay $0x3  }
0x37: {  	[smem:$0x3FB7] =	sst s10  }
0x38: {  	s10 =	sld [smem:$0x3FB8]  }
0x39: {  	_ = 	snop;
	(pc) =	sbr.ind lr, $3  }
0x3a: {  	_ = 	snop  }
0x3b: {  	_ = 	snop  }
0x3c: {  	p2 =	seq.s32 s10, $0x1;
	s10 =	sld [smem:$0x3FB7]  }
0x3d: {  	_ =	shalt  }
0x3e: {  	_ =	shalt  }
0x3f: {  	_ =	shalt  }
0x40: {  	_ =	shalt  }
0x41: {  	_ =	shalt  }
0x42: {  	_ =	shalt  }
0x43: {  	_ =	shalt  }
0x44: {  	_ =	shalt  }
0x45: {  	_ =	shalt  }
0x46: {  	_ =	shalt  }
0x47: {  	_ =	shalt  }
0x48: {  	_ =	shalt  }
0x49: {  	_ =	shalt  }
0x4a: {  	_ =	shalt  }
0x4b: {  	_ =	shalt  }
0x4c: {  	_ =	shalt  }
0x4d: {  	_ =	shalt  }
0x4e: {  	_ =	shalt  }
0x4f: {  	_ =	shalt  }
0x50: {  	_ =	shalt  }
0x51: {  	_ =	shalt  }
0x52: {  	_ =	shalt  }
0x53: {  	_ =	shalt  }
0x54: {  	_ =	shalt  }
0x55: {  	_ =	shalt  }
0x56: {  	_ =	shalt  }
0x57: {  	_ =	shalt  }
0x58: {  	_ =	shalt  }
0x59: {  	_ =	shalt  }
0x5a: {  	_ =	shalt  }
0x5b: {  	_ =	shalt  }
0x5c: {  	_ =	shalt  }
0x5d: {  	_ =	shalt  }
0x5e: {  	_ =	shalt  }
0x5f: {  	_ =	shalt  }
0x60: {  	_ =	shalt  }
0x61: {  	_ =	shalt  }
0x62: {  	_ =	shalt  }
0x63: {  	_ =	shalt  }
0x64: {  	_ =	shalt  }
0x65: {  	_ =	shalt  }
0x66: {  	_ =	shalt  }
0x67: {  	_ =	shalt  }
0x68: {  	_ =	shalt  }
0x69: {  	_ =	shalt  }
0x6a: {  	_ =	shalt  }
0x6b: {  	_ =	shalt  }
0x6c: {  	_ =	shalt  }
0x6d: {  	_ =	shalt  }
0x6e: {  	_ =	shalt  }
0x6f: {  	_ =	shalt  }
0x70: {  	_ =	shalt  }
0x71: {  	_ =	shalt  }
0x72: {  	_ =	shalt  }
0x73: {  	_ =	shalt  }
0x74: {  	_ =	shalt  }
0x75: {  	_ =	shalt  }
0x76: {  	_ =	shalt  }
0x77: {  	_ =	shalt  }
0x78: {  	_ =	shalt  }
0x79: {  	_ =	shalt  }
0x7a: {  	_ =	shalt  }
0x7b: {  	_ =	shalt  }
0x7c: {  	_ =	shalt  }
0x7d: {  	_ =	shalt  }
0x7e: {  	_ =	shalt  }
0x7f: {  	_ =	shalt  }
0x80: {  	_ =	shalt  }
0x81: {  	_ =	shalt  }
0x82: {  	_ =	shalt  }
0x83: {  	_ =	shalt  }
0x84: {  	_ =	shalt  }
0x85: {  	_ =	shalt  }
0x86: {  	_ =	shalt  }
0x87: {  	_ =	shalt  }
.Lfunc_end0:
.L_simem_size_0:
called_computation_lowered:
.L_overlay_start_0:
0x88: {  	s2 =	sld [smem:$0x3FD9]  }
0x89: {  	s3 =	sld [smem:$0x3FFE];
	_ =	sdelay $0x1  }
0x8a: {  	s1 =	srdreg.scid  }
0x8b: {  	s0 =	sand.u32 $0x1, s1  }
0x8c: {  	s17 =	sshll.u32 s0, $0xA;
	s2 =	sadd.s32 s3, s2  }
0x8d: {  	s2 =	sadd.s32 s2, s17  }
0x8e: {  	[smem:$0x3FC3] =	sst s2  }
0x8f: {  	_ = 	snop  }
0x90: {  	s2 =	sld [smem:$0x3FC9]  }
0x91: {  	s18 =	sld [smem:$0x3FC8];
	(tm) =	ssettm $0x1  }
0x92: {  	s4 =	sld [smem:$0x3FFB];
	_ =	sdelay $0x3  }
0x93: {  	_ =	strace s4  }
0x94: {  	s4 =	sld [smem:$0x3FFC];
	_ =	sdelay $0x3  }
0x95: {  	_ =	strace s4  }
0x96: {  	s4 =	sld [smem:$0x3FFD];
	_ =	sdelay $0x3  }
0x97: {  	_ =	strace s4  }
0x98: {  	_ =	strace $0x8FFFFFFF  }
0x99: {  	s19 =	sld [smem:$0x3FDB];
	_ =	sdelay $0x1  }
0x9a: {  	s5 =	simm.s32 $_scs_section_size  }
0x9b: {  	s6 =	simm.s32 $_size__tile_overlayer_lowered;
	s7 =	simm.s32 $_tile_overlayer_lowered  }
0x9c: {  	s22 =	simm.s32 $0x1BFF;
	s21 =	sshll.u32 s7, $0x1;
	s4 =	sadd.s32 s5, s19  }
0x9d: {  	s8 =	simm.s32 $0x0;
	s20 =	sshll.u32 s6, $0x1;
	s6 =	sadd.s32 s21, s4  }
0x9e: {  	[timem:s8], [sflag:s22] =	dma.local [hbm:s6], s20  }
0x9f: {  	_ =	swait.ge [sflag:s22], s20  }
0xa0: {  	s5 =	ssub.s32 $0x0, s20;
	[sflag:s22] =	ssyncset.done $0x0  }
0xa1: {  	[sflag:s22] =	ssyncadd.s32 s5;
	_ =	sdelay $0x1  }
0xa2: {  	s23 =	simm.s32 $0x1B8B  }
0xa3: {  	_ =	swait.ge [sflag:s23], $0x1  }
0xa4: {  	[sflag:s23] =	ssyncset.done $0x0  }
0xa5: {  	s25 =	simm.s32 $0x1B8E;
	s24 =	sld [smem:$0x3FFE];
	[sflag:s23] =	ssyncadd.s32 $0xFFFFFFFF  }
0xa6: {  	s26 =	simm.s32 $execute0_lowered;
	[smem:$0x3FD2] =	sst s25  }
0xa7: {  	s6 =	sshll.u32 s26, $0x1;
	_ =	strace $0x80000046;
	[dreg:$0x1] =	wrdreg $0xFFFFFFFF  }
0xa8: {  	s28 =	simm.s32 $_size_execute0_lowered;
	s4 =	sadd.s32 s4, s6;
	[dreg:$0x0] =	wrdreg $0x0  }
0xa9: {  	s6 =	sshll.u32 s28, $0x1;
	[dreg:$0x2] =	wrdreg s4  }
0xaa: {  	[dreg:$0x3] =	wrdreg s6  }
0xab: {  	[dreg:$0x4] =	wrdreg $0xC0  }
0xac: {  	_ =	task [dreg:s8], $0x5FFFF  }
0xad: {  	[dreg:$0x1] =	wrdreg $0xFFFFFFFF  }
0xae: {  	[dreg:$0x0] =	wrdreg $0x60  }
0xaf: {  	[dreg:$0x2] =	wrdreg s24  }
0xb0: {  	[dreg:$0x3] =	wrdreg s2  }
0xb1: {  	[dreg:$0x4] =	wrdreg s18  }
0xb2: {  	[dreg:$0x5] =	wrdreg $0x9  }
0xb3: {  	_ =	task.clear_ibuf [dreg:s8], $0x6FFFF;
	_ =	strace $0x90000046  }
0xb4: {  	s29 =	simm.s32 $0x9;
	_ =	strace $0x80000048  }
0xb5: {  	_ =	swait.ge [sflag:s29], $0x1  }
0xb6: {  	[sflag:s29] =	ssyncadd.s32 $0xFFFFFFFF  }
0xb7: {  	_ =	strace $0x90000048  }
0xb8: {  	_ =	sfence  }
0xb9: {  	s30 =	sld [smem:$0x0];
	_ =	sdelay $0x2  }
0xba: {  	s31 =	sshll.u32 s1, $0xD;
	s1 =	sshrl.u32 s1, $0x2  }
0xbb: {  	s3 =	sand.u32 $0x4000, s31;
	s1 =	sadd.s32 s1, s30  }
0xbc: {  	s0 =	sor.u32 s3, s0;
	s1 =	sshll.u32 s1, $0x11  }
0xbd: {  	s0 =	sor.u32 s1, s0  }
0xbe: {  	s0 =	sadd.s32 $0x8F2B, s0  }
0xbf: {  	[sflag:s0] =	ssyncadd.remote.s32 $0x1  }
0xc0: {  	_ =	sfence.sel $0xFFFF  }
0xc1: {  	[dreg:$0x0] =	wrdreg $0xFFFFFFFF;
	(pc) =	sbr.abs _section_cstart, $3  }
0xc2: {  	[dreg:$0x1] =	wrdreg $0xFFFFFFFF  }
0xc3: {  	_ =	task.clear_ibuf [dreg:s8], $0x2FFFF;
	_ =	strace $0x9FFFFFFF  }
0xc4: {  	(tm) =	ssettm $0x7FFFFFFF  }
0xc5: {  	_ =	shalt  }
tec
execute0_lowered:
.L_overlay_start_1:
0x0: {  	(tag) =	ssettag $0x1  }
0x1: {  	s0 =	rddreg [dreg:$0x0];
	v31 =	vlaneseq.u32  }
0x2: {  	s4 =	rddreg [dreg:$0x1];
	s13 =	simm.s32 $0x0;
	v0 =	vmul.u32 $0x14, v31  }
0x3: {  	[smem:$0x7FF] =	sst s13  }
0x4: {  	s5 =	rddreg [dreg:$0x2];
	_ =	strace $0x80000047;
	v1 =	vadd.s32 $0x140, v0;
	[tilespmem:$0x1FFE0] =	vst v0  }
0x5: {  	v59 =	vadd.s32 $0x280, v0;
	[tilespmem:$0x1FC00] =	vst v1  }
0x6: {  	v60 =	vadd.s32 $0x3C0, v0;
	[tilespmem:$0x1FC10] =	vst v59  }
0x7: {  	v61 =	vor.u32 $0x1, v0;
	[tilespmem:$0x1FC20] =	vst v60  }
0x8: {  	v62 =	vadd.s32 $0x141, v0;
	[tilespmem:$0x1FC30] =	vst v61  }
0x9: {  	v63 =	vadd.s32 $0x281, v0;
	[tilespmem:$0x1FC40] =	vst v62  }
0xa: {  	v4 =	vadd.s32 $0x3C1, v0;
	[tilespmem:$0x1FC50] =	vst v63  }
0xb: {  	v5 =	vor.u32 $0x2, v0;
	[tilespmem:$0x1FC60] =	vst v4  }
0xc: {  	v6 =	vadd.s32 $0x142, v0;
	[tilespmem:$0x1FC70] =	vst v5  }
0xd: {  	v7 =	vadd.s32 $0x282, v0;
	[tilespmem:$0x1FC80] =	vst v6  }
0xe: {  	v8 =	vadd.s32 $0x3C2, v0;
	[tilespmem:$0x1FC90] =	vst v7  }
0xf: {  	v9 =	vor.u32 $0x3, v0;
	[tilespmem:$0x1FCA0] =	vst v8  }
0x10: {  	v10 =	vadd.s32 $0x143, v0;
	[tilespmem:$0x1FCB0] =	vst v9  }
0x11: {  	v11 =	vadd.s32 $0x283, v0;
	[tilespmem:$0x1FCC0] =	vst v10  }
0x12: {  	v12 =	vadd.s32 $0x3C3, v0;
	[tilespmem:$0x1FCD0] =	vst v11  }
0x13: {  	v13 =	vadd.s32 $0x4, v0;
	[tilespmem:$0x1FCE0] =	vst v12  }
0x14: {  	v14 =	vadd.s32 $0x144, v0;
	[tilespmem:$0x1FCF0] =	vst v13  }
0x15: {  	v15 =	vadd.s32 $0x284, v0;
	[tilespmem:$0x1FD00] =	vst v14  }
0x16: {  	v16 =	vadd.s32 $0x3C4, v0;
	[tilespmem:$0x1FD10] =	vst v15  }
0x17: {  	v17 =	vadd.s32 $0x5, v0;
	[tilespmem:$0x1FD20] =	vst v16  }
0x18: {  	v18 =	vadd.s32 $0x145, v0;
	[tilespmem:$0x1FD30] =	vst v17  }
0x19: {  	v19 =	vadd.s32 $0x285, v0;
	[tilespmem:$0x1FD40] =	vst v18  }
0x1a: {  	v20 =	vadd.s32 $0x3C5, v0;
	[tilespmem:$0x1FD50] =	vst v19  }
0x1b: {  	v21 =	vadd.s32 $0x6, v0;
	[tilespmem:$0x1FD60] =	vst v20  }
0x1c: {  	v22 =	vadd.s32 $0x146, v0;
	[tilespmem:$0x1FD70] =	vst v21  }
0x1d: {  	v23 =	vadd.s32 $0x286, v0;
	[tilespmem:$0x1FD80] =	vst v22  }
0x1e: {  	v24 =	vadd.s32 $0x3C6, v0;
	[tilespmem:$0x1FD90] =	vst v23  }
0x1f: {  	v25 =	vadd.s32 $0x7, v0;
	[tilespmem:$0x1FDA0] =	vst v24  }
0x20: {  	v26 =	vadd.s32 $0x147, v0;
	[tilespmem:$0x1FDB0] =	vst v25  }
0x21: {  	v27 =	vadd.s32 $0x287, v0;
	[tilespmem:$0x1FDC0] =	vst v26  }
0x22: {  	v32 =	vadd.s32 $0x3C7, v0;
	[tilespmem:$0x1FDD0] =	vst v27  }
0x23: {  	v33 =	vadd.s32 $0x8, v0;
	[tilespmem:$0x1FDE0] =	vst v32  }
0x24: {  	v34 =	vadd.s32 $0x148, v0;
	[tilespmem:$0x1FDF0] =	vst v33  }
0x25: {  	v35 =	vadd.s32 $0x288, v0;
	[tilespmem:$0x1FE00] =	vst v34  }
0x26: {  	v36 =	vadd.s32 $0x3C8, v0;
	[tilespmem:$0x1FE10] =	vst v35  }
0x27: {  	v37 =	vadd.s32 $0x9, v0;
	[tilespmem:$0x1FE20] =	vst v36  }
0x28: {  	v38 =	vadd.s32 $0x149, v0;
	[tilespmem:$0x1FE30] =	vst v37  }
0x29: {  	v39 =	vadd.s32 $0x289, v0;
	[tilespmem:$0x1FE40] =	vst v38  }
0x2a: {  	v40 =	vadd.s32 $0x3C9, v0;
	[tilespmem:$0x1FE50] =	vst v39  }
0x2b: {  	v41 =	vadd.s32 $0xA, v0;
	[tilespmem:$0x1FE60] =	vst v40  }
0x2c: {  	v42 =	vadd.s32 $0x14A, v0;
	[tilespmem:$0x1FE70] =	vst v41  }
0x2d: {  	v43 =	vadd.s32 $0x28A, v0;
	[tilespmem:$0x1FE80] =	vst v42  }
0x2e: {  	v44 =	vadd.s32 $0x3CA, v0;
	[tilespmem:$0x1FE90] =	vst v43  }
0x2f: {  	v45 =	vadd.s32 $0xB, v0;
	[tilespmem:$0x1FEA0] =	vst v44  }
0x30: {  	v46 =	vadd.s32 $0x14B, v0;
	[tilespmem:$0x1FEB0] =	vst v45  }
0x31: {  	v47 =	vadd.s32 $0x28B, v0;
	[tilespmem:$0x1FEC0] =	vst v46  }
0x32: {  	s24 =	srdreg.scid;
	s18 =	simm.s32 $0x1500;
	v48 =	vadd.s32 $0x3CB, v0;
	[tilespmem:$0x1FED0] =	vst v47  }
0x33: {  	s19 =	simm.s32 $0x3500;
	s22 =	simm.s32 $0x5A40;
	s29 =	simm.s32 $0x8A40;
	v49 =	vadd.s32 $0xC, v0;
	[tilespmem:$0x1FEE0] =	vst v48  }
0x34: {  	s31 =	simm.s32 $0x9A40;
	s23 =	simm.s32 $0xBA40;
	s28 =	simm.s32 $0xCA40;
	v50 =	vadd.s32 $0x14C, v0;
	[tilespmem:$0x1FEF0] =	vst v49  }
0x35: {  	s16 =	simm.s32 $0xFA40;
	s10 =	simm.s32 $0x10A40;
	s11 =	simm.s32 $0x11A40;
	v51 =	vadd.s32 $0x28C, v0;
	[tilespmem:$0x1FF00] =	vst v50  }
0x36: {  	s12 =	simm.s32 $0x12A40;
	s14 =	simm.s32 $0x13A40;
	s9 =	simm.s32 $0x17A40;
	v52 =	vadd.s32 $0x3CC, v0;
	[tilespmem:$0x1FF10] =	vst v51  }
0x37: {  	s3 =	stileid.u32;
	s1 =	sadd.s32 $0x16E3E00, s0;
	s20 =	sadd.s32 $0xF42C00, s0;
	v53 =	vadd.s32 $0xD, v0;
	[tilespmem:$0x1FF20] =	vst v52  }
0x38: {  	s6 =	sadd.s32 $0x800, s0;
	s0 =	sadd.s32 $0xA800, s0;
	[dreg:$0x4] =	wrdreg s1;
	v54 =	vadd.s32 $0x14D, v0;
	[tilespmem:$0x1FF30] =	vst v53  }
0x39: {  	s3 =	sshll.u32 s3, $0x1;
	s1 =	sand.u32 $0x1, s24;
	[dreg:$0x6] =	wrdreg s0;
	v55 =	vadd.s32 $0x28D, v0;
	[tilespmem:$0x1FF40] =	vst v54  }
0x3a: {  	[dreg:$0x5] =	wrdreg s6;
	s24 =	simm.s32 $0x6A40;
	s2 =	ssub.s32 $0x2, s1;
	v56 =	vadd.s32 $0x3CD, v0;
	[tilespmem:$0x1FF50] =	vst v55  }
0x3b: {  	[dreg:$0x10] =	wrdreg s20;
	s1 =	sor.u32 s1, s3;
	v57 =	vadd.s32 $0xE, v0;
	s25 =	sshrl.u32 s2, $0x1;
	[tilespmem:$0x1FF60] =	vst v56  }
0x3c: {  	v58 =	vadd.s32 $0x14E, v0;
	s26 =	sshll.u32 s1, $0x6;
	s3 =	smul.u32 $0x500, s1;
	s7 =	sshll.u32 s1, $0x9;
	[tilespmem:$0x1FF70] =	vst v57  }
0x3d: {  	s1 =	sshll.u32 s1, $0x3;
	[tilespmem:$0x1FF80] =	vst v58;
	v59 =	vadd.s32 $0x28E, v0;
	s0 =	ssub.s32 s2, s25;
	[dreg:$0x7] =	wrdreg s7  }
0x3e: {  	v60 =	vadd.s32 $0x3CE, v0;
	s4 =	sadd.s32 s4, s26;
	s2 =	sadd.s32 s5, s26;
	[dreg:$0xb] =	wrdreg s1;
	[tilespmem:$0x1FF90] =	vst v59  }
0x3f: {  	v61 =	vadd.s32 $0xF, v0;
	s26 =	simm.s32 $0x7A40;
	s5 =	simm.s32 $0xAA40;
	s25 =	simm.s32 $0xEA40;
	[tilespmem:$0x1FFA0] =	vst v60  }
0x40: {  	v62 =	vadd.s32 $0x14F, v0;
	s1 =	simm.s32 $0x14A40;
	s7 =	simm.s32 $0x16A40;
	[tilespmem:$0x1FFB0] =	vst v61;
	[dreg:$0x8] =	wrdreg s4  }
0x41: {  	v63 =	vadd.s32 $0x28F, v0;
	[tilespmem:$0x1FFC0] =	vst v62;
	[dreg:$0x9] =	wrdreg s2;
	s30 =	sadd.s32 s6, s3;
	s0 =	smax.u32 s0, $0x1  }
0x42: {  	v0 =	vadd.s32 $0x3CF, v0;
	[tilespmem:$0x1FFD0] =	vst v63;
	s2 =	simm.s32 $0x15A40;
	s4 =	simm.s32 $0x18A40;
	[dreg:$0xa] =	wrdreg s30  }
0x43: {  	[tilespmem:$0x1FFF0] =	vst v0;
	s6 =	simm.s32 $0x0;
	[dreg:$0xc] =	wrdreg s0;
	s0 =	simm.s32 $0xDA40  }
.LBB2_1:
0x44: {  	[dreg:$0xd] =	wrdreg s6  }
0x45: {  	s3 =	rddreg [dreg:$0x8];
	s6 =	simm.s32 $0x5  }
0x46: {  	[tilespmem:s13], [sflag:$0x5] =	stream.linear.gather [hbm4b:s3+s13], $0x40, $0x38;
	[tilespmem:$0x19A40] =	vst v63  }
0x47: {  	_ =	swait.ge [sflag:s6], $0x40  }
0x48: {  	[sflag:s6] =	ssyncset.done $0x0  }
0x49: {  	s8 =	simm.s32 $0x80;
	s15 =	rddreg [dreg:$0x9];
	[sflag:s6] =	ssyncadd.s32 $0xFFFFFFC0  }
0x4a: {  	[tilespmem:s8], [sflag:$0x5] =	stream.linear.gather [hbm4b:s15+s13], $0x40, $0x38;
	[tilespmem:$0x19A40] =	vst v63  }
0x4b: {  	_ =	swait.ge [sflag:s6], $0x40  }
0x4c: {  	[sflag:s6] =	ssyncset.done $0x0  }
0x4d: {  	s15 =	simm.s32 $0x40;
	s17 =	rddreg [dreg:$0x4];
	[sflag:s6] =	ssyncadd.s32 $0xFFFFFFC0  }
0x4e: {  	[tilespmem:s18], [sflag:$0x1] =	stream.indirect.gather [hbm4b:s17+s15], $0x40, s13, s15, $0xb8;
	[tilespmem:$0x19A40] =	vst v63  }
0x4f: {  	_ = 	snop  }
0x50: {  	[tilespmem:s19], [sflag:$0x2] =	stream.indirect.gather [hbm4b:s20+s15], $0x40, s8, s15, $0xb8;
	[tilespmem:$0x19A40] =	vst v63  }
0x51: {  	s30 =	simm.s32 $0x100;
	s21 =	rddreg [dreg:$0xa]  }
0x52: {  	[tilespmem:s30], [sflag:$0x5] =	stream.linear.gather [hbm4b:s21+s13], $0x500, $0x38;
	[tilespmem:$0x19A40] =	vst v63  }
0x53: {  	_ =	swait.ge [sflag:s6], $0x500  }
0x54: {  	v2 =	vld [tilespmem:$0x1FFE0];
	_ =	sdelay $0x5  }
0x55: {  	[sflag:s6] =	ssyncset.done $0x0;
	v42 =	vld [tilespmem:$0x1FC00]  }
0x56: {  	[sflag:s6] =	ssyncadd.s32 $0xFFFFFB00  }
0x57: {  	v0 =	vld.idx.msk [tilespmem:v2+s30+$0x0], $0xffff;
	_ =	sdelay $0x3  }
0x58: {  	v43 =	vld [tilespmem:$0x1FC10]  }
0x59: {  	[tilespmem:$0xB00] =	vst v0  }
0x5a: {  	v0 =	vld.idx.msk [tilespmem:v42+s30+$0x0], $0xffff;
	_ =	sdelay $0x3  }
0x5b: {  	v44 =	vld [tilespmem:$0x1FC20]  }
0x5c: {  	[tilespmem:$0xB10] =	vst v0  }
0x5d: {  	v0 =	vld.idx.msk [tilespmem:v43+s30+$0x0], $0xffff;
	_ =	sdelay $0x3  }
0x5e: {  	v45 =	vld [tilespmem:$0x1FC30]  }
0x5f: {  	[tilespmem:$0xB20] =	vst v0  }
0x60: {  	v0 =	vld.idx.msk [tilespmem:v44+s30+$0x0], $0xffff;
	_ =	sdelay $0x3  }
0x61: {  	v46 =	vld [tilespmem:$0x1FC40]  }
0x62: {  	[tilespmem:$0xB30] =	vst v0  }
0x63: {  	v0 =	vld.idx.msk [tilespmem:v45+s30+$0x0], $0xffff;
	_ =	sdelay $0x3  }
0x64: {  	v47 =	vld [tilespmem:$0x1FC50]  }
0x65: {  	[tilespmem:$0xB40] =	vst v0  }
0x66: {  	v0 =	vld.idx.msk [tilespmem:v46+s30+$0x0], $0xffff;
	_ =	sdelay $0x3  }
0x67: {  	v48 =	vld [tilespmem:$0x1FC60]  }
0x68: {  	[tilespmem:$0xB50] =	vst v0  }
0x69: {  	v0 =	vld.idx.msk [tilespmem:v47+s30+$0x0], $0xffff;
	_ =	sdelay $0x3  }
0x6a: {  	v49 =	vld [tilespmem:$0x1FC70]  }
0x6b: {  	[tilespmem:$0xB60] =	vst v0  }
0x6c: {  	v0 =	vld.idx.msk [tilespmem:v48+s30+$0x0], $0xffff;
	_ =	sdelay $0x3  }
0x6d: {  	v50 =	vld [tilespmem:$0x1FC80]  }
0x6e: {  	[tilespmem:$0xB70] =	vst v0  }
0x6f: {  	v0 =	vld.idx.msk [tilespmem:v49+s30+$0x0], $0xffff;
	_ =	sdelay $0x3  }
0x70: {  	v51 =	vld [tilespmem:$0x1FC90]  }
0x71: {  	[tilespmem:$0xB80] =	vst v0  }
0x72: {  	v0 =	vld.idx.msk [tilespmem:v50+s30+$0x0], $0xffff;
	_ =	sdelay $0x3  }
0x73: {  	v52 =	vld [tilespmem:$0x1FCA0]  }
0x74: {  	[tilespmem:$0xB90] =	vst v0  }
0x75: {  	v0 =	vld.idx.msk [tilespmem:v51+s30+$0x0], $0xffff;
	_ =	sdelay $0x3  }
0x76: {  	v53 =	vld [tilespmem:$0x1FCB0]  }
0x77: {  	[tilespmem:$0xBA0] =	vst v0  }
0x78: {  	v0 =	vld.idx.msk [tilespmem:v52+s30+$0x0], $0xffff;
	_ =	sdelay $0x3  }
0x79: {  	v54 =	vld [tilespmem:$0x1FCC0]  }
0x7a: {  	[tilespmem:$0xBB0] =	vst v0  }
0x7b: {  	v0 =	vld.idx.msk [tilespmem:v53+s30+$0x0], $0xffff;
	_ =	sdelay $0x3  }
0x7c: {  	v55 =	vld [tilespmem:$0x1FCD0]  }
0x7d: {  	[tilespmem:$0xBC0] =	vst v0  }
0x7e: {  	v0 =	vld.idx.msk [tilespmem:v54+s30+$0x0], $0xffff;
	_ =	sdelay $0x3  }
0x7f: {  	v56 =	vld [tilespmem:$0x1FCE0]  }
0x80: {  	[tilespmem:$0xBD0] =	vst v0  }
0x81: {  	v0 =	vld.idx.msk [tilespmem:v55+s30+$0x0], $0xffff;
	_ =	sdelay $0x3  }
0x82: {  	v57 =	vld [tilespmem:$0x1FCF0]  }
0x83: {  	[tilespmem:$0xBE0] =	vst v0  }
0x84: {  	v0 =	vld.idx.msk [tilespmem:v56+s30+$0x0], $0xffff;
	_ =	sdelay $0x3  }
0x85: {  	v58 =	vld [tilespmem:$0x1FD00]  }
0x86: {  	[tilespmem:$0xBF0] =	vst v0  }
0x87: {  	v0 =	vld.idx.msk [tilespmem:v57+s30+$0x0], $0xffff;
	_ =	sdelay $0x3  }
0x88: {  	v59 =	vld [tilespmem:$0x1FD10]  }
0x89: {  	[tilespmem:$0xC00] =	vst v0  }
0x8a: {  	v0 =	vld.idx.msk [tilespmem:v58+s30+$0x0], $0xffff;
	_ =	sdelay $0x3  }
0x8b: {  	v60 =	vld [tilespmem:$0x1FD20]  }
0x8c: {  	[tilespmem:$0xC10] =	vst v0  }
0x8d: {  	v0 =	vld.idx.msk [tilespmem:v59+s30+$0x0], $0xffff;
	_ =	sdelay $0x3  }
0x8e: {  	v61 =	vld [tilespmem:$0x1FD30]  }
0x8f: {  	[tilespmem:$0xC20] =	vst v0  }
0x90: {  	v0 =	vld.idx.msk [tilespmem:v60+s30+$0x0], $0xffff;
	_ =	sdelay $0x3  }
0x91: {  	v62 =	vld [tilespmem:$0x1FD40]  }
0x92: {  	[tilespmem:$0xC30] =	vst v0  }
0x93: {  	v0 =	vld.idx.msk [tilespmem:v61+s30+$0x0], $0xffff;
	_ =	sdelay $0x3  }
0x94: {  	v63 =	vld [tilespmem:$0x1FD50]  }
0x95: {  	[tilespmem:$0xC40] =	vst v0  }
0x96: {  	v0 =	vld.idx.msk [tilespmem:v62+s30+$0x0], $0xffff;
	_ =	sdelay $0x3  }
0x97: {  	v4 =	vld [tilespmem:$0x1FD60]  }
0x98: {  	[tilespmem:$0xC50] =	vst v0  }
0x99: {  	v0 =	vld.idx.msk [tilespmem:v63+s30+$0x0], $0xffff;
	_ =	sdelay $0x3  }
0x9a: {  	v5 =	vld [tilespmem:$0x1FD70]  }
0x9b: {  	[tilespmem:$0xC60] =	vst v0  }
0x9c: {  	v0 =	vld.idx.msk [tilespmem:v4+s30+$0x0], $0xffff;
	_ =	sdelay $0x3  }
0x9d: {  	v6 =	vld [tilespmem:$0x1FD80]  }
0x9e: {  	[tilespmem:$0xC70] =	vst v0  }
0x9f: {  	v0 =	vld.idx.msk [tilespmem:v5+s30+$0x0], $0xffff;
	_ =	sdelay $0x3  }
0xa0: {  	v7 =	vld [tilespmem:$0x1FD90]  }
0xa1: {  	[tilespmem:$0xC80] =	vst v0  }
0xa2: {  	v0 =	vld.idx.msk [tilespmem:v6+s30+$0x0], $0xffff;
	_ =	sdelay $0x3  }
0xa3: {  	v8 =	vld [tilespmem:$0x1FDA0]  }
0xa4: {  	[tilespmem:$0xC90] =	vst v0  }
0xa5: {  	v0 =	vld.idx.msk [tilespmem:v7+s30+$0x0], $0xffff;
	_ =	sdelay $0x3  }
0xa6: {  	v9 =	vld [tilespmem:$0x1FDB0]  }
0xa7: {  	[tilespmem:$0xCA0] =	vst v0  }
0xa8: {  	v0 =	vld.idx.msk [tilespmem:v8+s30+$0x0], $0xffff;
	_ =	sdelay $0x3  }
0xa9: {  	v10 =	vld [tilespmem:$0x1FDC0]  }
0xaa: {  	[tilespmem:$0xCB0] =	vst v0  }
0xab: {  	v0 =	vld.idx.msk [tilespmem:v9+s30+$0x0], $0xffff;
	_ =	sdelay $0x3  }
0xac: {  	v11 =	vld [tilespmem:$0x1FDD0]  }
0xad: {  	[tilespmem:$0xCC0] =	vst v0  }
0xae: {  	v0 =	vld.idx.msk [tilespmem:v10+s30+$0x0], $0xffff;
	_ =	sdelay $0x3  }
0xaf: {  	v12 =	vld [tilespmem:$0x1FDE0]  }
0xb0: {  	[tilespmem:$0xCD0] =	vst v0  }
0xb1: {  	v0 =	vld.idx.msk [tilespmem:v11+s30+$0x0], $0xffff;
	_ =	sdelay $0x3  }
0xb2: {  	v13 =	vld [tilespmem:$0x1FDF0]  }
0xb3: {  	[tilespmem:$0xCE0] =	vst v0  }
0xb4: {  	v0 =	vld.idx.msk [tilespmem:v12+s30+$0x0], $0xffff;
	_ =	sdelay $0x3  }
0xb5: {  	v14 =	vld [tilespmem:$0x1FE00]  }
0xb6: {  	[tilespmem:$0xCF0] =	vst v0  }
0xb7: {  	v0 =	vld.idx.msk [tilespmem:v13+s30+$0x0], $0xffff;
	_ =	sdelay $0x3  }
0xb8: {  	v15 =	vld [tilespmem:$0x1FE10]  }
0xb9: {  	[tilespmem:$0xD00] =	vst v0  }
0xba: {  	v0 =	vld.idx.msk [tilespmem:v14+s30+$0x0], $0xffff;
	_ =	sdelay $0x3  }
0xbb: {  	v16 =	vld [tilespmem:$0x1FE20]  }
0xbc: {  	[tilespmem:$0xD10] =	vst v0  }
0xbd: {  	v0 =	vld.idx.msk [tilespmem:v15+s30+$0x0], $0xffff;
	_ =	sdelay $0x3  }
0xbe: {  	v17 =	vld [tilespmem:$0x1FE30]  }
0xbf: {  	[tilespmem:$0xD20] =	vst v0  }
0xc0: {  	v0 =	vld.idx.msk [tilespmem:v16+s30+$0x0], $0xffff;
	_ =	sdelay $0x3  }
0xc1: {  	v18 =	vld [tilespmem:$0x1FE40]  }
0xc2: {  	[tilespmem:$0xD30] =	vst v0  }
0xc3: {  	v0 =	vld.idx.msk [tilespmem:v17+s30+$0x0], $0xffff;
	_ =	sdelay $0x3  }
0xc4: {  	v19 =	vld [tilespmem:$0x1FE50]  }
0xc5: {  	[tilespmem:$0xD40] =	vst v0  }
0xc6: {  	v0 =	vld.idx.msk [tilespmem:v18+s30+$0x0], $0xffff;
	_ =	sdelay $0x3  }
0xc7: {  	v20 =	vld [tilespmem:$0x1FE60]  }
0xc8: {  	[tilespmem:$0xD50] =	vst v0  }
0xc9: {  	v0 =	vld.idx.msk [tilespmem:v19+s30+$0x0], $0xffff;
	_ =	sdelay $0x3  }
0xca: {  	v21 =	vld [tilespmem:$0x1FE70]  }
0xcb: {  	[tilespmem:$0xD60] =	vst v0  }
0xcc: {  	v0 =	vld.idx.msk [tilespmem:v20+s30+$0x0], $0xffff;
	_ =	sdelay $0x3  }
0xcd: {  	v22 =	vld [tilespmem:$0x1FE80]  }
0xce: {  	[tilespmem:$0xD70] =	vst v0  }
0xcf: {  	v0 =	vld.idx.msk [tilespmem:v21+s30+$0x0], $0xffff;
	_ =	sdelay $0x3  }
0xd0: {  	v23 =	vld [tilespmem:$0x1FE90]  }
0xd1: {  	[tilespmem:$0xD80] =	vst v0  }
0xd2: {  	v0 =	vld.idx.msk [tilespmem:v22+s30+$0x0], $0xffff;
	_ =	sdelay $0x3  }
0xd3: {  	v24 =	vld [tilespmem:$0x1FEA0]  }
0xd4: {  	[tilespmem:$0xD90] =	vst v0  }
0xd5: {  	v0 =	vld.idx.msk [tilespmem:v23+s30+$0x0], $0xffff;
	_ =	sdelay $0x3  }
0xd6: {  	v25 =	vld [tilespmem:$0x1FEB0]  }
0xd7: {  	[tilespmem:$0xDA0] =	vst v0  }
0xd8: {  	v0 =	vld.idx.msk [tilespmem:v24+s30+$0x0], $0xffff;
	_ =	sdelay $0x3  }
0xd9: {  	v26 =	vld [tilespmem:$0x1FEC0]  }
0xda: {  	[tilespmem:$0xDB0] =	vst v0  }
0xdb: {  	v0 =	vld.idx.msk [tilespmem:v25+s30+$0x0], $0xffff;
	_ =	sdelay $0x3  }
0xdc: {  	v27 =	vld [tilespmem:$0x1FED0]  }
0xdd: {  	[tilespmem:$0xDC0] =	vst v0  }
0xde: {  	v0 =	vld.idx.msk [tilespmem:v26+s30+$0x0], $0xffff;
	_ =	sdelay $0x3  }
0xdf: {  	v32 =	vld [tilespmem:$0x1FEE0]  }
0xe0: {  	[tilespmem:$0xDD0] =	vst v0  }
0xe1: {  	v0 =	vld.idx.msk [tilespmem:v27+s30+$0x0], $0xffff;
	_ =	sdelay $0x3  }
0xe2: {  	v33 =	vld [tilespmem:$0x1FEF0]  }
0xe3: {  	[tilespmem:$0xDE0] =	vst v0  }
0xe4: {  	v0 =	vld.idx.msk [tilespmem:v32+s30+$0x0], $0xffff;
	_ =	sdelay $0x3  }
0xe5: {  	v34 =	vld [tilespmem:$0x1FF00]  }
0xe6: {  	[tilespmem:$0xDF0] =	vst v0  }
0xe7: {  	v0 =	vld.idx.msk [tilespmem:v33+s30+$0x0], $0xffff;
	_ =	sdelay $0x3  }
0xe8: {  	v35 =	vld [tilespmem:$0x1FF10]  }
0xe9: {  	[tilespmem:$0xE00] =	vst v0  }
0xea: {  	v0 =	vld.idx.msk [tilespmem:v34+s30+$0x0], $0xffff;
	_ =	sdelay $0x3  }
0xeb: {  	v36 =	vld [tilespmem:$0x1FF20]  }
0xec: {  	[tilespmem:$0xE10] =	vst v0  }
0xed: {  	v0 =	vld.idx.msk [tilespmem:v35+s30+$0x0], $0xffff;
	_ =	sdelay $0x3  }
0xee: {  	v37 =	vld [tilespmem:$0x1FF30]  }
0xef: {  	[tilespmem:$0xE20] =	vst v0  }
0xf0: {  	v0 =	vld.idx.msk [tilespmem:v36+s30+$0x0], $0xffff;
	_ =	sdelay $0x3  }
0xf1: {  	v38 =	vld [tilespmem:$0x1FF40]  }
0xf2: {  	[tilespmem:$0xE30] =	vst v0  }
0xf3: {  	v0 =	vld.idx.msk [tilespmem:v37+s30+$0x0], $0xffff;
	_ =	sdelay $0x3  }
0xf4: {  	v39 =	vld [tilespmem:$0x1FF50]  }
0xf5: {  	[tilespmem:$0xE40] =	vst v0  }
0xf6: {  	v0 =	vld.idx.msk [tilespmem:v38+s30+$0x0], $0xffff;
	_ =	sdelay $0x3  }
0xf7: {  	v40 =	vld [tilespmem:$0x1FF60]  }
0xf8: {  	[tilespmem:$0xE50] =	vst v0  }
0xf9: {  	v0 =	vld.idx.msk [tilespmem:v39+s30+$0x0], $0xffff;
	_ =	sdelay $0x3  }
0xfa: {  	v41 =	vld [tilespmem:$0x1FF70]  }
0xfb: {  	[tilespmem:$0xE60] =	vst v0  }
0xfc: {  	v0 =	vld.idx.msk [tilespmem:v40+s30+$0x0], $0xffff;
	_ =	sdelay $0x3  }
0xfd: {  	v42 =	vld [tilespmem:$0x1FF80]  }
0xfe: {  	[tilespmem:$0xE70] =	vst v0  }
0xff: {  	v0 =	vld.idx.msk [tilespmem:v41+s30+$0x0], $0xffff;
	_ =	sdelay $0x3  }
0x100: {  	v43 =	vld [tilespmem:$0x1FF90]  }
0x101: {  	[tilespmem:$0xE80] =	vst v0  }
0x102: {  	v0 =	vld.idx.msk [tilespmem:v42+s30+$0x0], $0xffff;
	_ =	sdelay $0x3  }
0x103: {  	v44 =	vld [tilespmem:$0x1FFA0]  }
0x104: {  	[tilespmem:$0xE90] =	vst v0  }
0x105: {  	v0 =	vld.idx.msk [tilespmem:v43+s30+$0x0], $0xffff;
	_ =	sdelay $0x3  }
0x106: {  	v45 =	vld [tilespmem:$0x1FFB0]  }
0x107: {  	[tilespmem:$0xEA0] =	vst v0  }
0x108: {  	v0 =	vld.idx.msk [tilespmem:v44+s30+$0x0], $0xffff;
	_ =	sdelay $0x3  }
0x109: {  	v46 =	vld [tilespmem:$0x1FFC0]  }
0x10a: {  	[tilespmem:$0xEB0] =	vst v0  }
0x10b: {  	v0 =	vld.idx.msk [tilespmem:v45+s30+$0x0], $0xffff;
	_ =	sdelay $0x3  }
0x10c: {  	v47 =	vld [tilespmem:$0x1FFD0]  }
0x10d: {  	[tilespmem:$0xEC0] =	vst v0  }
0x10e: {  	v0 =	vld.idx.msk [tilespmem:v46+s30+$0x0], $0xffff;
	_ =	sdelay $0x3  }
0x10f: {  	v48 =	vld [tilespmem:$0x1FFF0]  }
0x110: {  	[tilespmem:$0xED0] =	vst v0  }
0x111: {  	v0 =	vld.idx.msk [tilespmem:v47+s30+$0x0], $0xffff;
	_ =	sdelay $0x4  }
0x112: {  	[tilespmem:$0xEE0] =	vst v0  }
0x113: {  	v0 =	vld.idx.msk [tilespmem:v48+s30+$0x0], $0xffff  }
0x114: {  	v1 =	vadd.s32 $0x10, v2;
	_ =	sdelay $0x3  }
0x115: {  	[tilespmem:$0xEF0] =	vst v0  }
0x116: {  	v0 =	vld.idx.msk [tilespmem:v1+s30+$0x0], $0xffff  }
0x117: {  	v49 =	vadd.s32 $0x150, v2;
	_ =	sdelay $0x3  }
0x118: {  	[tilespmem:$0xF00] =	vst v0  }
0x119: {  	v0 =	vld.idx.msk [tilespmem:v49+s30+$0x0], $0xffff  }
0x11a: {  	v50 =	vadd.s32 $0x290, v2;
	_ =	sdelay $0x3  }
0x11b: {  	[tilespmem:$0xF10] =	vst v0  }
0x11c: {  	v0 =	vld.idx.msk [tilespmem:v50+s30+$0x0], $0xffff  }
0x11d: {  	v51 =	vadd.s32 $0x3D0, v2;
	_ =	sdelay $0x3  }
0x11e: {  	[tilespmem:$0xF20] =	vst v0  }
0x11f: {  	v0 =	vld.idx.msk [tilespmem:v51+s30+$0x0], $0xffff  }
0x120: {  	v52 =	vadd.s32 $0x11, v2;
	_ =	sdelay $0x3  }
0x121: {  	[tilespmem:$0xF30] =	vst v0  }
0x122: {  	v0 =	vld.idx.msk [tilespmem:v52+s30+$0x0], $0xffff  }
0x123: {  	v53 =	vadd.s32 $0x151, v2;
	_ =	sdelay $0x3  }
0x124: {  	[tilespmem:$0xF40] =	vst v0  }
0x125: {  	v0 =	vld.idx.msk [tilespmem:v53+s30+$0x0], $0xffff  }
0x126: {  	v54 =	vadd.s32 $0x291, v2;
	_ =	sdelay $0x3  }
0x127: {  	[tilespmem:$0xF50] =	vst v0  }
0x128: {  	v0 =	vld.idx.msk [tilespmem:v54+s30+$0x0], $0xffff  }
0x129: {  	v55 =	vadd.s32 $0x3D1, v2;
	_ =	sdelay $0x3  }
0x12a: {  	[tilespmem:$0xF60] =	vst v0  }
0x12b: {  	v0 =	vld.idx.msk [tilespmem:v55+s30+$0x0], $0xffff  }
0x12c: {  	v56 =	vadd.s32 $0x12, v2;
	_ =	sdelay $0x3  }
0x12d: {  	[tilespmem:$0xF70] =	vst v0  }
0x12e: {  	v0 =	vld.idx.msk [tilespmem:v56+s30+$0x0], $0xffff  }
0x12f: {  	v57 =	vadd.s32 $0x152, v2;
	_ =	sdelay $0x3  }
0x130: {  	[tilespmem:$0xF80] =	vst v0  }
0x131: {  	v0 =	vld.idx.msk [tilespmem:v57+s30+$0x0], $0xffff  }
0x132: {  	v58 =	vadd.s32 $0x292, v2;
	_ =	sdelay $0x3  }
0x133: {  	[tilespmem:$0xF90] =	vst v0  }
0x134: {  	v0 =	vld.idx.msk [tilespmem:v58+s30+$0x0], $0xffff  }
0x135: {  	v59 =	vadd.s32 $0x3D2, v2;
	_ =	sdelay $0x3  }
0x136: {  	[tilespmem:$0xFA0] =	vst v0  }
0x137: {  	v0 =	vld.idx.msk [tilespmem:v59+s30+$0x0], $0xffff  }
0x138: {  	v60 =	vadd.s32 $0x13, v2;
	_ =	sdelay $0x3  }
0x139: {  	[tilespmem:$0xFB0] =	vst v0  }
0x13a: {  	v0 =	vld.idx.msk [tilespmem:v60+s30+$0x0], $0xffff  }
0x13b: {  	v61 =	vadd.s32 $0x153, v2;
	_ =	sdelay $0x3  }
0x13c: {  	[tilespmem:$0xFC0] =	vst v0  }
0x13d: {  	v0 =	vld.idx.msk [tilespmem:v61+s30+$0x0], $0xffff  }
0x13e: {  	v62 =	vadd.s32 $0x293, v2;
	_ =	sdelay $0x3  }
0x13f: {  	[tilespmem:$0xFD0] =	vst v0  }
0x140: {  	v0 =	vld.idx.msk [tilespmem:v62+s30+$0x0], $0xffff  }
0x141: {  	v63 =	vadd.s32 $0x3D3, v2;
	_ =	sdelay $0x3  }
0x142: {  	[tilespmem:$0xFE0] =	vst v0  }
0x143: {  	v0 =	vld.idx.msk [tilespmem:v63+s30+$0x0], $0xffff;
	_ =	sdelay $0x4  }
0x144: {  	s6 =	simm.s32 $0xB00;
	[tilespmem:$0xFF0] =	vst v0  }
0x145: {  	[tilespmem:s22], [sflag:$0x3] =	stream.indirect.gather [hbm4b:s20+s15], $0x40, s6, s15, $0xb8;
	[tilespmem:$0x19A40] =	vst v63  }
0x146: {  	s8 =	simm.s32 $0xB40  }
0x147: {  	[tilespmem:s24], [sflag:$0x3] =	stream.indirect.gather [hbm4b:s20+s15], $0x40, s8, s15, $0xb8;
	[tilespmem:$0x19A40] =	vst v63  }
0x148: {  	s17 =	simm.s32 $0xB80  }
0x149: {  	[tilespmem:s26], [sflag:$0x3] =	stream.indirect.gather [hbm4b:s20+s15], $0x40, s17, s15, $0xb8;
	[tilespmem:$0x19A40] =	vst v63  }
0x14a: {  	s21 =	simm.s32 $0xBC0  }
0x14b: {  	[tilespmem:s29], [sflag:$0x3] =	stream.indirect.gather [hbm4b:s20+s15], $0x40, s21, s15, $0xb8;
	[tilespmem:$0x19A40] =	vst v63  }
0x14c: {  	s30 =	simm.s32 $0xC00  }
0x14d: {  	[tilespmem:s31], [sflag:$0x3] =	stream.indirect.gather [hbm4b:s20+s15], $0x40, s30, s15, $0xb8;
	[tilespmem:$0x19A40] =	vst v63  }
0x14e: {  	s6 =	simm.s32 $0xC40  }
0x14f: {  	[tilespmem:s5], [sflag:$0x3] =	stream.indirect.gather [hbm4b:s20+s15], $0x40, s6, s15, $0xb8;
	[tilespmem:$0x19A40] =	vst v63  }
0x150: {  	s8 =	simm.s32 $0xC80  }
0x151: {  	[tilespmem:s23], [sflag:$0x3] =	stream.indirect.gather [hbm4b:s20+s15], $0x40, s8, s15, $0xb8;
	[tilespmem:$0x19A40] =	vst v63  }
0x152: {  	s17 =	simm.s32 $0xCC0  }
0x153: {  	[tilespmem:s28], [sflag:$0x3] =	stream.indirect.gather [hbm4b:s20+s15], $0x40, s17, s15, $0xb8;
	[tilespmem:$0x19A40] =	vst v63  }
0x154: {  	s21 =	simm.s32 $0xD00  }
0x155: {  	[tilespmem:s0], [sflag:$0x3] =	stream.indirect.gather [hbm4b:s20+s15], $0x40, s21, s15, $0xb8;
	[tilespmem:$0x19A40] =	vst v63  }
0x156: {  	s30 =	simm.s32 $0xD40;
	s8 =	simm.s32 $0x0  }
0x157: {  	[tilespmem:s25], [sflag:$0x3] =	stream.indirect.gather [hbm4b:s20+s15], $0x40, s30, s15, $0xb8;
	[tilespmem:$0x19A40] =	vst v63  }
.LBB2_2:
0x158: {  	s3 =	simm.s32 $0x1  }
0x159: {  	_ =	swait.ge [sflag:s3], $0x1000  }
0x15a: {  	[sflag:s3] =	ssyncset.done $0x0  }
0x15b: {  	s21 =	simm.s32 $0x2;
	[sflag:s3] =	ssyncadd.s32 $0xFFFFF000  }
0x15c: {  	s15 =	simm.s32 $0x0;
	_ =	swait.ge [sflag:s21], $0x1000  }
0x15d: {  	s17 =	simm.s32 $0x0;
	s3 =	sand.u32 $0x1, s8;
	[sflag:s21] =	ssyncset.done $0x0  }
0x15e: {  	[dreg:$0xe] =	wrdreg s8;
	s30 =	sshll.u32 s3, $0x6;
	[sflag:s21] =	ssyncadd.s32 $0xFFFFF000  }
.LBB2_3:
0x15f: {  	s21 =	sshll.u32 s17, $0x4;
	v0 =	vmov s15  }
0x160: {  	s8 =	sadd.s32 s30, s21;
	v0 =	vshrl.u32 v0, $0x3  }
0x161: {  	v2 =	vmul.u32 $0x40, v31;
	v1 =	vmov s8;
	v0 =	vshll.u32 v0, $0x3  }
0x162: {  	v1 =	vshll.u32 v1, $0x6;
	v12 =	vbroadcast v0, $0x0  }
0x163: {  	[tilespmem:$0x1FBF0] =	vst v2;
	v2 =	vor.u32 v2, v1  }
0x164: {  	v15 =	vor.u32 v2, v12  }
0x165: {  	v5 =	vor.u32 $0x6, v2  }
0x166: {  	v1 =	vadd.s32 v5, v12  }
0x167: {  	v7 =	vor.u32 $0x4, v2  }
0x168: {  	v10 =	vor.u32 $0x2, v2;
	v3 =	vadd.s32 v7, v12  }
0x169: {  	v4 =	vadd.s32 v10, v12;
	v18 =	vld.idx.msk [tilespmem:v15+s18+$0x0], $0xffff  }
0x16a: {  	v22 =	vld.idx.msk [tilespmem:v15+s19+$0x0], $0xffff  }
0x16b: {  	v9 =	vor.u32 $0x1, v2;
	v0 =	vld.idx.msk [tilespmem:v1+s18+$0x0], $0xffff  }
0x16c: {  	v16 =	vadd.s32 v9, v12;
	v6 =	vld.idx.msk [tilespmem:v1+s19+$0x0], $0xffff  }
0x16d: {  	v11 =	vor.u32 $0x3, v2;
	v1 =	vld.idx.msk [tilespmem:v3+s18+$0x0], $0xffff  }
0x16e: {  	s6 =	simm.s32 $0x8;
	v17 =	vadd.s32 v11, v12;
	v13 =	vld.idx.msk [tilespmem:v4+s18+$0x0], $0xffff  }
0x16f: {  	v19 =	vmov s6;
	v8 =	vor.u32 $0x5, v2;
	v14 =	vld.idx.msk [tilespmem:v4+s19+$0x0], $0xffff;
	v4 =	vor.u32 $0x7, v2  }
0x170: {  	v15 =	vadd.s32 v8, v12;
	v3 =	vld.idx.msk [tilespmem:v3+s19+$0x0], $0xffff;
	v29 =	vadd.s32 v4, v12;
	v12 =	vshrl.u32 v19, $0x3  }
0x171: {  	v26 =	vld.idx.msk [tilespmem:v16+s18+$0x0], $0xffff;
	v12 =	vshll.u32 v12, $0x3  }
0x172: {  	v28 =	vld.idx.msk [tilespmem:v16+s19+$0x0], $0xffff;
	v12 =	vbroadcast v12, $0x0  }
0x173: {  	v20 =	vld.idx.msk [tilespmem:v17+s18+$0x0], $0xffff  }
0x174: {  	v21 =	vld.idx.msk [tilespmem:v17+s19+$0x0], $0xffff;
	v25 =	vadd.s32 v5, v12  }
0x175: {  	v16 =	vld.idx.msk [tilespmem:v15+s18+$0x0], $0xffff  }
0x176: {  	v17 =	vld.idx.msk [tilespmem:v15+s19+$0x0], $0xffff;
	v24 =	vadd.s32 v7, v12  }
0x177: {  	v19 =	vimm.f32 $0.0e+00;
	v27 =	vmul.f32 v22, v18;
	v15 =	vld.idx.msk [tilespmem:v29+s18+$0x0], $0xffff  }
0x178: {  	s8 =	simm.s32 $0x10;
	v22 =	vimm.f32 $0.0e+00;
	v23 =	vadd.s32 v10, v12;
	v26 =	vmul.f32 v28, v26;
	v18 =	vld.idx.msk [tilespmem:v29+s19+$0x0], $0xffff  }
.LBB2_4:
0x179: {  	p0 =	sne.s32 s8, $0x38;
	v28 =	vor.u32 v2, v12;
	v29 =	vld.idx.msk [tilespmem:v25+s18+$0x0], $0xffff;
	v13 =	vmul.f32 v14, v13  }
0x17a: {  	v20 =	vmul.f32 v21, v20;
	v25 =	vld.idx.msk [tilespmem:v25+s19+$0x0], $0xffff;
	v14 =	vadd.f32 v27, v19;
	v19 =	vadd.f32 v26, v22  }
0x17b: {  	v21 =	vadd.s32 v9, v12;
	v22 =	vmul.f32 v3, v1;
	v1 =	vld.idx.msk [tilespmem:v24+s18+$0x0], $0xffff  }
0x17c: {  	v16 =	vmul.f32 v17, v16;
	v3 =	vld.idx.msk [tilespmem:v24+s19+$0x0], $0xffff;
	v24 =	vadd.f32 v13, v14;
	v19 =	vadd.f32 v20, v19  }
0x17d: {  	v6 =	vmul.f32 v6, v0;
	v26 =	vadd.s32 v11, v12;
	v17 =	vmov s8;
	v13 =	vld.idx.msk [tilespmem:v23+s18+$0x0], $0xffff  }
0x17e: {  	v15 =	vmul.f32 v18, v15;
	v14 =	vld.idx.msk [tilespmem:v23+s19+$0x0], $0xffff;
	v20 =	vadd.f32 v22, v24;
	v16 =	vadd.f32 v16, v19  }
0x17f: {  	v17 =	vshrl.u32 v17, $0x3;
	v0 =	vmov v29;
	v18 =	vld.idx.msk [tilespmem:v28+s18+$0x0], $0xffff  }
0x180: {  	v23 =	vadd.s32 v8, v12;
	v27 =	vld.idx.msk [tilespmem:v28+s19+$0x0], $0xffff;
	v19 =	vadd.f32 v6, v20;
	v22 =	vadd.f32 v15, v16  }
0x181: {  	v15 =	vshll.u32 v17, $0x3;
	v6 =	vmov v25;
	v28 =	vld.idx.msk [tilespmem:v21+s18+$0x0], $0xffff  }
0x182: {  	v30 =	vadd.s32 v4, v12;
	v12 =	vbroadcast v15, $0x0;
	v29 =	vld.idx.msk [tilespmem:v21+s19+$0x0], $0xffff  }
0x183: {  	v20 =	vld.idx.msk [tilespmem:v26+s18+$0x0], $0xffff  }
.Ltmp0:
0x184: {  	v25 =	vadd.s32 v5, v12;
	v21 =	vld.idx.msk [tilespmem:v26+s19+$0x0], $0xffff;
	(pc) =	sbr.rel @p0 .LBB2_4-.Ltmp0, $4  }
0x185: {  	v16 =	vld.idx.msk [tilespmem:v23+s18+$0x0], $0xffff  }
0x186: {  	v24 =	vadd.s32 v7, v12;
	v17 =	vld.idx.msk [tilespmem:v23+s19+$0x0], $0xffff  }
0x187: {  	v15 =	vld.idx.msk [tilespmem:v30+s18+$0x0], $0xffff  }
0x188: {  	s8 =	sadd.s32 $0x8, s8;
	v27 =	vmul.f32 v27, v18;
	v23 =	vadd.s32 v10, v12;
	v26 =	vmul.f32 v29, v28;
	v18 =	vld.idx.msk [tilespmem:v30+s19+$0x0], $0xffff  }
0x189: {  	_ =	sdelay $0x3  }
0x18a: {  	v5 =	vld.idx.msk [tilespmem:v25+s18+$0x0], $0xffff  }
0x18b: {  	v2 =	vor.u32 v2, v12;
	v7 =	vld.idx.msk [tilespmem:v25+s19+$0x0], $0xffff  }
0x18c: {  	v10 =	vld.idx.msk [tilespmem:v24+s18+$0x0], $0xffff  }
0x18d: {  	v9 =	vadd.s32 v9, v12;
	v43 =	vld.idx.msk [tilespmem:v24+s19+$0x0], $0xffff  }
0x18e: {  	v44 =	vld.idx.msk [tilespmem:v23+s18+$0x0], $0xffff  }
0x18f: {  	v11 =	vadd.s32 v11, v12;
	v45 =	vld.idx.msk [tilespmem:v23+s19+$0x0], $0xffff  }
0x190: {  	v28 =	vld.idx.msk [tilespmem:v2+s18+$0x0], $0xffff  }
0x191: {  	v13 =	vmul.f32 v14, v13;
	v8 =	vadd.s32 v8, v12;
	v46 =	vadd.f32 v27, v19;
	v2 =	vld.idx.msk [tilespmem:v2+s19+$0x0], $0xffff  }
0x192: {  	v20 =	vmul.f32 v21, v20;
	v47 =	vadd.f32 v26, v22;
	v48 =	vld.idx.msk [tilespmem:v9+s18+$0x0], $0xffff  }
0x193: {  	v1 =	vmul.f32 v3, v1;
	v4 =	vadd.s32 v4, v12;
	v49 =	vadd.f32 v13, v46;
	v9 =	vld.idx.msk [tilespmem:v9+s19+$0x0], $0xffff  }
0x194: {  	v51 =	vmul.f32 v17, v16;
	v50 =	vadd.f32 v20, v47;
	v52 =	vld.idx.msk [tilespmem:v11+s18+$0x0], $0xffff  }
0x195: {  	v0 =	vmul.f32 v6, v0;
	v1 =	vadd.f32 v1, v49;
	v53 =	vld.idx.msk [tilespmem:v11+s19+$0x0], $0xffff  }
0x196: {  	v55 =	vmul.f32 v18, v15;
	v54 =	vadd.f32 v51, v50;
	v56 =	vld.idx.msk [tilespmem:v8+s18+$0x0], $0xffff  }
0x197: {  	v57 =	vld.idx.msk [tilespmem:v8+s19+$0x0], $0xffff;
	v0 =	vadd.f32 v0, v1  }
0x198: {  	v58 =	vld.idx.msk [tilespmem:v4+s18+$0x0], $0xffff;
	v6 =	vadd.f32 v55, v54;
	v2 =	vmul.f32 v2, v28;
	v9 =	vmul.f32 v9, v48  }
0x199: {  	v4 =	vld.idx.msk [tilespmem:v4+s19+$0x0], $0xffff;
	v59 =	vmul.f32 v45, v44  }
0x19a: {  	v3 =	vmul.f32 v53, v52;
	v0 =	vadd.f32 v2, v0;
	v60 =	vadd.f32 v9, v6  }
0x19b: {  	v61 =	vmul.f32 v43, v10  }
0x19c: {  	v1 =	vmul.f32 v57, v56;
	v0 =	vadd.f32 v59, v0;
	v2 =	vadd.f32 v3, v60  }
0x19d: {  	v62 =	vmul.f32 v7, v5  }
0x19e: {  	s17 =	sadd.s32 $0x1, s17;
	v63 =	vmul.f32 v4, v58;
	v0 =	vadd.f32 v61, v0;
	v1 =	vadd.f32 v1, v2  }
0x19f: {  	p0 =	sne.s32 s17, $0x4  }
.Ltmp1:
0x1a0: {  	v0 =	vadd.f32 v62, v0;
	v1 =	vadd.f32 v63, v1;
	(pc) =	sbr.rel @p0 .LBB2_3-.Ltmp1, $3  }
0x1a1: {  	_ = 	snop  }
0x1a2: {  	v0 =	vadd.f32 v1, v0;
	_ =	sdelay $0x1  }
0x1a3: {  	[tilespmem:s21+$0x5500] =	vst v0  }
0x1a4: {  	s3 =	smul.u32 $0x1400, s3;
	_ =	sdelay $0x1  }
0x1a5: {  	s3 =	sshrl.u32 s3, $0x2  }
0x1a6: {  	s6 =	simm.s32 $0x40;
	s8 =	sadd.s32 $0xD80, s3  }
0x1a7: {  	[tilespmem:s16], [sflag:$0x4] =	stream.indirect.gather [hbm4b:s20+s6], $0x40, s8, s6, $0xb8;
	[tilespmem:$0x19A40] =	vst v63  }
0x1a8: {  	s15 =	sadd.s32 $0xDC0, s3  }
0x1a9: {  	[tilespmem:s10], [sflag:$0x4] =	stream.indirect.gather [hbm4b:s20+s6], $0x40, s15, s6, $0xb8;
	[tilespmem:$0x19A40] =	vst v63  }
0x1aa: {  	s17 =	sadd.s32 $0xE00, s3  }
0x1ab: {  	[tilespmem:s11], [sflag:$0x4] =	stream.indirect.gather [hbm4b:s20+s6], $0x40, s17, s6, $0xb8;
	[tilespmem:$0x19A40] =	vst v63  }
0x1ac: {  	s21 =	sadd.s32 $0xE40, s3  }
0x1ad: {  	[tilespmem:s12], [sflag:$0x4] =	stream.indirect.gather [hbm4b:s20+s6], $0x40, s21, s6, $0xb8;
	[tilespmem:$0x19A40] =	vst v63  }
0x1ae: {  	s15 =	sadd.s32 $0xE80, s3  }
0x1af: {  	[tilespmem:s14], [sflag:$0x4] =	stream.indirect.gather [hbm4b:s20+s6], $0x40, s15, s6, $0xb8;
	[tilespmem:$0x19A40] =	vst v63  }
0x1b0: {  	s17 =	sadd.s32 $0xEC0, s3  }
0x1b1: {  	[tilespmem:s1], [sflag:$0x4] =	stream.indirect.gather [hbm4b:s20+s6], $0x40, s17, s6, $0xb8;
	[tilespmem:$0x19A40] =	vst v63  }
0x1b2: {  	s21 =	sadd.s32 $0xF00, s3  }
0x1b3: {  	[tilespmem:s2], [sflag:$0x4] =	stream.indirect.gather [hbm4b:s20+s6], $0x40, s21, s6, $0xb8;
	[tilespmem:$0x19A40] =	vst v63  }
0x1b4: {  	s15 =	sadd.s32 $0xF40, s3  }
0x1b5: {  	[tilespmem:s7], [sflag:$0x4] =	stream.indirect.gather [hbm4b:s20+s6], $0x40, s15, s6, $0xb8;
	[tilespmem:$0x19A40] =	vst v63  }
0x1b6: {  	s17 =	sadd.s32 $0xF80, s3  }
0x1b7: {  	[tilespmem:s9], [sflag:$0x4] =	stream.indirect.gather [hbm4b:s20+s6], $0x40, s17, s6, $0xb8;
	[tilespmem:$0x19A40] =	vst v63  }
0x1b8: {  	s3 =	sadd.s32 $0xFC0, s3;
	s21 =	simm.s32 $0x3  }
0x1b9: {  	[tilespmem:s4], [sflag:$0x4] =	stream.indirect.gather [hbm4b:s20+s6], $0x40, s3, s6, $0xb8;
	[tilespmem:$0x19A40] =	vst v63  }
0x1ba: {  	_ =	swait.ge [sflag:s21], $0x1000  }
0x1bb: {  	[sflag:s21] =	ssyncset.done $0x0  }
0x1bc: {  	[sflag:s21] =	ssyncadd.s32 $0xFFFFF000  }
0x1bd: {  	_ =	swait.ge [sflag:s21], $0x1000  }
0x1be: {  	[sflag:s21] =	ssyncset.done $0x0  }
0x1bf: {  	[sflag:s21] =	ssyncadd.s32 $0xFFFFF000  }
0x1c0: {  	_ =	swait.ge [sflag:s21], $0x1000  }
0x1c1: {  	[sflag:s21] =	ssyncset.done $0x0  }
0x1c2: {  	[sflag:s21] =	ssyncadd.s32 $0xFFFFF000  }
0x1c3: {  	_ =	swait.ge [sflag:s21], $0x1000  }
0x1c4: {  	[sflag:s21] =	ssyncset.done $0x0  }
0x1c5: {  	[sflag:s21] =	ssyncadd.s32 $0xFFFFF000  }
0x1c6: {  	_ =	swait.ge [sflag:s21], $0x1000  }
0x1c7: {  	[sflag:s21] =	ssyncset.done $0x0  }
0x1c8: {  	[sflag:s21] =	ssyncadd.s32 $0xFFFFF000  }
0x1c9: {  	_ =	swait.ge [sflag:s21], $0x1000  }
0x1ca: {  	[sflag:s21] =	ssyncset.done $0x0  }
0x1cb: {  	[sflag:s21] =	ssyncadd.s32 $0xFFFFF000  }
0x1cc: {  	_ =	swait.ge [sflag:s21], $0x1000  }
0x1cd: {  	[sflag:s21] =	ssyncset.done $0x0  }
0x1ce: {  	[sflag:s21] =	ssyncadd.s32 $0xFFFFF000  }
0x1cf: {  	_ =	swait.ge [sflag:s21], $0x1000  }
0x1d0: {  	[sflag:s21] =	ssyncset.done $0x0  }
0x1d1: {  	[sflag:s21] =	ssyncadd.s32 $0xFFFFF000  }
0x1d2: {  	_ =	swait.ge [sflag:s21], $0x1000  }
0x1d3: {  	[sflag:s21] =	ssyncset.done $0x0  }
0x1d4: {  	[sflag:s21] =	ssyncadd.s32 $0xFFFFF000  }
0x1d5: {  	_ =	swait.ge [sflag:s21], $0x1000  }
0x1d6: {  	s15 =	simm.s32 $0x0;
	[sflag:s21] =	ssyncset.done $0x0  }
0x1d7: {  	s8 =	rddreg [dreg:$0xe];
	[sflag:s21] =	ssyncadd.s32 $0xFFFFF000;
	s21 =	simm.s32 $0x0  }
.LBB2_7:
0x1d8: {  	v3 =	vld [tilespmem:$0x1FBF0]  }
0x1d9: {  	s17 =	sshll.u32 s15, $0x4;
	v0 =	vmov s21  }
0x1da: {  	s3 =	sadd.s32 s30, s17;
	v0 =	vshrl.u32 v0, $0x3  }
0x1db: {  	v1 =	vmov s3;
	v0 =	vshll.u32 v0, $0x3  }
0x1dc: {  	v2 =	vmov s17;
	v1 =	vshll.u32 v1, $0x6;
	v0 =	vbroadcast v0, $0x0  }
0x1dd: {  	v2 =	vshll.u32 v2, $0x6;
	v31 =	vor.u32 v3, v1  }
0x1de: {  	v43 =	vor.u32 v3, v2;
	v1 =	vor.u32 $0x7, v31;
	v36 =	vor.u32 v31, v0  }
0x1df: {  	v2 =	vor.u32 $0x7, v43;
	[tilespmem:$0x1FAC0] =	vst v1;
	v1 =	vadd.s32 v1, v0  }
0x1e0: {  	v5 =	vadd.s32 v2, v0;
	_ =	sdelay $0x2  }
0x1e1: {  	v45 =	vld.idx.msk [tilespmem:v36+s18+$0x0], $0xffff  }
0x1e2: {  	v4 =	vld.idx.msk [tilespmem:v1+s18+$0x0], $0xffff  }
0x1e3: {  	v1 =	vld.idx.msk [tilespmem:v5+s22+$0x0], $0xffff  }
0x1e4: {  	[tilespmem:$0x1FAD0] =	vst v2;
	v2 =	vld.idx.msk [tilespmem:v5+s24+$0x0], $0xffff  }
0x1e5: {  	v6 =	vor.u32 $0x6, v31;
	v3 =	vld.idx.msk [tilespmem:v5+s26+$0x0], $0xffff  }
0x1e6: {  	v7 =	vor.u32 $0x6, v43;
	[tilespmem:$0x1FAE0] =	vst v6;
	v6 =	vadd.s32 v6, v0;
	v8 =	vld.idx.msk [tilespmem:v5+s29+$0x0], $0xffff  }
0x1e7: {  	[tilespmem:$0x1FAF0] =	vst v7;
	v7 =	vadd.s32 v7, v0;
	v9 =	vld.idx.msk [tilespmem:v5+s31+$0x0], $0xffff  }
0x1e8: {  	v10 =	vld.idx.msk [tilespmem:v5+s5+$0x0], $0xffff  }
0x1e9: {  	v11 =	vld.idx.msk [tilespmem:v5+s23+$0x0], $0xffff  }
0x1ea: {  	v12 =	vld.idx.msk [tilespmem:v5+s28+$0x0], $0xffff  }
0x1eb: {  	v6 =	vld.idx.msk [tilespmem:v6+s18+$0x0], $0xffff  }
0x1ec: {  	v14 =	vld.idx.msk [tilespmem:v7+s22+$0x0], $0xffff  }
0x1ed: {  	v15 =	vld.idx.msk [tilespmem:v7+s24+$0x0], $0xffff  }
0x1ee: {  	v13 =	vor.u32 $0x5, v31;
	v16 =	vld.idx.msk [tilespmem:v7+s26+$0x0], $0xffff  }
0x1ef: {  	v18 =	vor.u32 $0x5, v43;
	[tilespmem:$0x1FB00] =	vst v13;
	v13 =	vadd.s32 v13, v0;
	v17 =	vld.idx.msk [tilespmem:v7+s29+$0x0], $0xffff  }
0x1f0: {  	[tilespmem:$0x1FB10] =	vst v18;
	v19 =	vadd.s32 v18, v0;
	v18 =	vld.idx.msk [tilespmem:v7+s31+$0x0], $0xffff  }
0x1f1: {  	v20 =	vld.idx.msk [tilespmem:v7+s5+$0x0], $0xffff  }
0x1f2: {  	v21 =	vld.idx.msk [tilespmem:v7+s23+$0x0], $0xffff  }
0x1f3: {  	v22 =	vld.idx.msk [tilespmem:v7+s28+$0x0], $0xffff  }
0x1f4: {  	v13 =	vld.idx.msk [tilespmem:v13+s18+$0x0], $0xffff  }
0x1f5: {  	v24 =	vld.idx.msk [tilespmem:v19+s22+$0x0], $0xffff  }
0x1f6: {  	v25 =	vld.idx.msk [tilespmem:v19+s24+$0x0], $0xffff  }
0x1f7: {  	v23 =	vor.u32 $0x4, v31;
	v26 =	vld.idx.msk [tilespmem:v19+s26+$0x0], $0xffff  }
0x1f8: {  	v28 =	vor.u32 $0x4, v43;
	[tilespmem:$0x1FB20] =	vst v23;
	v23 =	vadd.s32 v23, v0;
	v27 =	vld.idx.msk [tilespmem:v19+s29+$0x0], $0xffff  }
0x1f9: {  	[tilespmem:$0x1FB30] =	vst v28;
	v29 =	vadd.s32 v28, v0;
	v28 =	vld.idx.msk [tilespmem:v19+s31+$0x0], $0xffff  }
0x1fa: {  	v30 =	vld.idx.msk [tilespmem:v19+s5+$0x0], $0xffff  }
0x1fb: {  	v42 =	vld.idx.msk [tilespmem:v19+s23+$0x0], $0xffff  }
0x1fc: {  	v38 =	vld.idx.msk [tilespmem:v19+s28+$0x0], $0xffff  }
0x1fd: {  	v23 =	vld.idx.msk [tilespmem:v23+s18+$0x0], $0xffff  }
0x1fe: {  	v39 =	vld.idx.msk [tilespmem:v29+s22+$0x0], $0xffff  }
0x1ff: {  	v33 =	vor.u32 $0x2, v31;
	v40 =	vld.idx.msk [tilespmem:v29+s24+$0x0], $0xffff  }
0x200: {  	v34 =	vor.u32 $0x1, v31;
	[tilespmem:$0x1FB50] =	vst v33;
	v33 =	vadd.s32 v33, v0;
	v41 =	vld.idx.msk [tilespmem:v29+s26+$0x0], $0xffff  }
0x201: {  	[tilespmem:$0x1FB60] =	vst v34;
	v34 =	vadd.s32 v34, v0;
	v53 =	vld.idx.msk [tilespmem:v29+s29+$0x0], $0xffff  }
0x202: {  	v52 =	vor.u32 v43, v0;
	v54 =	vld.idx.msk [tilespmem:v29+s31+$0x0], $0xffff  }
0x203: {  	v32 =	vor.u32 $0x3, v31;
	[tilespmem:$0x1FB70] =	vst v31;
	v31 =	vor.u32 $0x1, v43;
	v55 =	vld.idx.msk [tilespmem:v29+s5+$0x0], $0xffff  }
0x204: {  	v50 =	vor.u32 $0x2, v43;
	[tilespmem:$0x1FB40] =	vst v32;
	v51 =	vadd.s32 v31, v0;
	v60 =	vld.idx.msk [tilespmem:v29+s23+$0x0], $0xffff  }
0x205: {  	[tilespmem:$0x1FB90] =	vst v50;
	v50 =	vadd.s32 v50, v0;
	v35 =	vld.idx.msk [tilespmem:v33+s18+$0x0], $0xffff  }
0x206: {  	[tilespmem:$0x1FB80] =	vst v31;
	v37 =	vld.idx.msk [tilespmem:v34+s18+$0x0], $0xffff;
	v31 =	vmul.f32 v1, v4;
	v1 =	vmul.f32 v2, v4;
	v2 =	vor.u32 $0x3, v43  }
0x207: {  	v32 =	vadd.s32 v32, v0;
	v56 =	vmul.f32 v3, v4;
	v47 =	vadd.s32 v2, v0;
	v0 =	vld.idx.msk [tilespmem:v52+s24+$0x0], $0xffff  }
0x208: {  	v57 =	vmul.f32 v8, v4;
	v49 =	vmul.f32 v9, v4;
	[tilespmem:$0x1FBE0] =	vst v1;
	v1 =	vld.idx.msk [tilespmem:v52+s22+$0x0], $0xffff  }
0x209: {  	v48 =	vmul.f32 v10, v4;
	v34 =	vmul.f32 v11, v4;
	v3 =	vld.idx.msk [tilespmem:v51+s24+$0x0], $0xffff  }
0x20a: {  	v33 =	vmul.f32 v12, v4;
	v10 =	vmul.f32 v14, v6;
	[tilespmem:$0x1FBB0] =	vst v2;
	v2 =	vld.idx.msk [tilespmem:v51+s22+$0x0], $0xffff  }
0x20b: {  	v14 =	vmul.f32 v15, v6;
	v58 =	vmul.f32 v16, v6;
	v9 =	vld.idx.msk [tilespmem:v50+s24+$0x0], $0xffff  }
0x20c: {  	v59 =	vmul.f32 v17, v6;
	v8 =	vld.idx.msk [tilespmem:v50+s22+$0x0], $0xffff;
	v0 =	vmul.f32 v0, v45  }
0x20d: {  	[tilespmem:$0x1FBA0] =	vst v43;
	v36 =	vimm.f32 $0.0e+00;
	v32 =	vld.idx.msk [tilespmem:v32+s18+$0x0], $0xffff;
	v62 =	vmul.f32 v18, v6;
	v1 =	vmul.f32 v1, v45  }
0x20e: {  	v63 =	vmul.f32 v20, v6;
	v15 =	vld.idx.msk [tilespmem:v29+s28+$0x0], $0xffff;
	v3 =	vmul.f32 v3, v37;
	v0 =	vadd.f32 v0, v36  }
0x20f: {  	v46 =	vmul.f32 v21, v6;
	v2 =	vmul.f32 v2, v37;
	v12 =	vld.idx.msk [tilespmem:v47+s24+$0x0], $0xffff;
	v1 =	vadd.f32 v1, v36  }
0x210: {  	v44 =	vmul.f32 v22, v6;
	v11 =	vld.idx.msk [tilespmem:v47+s22+$0x0], $0xffff;
	v0 =	vadd.f32 v3, v0;
	v3 =	vmul.f32 v9, v35  }
0x211: {  	v16 =	vmul.f32 v24, v13;
	v21 =	vld.idx.msk [tilespmem:v50+s26+$0x0], $0xffff;
	v1 =	vadd.f32 v2, v1;
	v2 =	vmul.f32 v8, v35  }
0x212: {  	v18 =	vmul.f32 v25, v13;
	v22 =	vld.idx.msk [tilespmem:v50+s29+$0x0], $0xffff;
	v0 =	vadd.f32 v3, v0;
	v3 =	vmul.f32 v27, v13  }
0x213: {  	v24 =	vld.idx.msk [tilespmem:v51+s26+$0x0], $0xffff;
	v42 =	vmul.f32 v42, v13;
	v1 =	vadd.f32 v2, v1;
	v2 =	vmul.f32 v26, v13  }
0x214: {  	v25 =	vld.idx.msk [tilespmem:v51+s29+$0x0], $0xffff;
	v43 =	vmul.f32 v38, v13;
	[tilespmem:$0x1FBD0] =	vst v3;
	v3 =	vmul.f32 v12, v32  }
0x215: {  	v61 =	vmul.f32 v60, v23;
	v17 =	vld.idx.msk [tilespmem:v47+s26+$0x0], $0xffff;
	[tilespmem:$0x1FBC0] =	vst v2;
	v2 =	vmul.f32 v11, v32  }
0x216: {  	v60 =	vmul.f32 v15, v23;
	v15 =	vld.idx.msk [tilespmem:v52+s5+$0x0], $0xffff;
	v9 =	vmul.f32 v40, v23;
	v3 =	vadd.f32 v3, v0  }
0x217: {  	v38 =	vimm.f32 $0.0e+00;
	v20 =	vld.idx.msk [tilespmem:v47+s29+$0x0], $0xffff;
	v8 =	vmul.f32 v39, v23;
	v1 =	vadd.f32 v2, v1  }
0x218: {  	v40 =	vimm.f32 $0.0e+00;
	v39 =	vimm.f32 $0.0e+00;
	v27 =	vld.idx.msk [tilespmem:v52+s29+$0x0], $0xffff;
	v11 =	vadd.f32 v9, v3  }
0x219: {  	v26 =	vld.idx.msk [tilespmem:v52+s26+$0x0], $0xffff;
	v0 =	vmul.f32 v30, v13;
	v2 =	vmul.f32 v28, v13;
	v8 =	vadd.f32 v8, v1  }
0x21a: {  	v9 =	vmul.f32 v53, v23;
	v18 =	vadd.f32 v18, v11;
	v11 =	vmul.f32 v17, v32;
	v17 =	vld.idx.msk [tilespmem:v51+s31+$0x0], $0xffff  }
0x21b: {  	v3 =	vmul.f32 v54, v23;
	v1 =	vmul.f32 v41, v23;
	v12 =	vadd.f32 v16, v8;
	v16 =	vld.idx.msk [tilespmem:v52+s31+$0x0], $0xffff  }
0x21c: {  	v8 =	vmul.f32 v55, v23;
	v55 =	vadd.f32 v14, v18;
	v14 =	vmul.f32 v22, v35;
	v22 =	vld [tilespmem:$0x1FBE0]  }
0x21d: {  	v18 =	vld.idx.msk [tilespmem:v51+s5+$0x0], $0xffff;
	v28 =	vadd.f32 v10, v12;
	v12 =	vmul.f32 v21, v35;
	v10 =	vmul.f32 v20, v32  }
0x21e: {  	v53 =	vimm.f32 $0.0e+00;
	v21 =	vmul.f32 v24, v37;
	v20 =	vmul.f32 v25, v37;
	v24 =	vld.idx.msk [tilespmem:v50+s31+$0x0], $0xffff  }
0x21f: {  	v54 =	vimm.f32 $0.0e+00;
	v25 =	vmul.f32 v26, v45;
	v26 =	vmul.f32 v15, v45;
	v15 =	vld.idx.msk [tilespmem:v47+s31+$0x0], $0xffff  }
0x220: {  	v30 =	vadd.f32 v31, v28;
	v28 =	vmul.f32 v27, v45;
	v27 =	vmul.f32 v16, v45;
	v16 =	vld.idx.msk [tilespmem:v47+s5+$0x0], $0xffff  }
0x221: {  	s3 =	simm.s32 $0x8;
	v41 =	vimm.f32 $0.0e+00;
	v31 =	vadd.f32 v22, v55;
	v22 =	vld.idx.msk [tilespmem:v50+s5+$0x0], $0xffff;
	v55 =	vimm.f32 $0.0e+00  }
.LBB2_8:
0x222: {  	_ =	sdelay $0x2  }
0x223: {  	v25 =	vadd.f32 v25, v36;
	v17 =	vmul.f32 v17, v37  }
0x224: {  	v27 =	vadd.f32 v27, v55;
	v26 =	vadd.f32 v26, v54;
	v18 =	vmul.f32 v18, v37  }
0x225: {  	v24 =	vmul.f32 v24, v35;
	v21 =	vadd.f32 v21, v25  }
0x226: {  	v36 =	vld.idx.msk [tilespmem:v47+s23+$0x0], $0xffff;
	v22 =	vmul.f32 v22, v35;
	v17 =	vadd.f32 v17, v27;
	v18 =	vadd.f32 v18, v26  }
0x227: {  	v28 =	vadd.f32 v28, v53;
	v53 =	vld.idx.msk [tilespmem:v47+s28+$0x0], $0xffff;
	v12 =	vadd.f32 v12, v21  }
0x228: {  	v16 =	vmul.f32 v16, v32;
	v17 =	vadd.f32 v24, v17;
	v18 =	vadd.f32 v22, v18;
	v24 =	vld [tilespmem:$0x1FBC0]  }
0x229: {  	v15 =	vmul.f32 v15, v32;
	v25 =	vld.idx.msk [tilespmem:v50+s23+$0x0], $0xffff;
	v11 =	vadd.f32 v11, v12  }
0x22a: {  	v20 =	vadd.f32 v20, v28;
	v26 =	vld.idx.msk [tilespmem:v50+s28+$0x0], $0xffff;
	v16 =	vadd.f32 v16, v18  }
0x22b: {  	v27 =	vld.idx.msk [tilespmem:v51+s23+$0x0], $0xffff;
	v15 =	vadd.f32 v15, v17;
	v1 =	vadd.f32 v1, v11  }
0x22c: {  	v14 =	vadd.f32 v14, v20;
	v21 =	vld.idx.msk [tilespmem:v52+s23+$0x0], $0xffff;
	v8 =	vadd.f32 v8, v16  }
0x22d: {  	v3 =	vadd.f32 v3, v15;
	v1 =	vadd.f32 v24, v1;
	v24 =	vld [tilespmem:$0x1FBD0]  }
0x22e: {  	v10 =	vadd.f32 v10, v14;
	v14 =	vld.idx.msk [tilespmem:v52+s28+$0x0], $0xffff;
	v0 =	vadd.f32 v0, v8  }
0x22f: {  	v20 =	vld.idx.msk [tilespmem:v51+s28+$0x0], $0xffff;
	v12 =	vmul.f32 v36, v32;
	v2 =	vadd.f32 v2, v3  }
0x230: {  	v18 =	vld.idx.msk [tilespmem:v52+s0+$0x0], $0xffff;
	v22 =	vmul.f32 v25, v35;
	v9 =	vadd.f32 v9, v10;
	v0 =	vadd.f32 v63, v0  }
0x231: {  	v25 =	vld.idx.msk [tilespmem:v47+s0+$0x0], $0xffff;
	v15 =	vmul.f32 v27, v37;
	v1 =	vadd.f32 v58, v1;
	v2 =	vadd.f32 v62, v2  }
0x232: {  	v10 =	vld.idx.msk [tilespmem:v52+s25+$0x0], $0xffff;
	v3 =	vmul.f32 v21, v45;
	v0 =	vadd.f32 v48, v0;
	v9 =	vadd.f32 v24, v9  }
0x233: {  	v16 =	vld.idx.msk [tilespmem:v51+s0+$0x0], $0xffff;
	v14 =	vmul.f32 v14, v45;
	v1 =	vadd.f32 v56, v1;
	v2 =	vadd.f32 v49, v2  }
0x234: {  	v20 =	vmul.f32 v20, v37;
	[tilespmem:$0x1FAA0] =	vst v0;
	v0 =	vadd.f32 v3, v40;
	v9 =	vadd.f32 v59, v9  }
0x235: {  	v18 =	vmul.f32 v18, v45;
	v24 =	vld.idx.msk [tilespmem:v51+s25+$0x0], $0xffff;
	[tilespmem:$0x1FA60] =	vst v2;
	v2 =	vadd.f32 v14, v41  }
0x236: {  	v8 =	vld.idx.msk [tilespmem:v50+s0+$0x0], $0xffff;
	[tilespmem:$0x1FAB0] =	vst v1;
	v0 =	vadd.f32 v15, v0;
	v1 =	vadd.f32 v57, v9  }
0x237: {  	v11 =	vmul.f32 v26, v35;
	v21 =	vld.idx.msk [tilespmem:v50+s25+$0x0], $0xffff;
	v14 =	vadd.f32 v18, v38;
	v2 =	vadd.f32 v20, v2  }
0x238: {  	v18 =	vld.idx.msk [tilespmem:v29+s25+$0x0], $0xffff;
	v0 =	vadd.f32 v22, v0;
	[tilespmem:$0x1FA20] =	vst v1;
	v1 =	vmul.f32 v10, v45  }
0x239: {  	v17 =	vmul.f32 v53, v32;
	v3 =	vmul.f32 v16, v37;
	v9 =	vld.idx.msk [tilespmem:v47+s25+$0x0], $0xffff;
	v2 =	vadd.f32 v11, v2  }
0x23a: {  	v16 =	vmul.f32 v24, v37;
	v10 =	vld.idx.msk [tilespmem:v29+s0+$0x0], $0xffff;
	v0 =	vadd.f32 v12, v0;
	v1 =	vadd.f32 v1, v39  }
0x23b: {  	v15 =	vld.idx.msk [tilespmem:v19+s0+$0x0], $0xffff;
	v3 =	vadd.f32 v3, v14;
	v2 =	vadd.f32 v17, v2  }
0x23c: {  	v8 =	vmul.f32 v8, v35;
	v0 =	vadd.f32 v61, v0;
	v1 =	vadd.f32 v16, v1;
	v16 =	vld.idx.msk [tilespmem:v19+s25+$0x0], $0xffff  }
0x23d: {  	v14 =	vmul.f32 v21, v35;
	v2 =	vadd.f32 v60, v2;
	v19 =	vld.idx.msk [tilespmem:v7+s0+$0x0], $0xffff  }
0x23e: {  	v11 =	vmul.f32 v25, v32;
	v3 =	vadd.f32 v8, v3;
	v7 =	vld.idx.msk [tilespmem:v7+s25+$0x0], $0xffff;
	v0 =	vadd.f32 v42, v0  }
0x23f: {  	v8 =	vmul.f32 v9, v32;
	v9 =	vmul.f32 v10, v23;
	v10 =	vld.idx.msk [tilespmem:v5+s0+$0x0], $0xffff;
	v2 =	vadd.f32 v43, v2  }
0x240: {  	v5 =	vld.idx.msk [tilespmem:v5+s25+$0x0], $0xffff;
	v1 =	vadd.f32 v14, v1;
	v0 =	vadd.f32 v46, v0  }
0x241: {  	v3 =	vadd.f32 v11, v3;
	v11 =	vmul.f32 v15, v13;
	v2 =	vadd.f32 v44, v2  }
0x242: {  	v28 =	vld [tilespmem:$0x1FB30];
	v1 =	vadd.f32 v8, v1;
	v8 =	vmul.f32 v18, v23;
	v0 =	vadd.f32 v34, v0  }
0x243: {  	v58 =	vld [tilespmem:$0x1FB50];
	v3 =	vadd.f32 v9, v3;
	v9 =	vmul.f32 v19, v6;
	v6 =	vmul.f32 v7, v6  }
0x244: {  	v62 =	vld [tilespmem:$0x1FB70];
	v1 =	vadd.f32 v8, v1;
	v8 =	vmul.f32 v16, v13;
	[tilespmem:$0x1FA50] =	vst v0;
	v0 =	vadd.f32 v33, v2  }
0x245: {  	v7 =	vmul.f32 v10, v4;
	v4 =	vmul.f32 v5, v4;
	v5 =	vmov s3;
	v13 =	vld [tilespmem:$0x1FB00]  }
0x246: {  	v18 =	vld [tilespmem:$0x1FB10];
	[tilespmem:$0x1FA80] =	vst v0;
	v0 =	vshrl.u32 v5, $0x3  }
0x247: {  	v40 =	vld [tilespmem:$0x1FBA0];
	v3 =	vadd.f32 v11, v3;
	v0 =	vshll.u32 v0, $0x3  }
0x248: {  	v59 =	vld [tilespmem:$0x1FB60];
	v1 =	vadd.f32 v8, v1;
	v0 =	vbroadcast v0, $0x0  }
0x249: {  	v57 =	vld [tilespmem:$0x1FB40];
	v3 =	vadd.f32 v9, v3  }
0x24a: {  	v23 =	vld [tilespmem:$0x1FB20];
	v1 =	vadd.f32 v6, v1;
	v13 =	vadd.s32 v13, v0  }
0x24b: {  	v2 =	vadd.f32 v7, v3;
	v7 =	vld [tilespmem:$0x1FAF0];
	v19 =	vadd.s32 v18, v0  }
0x24c: {  	v6 =	vld [tilespmem:$0x1FAE0];
	v1 =	vadd.f32 v4, v1  }
0x24d: {  	[tilespmem:$0x1FA30] =	vst v2;
	v2 =	vld [tilespmem:$0x1FAD0]  }
0x24e: {  	[tilespmem:$0x1FA40] =	vst v1;
	v1 =	vld [tilespmem:$0x1FAC0]  }
0x24f: {  	v13 =	vld.idx.msk [tilespmem:v13+s18+$0x0], $0xffff  }
0x250: {  	v24 =	vld.idx.msk [tilespmem:v19+s22+$0x0], $0xffff  }
0x251: {  	v25 =	vld.idx.msk [tilespmem:v19+s24+$0x0], $0xffff  }
0x252: {  	v26 =	vld.idx.msk [tilespmem:v19+s26+$0x0], $0xffff  }
0x253: {  	v23 =	vadd.s32 v23, v0;
	v27 =	vld.idx.msk [tilespmem:v19+s29+$0x0], $0xffff  }
0x254: {  	v29 =	vadd.s32 v28, v0;
	v28 =	vld.idx.msk [tilespmem:v19+s31+$0x0], $0xffff  }
0x255: {  	v42 =	vld.idx.msk [tilespmem:v19+s5+$0x0], $0xffff  }
0x256: {  	v43 =	vld.idx.msk [tilespmem:v19+s23+$0x0], $0xffff  }
0x257: {  	v60 =	vld.idx.msk [tilespmem:v19+s28+$0x0], $0xffff  }
0x258: {  	v23 =	vld.idx.msk [tilespmem:v23+s18+$0x0], $0xffff  }
0x259: {  	v61 =	vld.idx.msk [tilespmem:v29+s22+$0x0], $0xffff  }
0x25a: {  	v33 =	vld.idx.msk [tilespmem:v29+s24+$0x0], $0xffff  }
0x25b: {  	v53 =	vld.idx.msk [tilespmem:v29+s26+$0x0], $0xffff  }
0x25c: {  	v32 =	vadd.s32 v57, v0;
	v41 =	vld.idx.msk [tilespmem:v29+s29+$0x0], $0xffff  }
0x25d: {  	v34 =	vadd.s32 v58, v0;
	v36 =	vld.idx.msk [tilespmem:v29+s31+$0x0], $0xffff  }
0x25e: {  	v37 =	vadd.s32 v59, v0;
	v38 =	vld.idx.msk [tilespmem:v29+s5+$0x0], $0xffff  }
0x25f: {  	v63 =	vor.u32 v62, v0;
	v39 =	vld.idx.msk [tilespmem:v29+s23+$0x0], $0xffff  }
0x260: {  	v52 =	vor.u32 v40, v0;
	v7 =	vadd.s32 v7, v0;
	v40 =	vld.idx.msk [tilespmem:v29+s28+$0x0], $0xffff  }
0x261: {  	v32 =	vld.idx.msk [tilespmem:v32+s18+$0x0], $0xffff  }
0x262: {  	v35 =	vld.idx.msk [tilespmem:v34+s18+$0x0], $0xffff  }
0x263: {  	v37 =	vld.idx.msk [tilespmem:v37+s18+$0x0], $0xffff  }
0x264: {  	v45 =	vld.idx.msk [tilespmem:v63+s18+$0x0], $0xffff  }
0x265: {  	v14 =	vld.idx.msk [tilespmem:v7+s22+$0x0], $0xffff  }
0x266: {  	v15 =	vld.idx.msk [tilespmem:v7+s24+$0x0], $0xffff  }
0x267: {  	v16 =	vld.idx.msk [tilespmem:v7+s26+$0x0], $0xffff  }
0x268: {  	v1 =	vadd.s32 v1, v0;
	v17 =	vld.idx.msk [tilespmem:v7+s29+$0x0], $0xffff  }
0x269: {  	v5 =	vadd.s32 v2, v0;
	v18 =	vld.idx.msk [tilespmem:v7+s31+$0x0], $0xffff  }
0x26a: {  	v6 =	vadd.s32 v6, v0;
	v20 =	vld.idx.msk [tilespmem:v7+s5+$0x0], $0xffff  }
0x26b: {  	v21 =	vld.idx.msk [tilespmem:v7+s23+$0x0], $0xffff  }
0x26c: {  	v22 =	vld.idx.msk [tilespmem:v7+s28+$0x0], $0xffff  }
0x26d: {  	v4 =	vld.idx.msk [tilespmem:v1+s18+$0x0], $0xffff  }
0x26e: {  	v1 =	vld.idx.msk [tilespmem:v5+s22+$0x0], $0xffff  }
0x26f: {  	v6 =	vld.idx.msk [tilespmem:v6+s18+$0x0], $0xffff  }
0x270: {  	v2 =	vld.idx.msk [tilespmem:v5+s24+$0x0], $0xffff  }
0x271: {  	v3 =	vld.idx.msk [tilespmem:v5+s26+$0x0], $0xffff  }
0x272: {  	v8 =	vld.idx.msk [tilespmem:v5+s29+$0x0], $0xffff  }
0x273: {  	v9 =	vld.idx.msk [tilespmem:v5+s31+$0x0], $0xffff;
	v1 =	vmul.f32 v1, v4  }
0x274: {  	v10 =	vld.idx.msk [tilespmem:v5+s5+$0x0], $0xffff  }
0x275: {  	[tilespmem:$0x1FA70] =	vst v1;
	v1 =	vmul.f32 v2, v4;
	v2 =	vld [tilespmem:$0x1FBB0]  }
0x276: {  	v54 =	vmul.f32 v3, v4;
	v3 =	vld.idx.msk [tilespmem:v52+s24+$0x0], $0xffff  }
0x277: {  	[tilespmem:$0x1FA90] =	vst v1;
	v1 =	vld [tilespmem:$0x1FB80]  }
0x278: {  	v11 =	vld.idx.msk [tilespmem:v5+s23+$0x0], $0xffff  }
0x279: {  	v12 =	vld.idx.msk [tilespmem:v5+s28+$0x0], $0xffff;
	v58 =	vmul.f32 v16, v6;
	v62 =	vmul.f32 v18, v6  }
0x27a: {  	v18 =	vmul.f32 v61, v23;
	v61 =	vmul.f32 v39, v23;
	v39 =	vld [tilespmem:$0x1FA40];
	v47 =	vadd.s32 v2, v0  }
0x27b: {  	v16 =	vmul.f32 v24, v13;
	v24 =	vmul.f32 v33, v23;
	v33 =	vld.idx.msk [tilespmem:v52+s5+$0x0], $0xffff  }
0x27c: {  	v3 =	vmul.f32 v3, v45;
	v51 =	vadd.s32 v1, v0;
	v1 =	vld [tilespmem:$0x1FB90]  }
0x27d: {  	v2 =	vmul.f32 v28, v13;
	v28 =	vld.idx.msk [tilespmem:v52+s26+$0x0], $0xffff  }
0x27e: {  	v3 =	vadd.f32 v3, v31;
	v31 =	vld.idx.msk [tilespmem:v52+s31+$0x0], $0xffff  }
0x27f: {  	v55 =	vmul.f32 v12, v4;
	v12 =	vld.idx.msk [tilespmem:v47+s22+$0x0], $0xffff  }
0x280: {  	v34 =	vmul.f32 v14, v6;
	v14 =	vld.idx.msk [tilespmem:v47+s24+$0x0], $0xffff  }
0x281: {  	v59 =	vmul.f32 v17, v6;
	v17 =	vld.idx.msk [tilespmem:v47+s26+$0x0], $0xffff;
	v50 =	vadd.s32 v1, v0  }
0x282: {  	v1 =	vld.idx.msk [tilespmem:v52+s22+$0x0], $0xffff  }
0x283: {  	v46 =	vmul.f32 v21, v6;
	v21 =	vld.idx.msk [tilespmem:v47+s29+$0x0], $0xffff  }
0x284: {  	v57 =	vmul.f32 v8, v4;
	v8 =	vld.idx.msk [tilespmem:v51+s22+$0x0], $0xffff;
	v0 =	vmul.f32 v26, v13  }
0x285: {  	v63 =	vmul.f32 v20, v6;
	v49 =	vmul.f32 v9, v4;
	v9 =	vld.idx.msk [tilespmem:v51+s24+$0x0], $0xffff  }
0x286: {  	v56 =	vmul.f32 v10, v4;
	[tilespmem:$0x1FBC0] =	vst v0;
	v0 =	vmul.f32 v27, v13;
	v10 =	vld.idx.msk [tilespmem:v50+s22+$0x0], $0xffff  }
0x287: {  	v48 =	vmul.f32 v11, v4;
	v11 =	vld.idx.msk [tilespmem:v50+s24+$0x0], $0xffff;
	v1 =	vmul.f32 v1, v45  }
0x288: {  	v26 =	vld.idx.msk [tilespmem:v51+s26+$0x0], $0xffff;
	[tilespmem:$0x1FBD0] =	vst v0;
	v0 =	vmul.f32 v42, v13;
	v42 =	vmul.f32 v43, v13  }
0x289: {  	v27 =	vld.idx.msk [tilespmem:v51+s29+$0x0], $0xffff;
	v43 =	vmul.f32 v60, v13;
	v8 =	vmul.f32 v8, v37;
	v1 =	vadd.f32 v1, v30  }
0x28a: {  	v60 =	vmul.f32 v40, v23;
	v40 =	vld [tilespmem:$0x1FA50];
	v9 =	vmul.f32 v9, v37  }
0x28b: {  	v44 =	vmul.f32 v22, v6;
	v22 =	vld.idx.msk [tilespmem:v50+s26+$0x0], $0xffff;
	v8 =	vadd.f32 v8, v1;
	v10 =	vmul.f32 v10, v35  }
0x28c: {  	v20 =	vmul.f32 v25, v13;
	v25 =	vld.idx.msk [tilespmem:v50+s29+$0x0], $0xffff;
	v3 =	vadd.f32 v9, v3;
	v9 =	vmul.f32 v11, v35  }
0x28d: {  	v30 =	vld.idx.msk [tilespmem:v52+s29+$0x0], $0xffff;
	v11 =	vmul.f32 v12, v32;
	v8 =	vadd.f32 v10, v8  }
0x28e: {  	v1 =	vmul.f32 v53, v23;
	v53 =	vld [tilespmem:$0x1FA20];
	v12 =	vmul.f32 v14, v32;
	v10 =	vadd.f32 v9, v3  }
0x28f: {  	v14 =	vadd.f32 v11, v8;
	v8 =	vmul.f32 v38, v23;
	v38 =	vld [tilespmem:$0x1FA30]  }
0x290: {  	v15 =	vmul.f32 v15, v6;
	v10 =	vadd.f32 v12, v10;
	v11 =	vmul.f32 v17, v32;
	v17 =	vld.idx.msk [tilespmem:v51+s31+$0x0], $0xffff  }
0x291: {  	v9 =	vmul.f32 v41, v23;
	v12 =	vmul.f32 v22, v35;
	v22 =	vld.idx.msk [tilespmem:v50+s5+$0x0], $0xffff;
	v41 =	vadd.f32 v18, v14  }
0x292: {  	v24 =	vadd.f32 v24, v10;
	v10 =	vmul.f32 v21, v32;
	v18 =	vld.idx.msk [tilespmem:v51+s5+$0x0], $0xffff;
	v14 =	vmul.f32 v25, v35  }
0x293: {  	v21 =	vmul.f32 v26, v37;
	v26 =	vmul.f32 v33, v45;
	v33 =	vmov v55;
	v55 =	vld [tilespmem:$0x1FA60]  }
0x294: {  	v25 =	vmul.f32 v28, v45;
	v28 =	vmul.f32 v30, v45;
	v30 =	vld [tilespmem:$0x1FA70];
	v16 =	vadd.f32 v16, v41  }
0x295: {  	v41 =	vadd.f32 v20, v24;
	v20 =	vmul.f32 v27, v37;
	v27 =	vmul.f32 v31, v45;
	v31 =	vld [tilespmem:$0x1FA90]  }
0x296: {  	p0 =	sne.s32 s3, $0x38;
	v24 =	vld.idx.msk [tilespmem:v50+s31+$0x0], $0xffff  }
.Ltmp2:
0x297: {  	v3 =	vmul.f32 v36, v23;
	v34 =	vadd.f32 v34, v16;
	v36 =	vadd.f32 v15, v41;
	v15 =	vld.idx.msk [tilespmem:v47+s31+$0x0], $0xffff;
	(pc) =	sbr.rel @p0 .LBB2_8-.Ltmp2, $4  }
0x298: {  	v16 =	vld.idx.msk [tilespmem:v47+s5+$0x0], $0xffff  }
0x299: {  	v41 =	vld [tilespmem:$0x1FA80]  }
0x29a: {  	v31 =	vadd.f32 v31, v36;
	v36 =	vld [tilespmem:$0x1FAB0]  }
0x29b: {  	s3 =	sadd.s32 $0x8, s3;
	v30 =	vadd.f32 v30, v34;
	v34 =	vmovc v48;
	v48 =	vmov v56;
	v56 =	vmov v54;
	v54 =	vld [tilespmem:$0x1FAA0]  }
0x29c: {  	_ = 	snop  }
0x29d: {  	v28 =	vadd.f32 v28, v53  }
0x29e: {  	v27 =	vadd.f32 v27, v55;
	v17 =	vmul.f32 v17, v37  }
0x29f: {  	v20 =	vadd.f32 v20, v28  }
0x2a0: {  	v24 =	vmul.f32 v24, v35;
	v17 =	vadd.f32 v17, v27;
	v28 =	vld.idx.msk [tilespmem:v52+s0+$0x0], $0xffff;
	v25 =	vadd.f32 v25, v36  }
0x2a1: {  	v18 =	vmul.f32 v18, v37;
	v53 =	vld.idx.msk [tilespmem:v51+s28+$0x0], $0xffff;
	v26 =	vadd.f32 v26, v54;
	v14 =	vadd.f32 v14, v20  }
0x2a2: {  	v15 =	vmul.f32 v15, v32;
	v17 =	vadd.f32 v24, v17;
	v24 =	vld.idx.msk [tilespmem:v52+s23+$0x0], $0xffff;
	v21 =	vadd.f32 v21, v25  }
0x2a3: {  	v27 =	vld [tilespmem:$0x1FBD0];
	v54 =	vmul.f32 v22, v35;
	v18 =	vadd.f32 v18, v26;
	v10 =	vadd.f32 v10, v14  }
0x2a4: {  	v16 =	vmul.f32 v16, v32;
	v36 =	vld.idx.msk [tilespmem:v52+s25+$0x0], $0xffff;
	v55 =	vadd.f32 v15, v17;
	v12 =	vadd.f32 v12, v21  }
0x2a5: {  	v25 =	vld.idx.msk [tilespmem:v52+s28+$0x0], $0xffff;
	v14 =	vmul.f32 v28, v45;
	v18 =	vadd.f32 v54, v18;
	v9 =	vadd.f32 v9, v10  }
0x2a6: {  	v20 =	vld.idx.msk [tilespmem:v47+s23+$0x0], $0xffff;
	v3 =	vadd.f32 v3, v55;
	v11 =	vadd.f32 v11, v12  }
0x2a7: {  	v26 =	vld [tilespmem:$0x1FBC0];
	v10 =	vmul.f32 v24, v45;
	v14 =	vadd.f32 v14, v38;
	v22 =	vadd.f32 v16, v18  }
0x2a8: {  	v55 =	vld.idx.msk [tilespmem:v51+s25+$0x0], $0xffff;
	v9 =	vadd.f32 v27, v9;
	v2 =	vadd.f32 v2, v3  }
0x2a9: {  	v54 =	vld.idx.msk [tilespmem:v51+s0+$0x0], $0xffff;
	v3 =	vmul.f32 v36, v45;
	v1 =	vadd.f32 v1, v11;
	v10 =	vadd.f32 v10, v40  }
0x2aa: {  	v21 =	vld.idx.msk [tilespmem:v50+s23+$0x0], $0xffff;
	v11 =	vmul.f32 v25, v45;
	v8 =	vadd.f32 v8, v22;
	v52 =	vadd.f32 v59, v9  }
0x2ab: {  	v12 =	vld.idx.msk [tilespmem:v50+s28+$0x0], $0xffff;
	v2 =	vadd.f32 v62, v2;
	v3 =	vadd.f32 v3, v39  }
0x2ac: {  	v16 =	vld.idx.msk [tilespmem:v51+s23+$0x0], $0xffff;
	v9 =	vmul.f32 v53, v37;
	v1 =	vadd.f32 v26, v1;
	v11 =	vadd.f32 v11, v41  }
0x2ad: {  	v59 =	vld.idx.msk [tilespmem:v47+s0+$0x0], $0xffff;
	v17 =	vmul.f32 v55, v37;
	v55 =	vsub.f32 $0.0e+00, v31;
	v0 =	vadd.f32 v0, v8  }
0x2ae: {  	v62 =	vld.idx.msk [tilespmem:v47+s25+$0x0], $0xffff;
	v15 =	vmul.f32 v54, v37;
	v8 =	vadd.f32 v57, v52;
	v2 =	vadd.f32 v49, v2  }
0x2af: {  	v57 =	vld.idx.msk [tilespmem:v50+s25+$0x0], $0xffff;
	v52 =	vsub.f32 $0.0e+00, v30;
	v1 =	vadd.f32 v58, v1  }
0x2b0: {  	v12 =	vmul.f32 v12, v35;
	v58 =	vld.idx.msk [tilespmem:v47+s28+$0x0], $0xffff;
	v9 =	vadd.f32 v9, v11;
	v14 =	vadd.f32 v15, v14  }
0x2b1: {  	v16 =	vmul.f32 v16, v37;
	v3 =	vadd.f32 v17, v3;
	v1 =	vadd.f32 v56, v1;
	v56 =	vld.idx.msk [tilespmem:v50+s0+$0x0], $0xffff  }
0x2b2: {  	v26 =	vld.idx.msk [tilespmem:v29+s0+$0x0], $0xffff;
	v0 =	vadd.f32 v63, v0;
	v63 =	vmul.f32 v21, v35;
	v2 =	vsub.f32 $0.0e+00, v2  }
0x2b3: {  	v29 =	vld.idx.msk [tilespmem:v29+s25+$0x0], $0xffff;
	v10 =	vadd.f32 v16, v10;
	v9 =	vadd.f32 v12, v9;
	v39 =	vmul.f32 v59, v32  }
0x2b4: {  	v11 =	vmul.f32 v62, v32;
	v0 =	vadd.f32 v48, v0;
	v28 =	vmul.f32 v57, v35  }
0x2b5: {  	v38 =	vld.idx.msk [tilespmem:v19+s25+$0x0], $0xffff;
	v10 =	vadd.f32 v63, v10;
	v1 =	vsub.f32 $0.0e+00, v1;
	v37 =	vmul.f32 v58, v32  }
0x2b6: {  	v36 =	vld.idx.msk [tilespmem:v19+s0+$0x0], $0xffff;
	v0 =	vsub.f32 $0.0e+00, v0;
	v3 =	vadd.f32 v28, v3;
	v27 =	vmul.f32 v56, v35  }
0x2b7: {  	v45 =	vld.idx.msk [tilespmem:v7+s25+$0x0], $0xffff;
	v35 =	vmul.f32 v20, v32;
	v9 =	vadd.f32 v37, v9;
	v56 =	vsub.f32 $0.0e+00, v8  }
0x2b8: {  	v41 =	vld.idx.msk [tilespmem:v7+s0+$0x0], $0xffff;
	v40 =	vmul.f32 v29, v23;
	v3 =	vadd.f32 v11, v3;
	v14 =	vadd.f32 v27, v14  }
0x2b9: {  	v50 =	vld.idx.msk [tilespmem:v5+s25+$0x0], $0xffff;
	v15 =	vmul.f32 v26, v23;
	v10 =	vadd.f32 v35, v10;
	v9 =	vadd.f32 v60, v9  }
0x2ba: {  	v48 =	vmul.f32 v38, v13;
	v3 =	vadd.f32 v40, v3;
	v14 =	vadd.f32 v39, v14  }
0x2bb: {  	v49 =	vld.idx.msk [tilespmem:v5+s0+$0x0], $0xffff;
	v47 =	vmul.f32 v36, v13;
	v10 =	vadd.f32 v61, v10;
	v9 =	vadd.f32 v43, v9  }
0x2bc: {  	v53 =	vmul.f32 v45, v6;
	v3 =	vadd.f32 v48, v3;
	v14 =	vadd.f32 v15, v14  }
0x2bd: {  	[tilespmem:s17+$0x5540] =	vst v52;
	v51 =	vmul.f32 v41, v6;
	v10 =	vadd.f32 v42, v10;
	v54 =	vadd.f32 v44, v9  }
0x2be: {  	[tilespmem:s17+$0x5580] =	vst v55;
	v59 =	vmul.f32 v50, v4;
	v3 =	vadd.f32 v53, v3;
	v11 =	vadd.f32 v47, v14  }
0x2bf: {  	[tilespmem:s17+$0x5640] =	vst v2;
	v10 =	vadd.f32 v46, v10;
	v60 =	vadd.f32 v33, v54  }
0x2c0: {  	s15 =	sadd.s32 $0x1, s15;
	v58 =	vmul.f32 v49, v4;
	[tilespmem:s17+$0x55C0] =	vst v1;
	v3 =	vadd.f32 v59, v3;
	v11 =	vadd.f32 v51, v11  }
0x2c1: {  	p0 =	sne.s32 s15, $0x4;
	[tilespmem:s17+$0x5680] =	vst v0;
	v57 =	vadd.f32 v34, v10;
	v62 =	vsub.f32 $0.0e+00, v60  }
.Ltmp3:
0x2c2: {  	[tilespmem:s17+$0x5600] =	vst v56;
	v63 =	vsub.f32 $0.0e+00, v3;
	v1 =	vadd.f32 v58, v11;
	(pc) =	sbr.rel @p0 .LBB2_7-.Ltmp3, $4  }
0x2c3: {  	v61 =	vsub.f32 $0.0e+00, v57;
	[tilespmem:s17+$0x5700] =	vst v62  }
0x2c4: {  	[tilespmem:s17+$0x5780] =	vst v63;
	v1 =	vsub.f32 $0.0e+00, v1  }
0x2c5: {  	[tilespmem:s17+$0x56C0] =	vst v61  }
0x2c6: {  	[tilespmem:s17+$0x5740] =	vst v1  }
0x2c7: {  	p0 =	seq.s32 s8, $0x7  }
.Ltmp4:
0x2c8: {  	_ = 	snop;
	(pc) =	sbr.rel @p0 .LBB2_12-.Ltmp4, $1  }
0x2c9: {  	_ =	sdelay $0x3  }
0x2ca: {  	s3 =	sadd.s32 $0x1, s8  }
0x2cb: {  	s6 =	rddreg [dreg:$0x7];
	s8 =	sshll.u32 s3, $0x6  }
0x2cc: {  	s13 =	rddreg [dreg:$0x1];
	s3 =	sand.u32 $0x1, s3;
	s6 =	sadd.s32 s6, s8  }
0x2cd: {  	s20 =	simm.s32 $0x0;
	s17 =	sshll.u32 s3, $0x6;
	s15 =	sshrl.u32 s6, $0x3  }
0x2ce: {  	s8 =	simm.s32 $0x5;
	[dreg:$0xf] =	wrdreg s6;
	s21 =	sadd.s32 s13, s15  }
0x2cf: {  	[tilespmem:s17], [sflag:$0x5] =	stream.linear.gather [hbm4b:s21+s20], $0x40, $0x38;
	[tilespmem:$0x19A40] =	vst v63  }
0x2d0: {  	_ =	swait.ge [sflag:s8], $0x40  }
0x2d1: {  	[sflag:s8] =	ssyncset.done $0x0  }
0x2d2: {  	[sflag:s8] =	ssyncadd.s32 $0xFFFFFFC0  }
0x2d3: {  	s6 =	rddreg [dreg:$0x2]  }
0x2d4: {  	s13 =	simm.s32 $0x0;
	s21 =	sor.u32 $0x80, s17;
	s15 =	sadd.s32 s6, s15  }
0x2d5: {  	[tilespmem:s21], [sflag:$0x5] =	stream.linear.gather [hbm4b:s15+s13], $0x40, $0x38;
	[tilespmem:$0x19A40] =	vst v63  }
0x2d6: {  	_ =	swait.ge [sflag:s8], $0x40  }
0x2d7: {  	s6 =	simm.s32 $0x40;
	s15 =	sshll.u32 s3, $0xC;
	[sflag:s8] =	ssyncset.done $0x0;
	v2 =	vld [tilespmem:$0x1FFE0]  }
0x2d8: {  	s13 =	sadd.s32 $0x1500, s15;
	s20 =	rddreg [dreg:$0x4];
	[sflag:s8] =	ssyncadd.s32 $0xFFFFFFC0  }
0x2d9: {  	[tilespmem:s13], [sflag:$0x1] =	stream.indirect.gather [hbm4b:s20+s6], $0x40, s17, s6, $0xb8;
	[tilespmem:$0x19A40] =	vst v63  }
0x2da: {  	v0 =	vlaneseq.u32;
	s3 =	smul.u32 $0x500, s3;
	s13 =	sadd.s32 $0x3500, s15;
	s15 =	rddreg [dreg:$0xf]  }
0x2db: {  	v0 =	vand.u32 $0x1, v0;
	s17 =	simm.s32 $0x40;
	s20 =	rddreg [dreg:$0x10];
	s6 =	smul.u32 $0x14, s15  }
0x2dc: {  	v4 =	vmul.u32 $0x4, v0;
	[tilespmem:s13], [sflag:$0x2] =	stream.indirect.gather [hbm4b:s20+s17], $0x40, s21, s17, $0xb8;
	v1 =	vadd.s32 s3, v2;
	[tilespmem:$0x19A40] =	vst v63  }
0x2dd: {  	s17 =	rddreg [dreg:$0x5];
	s6 =	sshrl.u32 s6, $0x3;
	v43 =	vand.u32 $0xFF8, v1  }
0x2de: {  	s13 =	sadd.s32 $0x100, s3;
	s21 =	simm.s32 $0x0;
	s15 =	sadd.s32 s17, s6;
	v0 =	vor.u32 v4, v43  }
0x2df: {  	[tilespmem:s13], [sflag:$0x5] =	stream.linear.gather [hbm4b:s15+s21], $0x500, $0x38;
	[tilespmem:$0x19A40] =	vst v63  }
0x2e0: {  	_ =	swait.ge [sflag:s8], $0x500  }
0x2e1: {  	s17 =	sadd.s32 $0x140, s3;
	[sflag:s8] =	ssyncset.done $0x0  }
0x2e2: {  	s6 =	simm.s32 $0x100;
	v44 =	vadd.s32 s17, v2;
	[sflag:s8] =	ssyncadd.s32 $0xFFFFFB00  }
0x2e3: {  	v1 =	vand.u32 $0x1FF8, v44;
	v0 =	vld.idx.msk [tilespmem:v0+s6+$0x0], $0xffff  }
0x2e4: {  	v1 =	vor.u32 v4, v1;
	_ =	sdelay $0x2  }
0x2e5: {  	s21 =	sadd.s32 $0x280, s3  }
0x2e6: {  	v45 =	vadd.s32 s21, v2;
	[tilespmem:s3+$0xB00] =	vst v0  }
0x2e7: {  	v0 =	vand.u32 $0x1FF8, v45;
	v1 =	vld.idx.msk [tilespmem:v1+s6+$0x0], $0xffff  }
0x2e8: {  	v0 =	vor.u32 v4, v0;
	_ =	sdelay $0x2  }
0x2e9: {  	s15 =	sadd.s32 $0x3C0, s3  }
0x2ea: {  	v46 =	vadd.s32 s15, v2;
	[tilespmem:s3+$0xB10] =	vst v1  }
0x2eb: {  	v1 =	vand.u32 $0x1FF8, v46;
	v0 =	vld.idx.msk [tilespmem:v0+s6+$0x0], $0xffff  }
0x2ec: {  	v1 =	vor.u32 v4, v1;
	_ =	sdelay $0x3  }
0x2ed: {  	[tilespmem:s3+$0xB20] =	vst v0  }
0x2ee: {  	s17 =	sor.u32 $0x1, s3;
	v0 =	vld.idx.msk [tilespmem:v1+s6+$0x0], $0xffff  }
0x2ef: {  	v47 =	vadd.s32 s17, v2;
	_ =	sdelay $0x3  }
0x2f0: {  	[tilespmem:s3+$0xB30] =	vst v0  }
0x2f1: {  	s21 =	sadd.s32 $0x141, s3;
	v0 =	vld.idx.msk [tilespmem:v47+s6+$0x0], $0xffff  }
0x2f2: {  	v48 =	vadd.s32 s21, v2;
	_ =	sdelay $0x3  }
0x2f3: {  	[tilespmem:s3+$0xB40] =	vst v0  }
0x2f4: {  	s15 =	sadd.s32 $0x281, s3;
	v0 =	vld.idx.msk [tilespmem:v48+s6+$0x0], $0xffff  }
0x2f5: {  	v49 =	vadd.s32 s15, v2;
	_ =	sdelay $0x3  }
0x2f6: {  	[tilespmem:s3+$0xB50] =	vst v0  }
0x2f7: {  	s17 =	sadd.s32 $0x3C1, s3;
	v0 =	vld.idx.msk [tilespmem:v49+s6+$0x0], $0xffff  }
0x2f8: {  	v50 =	vadd.s32 s17, v2;
	_ =	sdelay $0x3  }
0x2f9: {  	[tilespmem:s3+$0xB60] =	vst v0  }
0x2fa: {  	s21 =	sor.u32 $0x2, s3;
	v0 =	vld.idx.msk [tilespmem:v50+s6+$0x0], $0xffff  }
0x2fb: {  	v51 =	vadd.s32 s21, v2;
	_ =	sdelay $0x3  }
0x2fc: {  	[tilespmem:s3+$0xB70] =	vst v0  }
0x2fd: {  	s15 =	sadd.s32 $0x142, s3;
	v0 =	vld.idx.msk [tilespmem:v51+s6+$0x0], $0xffff  }
0x2fe: {  	v52 =	vadd.s32 s15, v2;
	_ =	sdelay $0x3  }
0x2ff: {  	[tilespmem:s3+$0xB80] =	vst v0  }
0x300: {  	s17 =	sadd.s32 $0x282, s3;
	v0 =	vld.idx.msk [tilespmem:v52+s6+$0x0], $0xffff  }
0x301: {  	v53 =	vadd.s32 s17, v2;
	_ =	sdelay $0x3  }
0x302: {  	[tilespmem:s3+$0xB90] =	vst v0  }
0x303: {  	s21 =	sadd.s32 $0x3C2, s3;
	v0 =	vld.idx.msk [tilespmem:v53+s6+$0x0], $0xffff  }
0x304: {  	v54 =	vadd.s32 s21, v2;
	_ =	sdelay $0x3  }
0x305: {  	[tilespmem:s3+$0xBA0] =	vst v0  }
0x306: {  	s15 =	sor.u32 $0x3, s3;
	v0 =	vld.idx.msk [tilespmem:v54+s6+$0x0], $0xffff  }
0x307: {  	v55 =	vadd.s32 s15, v2;
	_ =	sdelay $0x3  }
0x308: {  	[tilespmem:s3+$0xBB0] =	vst v0  }
0x309: {  	s17 =	sadd.s32 $0x143, s3;
	v0 =	vld.idx.msk [tilespmem:v55+s6+$0x0], $0xffff  }
0x30a: {  	v56 =	vadd.s32 s17, v2;
	_ =	sdelay $0x3  }
0x30b: {  	[tilespmem:s3+$0xBC0] =	vst v0  }
0x30c: {  	s21 =	sadd.s32 $0x283, s3;
	v0 =	vld.idx.msk [tilespmem:v56+s6+$0x0], $0xffff  }
0x30d: {  	v57 =	vadd.s32 s21, v2;
	_ =	sdelay $0x3  }
0x30e: {  	[tilespmem:s3+$0xBD0] =	vst v0  }
0x30f: {  	s15 =	sadd.s32 $0x3C3, s3;
	v0 =	vld.idx.msk [tilespmem:v57+s6+$0x0], $0xffff  }
0x310: {  	v58 =	vadd.s32 s15, v2;
	_ =	sdelay $0x3  }
0x311: {  	[tilespmem:s3+$0xBE0] =	vst v0  }
0x312: {  	s17 =	sor.u32 $0x4, s3;
	v0 =	vld.idx.msk [tilespmem:v58+s6+$0x0], $0xffff  }
0x313: {  	v59 =	vadd.s32 s17, v2;
	_ =	sdelay $0x3  }
0x314: {  	[tilespmem:s3+$0xBF0] =	vst v0  }
0x315: {  	s21 =	sadd.s32 $0x144, s3;
	v0 =	vld.idx.msk [tilespmem:v59+s6+$0x0], $0xffff  }
0x316: {  	v60 =	vadd.s32 s21, v2;
	_ =	sdelay $0x3  }
0x317: {  	[tilespmem:s3+$0xC00] =	vst v0  }
0x318: {  	s15 =	sadd.s32 $0x284, s3;
	v0 =	vld.idx.msk [tilespmem:v60+s6+$0x0], $0xffff  }
0x319: {  	v61 =	vadd.s32 s15, v2;
	_ =	sdelay $0x3  }
0x31a: {  	[tilespmem:s3+$0xC10] =	vst v0  }
0x31b: {  	s17 =	sadd.s32 $0x3C4, s3;
	v0 =	vld.idx.msk [tilespmem:v61+s6+$0x0], $0xffff  }
0x31c: {  	v62 =	vadd.s32 s17, v2;
	_ =	sdelay $0x3  }
0x31d: {  	[tilespmem:s3+$0xC20] =	vst v0  }
0x31e: {  	s21 =	sor.u32 $0x5, s3;
	v0 =	vld.idx.msk [tilespmem:v62+s6+$0x0], $0xffff  }
0x31f: {  	v63 =	vadd.s32 s21, v2;
	_ =	sdelay $0x3  }
0x320: {  	[tilespmem:s3+$0xC30] =	vst v0  }
0x321: {  	s15 =	sadd.s32 $0x145, s3;
	v0 =	vld.idx.msk [tilespmem:v63+s6+$0x0], $0xffff  }
0x322: {  	v5 =	vadd.s32 s15, v2;
	_ =	sdelay $0x3  }
0x323: {  	[tilespmem:s3+$0xC40] =	vst v0  }
0x324: {  	s17 =	sadd.s32 $0x285, s3;
	v0 =	vld.idx.msk [tilespmem:v5+s6+$0x0], $0xffff  }
0x325: {  	v6 =	vadd.s32 s17, v2;
	_ =	sdelay $0x3  }
0x326: {  	[tilespmem:s3+$0xC50] =	vst v0  }
0x327: {  	s21 =	sadd.s32 $0x3C5, s3;
	v0 =	vld.idx.msk [tilespmem:v6+s6+$0x0], $0xffff  }
0x328: {  	v7 =	vadd.s32 s21, v2;
	_ =	sdelay $0x3  }
0x329: {  	[tilespmem:s3+$0xC60] =	vst v0  }
0x32a: {  	s15 =	sor.u32 $0x6, s3;
	v0 =	vld.idx.msk [tilespmem:v7+s6+$0x0], $0xffff  }
0x32b: {  	v8 =	vadd.s32 s15, v2;
	_ =	sdelay $0x3  }
0x32c: {  	[tilespmem:s3+$0xC70] =	vst v0  }
0x32d: {  	s17 =	sadd.s32 $0x146, s3;
	v0 =	vld.idx.msk [tilespmem:v8+s6+$0x0], $0xffff  }
0x32e: {  	v9 =	vadd.s32 s17, v2;
	_ =	sdelay $0x3  }
0x32f: {  	[tilespmem:s3+$0xC80] =	vst v0  }
0x330: {  	s21 =	sadd.s32 $0x286, s3;
	v0 =	vld.idx.msk [tilespmem:v9+s6+$0x0], $0xffff  }
0x331: {  	v10 =	vadd.s32 s21, v2;
	_ =	sdelay $0x3  }
0x332: {  	[tilespmem:s3+$0xC90] =	vst v0  }
0x333: {  	s15 =	sadd.s32 $0x3C6, s3;
	v0 =	vld.idx.msk [tilespmem:v10+s6+$0x0], $0xffff  }
0x334: {  	v11 =	vadd.s32 s15, v2;
	_ =	sdelay $0x3  }
0x335: {  	[tilespmem:s3+$0xCA0] =	vst v0  }
0x336: {  	s17 =	sor.u32 $0x7, s3;
	v0 =	vld.idx.msk [tilespmem:v11+s6+$0x0], $0xffff  }
0x337: {  	v12 =	vadd.s32 s17, v2;
	_ =	sdelay $0x3  }
0x338: {  	[tilespmem:s3+$0xCB0] =	vst v0  }
0x339: {  	s21 =	sadd.s32 $0x147, s3;
	v0 =	vld.idx.msk [tilespmem:v12+s6+$0x0], $0xffff  }
0x33a: {  	v13 =	vadd.s32 s21, v2;
	_ =	sdelay $0x3  }
0x33b: {  	[tilespmem:s3+$0xCC0] =	vst v0  }
0x33c: {  	s15 =	sadd.s32 $0x287, s3;
	v0 =	vld.idx.msk [tilespmem:v13+s6+$0x0], $0xffff  }
0x33d: {  	v14 =	vadd.s32 s15, v2;
	_ =	sdelay $0x3  }
0x33e: {  	[tilespmem:s3+$0xCD0] =	vst v0  }
0x33f: {  	s17 =	sadd.s32 $0x3C7, s3;
	v0 =	vld.idx.msk [tilespmem:v14+s6+$0x0], $0xffff  }
0x340: {  	v15 =	vadd.s32 s17, v2;
	_ =	sdelay $0x2  }
0x341: {  	s21 =	sor.u32 $0x8, s3  }
0x342: {  	v16 =	vadd.s32 s21, v2;
	[tilespmem:s3+$0xCE0] =	vst v0  }
0x343: {  	v0 =	vand.u32 $0xFF8, v16;
	v1 =	vld.idx.msk [tilespmem:v15+s6+$0x0], $0xffff  }
0x344: {  	v0 =	vor.u32 v4, v0;
	_ =	sdelay $0x2  }
0x345: {  	s15 =	sadd.s32 $0x148, s3  }
0x346: {  	v17 =	vadd.s32 s15, v2;
	[tilespmem:s3+$0xCF0] =	vst v1  }
0x347: {  	v1 =	vand.u32 $0x1FF8, v17;
	v0 =	vld.idx.msk [tilespmem:v0+s6+$0x0], $0xffff  }
0x348: {  	v1 =	vor.u32 v4, v1;
	_ =	sdelay $0x2  }
0x349: {  	s17 =	sadd.s32 $0x288, s3  }
0x34a: {  	v18 =	vadd.s32 s17, v2;
	[tilespmem:s3+$0xD00] =	vst v0  }
0x34b: {  	v0 =	vand.u32 $0x1FF8, v18;
	v1 =	vld.idx.msk [tilespmem:v1+s6+$0x0], $0xffff  }
0x34c: {  	v0 =	vor.u32 v4, v0;
	_ =	sdelay $0x2  }
0x34d: {  	s21 =	sadd.s32 $0x3C8, s3  }
0x34e: {  	v19 =	vadd.s32 s21, v2;
	[tilespmem:s3+$0xD10] =	vst v1  }
0x34f: {  	v1 =	vand.u32 $0x1FF8, v19;
	v0 =	vld.idx.msk [tilespmem:v0+s6+$0x0], $0xffff  }
0x350: {  	v1 =	vor.u32 v4, v1;
	_ =	sdelay $0x3  }
0x351: {  	[tilespmem:s3+$0xD20] =	vst v0  }
0x352: {  	s15 =	sor.u32 $0x9, s3;
	v0 =	vld.idx.msk [tilespmem:v1+s6+$0x0], $0xffff  }
0x353: {  	v20 =	vadd.s32 s15, v2;
	_ =	sdelay $0x3  }
0x354: {  	[tilespmem:s3+$0xD30] =	vst v0  }
0x355: {  	s17 =	sadd.s32 $0x149, s3;
	v0 =	vld.idx.msk [tilespmem:v20+s6+$0x0], $0xffff  }
0x356: {  	v21 =	vadd.s32 s17, v2;
	_ =	sdelay $0x3  }
0x357: {  	[tilespmem:s3+$0xD40] =	vst v0  }
0x358: {  	s21 =	sadd.s32 $0x289, s3;
	v0 =	vld.idx.msk [tilespmem:v21+s6+$0x0], $0xffff  }
0x359: {  	v22 =	vadd.s32 s21, v2;
	_ =	sdelay $0x3  }
0x35a: {  	[tilespmem:s3+$0xD50] =	vst v0  }
0x35b: {  	s15 =	sadd.s32 $0x3C9, s3;
	v0 =	vld.idx.msk [tilespmem:v22+s6+$0x0], $0xffff  }
0x35c: {  	v23 =	vadd.s32 s15, v2;
	_ =	sdelay $0x3  }
0x35d: {  	[tilespmem:s3+$0xD60] =	vst v0  }
0x35e: {  	s17 =	sor.u32 $0xA, s3;
	v0 =	vld.idx.msk [tilespmem:v23+s6+$0x0], $0xffff  }
0x35f: {  	v24 =	vadd.s32 s17, v2;
	_ =	sdelay $0x3  }
0x360: {  	[tilespmem:s3+$0xD70] =	vst v0  }
0x361: {  	s21 =	sadd.s32 $0x14A, s3;
	v0 =	vld.idx.msk [tilespmem:v24+s6+$0x0], $0xffff  }
0x362: {  	v25 =	vadd.s32 s21, v2;
	_ =	sdelay $0x3  }
0x363: {  	[tilespmem:s3+$0xD80] =	vst v0  }
0x364: {  	s15 =	sadd.s32 $0x28A, s3;
	v0 =	vld.idx.msk [tilespmem:v25+s6+$0x0], $0xffff  }
0x365: {  	v26 =	vadd.s32 s15, v2;
	_ =	sdelay $0x3  }
0x366: {  	[tilespmem:s3+$0xD90] =	vst v0  }
0x367: {  	s17 =	sadd.s32 $0x3CA, s3;
	v0 =	vld.idx.msk [tilespmem:v26+s6+$0x0], $0xffff  }
0x368: {  	v27 =	vadd.s32 s17, v2;
	_ =	sdelay $0x3  }
0x369: {  	[tilespmem:s3+$0xDA0] =	vst v0  }
0x36a: {  	s21 =	sor.u32 $0xB, s3;
	v0 =	vld.idx.msk [tilespmem:v27+s6+$0x0], $0xffff  }
0x36b: {  	v28 =	vadd.s32 s21, v2;
	_ =	sdelay $0x3  }
0x36c: {  	[tilespmem:s3+$0xDB0] =	vst v0  }
0x36d: {  	s15 =	sadd.s32 $0x14B, s3;
	v0 =	vld.idx.msk [tilespmem:v28+s6+$0x0], $0xffff  }
0x36e: {  	v29 =	vadd.s32 s15, v2;
	_ =	sdelay $0x3  }
0x36f: {  	[tilespmem:s3+$0xDC0] =	vst v0  }
0x370: {  	s17 =	sadd.s32 $0x28B, s3;
	v0 =	vld.idx.msk [tilespmem:v29+s6+$0x0], $0xffff  }
0x371: {  	v30 =	vadd.s32 s17, v2;
	_ =	sdelay $0x3  }
0x372: {  	[tilespmem:s3+$0xDD0] =	vst v0  }
0x373: {  	s21 =	sadd.s32 $0x3CB, s3;
	v0 =	vld.idx.msk [tilespmem:v30+s6+$0x0], $0xffff  }
0x374: {  	v31 =	vadd.s32 s21, v2;
	_ =	sdelay $0x3  }
0x375: {  	[tilespmem:s3+$0xDE0] =	vst v0  }
0x376: {  	s15 =	sor.u32 $0xC, s3;
	v0 =	vld.idx.msk [tilespmem:v31+s6+$0x0], $0xffff  }
0x377: {  	v32 =	vadd.s32 s15, v2;
	_ =	sdelay $0x3  }
0x378: {  	[tilespmem:s3+$0xDF0] =	vst v0  }
0x379: {  	s17 =	sadd.s32 $0x14C, s3;
	v0 =	vld.idx.msk [tilespmem:v32+s6+$0x0], $0xffff  }
0x37a: {  	v33 =	vadd.s32 s17, v2;
	_ =	sdelay $0x3  }
0x37b: {  	[tilespmem:s3+$0xE00] =	vst v0  }
0x37c: {  	s21 =	sadd.s32 $0x28C, s3;
	v0 =	vld.idx.msk [tilespmem:v33+s6+$0x0], $0xffff  }
0x37d: {  	v34 =	vadd.s32 s21, v2;
	_ =	sdelay $0x3  }
0x37e: {  	[tilespmem:s3+$0xE10] =	vst v0  }
0x37f: {  	s15 =	sadd.s32 $0x3CC, s3;
	v0 =	vld.idx.msk [tilespmem:v34+s6+$0x0], $0xffff  }
0x380: {  	v35 =	vadd.s32 s15, v2;
	_ =	sdelay $0x3  }
0x381: {  	[tilespmem:s3+$0xE20] =	vst v0  }
0x382: {  	s17 =	sor.u32 $0xD, s3;
	v0 =	vld.idx.msk [tilespmem:v35+s6+$0x0], $0xffff  }
0x383: {  	v36 =	vadd.s32 s17, v2;
	_ =	sdelay $0x3  }
0x384: {  	[tilespmem:s3+$0xE30] =	vst v0  }
0x385: {  	s21 =	sadd.s32 $0x14D, s3;
	v0 =	vld.idx.msk [tilespmem:v36+s6+$0x0], $0xffff  }
0x386: {  	v37 =	vadd.s32 s21, v2;
	_ =	sdelay $0x3  }
0x387: {  	[tilespmem:s3+$0xE40] =	vst v0  }
0x388: {  	s15 =	sadd.s32 $0x28D, s3;
	v0 =	vld.idx.msk [tilespmem:v37+s6+$0x0], $0xffff  }
0x389: {  	v38 =	vadd.s32 s15, v2;
	_ =	sdelay $0x3  }
0x38a: {  	[tilespmem:s3+$0xE50] =	vst v0  }
0x38b: {  	s17 =	sadd.s32 $0x3CD, s3;
	v0 =	vld.idx.msk [tilespmem:v38+s6+$0x0], $0xffff  }
0x38c: {  	v39 =	vadd.s32 s17, v2;
	_ =	sdelay $0x3  }
0x38d: {  	[tilespmem:s3+$0xE60] =	vst v0  }
0x38e: {  	s21 =	sor.u32 $0xE, s3;
	v0 =	vld.idx.msk [tilespmem:v39+s6+$0x0], $0xffff  }
0x38f: {  	v40 =	vadd.s32 s21, v2;
	_ =	sdelay $0x3  }
0x390: {  	[tilespmem:s3+$0xE70] =	vst v0  }
0x391: {  	s15 =	sadd.s32 $0x14E, s3;
	v0 =	vld.idx.msk [tilespmem:v40+s6+$0x0], $0xffff  }
0x392: {  	v41 =	vadd.s32 s15, v2;
	_ =	sdelay $0x3  }
0x393: {  	[tilespmem:s3+$0xE80] =	vst v0  }
0x394: {  	s17 =	sadd.s32 $0x28E, s3;
	v0 =	vld.idx.msk [tilespmem:v41+s6+$0x0], $0xffff  }
0x395: {  	v42 =	vadd.s32 s17, v2;
	_ =	sdelay $0x3  }
0x396: {  	[tilespmem:s3+$0xE90] =	vst v0  }
0x397: {  	s21 =	sadd.s32 $0x3CE, s3;
	v0 =	vld.idx.msk [tilespmem:v42+s6+$0x0], $0xffff  }
0x398: {  	v43 =	vadd.s32 s21, v2;
	_ =	sdelay $0x3  }
0x399: {  	[tilespmem:s3+$0xEA0] =	vst v0  }
0x39a: {  	s15 =	sor.u32 $0xF, s3;
	v0 =	vld.idx.msk [tilespmem:v43+s6+$0x0], $0xffff  }
0x39b: {  	v44 =	vadd.s32 s15, v2;
	_ =	sdelay $0x3  }
0x39c: {  	[tilespmem:s3+$0xEB0] =	vst v0  }
0x39d: {  	s17 =	sadd.s32 $0x14F, s3;
	v0 =	vld.idx.msk [tilespmem:v44+s6+$0x0], $0xffff  }
0x39e: {  	v45 =	vadd.s32 s17, v2;
	_ =	sdelay $0x3  }
0x39f: {  	[tilespmem:s3+$0xEC0] =	vst v0  }
0x3a0: {  	s21 =	sadd.s32 $0x28F, s3;
	v0 =	vld.idx.msk [tilespmem:v45+s6+$0x0], $0xffff  }
0x3a1: {  	v46 =	vadd.s32 s21, v2;
	_ =	sdelay $0x3  }
0x3a2: {  	[tilespmem:s3+$0xED0] =	vst v0  }
0x3a3: {  	s15 =	sadd.s32 $0x3CF, s3;
	v0 =	vld.idx.msk [tilespmem:v46+s6+$0x0], $0xffff  }
0x3a4: {  	v47 =	vadd.s32 s15, v2;
	_ =	sdelay $0x2  }
0x3a5: {  	s17 =	sor.u32 $0x10, s3  }
0x3a6: {  	v48 =	vadd.s32 s17, v2;
	[tilespmem:s3+$0xEE0] =	vst v0  }
0x3a7: {  	v0 =	vand.u32 $0xFF8, v48;
	v1 =	vld.idx.msk [tilespmem:v47+s6+$0x0], $0xffff  }
0x3a8: {  	v0 =	vor.u32 v4, v0;
	_ =	sdelay $0x2  }
0x3a9: {  	s21 =	sadd.s32 $0x150, s3  }
0x3aa: {  	v49 =	vadd.s32 s21, v2;
	[tilespmem:s3+$0xEF0] =	vst v1  }
0x3ab: {  	v1 =	vand.u32 $0x1FF8, v49;
	v0 =	vld.idx.msk [tilespmem:v0+s6+$0x0], $0xffff  }
0x3ac: {  	v1 =	vor.u32 v4, v1;
	_ =	sdelay $0x2  }
0x3ad: {  	s15 =	sadd.s32 $0x290, s3  }
0x3ae: {  	v50 =	vadd.s32 s15, v2;
	[tilespmem:s3+$0xF00] =	vst v0  }
0x3af: {  	v0 =	vand.u32 $0x1FF8, v50;
	v1 =	vld.idx.msk [tilespmem:v1+s6+$0x0], $0xffff  }
0x3b0: {  	v0 =	vor.u32 v4, v0;
	_ =	sdelay $0x2  }
0x3b1: {  	s17 =	sadd.s32 $0x3D0, s3  }
0x3b2: {  	v51 =	vadd.s32 s17, v2;
	[tilespmem:s3+$0xF10] =	vst v1  }
0x3b3: {  	v1 =	vand.u32 $0x1FF8, v51;
	v0 =	vld.idx.msk [tilespmem:v0+s6+$0x0], $0xffff  }
0x3b4: {  	v1 =	vor.u32 v4, v1;
	_ =	sdelay $0x3  }
0x3b5: {  	[tilespmem:s3+$0xF20] =	vst v0  }
0x3b6: {  	s21 =	sor.u32 $0x11, s3;
	v0 =	vld.idx.msk [tilespmem:v1+s6+$0x0], $0xffff  }
0x3b7: {  	v52 =	vadd.s32 s21, v2;
	_ =	sdelay $0x3  }
0x3b8: {  	[tilespmem:s3+$0xF30] =	vst v0  }
0x3b9: {  	s15 =	sadd.s32 $0x151, s3;
	v0 =	vld.idx.msk [tilespmem:v52+s6+$0x0], $0xffff  }
0x3ba: {  	v53 =	vadd.s32 s15, v2;
	_ =	sdelay $0x3  }
0x3bb: {  	[tilespmem:s3+$0xF40] =	vst v0  }
0x3bc: {  	s17 =	sadd.s32 $0x291, s3;
	v0 =	vld.idx.msk [tilespmem:v53+s6+$0x0], $0xffff  }
0x3bd: {  	v54 =	vadd.s32 s17, v2;
	_ =	sdelay $0x3  }
0x3be: {  	[tilespmem:s3+$0xF50] =	vst v0  }
0x3bf: {  	s21 =	sadd.s32 $0x3D1, s3;
	v0 =	vld.idx.msk [tilespmem:v54+s6+$0x0], $0xffff  }
0x3c0: {  	v55 =	vadd.s32 s21, v2;
	_ =	sdelay $0x3  }
0x3c1: {  	[tilespmem:s3+$0xF60] =	vst v0  }
0x3c2: {  	s15 =	sor.u32 $0x12, s3;
	v0 =	vld.idx.msk [tilespmem:v55+s6+$0x0], $0xffff  }
0x3c3: {  	v56 =	vadd.s32 s15, v2;
	_ =	sdelay $0x3  }
0x3c4: {  	[tilespmem:s3+$0xF70] =	vst v0  }
0x3c5: {  	s17 =	sadd.s32 $0x152, s3;
	v0 =	vld.idx.msk [tilespmem:v56+s6+$0x0], $0xffff  }
0x3c6: {  	v57 =	vadd.s32 s17, v2;
	_ =	sdelay $0x3  }
0x3c7: {  	[tilespmem:s3+$0xF80] =	vst v0  }
0x3c8: {  	s21 =	sadd.s32 $0x292, s3;
	v0 =	vld.idx.msk [tilespmem:v57+s6+$0x0], $0xffff  }
0x3c9: {  	v58 =	vadd.s32 s21, v2;
	_ =	sdelay $0x3  }
0x3ca: {  	[tilespmem:s3+$0xF90] =	vst v0  }
0x3cb: {  	s15 =	sadd.s32 $0x3D2, s3;
	v0 =	vld.idx.msk [tilespmem:v58+s6+$0x0], $0xffff  }
0x3cc: {  	v59 =	vadd.s32 s15, v2;
	_ =	sdelay $0x3  }
0x3cd: {  	[tilespmem:s3+$0xFA0] =	vst v0  }
0x3ce: {  	s17 =	sor.u32 $0x13, s3;
	v0 =	vld.idx.msk [tilespmem:v59+s6+$0x0], $0xffff  }
0x3cf: {  	v60 =	vadd.s32 s17, v2;
	_ =	sdelay $0x3  }
0x3d0: {  	[tilespmem:s3+$0xFB0] =	vst v0  }
0x3d1: {  	s21 =	sadd.s32 $0x153, s3;
	v0 =	vld.idx.msk [tilespmem:v60+s6+$0x0], $0xffff  }
0x3d2: {  	v61 =	vadd.s32 s21, v2;
	_ =	sdelay $0x3  }
0x3d3: {  	[tilespmem:s3+$0xFC0] =	vst v0  }
0x3d4: {  	s15 =	sadd.s32 $0x293, s3;
	v0 =	vld.idx.msk [tilespmem:v61+s6+$0x0], $0xffff  }
0x3d5: {  	v62 =	vadd.s32 s15, v2;
	_ =	sdelay $0x3  }
0x3d6: {  	[tilespmem:s3+$0xFD0] =	vst v0  }
0x3d7: {  	s17 =	sadd.s32 $0x3D3, s3;
	v0 =	vld.idx.msk [tilespmem:v62+s6+$0x0], $0xffff  }
0x3d8: {  	v63 =	vadd.s32 s17, v2;
	_ =	sdelay $0x3  }
0x3d9: {  	[tilespmem:s3+$0xFE0] =	vst v0  }
0x3da: {  	v0 =	vld.idx.msk [tilespmem:v63+s6+$0x0], $0xffff;
	_ =	sdelay $0x4  }
0x3db: {  	s21 =	sadd.s32 $0xB00, s3;
	s6 =	simm.s32 $0x40;
	[tilespmem:s3+$0xFF0] =	vst v0  }
0x3dc: {  	[tilespmem:s22], [sflag:$0x3] =	stream.indirect.gather [hbm4b:s20+s6], $0x40, s21, s6, $0xb8;
	[tilespmem:$0x19A40] =	vst v63  }
0x3dd: {  	s15 =	sadd.s32 $0xB40, s3  }
0x3de: {  	[tilespmem:s24], [sflag:$0x3] =	stream.indirect.gather [hbm4b:s20+s6], $0x40, s15, s6, $0xb8;
	[tilespmem:$0x19A40] =	vst v63  }
0x3df: {  	s17 =	sadd.s32 $0xB80, s3  }
0x3e0: {  	[tilespmem:s26], [sflag:$0x3] =	stream.indirect.gather [hbm4b:s20+s6], $0x40, s17, s6, $0xb8;
	[tilespmem:$0x19A40] =	vst v63  }
0x3e1: {  	s21 =	sadd.s32 $0xBC0, s3  }
0x3e2: {  	[tilespmem:s29], [sflag:$0x3] =	stream.indirect.gather [hbm4b:s20+s6], $0x40, s21, s6, $0xb8;
	[tilespmem:$0x19A40] =	vst v63  }
0x3e3: {  	s15 =	sadd.s32 $0xC00, s3  }
0x3e4: {  	[tilespmem:s31], [sflag:$0x3] =	stream.indirect.gather [hbm4b:s20+s6], $0x40, s15, s6, $0xb8;
	[tilespmem:$0x19A40] =	vst v63  }
0x3e5: {  	s17 =	sadd.s32 $0xC40, s3  }
0x3e6: {  	[tilespmem:s5], [sflag:$0x3] =	stream.indirect.gather [hbm4b:s20+s6], $0x40, s17, s6, $0xb8;
	[tilespmem:$0x19A40] =	vst v63  }
0x3e7: {  	s21 =	sadd.s32 $0xC80, s3  }
0x3e8: {  	[tilespmem:s23], [sflag:$0x3] =	stream.indirect.gather [hbm4b:s20+s6], $0x40, s21, s6, $0xb8;
	[tilespmem:$0x19A40] =	vst v63  }
0x3e9: {  	s15 =	sadd.s32 $0xCC0, s3  }
0x3ea: {  	[tilespmem:s28], [sflag:$0x3] =	stream.indirect.gather [hbm4b:s20+s6], $0x40, s15, s6, $0xb8;
	[tilespmem:$0x19A40] =	vst v63  }
0x3eb: {  	s13 =	simm.s32 $0x0;
	s17 =	sadd.s32 $0xD00, s3  }
0x3ec: {  	[tilespmem:s0], [sflag:$0x3] =	stream.indirect.gather [hbm4b:s20+s6], $0x40, s17, s6, $0xb8;
	[tilespmem:$0x19A40] =	vst v63  }
0x3ed: {  	s8 =	rddreg [dreg:$0xe];
	s3 =	sadd.s32 $0xD40, s3;
	s21 =	simm.s32 $0x40  }
0x3ee: {  	[tilespmem:s25], [sflag:$0x3] =	stream.indirect.gather [hbm4b:s20+s21], $0x40, s3, s21, $0xb8;
	[tilespmem:$0x19A40] =	vst v63  }
.LBB2_12:
0x3ef: {  	s3 =	simm.s32 $0x4  }
0x3f0: {  	_ =	swait.ge [sflag:s3], $0x1000  }
0x3f1: {  	[sflag:s3] =	ssyncset.done $0x0  }
0x3f2: {  	[sflag:s3] =	ssyncadd.s32 $0xFFFFF000  }
0x3f3: {  	_ =	swait.ge [sflag:s3], $0x1000  }
0x3f4: {  	[sflag:s3] =	ssyncset.done $0x0  }
0x3f5: {  	[sflag:s3] =	ssyncadd.s32 $0xFFFFF000  }
0x3f6: {  	_ =	swait.ge [sflag:s3], $0x1000  }
0x3f7: {  	[sflag:s3] =	ssyncset.done $0x0  }
0x3f8: {  	[sflag:s3] =	ssyncadd.s32 $0xFFFFF000  }
0x3f9: {  	_ =	swait.ge [sflag:s3], $0x1000  }
0x3fa: {  	[sflag:s3] =	ssyncset.done $0x0  }
0x3fb: {  	[sflag:s3] =	ssyncadd.s32 $0xFFFFF000  }
0x3fc: {  	_ =	swait.ge [sflag:s3], $0x1000  }
0x3fd: {  	[sflag:s3] =	ssyncset.done $0x0  }
0x3fe: {  	[sflag:s3] =	ssyncadd.s32 $0xFFFFF000  }
0x3ff: {  	_ =	swait.ge [sflag:s3], $0x1000  }
0x400: {  	[sflag:s3] =	ssyncset.done $0x0  }
0x401: {  	[sflag:s3] =	ssyncadd.s32 $0xFFFFF000  }
0x402: {  	_ =	swait.ge [sflag:s3], $0x1000  }
0x403: {  	[sflag:s3] =	ssyncset.done $0x0  }
0x404: {  	[sflag:s3] =	ssyncadd.s32 $0xFFFFF000  }
0x405: {  	_ =	swait.ge [sflag:s3], $0x1000  }
0x406: {  	[sflag:s3] =	ssyncset.done $0x0  }
0x407: {  	[sflag:s3] =	ssyncadd.s32 $0xFFFFF000  }
0x408: {  	_ =	swait.ge [sflag:s3], $0x1000  }
0x409: {  	[sflag:s3] =	ssyncset.done $0x0  }
0x40a: {  	[sflag:s3] =	ssyncadd.s32 $0xFFFFF000  }
0x40b: {  	_ =	swait.ge [sflag:s3], $0x1000  }
0x40c: {  	[sflag:s3] =	ssyncset.done $0x0  }
0x40d: {  	s21 =	simm.s32 $0x0;
	s15 =	simm.s32 $0x0;
	[sflag:s3] =	ssyncadd.s32 $0xFFFFF000  }
.LBB2_13:
0x40e: {  	v3 =	vld [tilespmem:$0x1FBF0]  }
0x40f: {  	s17 =	sshll.u32 s15, $0x4;
	v0 =	vmov s21  }
0x410: {  	s3 =	sadd.s32 s30, s17;
	v0 =	vshrl.u32 v0, $0x3  }
0x411: {  	v1 =	vmov s3;
	v0 =	vshll.u32 v0, $0x3  }
0x412: {  	v2 =	vmov s17;
	v1 =	vshll.u32 v1, $0x6;
	v0 =	vbroadcast v0, $0x0  }
0x413: {  	v2 =	vshll.u32 v2, $0x6;
	v31 =	vor.u32 v3, v1  }
0x414: {  	v43 =	vor.u32 v3, v2;
	v1 =	vor.u32 $0x7, v31;
	v36 =	vor.u32 v31, v0  }
0x415: {  	v2 =	vor.u32 $0x7, v43;
	[tilespmem:$0x1F8F0] =	vst v1;
	v1 =	vadd.s32 v1, v0  }
0x416: {  	v5 =	vadd.s32 v2, v0;
	_ =	sdelay $0x2  }
0x417: {  	v45 =	vld.idx.msk [tilespmem:v36+s18+$0x0], $0xffff  }
0x418: {  	v4 =	vld.idx.msk [tilespmem:v1+s18+$0x0], $0xffff  }
0x419: {  	v1 =	vld.idx.msk [tilespmem:v5+s16+$0x0], $0xffff  }
0x41a: {  	[tilespmem:$0x1F900] =	vst v2;
	v2 =	vld.idx.msk [tilespmem:v5+s10+$0x0], $0xffff  }
0x41b: {  	v6 =	vor.u32 $0x6, v31;
	v3 =	vld.idx.msk [tilespmem:v5+s11+$0x0], $0xffff  }
0x41c: {  	v7 =	vor.u32 $0x6, v43;
	[tilespmem:$0x1F910] =	vst v6;
	v6 =	vadd.s32 v6, v0;
	v8 =	vld.idx.msk [tilespmem:v5+s12+$0x0], $0xffff  }
0x41d: {  	[tilespmem:$0x1F920] =	vst v7;
	v7 =	vadd.s32 v7, v0;
	v9 =	vld.idx.msk [tilespmem:v5+s14+$0x0], $0xffff  }
0x41e: {  	v10 =	vld.idx.msk [tilespmem:v5+s1+$0x0], $0xffff  }
0x41f: {  	v11 =	vld.idx.msk [tilespmem:v5+s2+$0x0], $0xffff  }
0x420: {  	v12 =	vld.idx.msk [tilespmem:v5+s7+$0x0], $0xffff  }
0x421: {  	v6 =	vld.idx.msk [tilespmem:v6+s18+$0x0], $0xffff  }
0x422: {  	v14 =	vld.idx.msk [tilespmem:v7+s16+$0x0], $0xffff  }
0x423: {  	v15 =	vld.idx.msk [tilespmem:v7+s10+$0x0], $0xffff  }
0x424: {  	v13 =	vor.u32 $0x5, v31;
	v16 =	vld.idx.msk [tilespmem:v7+s11+$0x0], $0xffff  }
0x425: {  	v18 =	vor.u32 $0x5, v43;
	[tilespmem:$0x1F930] =	vst v13;
	v13 =	vadd.s32 v13, v0;
	v17 =	vld.idx.msk [tilespmem:v7+s12+$0x0], $0xffff  }
0x426: {  	[tilespmem:$0x1F940] =	vst v18;
	v19 =	vadd.s32 v18, v0;
	v18 =	vld.idx.msk [tilespmem:v7+s14+$0x0], $0xffff  }
0x427: {  	v20 =	vld.idx.msk [tilespmem:v7+s1+$0x0], $0xffff  }
0x428: {  	v21 =	vld.idx.msk [tilespmem:v7+s2+$0x0], $0xffff  }
0x429: {  	v22 =	vld.idx.msk [tilespmem:v7+s7+$0x0], $0xffff  }
0x42a: {  	v13 =	vld.idx.msk [tilespmem:v13+s18+$0x0], $0xffff  }
0x42b: {  	v24 =	vld.idx.msk [tilespmem:v19+s16+$0x0], $0xffff  }
0x42c: {  	v25 =	vld.idx.msk [tilespmem:v19+s10+$0x0], $0xffff  }
0x42d: {  	v23 =	vor.u32 $0x4, v31;
	v26 =	vld.idx.msk [tilespmem:v19+s11+$0x0], $0xffff  }
0x42e: {  	v28 =	vor.u32 $0x4, v43;
	[tilespmem:$0x1F950] =	vst v23;
	v23 =	vadd.s32 v23, v0;
	v27 =	vld.idx.msk [tilespmem:v19+s12+$0x0], $0xffff  }
0x42f: {  	[tilespmem:$0x1F960] =	vst v28;
	v29 =	vadd.s32 v28, v0;
	v28 =	vld.idx.msk [tilespmem:v19+s14+$0x0], $0xffff  }
0x430: {  	v30 =	vld.idx.msk [tilespmem:v19+s1+$0x0], $0xffff  }
0x431: {  	v42 =	vld.idx.msk [tilespmem:v19+s2+$0x0], $0xffff  }
0x432: {  	v38 =	vld.idx.msk [tilespmem:v19+s7+$0x0], $0xffff  }
0x433: {  	v23 =	vld.idx.msk [tilespmem:v23+s18+$0x0], $0xffff  }
0x434: {  	v39 =	vld.idx.msk [tilespmem:v29+s16+$0x0], $0xffff  }
0x435: {  	v33 =	vor.u32 $0x2, v31;
	v40 =	vld.idx.msk [tilespmem:v29+s10+$0x0], $0xffff  }
0x436: {  	v34 =	vor.u32 $0x1, v31;
	[tilespmem:$0x1F980] =	vst v33;
	v33 =	vadd.s32 v33, v0;
	v41 =	vld.idx.msk [tilespmem:v29+s11+$0x0], $0xffff  }
0x437: {  	[tilespmem:$0x1F990] =	vst v34;
	v34 =	vadd.s32 v34, v0;
	v53 =	vld.idx.msk [tilespmem:v29+s12+$0x0], $0xffff  }
0x438: {  	v52 =	vor.u32 v43, v0;
	v54 =	vld.idx.msk [tilespmem:v29+s14+$0x0], $0xffff  }
0x439: {  	v32 =	vor.u32 $0x3, v31;
	[tilespmem:$0x1F9A0] =	vst v31;
	v31 =	vor.u32 $0x1, v43;
	v55 =	vld.idx.msk [tilespmem:v29+s1+$0x0], $0xffff  }
0x43a: {  	v50 =	vor.u32 $0x2, v43;
	[tilespmem:$0x1F970] =	vst v32;
	v51 =	vadd.s32 v31, v0;
	v60 =	vld.idx.msk [tilespmem:v29+s2+$0x0], $0xffff  }
0x43b: {  	[tilespmem:$0x1F9C0] =	vst v50;
	v50 =	vadd.s32 v50, v0;
	v35 =	vld.idx.msk [tilespmem:v33+s18+$0x0], $0xffff  }
0x43c: {  	[tilespmem:$0x1F9B0] =	vst v31;
	v37 =	vld.idx.msk [tilespmem:v34+s18+$0x0], $0xffff;
	v31 =	vmul.f32 v1, v4;
	v1 =	vmul.f32 v2, v4;
	v2 =	vor.u32 $0x3, v43  }
0x43d: {  	v32 =	vadd.s32 v32, v0;
	v56 =	vmul.f32 v3, v4;
	v47 =	vadd.s32 v2, v0;
	v0 =	vld.idx.msk [tilespmem:v52+s10+$0x0], $0xffff  }
0x43e: {  	v57 =	vmul.f32 v8, v4;
	v49 =	vmul.f32 v9, v4;
	[tilespmem:$0x1FA10] =	vst v1;
	v1 =	vld.idx.msk [tilespmem:v52+s16+$0x0], $0xffff  }
0x43f: {  	v48 =	vmul.f32 v10, v4;
	v34 =	vmul.f32 v11, v4;
	v3 =	vld.idx.msk [tilespmem:v51+s10+$0x0], $0xffff  }
0x440: {  	v33 =	vmul.f32 v12, v4;
	v10 =	vmul.f32 v14, v6;
	[tilespmem:$0x1F9E0] =	vst v2;
	v2 =	vld.idx.msk [tilespmem:v51+s16+$0x0], $0xffff  }
0x441: {  	v14 =	vmul.f32 v15, v6;
	v58 =	vmul.f32 v16, v6;
	v9 =	vld.idx.msk [tilespmem:v50+s10+$0x0], $0xffff  }
0x442: {  	v59 =	vmul.f32 v17, v6;
	v8 =	vld.idx.msk [tilespmem:v50+s16+$0x0], $0xffff;
	v0 =	vmul.f32 v0, v45  }
0x443: {  	[tilespmem:$0x1F9D0] =	vst v43;
	v36 =	vimm.f32 $0.0e+00;
	v32 =	vld.idx.msk [tilespmem:v32+s18+$0x0], $0xffff;
	v62 =	vmul.f32 v18, v6;
	v1 =	vmul.f32 v1, v45  }
0x444: {  	v63 =	vmul.f32 v20, v6;
	v15 =	vld.idx.msk [tilespmem:v29+s7+$0x0], $0xffff;
	v3 =	vmul.f32 v3, v37;
	v0 =	vadd.f32 v0, v36  }
0x445: {  	v46 =	vmul.f32 v21, v6;
	v2 =	vmul.f32 v2, v37;
	v12 =	vld.idx.msk [tilespmem:v47+s10+$0x0], $0xffff;
	v1 =	vadd.f32 v1, v36  }
0x446: {  	v44 =	vmul.f32 v22, v6;
	v11 =	vld.idx.msk [tilespmem:v47+s16+$0x0], $0xffff;
	v0 =	vadd.f32 v3, v0;
	v3 =	vmul.f32 v9, v35  }
0x447: {  	v16 =	vmul.f32 v24, v13;
	v21 =	vld.idx.msk [tilespmem:v50+s11+$0x0], $0xffff;
	v1 =	vadd.f32 v2, v1;
	v2 =	vmul.f32 v8, v35  }
0x448: {  	v18 =	vmul.f32 v25, v13;
	v22 =	vld.idx.msk [tilespmem:v50+s12+$0x0], $0xffff;
	v0 =	vadd.f32 v3, v0;
	v3 =	vmul.f32 v27, v13  }
0x449: {  	v24 =	vld.idx.msk [tilespmem:v51+s11+$0x0], $0xffff;
	v42 =	vmul.f32 v42, v13;
	v1 =	vadd.f32 v2, v1;
	v2 =	vmul.f32 v26, v13  }
0x44a: {  	v25 =	vld.idx.msk [tilespmem:v51+s12+$0x0], $0xffff;
	v43 =	vmul.f32 v38, v13;
	[tilespmem:$0x1FA00] =	vst v3;
	v3 =	vmul.f32 v12, v32  }
0x44b: {  	v61 =	vmul.f32 v60, v23;
	v17 =	vld.idx.msk [tilespmem:v47+s11+$0x0], $0xffff;
	[tilespmem:$0x1F9F0] =	vst v2;
	v2 =	vmul.f32 v11, v32  }
0x44c: {  	v60 =	vmul.f32 v15, v23;
	v15 =	vld.idx.msk [tilespmem:v52+s1+$0x0], $0xffff;
	v9 =	vmul.f32 v40, v23;
	v3 =	vadd.f32 v3, v0  }
0x44d: {  	v38 =	vimm.f32 $0.0e+00;
	v20 =	vld.idx.msk [tilespmem:v47+s12+$0x0], $0xffff;
	v8 =	vmul.f32 v39, v23;
	v1 =	vadd.f32 v2, v1  }
0x44e: {  	v40 =	vimm.f32 $0.0e+00;
	v39 =	vimm.f32 $0.0e+00;
	v27 =	vld.idx.msk [tilespmem:v52+s12+$0x0], $0xffff;
	v11 =	vadd.f32 v9, v3  }
0x44f: {  	v26 =	vld.idx.msk [tilespmem:v52+s11+$0x0], $0xffff;
	v0 =	vmul.f32 v30, v13;
	v2 =	vmul.f32 v28, v13;
	v8 =	vadd.f32 v8, v1  }
0x450: {  	v9 =	vmul.f32 v53, v23;
	v18 =	vadd.f32 v18, v11;
	v11 =	vmul.f32 v17, v32;
	v17 =	vld.idx.msk [tilespmem:v51+s14+$0x0], $0xffff  }
0x451: {  	v3 =	vmul.f32 v54, v23;
	v1 =	vmul.f32 v41, v23;
	v12 =	vadd.f32 v16, v8;
	v16 =	vld.idx.msk [tilespmem:v52+s14+$0x0], $0xffff  }
0x452: {  	v8 =	vmul.f32 v55, v23;
	v55 =	vadd.f32 v14, v18;
	v14 =	vmul.f32 v22, v35;
	v22 =	vld [tilespmem:$0x1FA10]  }
0x453: {  	v18 =	vld.idx.msk [tilespmem:v51+s1+$0x0], $0xffff;
	v28 =	vadd.f32 v10, v12;
	v12 =	vmul.f32 v21, v35;
	v10 =	vmul.f32 v20, v32  }
0x454: {  	v53 =	vimm.f32 $0.0e+00;
	v21 =	vmul.f32 v24, v37;
	v20 =	vmul.f32 v25, v37;
	v24 =	vld.idx.msk [tilespmem:v50+s14+$0x0], $0xffff  }
0x455: {  	v54 =	vimm.f32 $0.0e+00;
	v25 =	vmul.f32 v26, v45;
	v26 =	vmul.f32 v15, v45;
	v15 =	vld.idx.msk [tilespmem:v47+s14+$0x0], $0xffff  }
0x456: {  	v30 =	vadd.f32 v31, v28;
	v28 =	vmul.f32 v27, v45;
	v27 =	vmul.f32 v16, v45;
	v16 =	vld.idx.msk [tilespmem:v47+s1+$0x0], $0xffff  }
0x457: {  	s3 =	simm.s32 $0x8;
	v41 =	vimm.f32 $0.0e+00;
	v31 =	vadd.f32 v22, v55;
	v22 =	vld.idx.msk [tilespmem:v50+s1+$0x0], $0xffff;
	v55 =	vimm.f32 $0.0e+00  }
.LBB2_14:
0x458: {  	_ =	sdelay $0x2  }
0x459: {  	v25 =	vadd.f32 v25, v36;
	v17 =	vmul.f32 v17, v37  }
0x45a: {  	v27 =	vadd.f32 v27, v55;
	v26 =	vadd.f32 v26, v54;
	v18 =	vmul.f32 v18, v37  }
0x45b: {  	v24 =	vmul.f32 v24, v35;
	v21 =	vadd.f32 v21, v25  }
0x45c: {  	v36 =	vld.idx.msk [tilespmem:v47+s2+$0x0], $0xffff;
	v22 =	vmul.f32 v22, v35;
	v17 =	vadd.f32 v17, v27;
	v18 =	vadd.f32 v18, v26  }
0x45d: {  	v28 =	vadd.f32 v28, v53;
	v53 =	vld.idx.msk [tilespmem:v47+s7+$0x0], $0xffff;
	v12 =	vadd.f32 v12, v21  }
0x45e: {  	v16 =	vmul.f32 v16, v32;
	v17 =	vadd.f32 v24, v17;
	v18 =	vadd.f32 v22, v18;
	v24 =	vld [tilespmem:$0x1F9F0]  }
0x45f: {  	v15 =	vmul.f32 v15, v32;
	v25 =	vld.idx.msk [tilespmem:v50+s2+$0x0], $0xffff;
	v11 =	vadd.f32 v11, v12  }
0x460: {  	v20 =	vadd.f32 v20, v28;
	v26 =	vld.idx.msk [tilespmem:v50+s7+$0x0], $0xffff;
	v16 =	vadd.f32 v16, v18  }
0x461: {  	v27 =	vld.idx.msk [tilespmem:v51+s2+$0x0], $0xffff;
	v15 =	vadd.f32 v15, v17;
	v1 =	vadd.f32 v1, v11  }
0x462: {  	v14 =	vadd.f32 v14, v20;
	v21 =	vld.idx.msk [tilespmem:v52+s2+$0x0], $0xffff;
	v8 =	vadd.f32 v8, v16  }
0x463: {  	v3 =	vadd.f32 v3, v15;
	v1 =	vadd.f32 v24, v1;
	v24 =	vld [tilespmem:$0x1FA00]  }
0x464: {  	v10 =	vadd.f32 v10, v14;
	v14 =	vld.idx.msk [tilespmem:v52+s7+$0x0], $0xffff;
	v0 =	vadd.f32 v0, v8  }
0x465: {  	v20 =	vld.idx.msk [tilespmem:v51+s7+$0x0], $0xffff;
	v12 =	vmul.f32 v36, v32;
	v2 =	vadd.f32 v2, v3  }
0x466: {  	v18 =	vld.idx.msk [tilespmem:v52+s9+$0x0], $0xffff;
	v22 =	vmul.f32 v25, v35;
	v9 =	vadd.f32 v9, v10;
	v0 =	vadd.f32 v63, v0  }
0x467: {  	v25 =	vld.idx.msk [tilespmem:v47+s9+$0x0], $0xffff;
	v15 =	vmul.f32 v27, v37;
	v1 =	vadd.f32 v58, v1;
	v2 =	vadd.f32 v62, v2  }
0x468: {  	v10 =	vld.idx.msk [tilespmem:v52+s4+$0x0], $0xffff;
	v3 =	vmul.f32 v21, v45;
	v0 =	vadd.f32 v48, v0;
	v9 =	vadd.f32 v24, v9  }
0x469: {  	v16 =	vld.idx.msk [tilespmem:v51+s9+$0x0], $0xffff;
	v14 =	vmul.f32 v14, v45;
	v1 =	vadd.f32 v56, v1;
	v2 =	vadd.f32 v49, v2  }
0x46a: {  	v20 =	vmul.f32 v20, v37;
	[tilespmem:$0x1F8D0] =	vst v0;
	v0 =	vadd.f32 v3, v40;
	v9 =	vadd.f32 v59, v9  }
0x46b: {  	v18 =	vmul.f32 v18, v45;
	v24 =	vld.idx.msk [tilespmem:v51+s4+$0x0], $0xffff;
	[tilespmem:$0x1F890] =	vst v2;
	v2 =	vadd.f32 v14, v41  }
0x46c: {  	v8 =	vld.idx.msk [tilespmem:v50+s9+$0x0], $0xffff;
	[tilespmem:$0x1F8E0] =	vst v1;
	v0 =	vadd.f32 v15, v0;
	v1 =	vadd.f32 v57, v9  }
0x46d: {  	v11 =	vmul.f32 v26, v35;
	v21 =	vld.idx.msk [tilespmem:v50+s4+$0x0], $0xffff;
	v14 =	vadd.f32 v18, v38;
	v2 =	vadd.f32 v20, v2  }
0x46e: {  	v18 =	vld.idx.msk [tilespmem:v29+s4+$0x0], $0xffff;
	v0 =	vadd.f32 v22, v0;
	[tilespmem:$0x1F850] =	vst v1;
	v1 =	vmul.f32 v10, v45  }
0x46f: {  	v17 =	vmul.f32 v53, v32;
	v3 =	vmul.f32 v16, v37;
	v9 =	vld.idx.msk [tilespmem:v47+s4+$0x0], $0xffff;
	v2 =	vadd.f32 v11, v2  }
0x470: {  	v16 =	vmul.f32 v24, v37;
	v10 =	vld.idx.msk [tilespmem:v29+s9+$0x0], $0xffff;
	v0 =	vadd.f32 v12, v0;
	v1 =	vadd.f32 v1, v39  }
0x471: {  	v15 =	vld.idx.msk [tilespmem:v19+s9+$0x0], $0xffff;
	v3 =	vadd.f32 v3, v14;
	v2 =	vadd.f32 v17, v2  }
0x472: {  	v8 =	vmul.f32 v8, v35;
	v0 =	vadd.f32 v61, v0;
	v1 =	vadd.f32 v16, v1;
	v16 =	vld.idx.msk [tilespmem:v19+s4+$0x0], $0xffff  }
0x473: {  	v14 =	vmul.f32 v21, v35;
	v2 =	vadd.f32 v60, v2;
	v19 =	vld.idx.msk [tilespmem:v7+s9+$0x0], $0xffff  }
0x474: {  	v11 =	vmul.f32 v25, v32;
	v3 =	vadd.f32 v8, v3;
	v7 =	vld.idx.msk [tilespmem:v7+s4+$0x0], $0xffff;
	v0 =	vadd.f32 v42, v0  }
0x475: {  	v8 =	vmul.f32 v9, v32;
	v9 =	vmul.f32 v10, v23;
	v10 =	vld.idx.msk [tilespmem:v5+s9+$0x0], $0xffff;
	v2 =	vadd.f32 v43, v2  }
0x476: {  	v5 =	vld.idx.msk [tilespmem:v5+s4+$0x0], $0xffff;
	v1 =	vadd.f32 v14, v1;
	v0 =	vadd.f32 v46, v0  }
0x477: {  	v3 =	vadd.f32 v11, v3;
	v11 =	vmul.f32 v15, v13;
	v2 =	vadd.f32 v44, v2  }
0x478: {  	v28 =	vld [tilespmem:$0x1F960];
	v1 =	vadd.f32 v8, v1;
	v8 =	vmul.f32 v18, v23;
	v0 =	vadd.f32 v34, v0  }
0x479: {  	v58 =	vld [tilespmem:$0x1F980];
	v3 =	vadd.f32 v9, v3;
	v9 =	vmul.f32 v19, v6;
	v6 =	vmul.f32 v7, v6  }
0x47a: {  	v62 =	vld [tilespmem:$0x1F9A0];
	v1 =	vadd.f32 v8, v1;
	v8 =	vmul.f32 v16, v13;
	[tilespmem:$0x1F880] =	vst v0;
	v0 =	vadd.f32 v33, v2  }
0x47b: {  	v7 =	vmul.f32 v10, v4;
	v4 =	vmul.f32 v5, v4;
	v5 =	vmov s3;
	v13 =	vld [tilespmem:$0x1F930]  }
0x47c: {  	v18 =	vld [tilespmem:$0x1F940];
	[tilespmem:$0x1F8B0] =	vst v0;
	v0 =	vshrl.u32 v5, $0x3  }
0x47d: {  	v40 =	vld [tilespmem:$0x1F9D0];
	v3 =	vadd.f32 v11, v3;
	v0 =	vshll.u32 v0, $0x3  }
0x47e: {  	v59 =	vld [tilespmem:$0x1F990];
	v1 =	vadd.f32 v8, v1;
	v0 =	vbroadcast v0, $0x0  }
0x47f: {  	v57 =	vld [tilespmem:$0x1F970];
	v3 =	vadd.f32 v9, v3  }
0x480: {  	v23 =	vld [tilespmem:$0x1F950];
	v1 =	vadd.f32 v6, v1;
	v13 =	vadd.s32 v13, v0  }
0x481: {  	v2 =	vadd.f32 v7, v3;
	v7 =	vld [tilespmem:$0x1F920];
	v19 =	vadd.s32 v18, v0  }
0x482: {  	v6 =	vld [tilespmem:$0x1F910];
	v1 =	vadd.f32 v4, v1  }
0x483: {  	[tilespmem:$0x1F860] =	vst v2;
	v2 =	vld [tilespmem:$0x1F900]  }
0x484: {  	[tilespmem:$0x1F870] =	vst v1;
	v1 =	vld [tilespmem:$0x1F8F0]  }
0x485: {  	v13 =	vld.idx.msk [tilespmem:v13+s18+$0x0], $0xffff  }
0x486: {  	v24 =	vld.idx.msk [tilespmem:v19+s16+$0x0], $0xffff  }
0x487: {  	v25 =	vld.idx.msk [tilespmem:v19+s10+$0x0], $0xffff  }
0x488: {  	v26 =	vld.idx.msk [tilespmem:v19+s11+$0x0], $0xffff  }
0x489: {  	v23 =	vadd.s32 v23, v0;
	v27 =	vld.idx.msk [tilespmem:v19+s12+$0x0], $0xffff  }
0x48a: {  	v29 =	vadd.s32 v28, v0;
	v28 =	vld.idx.msk [tilespmem:v19+s14+$0x0], $0xffff  }
0x48b: {  	v42 =	vld.idx.msk [tilespmem:v19+s1+$0x0], $0xffff  }
0x48c: {  	v43 =	vld.idx.msk [tilespmem:v19+s2+$0x0], $0xffff  }
0x48d: {  	v60 =	vld.idx.msk [tilespmem:v19+s7+$0x0], $0xffff  }
0x48e: {  	v23 =	vld.idx.msk [tilespmem:v23+s18+$0x0], $0xffff  }
0x48f: {  	v61 =	vld.idx.msk [tilespmem:v29+s16+$0x0], $0xffff  }
0x490: {  	v33 =	vld.idx.msk [tilespmem:v29+s10+$0x0], $0xffff  }
0x491: {  	v53 =	vld.idx.msk [tilespmem:v29+s11+$0x0], $0xffff  }
0x492: {  	v32 =	vadd.s32 v57, v0;
	v41 =	vld.idx.msk [tilespmem:v29+s12+$0x0], $0xffff  }
0x493: {  	v34 =	vadd.s32 v58, v0;
	v36 =	vld.idx.msk [tilespmem:v29+s14+$0x0], $0xffff  }
0x494: {  	v37 =	vadd.s32 v59, v0;
	v38 =	vld.idx.msk [tilespmem:v29+s1+$0x0], $0xffff  }
0x495: {  	v63 =	vor.u32 v62, v0;
	v39 =	vld.idx.msk [tilespmem:v29+s2+$0x0], $0xffff  }
0x496: {  	v52 =	vor.u32 v40, v0;
	v7 =	vadd.s32 v7, v0;
	v40 =	vld.idx.msk [tilespmem:v29+s7+$0x0], $0xffff  }
0x497: {  	v32 =	vld.idx.msk [tilespmem:v32+s18+$0x0], $0xffff  }
0x498: {  	v35 =	vld.idx.msk [tilespmem:v34+s18+$0x0], $0xffff  }
0x499: {  	v37 =	vld.idx.msk [tilespmem:v37+s18+$0x0], $0xffff  }
0x49a: {  	v45 =	vld.idx.msk [tilespmem:v63+s18+$0x0], $0xffff  }
0x49b: {  	v14 =	vld.idx.msk [tilespmem:v7+s16+$0x0], $0xffff  }
0x49c: {  	v15 =	vld.idx.msk [tilespmem:v7+s10+$0x0], $0xffff  }
0x49d: {  	v16 =	vld.idx.msk [tilespmem:v7+s11+$0x0], $0xffff  }
0x49e: {  	v1 =	vadd.s32 v1, v0;
	v17 =	vld.idx.msk [tilespmem:v7+s12+$0x0], $0xffff  }
0x49f: {  	v5 =	vadd.s32 v2, v0;
	v18 =	vld.idx.msk [tilespmem:v7+s14+$0x0], $0xffff  }
0x4a0: {  	v6 =	vadd.s32 v6, v0;
	v20 =	vld.idx.msk [tilespmem:v7+s1+$0x0], $0xffff  }
0x4a1: {  	v21 =	vld.idx.msk [tilespmem:v7+s2+$0x0], $0xffff  }
0x4a2: {  	v22 =	vld.idx.msk [tilespmem:v7+s7+$0x0], $0xffff  }
0x4a3: {  	v4 =	vld.idx.msk [tilespmem:v1+s18+$0x0], $0xffff  }
0x4a4: {  	v1 =	vld.idx.msk [tilespmem:v5+s16+$0x0], $0xffff  }
0x4a5: {  	v6 =	vld.idx.msk [tilespmem:v6+s18+$0x0], $0xffff  }
0x4a6: {  	v2 =	vld.idx.msk [tilespmem:v5+s10+$0x0], $0xffff  }
0x4a7: {  	v3 =	vld.idx.msk [tilespmem:v5+s11+$0x0], $0xffff  }
0x4a8: {  	v8 =	vld.idx.msk [tilespmem:v5+s12+$0x0], $0xffff  }
0x4a9: {  	v9 =	vld.idx.msk [tilespmem:v5+s14+$0x0], $0xffff;
	v1 =	vmul.f32 v1, v4  }
0x4aa: {  	v10 =	vld.idx.msk [tilespmem:v5+s1+$0x0], $0xffff  }
0x4ab: {  	[tilespmem:$0x1F8A0] =	vst v1;
	v1 =	vmul.f32 v2, v4;
	v2 =	vld [tilespmem:$0x1F9E0]  }
0x4ac: {  	v54 =	vmul.f32 v3, v4;
	v3 =	vld.idx.msk [tilespmem:v52+s10+$0x0], $0xffff  }
0x4ad: {  	[tilespmem:$0x1F8C0] =	vst v1;
	v1 =	vld [tilespmem:$0x1F9B0]  }
0x4ae: {  	v11 =	vld.idx.msk [tilespmem:v5+s2+$0x0], $0xffff  }
0x4af: {  	v12 =	vld.idx.msk [tilespmem:v5+s7+$0x0], $0xffff;
	v58 =	vmul.f32 v16, v6;
	v62 =	vmul.f32 v18, v6  }
0x4b0: {  	v18 =	vmul.f32 v61, v23;
	v61 =	vmul.f32 v39, v23;
	v39 =	vld [tilespmem:$0x1F870];
	v47 =	vadd.s32 v2, v0  }
0x4b1: {  	v16 =	vmul.f32 v24, v13;
	v24 =	vmul.f32 v33, v23;
	v33 =	vld.idx.msk [tilespmem:v52+s1+$0x0], $0xffff  }
0x4b2: {  	v3 =	vmul.f32 v3, v45;
	v51 =	vadd.s32 v1, v0;
	v1 =	vld [tilespmem:$0x1F9C0]  }
0x4b3: {  	v2 =	vmul.f32 v28, v13;
	v28 =	vld.idx.msk [tilespmem:v52+s11+$0x0], $0xffff  }
0x4b4: {  	v3 =	vadd.f32 v3, v31;
	v31 =	vld.idx.msk [tilespmem:v52+s14+$0x0], $0xffff  }
0x4b5: {  	v55 =	vmul.f32 v12, v4;
	v12 =	vld.idx.msk [tilespmem:v47+s16+$0x0], $0xffff  }
0x4b6: {  	v34 =	vmul.f32 v14, v6;
	v14 =	vld.idx.msk [tilespmem:v47+s10+$0x0], $0xffff  }
0x4b7: {  	v59 =	vmul.f32 v17, v6;
	v17 =	vld.idx.msk [tilespmem:v47+s11+$0x0], $0xffff;
	v50 =	vadd.s32 v1, v0  }
0x4b8: {  	v1 =	vld.idx.msk [tilespmem:v52+s16+$0x0], $0xffff  }
0x4b9: {  	v46 =	vmul.f32 v21, v6;
	v21 =	vld.idx.msk [tilespmem:v47+s12+$0x0], $0xffff  }
0x4ba: {  	v57 =	vmul.f32 v8, v4;
	v8 =	vld.idx.msk [tilespmem:v51+s16+$0x0], $0xffff;
	v0 =	vmul.f32 v26, v13  }
0x4bb: {  	v63 =	vmul.f32 v20, v6;
	v49 =	vmul.f32 v9, v4;
	v9 =	vld.idx.msk [tilespmem:v51+s10+$0x0], $0xffff  }
0x4bc: {  	v56 =	vmul.f32 v10, v4;
	[tilespmem:$0x1F9F0] =	vst v0;
	v0 =	vmul.f32 v27, v13;
	v10 =	vld.idx.msk [tilespmem:v50+s16+$0x0], $0xffff  }
0x4bd: {  	v48 =	vmul.f32 v11, v4;
	v11 =	vld.idx.msk [tilespmem:v50+s10+$0x0], $0xffff;
	v1 =	vmul.f32 v1, v45  }
0x4be: {  	v26 =	vld.idx.msk [tilespmem:v51+s11+$0x0], $0xffff;
	[tilespmem:$0x1FA00] =	vst v0;
	v0 =	vmul.f32 v42, v13;
	v42 =	vmul.f32 v43, v13  }
0x4bf: {  	v27 =	vld.idx.msk [tilespmem:v51+s12+$0x0], $0xffff;
	v43 =	vmul.f32 v60, v13;
	v8 =	vmul.f32 v8, v37;
	v1 =	vadd.f32 v1, v30  }
0x4c0: {  	v60 =	vmul.f32 v40, v23;
	v40 =	vld [tilespmem:$0x1F880];
	v9 =	vmul.f32 v9, v37  }
0x4c1: {  	v44 =	vmul.f32 v22, v6;
	v22 =	vld.idx.msk [tilespmem:v50+s11+$0x0], $0xffff;
	v8 =	vadd.f32 v8, v1;
	v10 =	vmul.f32 v10, v35  }
0x4c2: {  	v20 =	vmul.f32 v25, v13;
	v25 =	vld.idx.msk [tilespmem:v50+s12+$0x0], $0xffff;
	v3 =	vadd.f32 v9, v3;
	v9 =	vmul.f32 v11, v35  }
0x4c3: {  	v30 =	vld.idx.msk [tilespmem:v52+s12+$0x0], $0xffff;
	v11 =	vmul.f32 v12, v32;
	v8 =	vadd.f32 v10, v8  }
0x4c4: {  	v1 =	vmul.f32 v53, v23;
	v53 =	vld [tilespmem:$0x1F850];
	v12 =	vmul.f32 v14, v32;
	v10 =	vadd.f32 v9, v3  }
0x4c5: {  	v14 =	vadd.f32 v11, v8;
	v8 =	vmul.f32 v38, v23;
	v38 =	vld [tilespmem:$0x1F860]  }
0x4c6: {  	v15 =	vmul.f32 v15, v6;
	v10 =	vadd.f32 v12, v10;
	v11 =	vmul.f32 v17, v32;
	v17 =	vld.idx.msk [tilespmem:v51+s14+$0x0], $0xffff  }
0x4c7: {  	v9 =	vmul.f32 v41, v23;
	v12 =	vmul.f32 v22, v35;
	v22 =	vld.idx.msk [tilespmem:v50+s1+$0x0], $0xffff;
	v41 =	vadd.f32 v18, v14  }
0x4c8: {  	v24 =	vadd.f32 v24, v10;
	v10 =	vmul.f32 v21, v32;
	v18 =	vld.idx.msk [tilespmem:v51+s1+$0x0], $0xffff;
	v14 =	vmul.f32 v25, v35  }
0x4c9: {  	v21 =	vmul.f32 v26, v37;
	v26 =	vmul.f32 v33, v45;
	v33 =	vmov v55;
	v55 =	vld [tilespmem:$0x1F890]  }
0x4ca: {  	v25 =	vmul.f32 v28, v45;
	v28 =	vmul.f32 v30, v45;
	v30 =	vld [tilespmem:$0x1F8A0];
	v16 =	vadd.f32 v16, v41  }
0x4cb: {  	v41 =	vadd.f32 v20, v24;
	v20 =	vmul.f32 v27, v37;
	v27 =	vmul.f32 v31, v45;
	v31 =	vld [tilespmem:$0x1F8C0]  }
0x4cc: {  	p0 =	sne.s32 s3, $0x38;
	v24 =	vld.idx.msk [tilespmem:v50+s14+$0x0], $0xffff  }
.Ltmp5:
0x4cd: {  	v3 =	vmul.f32 v36, v23;
	v34 =	vadd.f32 v34, v16;
	v36 =	vadd.f32 v15, v41;
	v15 =	vld.idx.msk [tilespmem:v47+s14+$0x0], $0xffff;
	(pc) =	sbr.rel @p0 .LBB2_14-.Ltmp5, $4  }
0x4ce: {  	v16 =	vld.idx.msk [tilespmem:v47+s1+$0x0], $0xffff  }
0x4cf: {  	v41 =	vld [tilespmem:$0x1F8B0]  }
0x4d0: {  	v31 =	vadd.f32 v31, v36;
	v36 =	vld [tilespmem:$0x1F8E0]  }
0x4d1: {  	s3 =	sadd.s32 $0x8, s3;
	v30 =	vadd.f32 v30, v34;
	v34 =	vmovc v48;
	v48 =	vmov v56;
	v56 =	vmov v54;
	v54 =	vld [tilespmem:$0x1F8D0]  }
0x4d2: {  	_ = 	snop  }
0x4d3: {  	v28 =	vadd.f32 v28, v53  }
0x4d4: {  	v27 =	vadd.f32 v27, v55;
	v17 =	vmul.f32 v17, v37  }
0x4d5: {  	v20 =	vadd.f32 v20, v28  }
0x4d6: {  	v24 =	vmul.f32 v24, v35;
	v17 =	vadd.f32 v17, v27;
	v28 =	vld.idx.msk [tilespmem:v52+s9+$0x0], $0xffff;
	v25 =	vadd.f32 v25, v36  }
0x4d7: {  	v18 =	vmul.f32 v18, v37;
	v53 =	vld.idx.msk [tilespmem:v51+s7+$0x0], $0xffff;
	v26 =	vadd.f32 v26, v54;
	v14 =	vadd.f32 v14, v20  }
0x4d8: {  	v15 =	vmul.f32 v15, v32;
	v17 =	vadd.f32 v24, v17;
	v24 =	vld.idx.msk [tilespmem:v52+s2+$0x0], $0xffff;
	v21 =	vadd.f32 v21, v25  }
0x4d9: {  	v27 =	vld [tilespmem:$0x1FA00];
	v54 =	vmul.f32 v22, v35;
	v18 =	vadd.f32 v18, v26;
	v10 =	vadd.f32 v10, v14  }
0x4da: {  	v16 =	vmul.f32 v16, v32;
	v36 =	vld.idx.msk [tilespmem:v52+s4+$0x0], $0xffff;
	v55 =	vadd.f32 v15, v17;
	v12 =	vadd.f32 v12, v21  }
0x4db: {  	v25 =	vld.idx.msk [tilespmem:v52+s7+$0x0], $0xffff;
	v14 =	vmul.f32 v28, v45;
	v18 =	vadd.f32 v54, v18;
	v9 =	vadd.f32 v9, v10  }
0x4dc: {  	v20 =	vld.idx.msk [tilespmem:v47+s2+$0x0], $0xffff;
	v3 =	vadd.f32 v3, v55;
	v11 =	vadd.f32 v11, v12  }
0x4dd: {  	v26 =	vld [tilespmem:$0x1F9F0];
	v10 =	vmul.f32 v24, v45;
	v14 =	vadd.f32 v14, v38;
	v22 =	vadd.f32 v16, v18  }
0x4de: {  	v55 =	vld.idx.msk [tilespmem:v51+s4+$0x0], $0xffff;
	v9 =	vadd.f32 v27, v9;
	v2 =	vadd.f32 v2, v3  }
0x4df: {  	v54 =	vld.idx.msk [tilespmem:v51+s9+$0x0], $0xffff;
	v3 =	vmul.f32 v36, v45;
	v1 =	vadd.f32 v1, v11;
	v10 =	vadd.f32 v10, v40  }
0x4e0: {  	v21 =	vld.idx.msk [tilespmem:v50+s2+$0x0], $0xffff;
	v11 =	vmul.f32 v25, v45;
	v8 =	vadd.f32 v8, v22;
	v52 =	vadd.f32 v59, v9  }
0x4e1: {  	v12 =	vld.idx.msk [tilespmem:v50+s7+$0x0], $0xffff;
	v2 =	vadd.f32 v62, v2;
	v3 =	vadd.f32 v3, v39  }
0x4e2: {  	v16 =	vld.idx.msk [tilespmem:v51+s2+$0x0], $0xffff;
	v9 =	vmul.f32 v53, v37;
	v1 =	vadd.f32 v26, v1;
	v11 =	vadd.f32 v11, v41  }
0x4e3: {  	v59 =	vld.idx.msk [tilespmem:v47+s9+$0x0], $0xffff;
	v17 =	vmul.f32 v55, v37;
	v55 =	vsub.f32 $0.0e+00, v31;
	v0 =	vadd.f32 v0, v8  }
0x4e4: {  	v62 =	vld.idx.msk [tilespmem:v47+s4+$0x0], $0xffff;
	v15 =	vmul.f32 v54, v37;
	v8 =	vadd.f32 v57, v52;
	v2 =	vadd.f32 v49, v2  }
0x4e5: {  	v57 =	vld.idx.msk [tilespmem:v50+s4+$0x0], $0xffff;
	v52 =	vsub.f32 $0.0e+00, v30;
	v1 =	vadd.f32 v58, v1  }
0x4e6: {  	v12 =	vmul.f32 v12, v35;
	v58 =	vld.idx.msk [tilespmem:v47+s7+$0x0], $0xffff;
	v9 =	vadd.f32 v9, v11;
	v14 =	vadd.f32 v15, v14  }
0x4e7: {  	v16 =	vmul.f32 v16, v37;
	v3 =	vadd.f32 v17, v3;
	v1 =	vadd.f32 v56, v1;
	v56 =	vld.idx.msk [tilespmem:v50+s9+$0x0], $0xffff  }
0x4e8: {  	v26 =	vld.idx.msk [tilespmem:v29+s9+$0x0], $0xffff;
	v0 =	vadd.f32 v63, v0;
	v63 =	vmul.f32 v21, v35;
	v2 =	vsub.f32 $0.0e+00, v2  }
0x4e9: {  	v29 =	vld.idx.msk [tilespmem:v29+s4+$0x0], $0xffff;
	v10 =	vadd.f32 v16, v10;
	v9 =	vadd.f32 v12, v9;
	v39 =	vmul.f32 v59, v32  }
0x4ea: {  	v11 =	vmul.f32 v62, v32;
	v0 =	vadd.f32 v48, v0;
	v28 =	vmul.f32 v57, v35  }
0x4eb: {  	v38 =	vld.idx.msk [tilespmem:v19+s4+$0x0], $0xffff;
	v10 =	vadd.f32 v63, v10;
	v1 =	vsub.f32 $0.0e+00, v1;
	v37 =	vmul.f32 v58, v32  }
0x4ec: {  	v36 =	vld.idx.msk [tilespmem:v19+s9+$0x0], $0xffff;
	v0 =	vsub.f32 $0.0e+00, v0;
	v3 =	vadd.f32 v28, v3;
	v27 =	vmul.f32 v56, v35  }
0x4ed: {  	v45 =	vld.idx.msk [tilespmem:v7+s4+$0x0], $0xffff;
	v35 =	vmul.f32 v20, v32;
	v9 =	vadd.f32 v37, v9;
	v56 =	vsub.f32 $0.0e+00, v8  }
0x4ee: {  	v41 =	vld.idx.msk [tilespmem:v7+s9+$0x0], $0xffff;
	v40 =	vmul.f32 v29, v23;
	v3 =	vadd.f32 v11, v3;
	v14 =	vadd.f32 v27, v14  }
0x4ef: {  	v50 =	vld.idx.msk [tilespmem:v5+s4+$0x0], $0xffff;
	v15 =	vmul.f32 v26, v23;
	v10 =	vadd.f32 v35, v10;
	v9 =	vadd.f32 v60, v9  }
0x4f0: {  	v48 =	vmul.f32 v38, v13;
	v3 =	vadd.f32 v40, v3;
	v14 =	vadd.f32 v39, v14  }
0x4f1: {  	v49 =	vld.idx.msk [tilespmem:v5+s9+$0x0], $0xffff;
	v47 =	vmul.f32 v36, v13;
	v10 =	vadd.f32 v61, v10;
	v9 =	vadd.f32 v43, v9  }
0x4f2: {  	v53 =	vmul.f32 v45, v6;
	v3 =	vadd.f32 v48, v3;
	v14 =	vadd.f32 v15, v14  }
0x4f3: {  	[tilespmem:s17+$0x57C0] =	vst v52;
	v51 =	vmul.f32 v41, v6;
	v10 =	vadd.f32 v42, v10;
	v54 =	vadd.f32 v44, v9  }
0x4f4: {  	[tilespmem:s17+$0x5800] =	vst v55;
	v59 =	vmul.f32 v50, v4;
	v3 =	vadd.f32 v53, v3;
	v11 =	vadd.f32 v47, v14  }
0x4f5: {  	[tilespmem:s17+$0x58C0] =	vst v2;
	v10 =	vadd.f32 v46, v10;
	v60 =	vadd.f32 v33, v54  }
0x4f6: {  	s15 =	sadd.s32 $0x1, s15;
	v58 =	vmul.f32 v49, v4;
	[tilespmem:s17+$0x5840] =	vst v1;
	v3 =	vadd.f32 v59, v3;
	v11 =	vadd.f32 v51, v11  }
0x4f7: {  	p0 =	sne.s32 s15, $0x4;
	[tilespmem:s17+$0x5900] =	vst v0;
	v57 =	vadd.f32 v34, v10;
	v62 =	vsub.f32 $0.0e+00, v60  }
.Ltmp6:
0x4f8: {  	[tilespmem:s17+$0x5880] =	vst v56;
	v63 =	vsub.f32 $0.0e+00, v3;
	v1 =	vadd.f32 v58, v11;
	(pc) =	sbr.rel @p0 .LBB2_13-.Ltmp6, $4  }
0x4f9: {  	v61 =	vsub.f32 $0.0e+00, v57;
	[tilespmem:s17+$0x5980] =	vst v62  }
0x4fa: {  	[tilespmem:s17+$0x5A00] =	vst v63;
	v1 =	vsub.f32 $0.0e+00, v1  }
0x4fb: {  	[tilespmem:s17+$0x5940] =	vst v61  }
0x4fc: {  	[tilespmem:s17+$0x59C0] =	vst v1  }
0x4fd: {  	s3 =	rddreg [dreg:$0xb]  }
0x4fe: {  	s3 =	sadd.s32 s3, s8  }
0x4ff: {  	s8 =	sadd.s32 $0x1, s8;
	s3 =	smul.u32 $0xA8, s3  }
0x500: {  	s6 =	rddreg [dreg:$0x6];
	s21 =	simm.s32 $0x5500;
	p0 =	sne.s32 s8, $0x8  }
.Ltmp7:
0x501: {  	s30 =	simm.s32 $0x5;
	s3 =	sadd.s32 s6, s3;
	(pc) =	sbr.rel @p0 .LBB2_2-.Ltmp7, $4  }
0x502: {  	[hbm4b:s3+s13] =	stream.linear.scatter [tilespmem:s21], [sflag:$0x5], $0x540, $0x38;
	[tilespmem:$0x19A40] =	vst v63  }
0x503: {  	_ =	swait.ge [sflag:s30], $0x540  }
0x504: {  	[sflag:s30] =	ssyncset.done $0x0  }
0x505: {  	v31 =	vlaneseq.u32;
	[sflag:s30] =	ssyncadd.s32 $0xFFFFFAC0  }
0x506: {  	s6 =	rddreg [dreg:$0xd]  }
0x507: {  	s3 =	rddreg [dreg:$0xc];
	s6 =	sadd.s32 $0x1, s6  }
0x508: {  	p0 =	sne.s32 s6, s3  }
.Ltmp8:
0x509: {  	_ = 	snop;
	(pc) =	sbr.rel @p0 .LBB2_1-.Ltmp8, $1  }
0x50a: {  	_ =	sdelay $0x3  }
0x50b: {  	_ =	sfence.sel $0x180000  }
0x50c: {  	[bflag:$0x0] =	sbarrier.arrive $0xFFFF  }
0x50d: {  	_ =	strace $0x90000047  }
0x50e: {  	s0 =	stileid.u32;
	[bflag:$0x2] =	sbarrier.arrive $0xFFFF  }
0x50f: {  	p0 =	sne.s32 s0, $0x0;
	s0 =	rddreg [dreg:$0x3]  }
0x510: {  	s0 =	sadd.s32 @!p0 $0x100000, s0  }
0x511: {  	[sflag:s0] =	ssyncadd.tile.s32 @!p0 $0x1;
	_ =	shalt  }
.Lfunc_end2:
_tile_overlayer_lowered:
.L_overlay_start_2:
0x512: {  	(tag) =	ssettag $0x2  }
0x513: {  	s0 =	rddreg [dreg:$0x0];
	s2 =	stileid.u32  }
0x514: {  	s1 =	rddreg [dreg:$0x1];
	p0 =	sne.s32 s2, $0x0  }
0x515: {  	s3 =	rddreg [dreg:$0x2];
	[bflag:$0x3] =	sbarrier.arrive $0xFFFF;
	s2 =	simm.s32 @!p0 $0x1C05  }
0x516: {  	[timem:s3], [sflag:s2] =	dma.local @!p0 [hbm:s0], s1  }
0x517: {  	s0 =	simm.s32 @!p0 $0x5  }
0x518: {  	_ =	swait.ge @!p0 [sflag:s0], s1  }
0x519: {  	s1 =	ssub.s32 @!p0 $0x0, s1;
	[sflag:s0] =	ssyncset.done @!p0 $0x0  }
0x51a: {  	[sflag:s0] =	ssyncadd.s32 @!p0 s1  }
0x51b: {  	[bflag:$0x3] =	sbarrier.arrive $0xFFFF  }
0x51c: {  	_ =	shalt  }

</sc_bundles>
